<compile_context>
chip_gen: v7x
topology: tpu7x:2x2x1
jax: 0.10.2.dev20260603
libtpu: 0.0.44.dev20260713+nightly
codegen_flags: <defaults>
</compile_context>

<pallas_src>
import jax
import jax.numpy as jnp
from jax import lax
from jax.experimental import pallas as pl
from jax.experimental.pallas import tpu as pltpu
from jax.experimental.pallas import tpu_sc as plsc

_NUM_ITEM = 1000000
_DIM = 64
_BATCH = 16384

_INFO = plsc.get_sparse_core_info()
_NC, _NS, _L = _INFO.num_cores, _INFO.num_subcores, _INFO.num_lanes
_NW = _NC * _NS
_BPW = _BATCH // _NW
_CHUNK = 32
_NCHUNKS = _BPW // _CHUNK


def _remap(v):
    v = jnp.where(v == -1, _NUM_ITEM, v)
    return jnp.minimum(v, _NUM_ITEM - 1)


def _body(
    idx_hbm, tbl_hbm, pad_hbm, out_hbm, idx_v, pad_v, val_v, rows_f, semg
):
    wid = lax.axis_index("s") * _NC + lax.axis_index("c")
    base = wid * _BPW

    pltpu.sync_copy(idx_hbm.at[pl.ds(base, _BPW)], idx_v)
    pltpu.sync_copy(pad_hbm, pad_v)

    def fetch_chunk(c, buf):
        def fetch_block(j, carry2):
            vj = _remap(idx_v[pl.ds(c * _CHUNK + j * _L, _L)]) & ~7
            for k in range(_L):
                m = j * _L + k
                g8 = pl.multiple_of(vj[k], 8)
                pltpu.async_copy(
                    tbl_hbm.at[pl.ds(g8, 8), :],
                    val_v.at[pl.ds((buf * _CHUNK + m) * 8, 8), :],
                    semg,
                )
            return carry2

        lax.fori_loop(0, _CHUNK // _L, fetch_block, 0, unroll=False)

    def drain_chunk():
        pltpu.make_async_copy(
            tbl_hbm.at[pl.ds(0, _CHUNK * 8), :],
            val_v.at[pl.ds(0, _CHUNK * 8), :],
            semg,
        ).wait()

    def extract_chunk(c, buf):
        def extract_block(j, carry2):
            raw = idx_v[pl.ds(c * _CHUNK + j * _L, _L)]
            vj = _remap(raw) & 7
            for k in range(_L):
                m = j * _L + k
                row = (buf * _CHUNK + m) * 8 + vj[k]
                is_pad = raw[k] == -1
                dst = pl.multiple_of((c * _CHUNK + m) * _DIM, _DIM)
                for t in range(_DIM // _L):
                    r16 = val_v[row, pl.ds(t * _L, _L)]
                    p16 = pad_v[0, pl.ds(t * _L, _L)]
                    rows_f[pl.ds(dst + t * _L, _L)] = jnp.where(
                        is_pad, p16, r16
                    )
            return carry2

        lax.fori_loop(0, _CHUNK // _L, extract_block, 0, unroll=False)

    fetch_chunk(0, 0)

    def chunk_step(c, carry):
        drain_chunk()
        fetch_chunk(c + 1, (c + 1) % 2)
        extract_chunk(c, c % 2)
        return carry

    lax.fori_loop(0, _NCHUNKS - 1, chunk_step, 0, unroll=False)
    drain_chunk()
    extract_chunk(_NCHUNKS - 1, (_NCHUNKS - 1) % 2)

    pltpu.sync_copy(rows_f, out_hbm.at[pl.ds(base * _DIM, _BPW * _DIM)])


@jax.jit
def _gather_rows(items, table, pad_row):
    mesh = plsc.VectorSubcoreMesh(core_axis_name="c", subcore_axis_name="s")
    return pl.kernel(
        _body,
        mesh=mesh,
        compiler_params=pltpu.CompilerParams(use_tc_tiling_on_sc=True),
        out_type=jax.ShapeDtypeStruct((_BATCH * _DIM,), jnp.float32),
        scratch_types=[
            pltpu.VMEM((_BPW,), jnp.int32),
            pltpu.VMEM((8, _DIM), jnp.float32),
            pltpu.VMEM((2 * _CHUNK * 8, _DIM), jnp.float32),
            pltpu.VMEM((_BPW * _DIM,), jnp.float32),
            pltpu.SemaphoreType.DMA,
        ],
    )(items, table, pad_row)


def kernel(obs, item_table):
    items = obs[:, 1].astype(jnp.int32)
    pad_row = jnp.take(
        item_table, jnp.full((8,), _NUM_ITEM, jnp.int32), axis=0
    )
    out_flat = _gather_rows(items, item_table, pad_row)
    return out_flat.reshape(_BATCH, _DIM)

# --- scband reference (transcript-rebuilt; emitter-appended) ---
"""Pipeline reference for scband-state-tracker-avg2-84954453115701 (READ-ONLY COPY).

The authoritative reference and input builder live on the scoring server;
editing this copy changes nothing except your own understanding.
"""

import jax, jax.numpy as jnp
import numpy as np

NUM_ITEM = 1000000
DIM_MODEL = 64
BATCH = 16384


def setup_inputs(seed: int = 0) -> dict:
    key = jax.random.key(seed)
    k1, k2, k3 = jax.random.split(key, 3)
    # obs: (user_id, item_id) pairs, as in the reset=True branch of forward
    obs = jax.random.randint(k1, (BATCH, 2), 0, NUM_ITEM).astype(jnp.int64)
    # Learned item embedding table: saved feat_item weights (NUM_ITEM, D)
    # concatenated with one extra 'padding' row init N(0, 0.01), matching
    # emb_cat = cat([feat_item.weight, new_embedding]) in __init__.
    feat_item = jax.random.normal(k2, (NUM_ITEM, DIM_MODEL), dtype=jnp.float32) * 0.01
    new_row = jax.random.normal(k3, (1, DIM_MODEL), dtype=jnp.float32) * 0.01
    item_table = jnp.concatenate([feat_item, new_row], axis=0)
    return {"obs": obs, "item_table": item_table}


def reference(obs, item_table):
    # reset=True branch of StateTrackerAvg2.forward with reward_handle='no'
    items = obs[:, 1]
    # get_embedding: X[X == -1] = self.num_item (map missing to padding row)
    items = jnp.where(items == -1, NUM_ITEM, items)
    # sparse embedding lookup (deepctr input_from_feature_columns for one
    # sparse feature column of dim DIM_MODEL) + combined_dnn_input flatten
    e_i = jnp.take(item_table, items, axis=0)  # [B, DIM_MODEL]
    s0 = e_i
    # reward_handle == 'no' -> state_res = s0 (r0 = ones is unused)
    state_res = s0
    return state_res

if __name__ == "__main__":
    import jax
    _d = setup_inputs()
    print(jax.jit(kernel)(*tuple(_d.values())))

</pallas_src>

<mosaic_0001>
#map = affine_map<(d0, d1) -> (0)>
#map1 = affine_map<(d0, d1) -> (0, 0)>
module attributes {stable_mosaic.version = 14 : i64} {
  func.func @_body(%arg0: i32, %arg1: i32, %arg2: memref<16384xi32, #tpu.memory_space<hbm>>, %arg3: memref<1000001x64xf32, #tpu.memory_space<hbm>>, %arg4: memref<8x64xf32, #tpu.memory_space<hbm>>, %arg5: memref<1048576xf32, #tpu.memory_space<hbm>>, %arg6: memref<512xi32, #tpu.memory_space<vmem>>, %arg7: memref<8x64xf32, #tpu.memory_space<vmem>>, %arg8: memref<512x64xf32, #tpu.memory_space<vmem>>, %arg9: memref<32768xf32, #tpu.memory_space<vmem>>, %arg10: memref<!tpu.dma_semaphore, #tpu.memory_space<semaphore_mem>>) attributes {dimension_semantics = [#tpu.dimension_semantics<core_parallel>, #tpu.dimension_semantics<subcore_parallel>], iteration_bounds = array<i64: 2, 16>, scalar_prefetch = 0 : i64, scratch_operands = 5 : i64, tpu.core_type = #tpu.core_type<sc_vector_subcore>, window_params = [{transform_indices = #map}, {transform_indices = #map1}, {transform_indices = #map1}, {transform_indices = #map}]} {
    %mul3A = arith.constant 2 : i32
    %mul3A_0 = arith.muli %arg1, %mul3A : i32
    %add3A = arith.addi %mul3A_0, %arg0 : i32
    %mul3A_1 = arith.constant 512 : i32
    %mul3A_2 = arith.muli %add3A, %mul3A_1 : i32
    "tpu.region"() ({
      %run_scoped3A = tpu.sem_alloc : memref<!tpu.dma_semaphore, #tpu.memory_space<semaphore_mem>>
      %dma_start3A = tpu.memref_slice %arg2[%mul3A_2] : memref<16384xi32, #tpu.memory_space<hbm>> -> memref<512xi32, #tpu.memory_space<hbm>>
      %dma_start3A_33 = tpu.memref_slice %arg2[%mul3A_2] : memref<16384xi32, #tpu.memory_space<hbm>> -> memref<512xi32, #tpu.memory_space<hbm>>
      tpu.enqueue_dma source(%dma_start3A_33 : memref<512xi32, #tpu.memory_space<hbm>>) target(%arg6 : memref<512xi32, #tpu.memory_space<vmem>>) target_semaphore(%run_scoped3A : memref<!tpu.dma_semaphore, #tpu.memory_space<semaphore_mem>>)
      %dma_wait3A_34 = tpu.memref_slice %arg2[%mul3A_2] : memref<16384xi32, #tpu.memory_space<hbm>> -> memref<512xi32, #tpu.memory_space<hbm>>
      %dma_wait3A_35 = tpu.memref_slice %arg2[%mul3A_2] : memref<16384xi32, #tpu.memory_space<hbm>> -> memref<512xi32, #tpu.memory_space<hbm>>
      tpu.wait_dma2 semaphore(%run_scoped3A : memref<!tpu.dma_semaphore, #tpu.memory_space<semaphore_mem>>) src(%dma_wait3A_35 : memref<512xi32, #tpu.memory_space<hbm>>) dst(%arg6 : memref<512xi32, #tpu.memory_space<vmem>>)
      tpu.yield
    }) : () -> ()
    "tpu.region"() ({
      %run_scoped3A = tpu.sem_alloc : memref<!tpu.dma_semaphore, #tpu.memory_space<semaphore_mem>>
      tpu.enqueue_dma source(%arg4 : memref<8x64xf32, #tpu.memory_space<hbm>>) target(%arg7 : memref<8x64xf32, #tpu.memory_space<vmem>>) target_semaphore(%run_scoped3A : memref<!tpu.dma_semaphore, #tpu.memory_space<semaphore_mem>>)
      tpu.wait_dma2 semaphore(%run_scoped3A : memref<!tpu.dma_semaphore, #tpu.memory_space<semaphore_mem>>) src(%arg4 : memref<8x64xf32, #tpu.memory_space<hbm>>) dst(%arg7 : memref<8x64xf32, #tpu.memory_space<vmem>>)
      tpu.yield
    }) : () -> ()
    %scan3A = arith.constant 0 : i32
    %scan3A_3 = arith.constant 0 : i32
    %scan3A_4 = arith.constant 2 : i32
    %scan3A_5 = arith.addi %scan3A_3, %scan3A_4 : i32
    %scan3A_6 = arith.constant 1 : i32
    scf.for %scan3A_33 = %scan3A_3 to %scan3A_5 step %scan3A_6  : i32 {
      %mul3A_34 = arith.constant 16 : i32
      %mul3A_35 = arith.muli %scan3A_33, %mul3A_34 : i32
      %add3A_36 = arith.constant 0 : i32
      %add3A_37 = arith.addi %add3A_36, %mul3A_35 : i32
      %get3A = arith.index_cast %add3A_37 : i32 to index
      %get3A_38 = tpu.vector_load %arg6[%get3A] {strides = array<i32>} : memref<512xi32, #tpu.memory_space<vmem>>, vector<16xi32>,
      %get3A_39 = vector.shape_cast %get3A_38 : vector<16xi32> to vector<16xi32>
      %eq3A = arith.constant -1 : i32
      %eq3A_40 = vector.broadcast %eq3A : i32 to vector<16xi32>
      %eq3A_41 = arith.cmpi eq, %get3A_39, %eq3A_40 : vector<16xi32>
      %jit3A = arith.constant 1000000 : i32
      %broadcast_in_dim3A = vector.broadcast %jit3A : i32 to vector<16xi32>
      %select_n3A = arith.select %eq3A_41, %broadcast_in_dim3A, %get3A_39 : vector<16xi1>, vector<16xi32>
      %min3A = arith.constant 999999 : i32
      %min3A_42 = vector.broadcast %min3A : i32 to vector<16xi32>
      %min3A_43 = arith.minsi %select_n3A, %min3A_42 : vector<16xi32>
      %and3A = arith.constant -8 : i32
      %and3A_44 = vector.broadcast %and3A : i32 to vector<16xi32>
      %and3A_45 = arith.andi %min3A_43, %and3A_44 : vector<16xi32>
      %mul3A_46 = arith.constant 16 : i32
      %mul3A_47 = arith.muli %scan3A_33, %mul3A_46 : i32
      %add3A_48 = arith.constant 0 : i32
      %add3A_49 = arith.addi %mul3A_47, %add3A_48 : i32
      %slice3A = vector.extract_strided_slice %and3A_45 {offsets = [0], sizes = [1], strides = [1]} : vector<16xi32> to vector<1xi32>
      %squeeze3A = vector.extract %slice3A[0] : i32 from vector<1xi32>
      %multiple_of3A = tpu.assume_multiple %squeeze3A, 8 : i32
      %add3A_50 = arith.constant 0 : i32
      %add3A_51 = arith.addi %add3A_50, %add3A_49 : i32
      %mul3A_52 = arith.constant 8 : i32
      %mul3A_53 = arith.muli %add3A_51, %mul3A_52 : i32
      %dma_start3A = arith.constant 0 : i32
      %dma_start3A_54 = tpu.memref_slice %arg8[%mul3A_53, %dma_start3A] : memref<512x64xf32, #tpu.memory_space<vmem>> -> memref<8x64xf32, #tpu.memory_space<vmem>>
      %dma_start3A_55 = arith.constant 0 : i32
      %dma_start3A_56 = tpu.memref_slice %arg3[%multiple_of3A, %dma_start3A_55] : memref<1000001x64xf32, #tpu.memory_space<hbm>> -> memref<8x64xf32, #tpu.memory_space<hbm>>
      %dma_start3A_57 = arith.constant 0 : i32
      %dma_start3A_58 = tpu.memref_slice %arg8[%mul3A_53, %dma_start3A_57] : memref<512x64xf32, #tpu.memory_space<vmem>> -> memref<8x64xf32, #tpu.memory_space<vmem>>
      %dma_start3A_59 = arith.constant 0 : i32
      %dma_start3A_60 = tpu.memref_slice %arg3[%multiple_of3A, %dma_start3A_59] : memref<1000001x64xf32, #tpu.memory_space<hbm>> -> memref<8x64xf32, #tpu.memory_space<hbm>>
      tpu.enqueue_dma source(%dma_start3A_60 : memref<8x64xf32, #tpu.memory_space<hbm>>) target(%dma_start3A_58 : memref<8x64xf32, #tpu.memory_space<vmem>>) target_semaphore(%arg10 : memref<!tpu.dma_semaphore, #tpu.memory_space<semaphore_mem>>)
      %mul3A_61 = arith.constant 16 : i32
      %mul3A_62 = arith.muli %scan3A_33, %mul3A_61 : i32
      %add3A_63 = arith.constant 1 : i32
      %add3A_64 = arith.addi %mul3A_62, %add3A_63 : i32
      %slice3A_65 = vector.extract_strided_slice %and3A_45 {offsets = [1], sizes = [1], strides = [1]} : vector<16xi32> to vector<1xi32>
      %squeeze3A_66 = vector.extract %slice3A_65[0] : i32 from vector<1xi32>
      %multiple_of3A_67 = tpu.assume_multiple %squeeze3A_66, 8 : i32
      %add3A_68 = arith.constant 0 : i32
      %add3A_69 = arith.addi %add3A_68, %add3A_64 : i32
      %mul3A_70 = arith.constant 8 : i32
      %mul3A_71 = arith.muli %add3A_69, %mul3A_70 : i32
      %dma_start3A_72 = arith.constant 0 : i32
      %dma_start3A_73 = tpu.memref_slice %arg8[%mul3A_71, %dma_start3A_72] : memref<512x64xf32, #tpu.memory_space<vmem>> -> memref<8x64xf32, #tpu.memory_space<vmem>>
      %dma_start3A_74 = arith.constant 0 : i32
      %dma_start3A_75 = tpu.memref_slice %arg3[%multiple_of3A_67, %dma_start3A_74] : memref<1000001x64xf32, #tpu.memory_space<hbm>> -> memref<8x64xf32, #tpu.memory_space<hbm>>
      %dma_start3A_76 = arith.constant 0 : i32
      %dma_start3A_77 = tpu.memref_slice %arg8[%mul3A_71, %dma_start3A_76] : memref<512x64xf32, #tpu.memory_space<vmem>> -> memref<8x64xf32, #tpu.memory_space<vmem>>
      %dma_start3A_78 = arith.constant 0 : i32
      %dma_start3A_79 = tpu.memref_slice %arg3[%multiple_of3A_67, %dma_start3A_78] : memref<1000001x64xf32, #tpu.memory_space<hbm>> -> memref<8x64xf32, #tpu.memory_space<hbm>>
      tpu.enqueue_dma source(%dma_start3A_79 : memref<8x64xf32, #tpu.memory_space<hbm>>) target(%dma_start3A_77 : memref<8x64xf32, #tpu.memory_space<vmem>>) target_semaphore(%arg10 : memref<!tpu.dma_semaphore, #tpu.memory_space<semaphore_mem>>)
      %mul3A_80 = arith.constant 16 : i32
      %mul3A_81 = arith.muli %scan3A_33, %mul3A_80 : i32
      %add3A_82 = arith.constant 2 : i32
      %add3A_83 = arith.addi %mul3A_81, %add3A_82 : i32
      %slice3A_84 = vector.extract_strided_slice %and3A_45 {offsets = [2], sizes = [1], strides = [1]} : vector<16xi32> to vector<1xi32>
      %squeeze3A_85 = vector.extract %slice3A_84[0] : i32 from vector<1xi32>
      %multiple_of3A_86 = tpu.assume_multiple %squeeze3A_85, 8 : i32
      %add3A_87 = arith.constant 0 : i32
      %add3A_88 = arith.addi %add3A_87, %add3A_83 : i32
      %mul3A_89 = arith.constant 8 : i32
      %mul3A_90 = arith.muli %add3A_88, %mul3A_89 : i32
      %dma_start3A_91 = arith.constant 0 : i32
      %dma_start3A_92 = tpu.memref_slice %arg8[%mul3A_90, %dma_start3A_91] : memref<512x64xf32, #tpu.memory_space<vmem>> -> memref<8x64xf32, #tpu.memory_space<vmem>>
      %dma_start3A_93 = arith.constant 0 : i32
      %dma_start3A_94 = tpu.memref_slice %arg3[%multiple_of3A_86, %dma_start3A_93] : memref<1000001x64xf32, #tpu.memory_space<hbm>> -> memref<8x64xf32, #tpu.memory_space<hbm>>
      %dma_start3A_95 = arith.constant 0 : i32
      %dma_start3A_96 = tpu.memref_slice %arg8[%mul3A_90, %dma_start3A_95] : memref<512x64xf32, #tpu.memory_space<vmem>> -> memref<8x64xf32, #tpu.memory_space<vmem>>
      %dma_start3A_97 = arith.constant 0 : i32
      %dma_start3A_98 = tpu.memref_slice %arg3[%multiple_of3A_86, %dma_start3A_97] : memref<1000001x64xf32, #tpu.memory_space<hbm>> -> memref<8x64xf32, #tpu.memory_space<hbm>>
      tpu.enqueue_dma source(%dma_start3A_98 : memref<8x64xf32, #tpu.memory_space<hbm>>) target(%dma_start3A_96 : memref<8x64xf32, #tpu.memory_space<vmem>>) target_semaphore(%arg10 : memref<!tpu.dma_semaphore, #tpu.memory_space<semaphore_mem>>)
      %mul3A_99 = arith.constant 16 : i32
      %mul3A_100 = arith.muli %scan3A_33, %mul3A_99 : i32
      %add3A_101 = arith.constant 3 : i32
      %add3A_102 = arith.addi %mul3A_100, %add3A_101 : i32
      %slice3A_103 = vector.extract_strided_slice %and3A_45 {offsets = [3], sizes = [1], strides = [1]} : vector<16xi32> to vector<1xi32>
      %squeeze3A_104 = vector.extract %slice3A_103[0] : i32 from vector<1xi32>
      %multiple_of3A_105 = tpu.assume_multiple %squeeze3A_104, 8 : i32
      %add3A_106 = arith.constant 0 : i32
      %add3A_107 = arith.addi %add3A_106, %add3A_102 : i32
      %mul3A_108 = arith.constant 8 : i32
      %mul3A_109 = arith.muli %add3A_107, %mul3A_108 : i32
      %dma_start3A_110 = arith.constant 0 : i32
      %dma_start3A_111 = tpu.memref_slice %arg8[%mul3A_109, %dma_start3A_110] : memref<512x64xf32, #tpu.memory_space<vmem>> -> memref<8x64xf32, #tpu.memory_space<vmem>>
      %dma_start3A_112 = arith.constant 0 : i32
      %dma_start3A_113 = tpu.memref_slice %arg3[%multiple_of3A_105, %dma_start3A_112] : memref<1000001x64xf32, #tpu.memory_space<hbm>> -> memref<8x64xf32, #tpu.memory_space<hbm>>
      %dma_start3A_114 = arith.constant 0 : i32
      %dma_start3A_115 = tpu.memref_slice %arg8[%mul3A_109, %dma_start3A_114] : memref<512x64xf32, #tpu.memory_space<vmem>> -> memref<8x64xf32, #tpu.memory_space<vmem>>
      %dma_start3A_116 = arith.constant 0 : i32
      %dma_start3A_117 = tpu.memref_slice %arg3[%multiple_of3A_105, %dma_start3A_116] : memref<1000001x64xf32, #tpu.memory_space<hbm>> -> memref<8x64xf32, #tpu.memory_space<hbm>>
      tpu.enqueue_dma source(%dma_start3A_117 : memref<8x64xf32, #tpu.memory_space<hbm>>) target(%dma_start3A_115 : memref<8x64xf32, #tpu.memory_space<vmem>>) target_semaphore(%arg10 : memref<!tpu.dma_semaphore, #tpu.memory_space<semaphore_mem>>)
      %mul3A_118 = arith.constant 16 : i32
      %mul3A_119 = arith.muli %scan3A_33, %mul3A_118 : i32
      %add3A_120 = arith.constant 4 : i32
      %add3A_121 = arith.addi %mul3A_119, %add3A_120 : i32
      %slice3A_122 = vector.extract_strided_slice %and3A_45 {offsets = [4], sizes = [1], strides = [1]} : vector<16xi32> to vector<1xi32>
      %squeeze3A_123 = vector.extract %slice3A_122[0] : i32 from vector<1xi32>
      %multiple_of3A_124 = tpu.assume_multiple %squeeze3A_123, 8 : i32
      %add3A_125 = arith.constant 0 : i32
      %add3A_126 = arith.addi %add3A_125, %add3A_121 : i32
      %mul3A_127 = arith.constant 8 : i32
      %mul3A_128 = arith.muli %add3A_126, %mul3A_127 : i32
      %dma_start3A_129 = arith.constant 0 : i32
      %dma_start3A_130 = tpu.memref_slice %arg8[%mul3A_128, %dma_start3A_129] : memref<512x64xf32, #tpu.memory_space<vmem>> -> memref<8x64xf32, #tpu.memory_space<vmem>>
      %dma_start3A_131 = arith.constant 0 : i32
      %dma_start3A_132 = tpu.memref_slice %arg3[%multiple_of3A_124, %dma_start3A_131] : memref<1000001x64xf32, #tpu.memory_space<hbm>> -> memref<8x64xf32, #tpu.memory_space<hbm>>
      %dma_start3A_133 = arith.constant 0 : i32
      %dma_start3A_134 = tpu.memref_slice %arg8[%mul3A_128, %dma_start3A_133] : memref<512x64xf32, #tpu.memory_space<vmem>> -> memref<8x64xf32, #tpu.memory_space<vmem>>
      %dma_start3A_135 = arith.constant 0 : i32
      %dma_start3A_136 = tpu.memref_slice %arg3[%multiple_of3A_124, %dma_start3A_135] : memref<1000001x64xf32, #tpu.memory_space<hbm>> -> memref<8x64xf32, #tpu.memory_space<hbm>>
      tpu.enqueue_dma source(%dma_start3A_136 : memref<8x64xf32, #tpu.memory_space<hbm>>) target(%dma_start3A_134 : memref<8x64xf32, #tpu.memory_space<vmem>>) target_semaphore(%arg10 : memref<!tpu.dma_semaphore, #tpu.memory_space<semaphore_mem>>)
      %mul3A_137 = arith.constant 16 : i32
      %mul3A_138 = arith.muli %scan3A_33, %mul3A_137 : i32
      %add3A_139 = arith.constant 5 : i32
      %add3A_140 = arith.addi %mul3A_138, %add3A_139 : i32
      %slice3A_141 = vector.extract_strided_slice %and3A_45 {offsets = [5], sizes = [1], strides = [1]} : vector<16xi32> to vector<1xi32>
      %squeeze3A_142 = vector.extract %slice3A_141[0] : i32 from vector<1xi32>
      %multiple_of3A_143 = tpu.assume_multiple %squeeze3A_142, 8 : i32
      %add3A_144 = arith.constant 0 : i32
      %add3A_145 = arith.addi %add3A_144, %add3A_140 : i32
      %mul3A_146 = arith.constant 8 : i32
      %mul3A_147 = arith.muli %add3A_145, %mul3A_146 : i32
      %dma_start3A_148 = arith.constant 0 : i32
      %dma_start3A_149 = tpu.memref_slice %arg8[%mul3A_147, %dma_start3A_148] : memref<512x64xf32, #tpu.memory_space<vmem>> -> memref<8x64xf32, #tpu.memory_space<vmem>>
      %dma_start3A_150 = arith.constant 0 : i32
      %dma_start3A_151 = tpu.memref_slice %arg3[%multiple_of3A_143, %dma_start3A_150] : memref<1000001x64xf32, #tpu.memory_space<hbm>> -> memref<8x64xf32, #tpu.memory_space<hbm>>
      %dma_start3A_152 = arith.constant 0 : i32
      %dma_start3A_153 = tpu.memref_slice %arg8[%mul3A_147, %dma_start3A_152] : memref<512x64xf32, #tpu.memory_space<vmem>> -> memref<8x64xf32, #tpu.memory_space<vmem>>
      %dma_start3A_154 = arith.constant 0 : i32
      %dma_start3A_155 = tpu.memref_slice %arg3[%multiple_of3A_143, %dma_start3A_154] : memref<1000001x64xf32, #tpu.memory_space<hbm>> -> memref<8x64xf32, #tpu.memory_space<hbm>>
      tpu.enqueue_dma source(%dma_start3A_155 : memref<8x64xf32, #tpu.memory_space<hbm>>) target(%dma_start3A_153 : memref<8x64xf32, #tpu.memory_space<vmem>>) target_semaphore(%arg10 : memref<!tpu.dma_semaphore, #tpu.memory_space<semaphore_mem>>)
      %mul3A_156 = arith.constant 16 : i32
      %mul3A_157 = arith.muli %scan3A_33, %mul3A_156 : i32
      %add3A_158 = arith.constant 6 : i32
      %add3A_159 = arith.addi %mul3A_157, %add3A_158 : i32
      %slice3A_160 = vector.extract_strided_slice %and3A_45 {offsets = [6], sizes = [1], strides = [1]} : vector<16xi32> to vector<1xi32>
      %squeeze3A_161 = vector.extract %slice3A_160[0] : i32 from vector<1xi32>
      %multiple_of3A_162 = tpu.assume_multiple %squeeze3A_161, 8 : i32
      %add3A_163 = arith.constant 0 : i32
      %add3A_164 = arith.addi %add3A_163, %add3A_159 : i32
      %mul3A_165 = arith.constant 8 : i32
      %mul3A_166 = arith.muli %add3A_164, %mul3A_165 : i32
      %dma_start3A_167 = arith.constant 0 : i32
      %dma_start3A_168 = tpu.memref_slice %arg8[%mul3A_166, %dma_start3A_167] : memref<512x64xf32, #tpu.memory_space<vmem>> -> memref<8x64xf32, #tpu.memory_space<vmem>>
      %dma_start3A_169 = arith.constant 0 : i32
      %dma_start3A_170 = tpu.memref_slice %arg3[%multiple_of3A_162, %dma_start3A_169] : memref<1000001x64xf32, #tpu.memory_space<hbm>> -> memref<8x64xf32, #tpu.memory_space<hbm>>
      %dma_start3A_171 = arith.constant 0 : i32
      %dma_start3A_172 = tpu.memref_slice %arg8[%mul3A_166, %dma_start3A_171] : memref<512x64xf32, #tpu.memory_space<vmem>> -> memref<8x64xf32, #tpu.memory_space<vmem>>
      %dma_start3A_173 = arith.constant 0 : i32
      %dma_start3A_174 = tpu.memref_slice %arg3[%multiple_of3A_162, %dma_start3A_173] : memref<1000001x64xf32, #tpu.memory_space<hbm>> -> memref<8x64xf32, #tpu.memory_space<hbm>>
      tpu.enqueue_dma source(%dma_start3A_174 : memref<8x64xf32, #tpu.memory_space<hbm>>) target(%dma_start3A_172 : memref<8x64xf32, #tpu.memory_space<vmem>>) target_semaphore(%arg10 : memref<!tpu.dma_semaphore, #tpu.memory_space<semaphore_mem>>)
      %mul3A_175 = arith.constant 16 : i32
      %mul3A_176 = arith.muli %scan3A_33, %mul3A_175 : i32
      %add3A_177 = arith.constant 7 : i32
      %add3A_178 = arith.addi %mul3A_176, %add3A_177 : i32
      %slice3A_179 = vector.extract_strided_slice %and3A_45 {offsets = [7], sizes = [1], strides = [1]} : vector<16xi32> to vector<1xi32>
      %squeeze3A_180 = vector.extract %slice3A_179[0] : i32 from vector<1xi32>
      %multiple_of3A_181 = tpu.assume_multiple %squeeze3A_180, 8 : i32
      %add3A_182 = arith.constant 0 : i32
      %add3A_183 = arith.addi %add3A_182, %add3A_178 : i32
      %mul3A_184 = arith.constant 8 : i32
      %mul3A_185 = arith.muli %add3A_183, %mul3A_184 : i32
      %dma_start3A_186 = arith.constant 0 : i32
      %dma_start3A_187 = tpu.memref_slice %arg8[%mul3A_185, %dma_start3A_186] : memref<512x64xf32, #tpu.memory_space<vmem>> -> memref<8x64xf32, #tpu.memory_space<vmem>>
      %dma_start3A_188 = arith.constant 0 : i32
      %dma_start3A_189 = tpu.memref_slice %arg3[%multiple_of3A_181, %dma_start3A_188] : memref<1000001x64xf32, #tpu.memory_space<hbm>> -> memref<8x64xf32, #tpu.memory_space<hbm>>
      %dma_start3A_190 = arith.constant 0 : i32
      %dma_start3A_191 = tpu.memref_slice %arg8[%mul3A_185, %dma_start3A_190] : memref<512x64xf32, #tpu.memory_space<vmem>> -> memref<8x64xf32, #tpu.memory_space<vmem>>
      %dma_start3A_192 = arith.constant 0 : i32
      %dma_start3A_193 = tpu.memref_slice %arg3[%multiple_of3A_181, %dma_start3A_192] : memref<1000001x64xf32, #tpu.memory_space<hbm>> -> memref<8x64xf32, #tpu.memory_space<hbm>>
      tpu.enqueue_dma source(%dma_start3A_193 : memref<8x64xf32, #tpu.memory_space<hbm>>) target(%dma_start3A_191 : memref<8x64xf32, #tpu.memory_space<vmem>>) target_semaphore(%arg10 : memref<!tpu.dma_semaphore, #tpu.memory_space<semaphore_mem>>)
      %mul3A_194 = arith.constant 16 : i32
      %mul3A_195 = arith.muli %scan3A_33, %mul3A_194 : i32
      %add3A_196 = arith.constant 8 : i32
      %add3A_197 = arith.addi %mul3A_195, %add3A_196 : i32
      %slice3A_198 = vector.extract_strided_slice %and3A_45 {offsets = [8], sizes = [1], strides = [1]} : vector<16xi32> to vector<1xi32>
      %squeeze3A_199 = vector.extract %slice3A_198[0] : i32 from vector<1xi32>
      %multiple_of3A_200 = tpu.assume_multiple %squeeze3A_199, 8 : i32
      %add3A_201 = arith.constant 0 : i32
      %add3A_202 = arith.addi %add3A_201, %add3A_197 : i32
      %mul3A_203 = arith.constant 8 : i32
      %mul3A_204 = arith.muli %add3A_202, %mul3A_203 : i32
      %dma_start3A_205 = arith.constant 0 : i32
      %dma_start3A_206 = tpu.memref_slice %arg8[%mul3A_204, %dma_start3A_205] : memref<512x64xf32, #tpu.memory_space<vmem>> -> memref<8x64xf32, #tpu.memory_space<vmem>>
      %dma_start3A_207 = arith.constant 0 : i32
      %dma_start3A_208 = tpu.memref_slice %arg3[%multiple_of3A_200, %dma_start3A_207] : memref<1000001x64xf32, #tpu.memory_space<hbm>> -> memref<8x64xf32, #tpu.memory_space<hbm>>
      %dma_start3A_209 = arith.constant 0 : i32
      %dma_start3A_210 = tpu.memref_slice %arg8[%mul3A_204, %dma_start3A_209] : memref<512x64xf32, #tpu.memory_space<vmem>> -> memref<8x64xf32, #tpu.memory_space<vmem>>
      %dma_start3A_211 = arith.constant 0 : i32
      %dma_start3A_212 = tpu.memref_slice %arg3[%multiple_of3A_200, %dma_start3A_211] : memref<1000001x64xf32, #tpu.memory_space<hbm>> -> memref<8x64xf32, #tpu.memory_space<hbm>>
      tpu.enqueue_dma source(%dma_start3A_212 : memref<8x64xf32, #tpu.memory_space<hbm>>) target(%dma_start3A_210 : memref<8x64xf32, #tpu.memory_space<vmem>>) target_semaphore(%arg10 : memref<!tpu.dma_semaphore, #tpu.memory_space<semaphore_mem>>)
      %mul3A_213 = arith.constant 16 : i32
      %mul3A_214 = arith.muli %scan3A_33, %mul3A_213 : i32
      %add3A_215 = arith.constant 9 : i32
      %add3A_216 = arith.addi %mul3A_214, %add3A_215 : i32
      %slice3A_217 = vector.extract_strided_slice %and3A_45 {offsets = [9], sizes = [1], strides = [1]} : vector<16xi32> to vector<1xi32>
      %squeeze3A_218 = vector.extract %slice3A_217[0] : i32 from vector<1xi32>
      %multiple_of3A_219 = tpu.assume_multiple %squeeze3A_218, 8 : i32
      %add3A_220 = arith.constant 0 : i32
      %add3A_221 = arith.addi %add3A_220, %add3A_216 : i32
      %mul3A_222 = arith.constant 8 : i32
      %mul3A_223 = arith.muli %add3A_221, %mul3A_222 : i32
      %dma_start3A_224 = arith.constant 0 : i32
      %dma_start3A_225 = tpu.memref_slice %arg8[%mul3A_223, %dma_start3A_224] : memref<512x64xf32, #tpu.memory_space<vmem>> -> memref<8x64xf32, #tpu.memory_space<vmem>>
      %dma_start3A_226 = arith.constant 0 : i32
      %dma_start3A_227 = tpu.memref_slice %arg3[%multiple_of3A_219, %dma_start3A_226] : memref<1000001x64xf32, #tpu.memory_space<hbm>> -> memref<8x64xf32, #tpu.memory_space<hbm>>
      %dma_start3A_228 = arith.constant 0 : i32
      %dma_start3A_229 = tpu.memref_slice %arg8[%mul3A_223, %dma_start3A_228] : memref<512x64xf32, #tpu.memory_space<vmem>> -> memref<8x64xf32, #tpu.memory_space<vmem>>
      %dma_start3A_230 = arith.constant 0 : i32
      %dma_start3A_231 = tpu.memref_slice %arg3[%multiple_of3A_219, %dma_start3A_230] : memref<1000001x64xf32, #tpu.memory_space<hbm>> -> memref<8x64xf32, #tpu.memory_space<hbm>>
      tpu.enqueue_dma source(%dma_start3A_231 : memref<8x64xf32, #tpu.memory_space<hbm>>) target(%dma_start3A_229 : memref<8x64xf32, #tpu.memory_space<vmem>>) target_semaphore(%arg10 : memref<!tpu.dma_semaphore, #tpu.memory_space<semaphore_mem>>)
      %mul3A_232 = arith.constant 16 : i32
      %mul3A_233 = arith.muli %scan3A_33, %mul3A_232 : i32
      %add3A_234 = arith.constant 10 : i32
      %add3A_235 = arith.addi %mul3A_233, %add3A_234 : i32
      %slice3A_236 = vector.extract_strided_slice %and3A_45 {offsets = [10], sizes = [1], strides = [1]} : vector<16xi32> to vector<1xi32>
      %squeeze3A_237 = vector.extract %slice3A_236[0] : i32 from vector<1xi32>
      %multiple_of3A_238 = tpu.assume_multiple %squeeze3A_237, 8 : i32
      %add3A_239 = arith.constant 0 : i32
      %add3A_240 = arith.addi %add3A_239, %add3A_235 : i32
      %mul3A_241 = arith.constant 8 : i32
      %mul3A_242 = arith.muli %add3A_240, %mul3A_241 : i32
      %dma_start3A_243 = arith.constant 0 : i32
      %dma_start3A_244 = tpu.memref_slice %arg8[%mul3A_242, %dma_start3A_243] : memref<512x64xf32, #tpu.memory_space<vmem>> -> memref<8x64xf32, #tpu.memory_space<vmem>>
      %dma_start3A_245 = arith.constant 0 : i32
      %dma_start3A_246 = tpu.memref_slice %arg3[%multiple_of3A_238, %dma_start3A_245] : memref<1000001x64xf32, #tpu.memory_space<hbm>> -> memref<8x64xf32, #tpu.memory_space<hbm>>
      %dma_start3A_247 = arith.constant 0 : i32
      %dma_start3A_248 = tpu.memref_slice %arg8[%mul3A_242, %dma_start3A_247] : memref<512x64xf32, #tpu.memory_space<vmem>> -> memref<8x64xf32, #tpu.memory_space<vmem>>
      %dma_start3A_249 = arith.constant 0 : i32
      %dma_start3A_250 = tpu.memref_slice %arg3[%multiple_of3A_238, %dma_start3A_249] : memref<1000001x64xf32, #tpu.memory_space<hbm>> -> memref<8x64xf32, #tpu.memory_space<hbm>>
      tpu.enqueue_dma source(%dma_start3A_250 : memref<8x64xf32, #tpu.memory_space<hbm>>) target(%dma_start3A_248 : memref<8x64xf32, #tpu.memory_space<vmem>>) target_semaphore(%arg10 : memref<!tpu.dma_semaphore, #tpu.memory_space<semaphore_mem>>)
      %mul3A_251 = arith.constant 16 : i32
      %mul3A_252 = arith.muli %scan3A_33, %mul3A_251 : i32
      %add3A_253 = arith.constant 11 : i32
      %add3A_254 = arith.addi %mul3A_252, %add3A_253 : i32
      %slice3A_255 = vector.extract_strided_slice %and3A_45 {offsets = [11], sizes = [1], strides = [1]} : vector<16xi32> to vector<1xi32>
      %squeeze3A_256 = vector.extract %slice3A_255[0] : i32 from vector<1xi32>
      %multiple_of3A_257 = tpu.assume_multiple %squeeze3A_256, 8 : i32
      %add3A_258 = arith.constant 0 : i32
      %add3A_259 = arith.addi %add3A_258, %add3A_254 : i32
      %mul3A_260 = arith.constant 8 : i32
      %mul3A_261 = arith.muli %add3A_259, %mul3A_260 : i32
      %dma_start3A_262 = arith.constant 0 : i32
      %dma_start3A_263 = tpu.memref_slice %arg8[%mul3A_261, %dma_start3A_262] : memref<512x64xf32, #tpu.memory_space<vmem>> -> memref<8x64xf32, #tpu.memory_space<vmem>>
      %dma_start3A_264 = arith.constant 0 : i32
      %dma_start3A_265 = tpu.memref_slice %arg3[%multiple_of3A_257, %dma_start3A_264] : memref<1000001x64xf32, #tpu.memory_space<hbm>> -> memref<8x64xf32, #tpu.memory_space<hbm>>
      %dma_start3A_266 = arith.constant 0 : i32
      %dma_start3A_267 = tpu.memref_slice %arg8[%mul3A_261, %dma_start3A_266] : memref<512x64xf32, #tpu.memory_space<vmem>> -> memref<8x64xf32, #tpu.memory_space<vmem>>
      %dma_start3A_268 = arith.constant 0 : i32
      %dma_start3A_269 = tpu.memref_slice %arg3[%multiple_of3A_257, %dma_start3A_268] : memref<1000001x64xf32, #tpu.memory_space<hbm>> -> memref<8x64xf32, #tpu.memory_space<hbm>>
      tpu.enqueue_dma source(%dma_start3A_269 : memref<8x64xf32, #tpu.memory_space<hbm>>) target(%dma_start3A_267 : memref<8x64xf32, #tpu.memory_space<vmem>>) target_semaphore(%arg10 : memref<!tpu.dma_semaphore, #tpu.memory_space<semaphore_mem>>)
      %mul3A_270 = arith.constant 16 : i32
      %mul3A_271 = arith.muli %scan3A_33, %mul3A_270 : i32
      %add3A_272 = arith.constant 12 : i32
      %add3A_273 = arith.addi %mul3A_271, %add3A_272 : i32
      %slice3A_274 = vector.extract_strided_slice %and3A_45 {offsets = [12], sizes = [1], strides = [1]} : vector<16xi32> to vector<1xi32>
      %squeeze3A_275 = vector.extract %slice3A_274[0] : i32 from vector<1xi32>
      %multiple_of3A_276 = tpu.assume_multiple %squeeze3A_275, 8 : i32
      %add3A_277 = arith.constant 0 : i32
      %add3A_278 = arith.addi %add3A_277, %add3A_273 : i32
      %mul3A_279 = arith.constant 8 : i32
      %mul3A_280 = arith.muli %add3A_278, %mul3A_279 : i32
      %dma_start3A_281 = arith.constant 0 : i32
      %dma_start3A_282 = tpu.memref_slice %arg8[%mul3A_280, %dma_start3A_281] : memref<512x64xf32, #tpu.memory_space<vmem>> -> memref<8x64xf32, #tpu.memory_space<vmem>>
      %dma_start3A_283 = arith.constant 0 : i32
      %dma_start3A_284 = tpu.memref_slice %arg3[%multiple_of3A_276, %dma_start3A_283] : memref<1000001x64xf32, #tpu.memory_space<hbm>> -> memref<8x64xf32, #tpu.memory_space<hbm>>
      %dma_start3A_285 = arith.constant 0 : i32
      %dma_start3A_286 = tpu.memref_slice %arg8[%mul3A_280, %dma_start3A_285] : memref<512x64xf32, #tpu.memory_space<vmem>> -> memref<8x64xf32, #tpu.memory_space<vmem>>
      %dma_start3A_287 = arith.constant 0 : i32
      %dma_start3A_288 = tpu.memref_slice %arg3[%multiple_of3A_276, %dma_start3A_287] : memref<1000001x64xf32, #tpu.memory_space<hbm>> -> memref<8x64xf32, #tpu.memory_space<hbm>>
      tpu.enqueue_dma source(%dma_start3A_288 : memref<8x64xf32, #tpu.memory_space<hbm>>) target(%dma_start3A_286 : memref<8x64xf32, #tpu.memory_space<vmem>>) target_semaphore(%arg10 : memref<!tpu.dma_semaphore, #tpu.memory_space<semaphore_mem>>)
      %mul3A_289 = arith.constant 16 : i32
      %mul3A_290 = arith.muli %scan3A_33, %mul3A_289 : i32
      %add3A_291 = arith.constant 13 : i32
      %add3A_292 = arith.addi %mul3A_290, %add3A_291 : i32
      %slice3A_293 = vector.extract_strided_slice %and3A_45 {offsets = [13], sizes = [1], strides = [1]} : vector<16xi32> to vector<1xi32>
      %squeeze3A_294 = vector.extract %slice3A_293[0] : i32 from vector<1xi32>
      %multiple_of3A_295 = tpu.assume_multiple %squeeze3A_294, 8 : i32
      %add3A_296 = arith.constant 0 : i32
      %add3A_297 = arith.addi %add3A_296, %add3A_292 : i32
      %mul3A_298 = arith.constant 8 : i32
      %mul3A_299 = arith.muli %add3A_297, %mul3A_298 : i32
      %dma_start3A_300 = arith.constant 0 : i32
      %dma_start3A_301 = tpu.memref_slice %arg8[%mul3A_299, %dma_start3A_300] : memref<512x64xf32, #tpu.memory_space<vmem>> -> memref<8x64xf32, #tpu.memory_space<vmem>>
      %dma_start3A_302 = arith.constant 0 : i32
      %dma_start3A_303 = tpu.memref_slice %arg3[%multiple_of3A_295, %dma_start3A_302] : memref<1000001x64xf32, #tpu.memory_space<hbm>> -> memref<8x64xf32, #tpu.memory_space<hbm>>
      %dma_start3A_304 = arith.constant 0 : i32
      %dma_start3A_305 = tpu.memref_slice %arg8[%mul3A_299, %dma_start3A_304] : memref<512x64xf32, #tpu.memory_space<vmem>> -> memref<8x64xf32, #tpu.memory_space<vmem>>
      %dma_start3A_306 = arith.constant 0 : i32
      %dma_start3A_307 = tpu.memref_slice %arg3[%multiple_of3A_295, %dma_start3A_306] : memref<1000001x64xf32, #tpu.memory_space<hbm>> -> memref<8x64xf32, #tpu.memory_space<hbm>>
      tpu.enqueue_dma source(%dma_start3A_307 : memref<8x64xf32, #tpu.memory_space<hbm>>) target(%dma_start3A_305 : memref<8x64xf32, #tpu.memory_space<vmem>>) target_semaphore(%arg10 : memref<!tpu.dma_semaphore, #tpu.memory_space<semaphore_mem>>)
      %mul3A_308 = arith.constant 16 : i32
      %mul3A_309 = arith.muli %scan3A_33, %mul3A_308 : i32
      %add3A_310 = arith.constant 14 : i32
      %add3A_311 = arith.addi %mul3A_309, %add3A_310 : i32
      %slice3A_312 = vector.extract_strided_slice %and3A_45 {offsets = [14], sizes = [1], strides = [1]} : vector<16xi32> to vector<1xi32>
      %squeeze3A_313 = vector.extract %slice3A_312[0] : i32 from vector<1xi32>
      %multiple_of3A_314 = tpu.assume_multiple %squeeze3A_313, 8 : i32
      %add3A_315 = arith.constant 0 : i32
      %add3A_316 = arith.addi %add3A_315, %add3A_311 : i32
      %mul3A_317 = arith.constant 8 : i32
      %mul3A_318 = arith.muli %add3A_316, %mul3A_317 : i32
      %dma_start3A_319 = arith.constant 0 : i32
      %dma_start3A_320 = tpu.memref_slice %arg8[%mul3A_318, %dma_start3A_319] : memref<512x64xf32, #tpu.memory_space<vmem>> -> memref<8x64xf32, #tpu.memory_space<vmem>>
      %dma_start3A_321 = arith.constant 0 : i32
      %dma_start3A_322 = tpu.memref_slice %arg3[%multiple_of3A_314, %dma_start3A_321] : memref<1000001x64xf32, #tpu.memory_space<hbm>> -> memref<8x64xf32, #tpu.memory_space<hbm>>
      %dma_start3A_323 = arith.constant 0 : i32
      %dma_start3A_324 = tpu.memref_slice %arg8[%mul3A_318, %dma_start3A_323] : memref<512x64xf32, #tpu.memory_space<vmem>> -> memref<8x64xf32, #tpu.memory_space<vmem>>
      %dma_start3A_325 = arith.constant 0 : i32
      %dma_start3A_326 = tpu.memref_slice %arg3[%multiple_of3A_314, %dma_start3A_325] : memref<1000001x64xf32, #tpu.memory_space<hbm>> -> memref<8x64xf32, #tpu.memory_space<hbm>>
      tpu.enqueue_dma source(%dma_start3A_326 : memref<8x64xf32, #tpu.memory_space<hbm>>) target(%dma_start3A_324 : memref<8x64xf32, #tpu.memory_space<vmem>>) target_semaphore(%arg10 : memref<!tpu.dma_semaphore, #tpu.memory_space<semaphore_mem>>)
      %mul3A_327 = arith.constant 16 : i32
      %mul3A_328 = arith.muli %scan3A_33, %mul3A_327 : i32
      %add3A_329 = arith.constant 15 : i32
      %add3A_330 = arith.addi %mul3A_328, %add3A_329 : i32
      %slice3A_331 = vector.extract_strided_slice %and3A_45 {offsets = [15], sizes = [1], strides = [1]} : vector<16xi32> to vector<1xi32>
      %squeeze3A_332 = vector.extract %slice3A_331[0] : i32 from vector<1xi32>
      %multiple_of3A_333 = tpu.assume_multiple %squeeze3A_332, 8 : i32
      %add3A_334 = arith.constant 0 : i32
      %add3A_335 = arith.addi %add3A_334, %add3A_330 : i32
      %mul3A_336 = arith.constant 8 : i32
      %mul3A_337 = arith.muli %add3A_335, %mul3A_336 : i32
      %dma_start3A_338 = arith.constant 0 : i32
      %dma_start3A_339 = tpu.memref_slice %arg8[%mul3A_337, %dma_start3A_338] : memref<512x64xf32, #tpu.memory_space<vmem>> -> memref<8x64xf32, #tpu.memory_space<vmem>>
      %dma_start3A_340 = arith.constant 0 : i32
      %dma_start3A_341 = tpu.memref_slice %arg3[%multiple_of3A_333, %dma_start3A_340] : memref<1000001x64xf32, #tpu.memory_space<hbm>> -> memref<8x64xf32, #tpu.memory_space<hbm>>
      %dma_start3A_342 = arith.constant 0 : i32
      %dma_start3A_343 = tpu.memref_slice %arg8[%mul3A_337, %dma_start3A_342] : memref<512x64xf32, #tpu.memory_space<vmem>> -> memref<8x64xf32, #tpu.memory_space<vmem>>
      %dma_start3A_344 = arith.constant 0 : i32
      %dma_start3A_345 = tpu.memref_slice %arg3[%multiple_of3A_333, %dma_start3A_344] : memref<1000001x64xf32, #tpu.memory_space<hbm>> -> memref<8x64xf32, #tpu.memory_space<hbm>>
      tpu.enqueue_dma source(%dma_start3A_345 : memref<8x64xf32, #tpu.memory_space<hbm>>) target(%dma_start3A_343 : memref<8x64xf32, #tpu.memory_space<vmem>>) target_semaphore(%arg10 : memref<!tpu.dma_semaphore, #tpu.memory_space<semaphore_mem>>)
    }
    %scan3A_7 = arith.constant 2 : i32
    %scan3A_8 = arith.constant 0 : i32
    %scan3A_9 = arith.constant 0 : i32
    %scan3A_10 = arith.constant 15 : i32
    %scan3A_11 = arith.addi %scan3A_9, %scan3A_10 : i32
    %scan3A_12 = arith.constant 1 : i32
    scf.for %scan3A_33 = %scan3A_9 to %scan3A_11 step %scan3A_12  : i32 {
      %dma_wait3A_34 = arith.constant 0 : i32
      %dma_wait3A_35 = arith.constant 0 : i32
      %dma_wait3A_36 = tpu.memref_slice %arg8[%dma_wait3A_34, %dma_wait3A_35] : memref<512x64xf32, #tpu.memory_space<vmem>> -> memref<256x64xf32, #tpu.memory_space<vmem>>
      %dma_wait3A_37 = arith.constant 0 : i32
      %dma_wait3A_38 = arith.constant 0 : i32
      %dma_wait3A_39 = tpu.memref_slice %arg3[%dma_wait3A_37, %dma_wait3A_38] : memref<1000001x64xf32, #tpu.memory_space<hbm>> -> memref<256x64xf32, #tpu.memory_space<hbm>>
      %dma_wait3A_40 = arith.constant 0 : i32
      %dma_wait3A_41 = arith.constant 0 : i32
      %dma_wait3A_42 = tpu.memref_slice %arg8[%dma_wait3A_40, %dma_wait3A_41] : memref<512x64xf32, #tpu.memory_space<vmem>> -> memref<256x64xf32, #tpu.memory_space<vmem>>
      %dma_wait3A_43 = arith.constant 0 : i32
      %dma_wait3A_44 = arith.constant 0 : i32
      %dma_wait3A_45 = tpu.memref_slice %arg3[%dma_wait3A_43, %dma_wait3A_44] : memref<1000001x64xf32, #tpu.memory_space<hbm>> -> memref<256x64xf32, #tpu.memory_space<hbm>>
      tpu.wait_dma2 semaphore(%arg10 : memref<!tpu.dma_semaphore, #tpu.memory_space<semaphore_mem>>) src(%dma_wait3A_45 : memref<256x64xf32, #tpu.memory_space<hbm>>) dst(%dma_wait3A_42 : memref<256x64xf32, #tpu.memory_space<vmem>>)
      %add3A_46 = arith.constant 1 : i32
      %add3A_47 = arith.addi %scan3A_33, %add3A_46 : i32
      %add3A_48 = arith.constant 1 : i32
      %add3A_49 = arith.addi %scan3A_33, %add3A_48 : i32
      %jit3A = arith.constant 2 : i32
      %eq3A = arith.constant 0 : i32
      %eq3A_50 = arith.cmpi eq, %jit3A, %eq3A : i32
      %jit3A_51 = arith.constant 1 : i32
      %select_n3A = arith.select %eq3A_50, %jit3A_51, %jit3A : i32
      %rem3A = arith.remsi %add3A_49, %select_n3A : i32
      %ne3A = arith.constant 0 : i32
      %ne3A_52 = arith.cmpi ne, %rem3A, %ne3A : i32
      %lt3A = arith.constant 0 : i32
      %lt3A_53 = arith.cmpi slt, %rem3A, %lt3A : i32
      %lt3A_54 = arith.constant 0 : i32
      %lt3A_55 = arith.cmpi slt, %select_n3A, %lt3A_54 : i32
      %ne3A_56 = arith.xori %lt3A_53, %lt3A_55 : i1
      %and3A = arith.andi %ne3A_56, %ne3A_52 : i1
      %add3A_57 = arith.addi %rem3A, %select_n3A : i32
      %select_n3A_58 = arith.select %and3A, %add3A_57, %rem3A : i32
      %scan3A_59 = arith.constant 0 : i32
      %scan3A_60 = arith.constant 0 : i32
      %scan3A_61 = arith.constant 2 : i32
      %scan3A_62 = arith.addi %scan3A_60, %scan3A_61 : i32
      %scan3A_63 = arith.constant 1 : i32
      scf.for %scan3A_87 = %scan3A_60 to %scan3A_62 step %scan3A_63  : i32 {
        %mul3A_88 = arith.constant 32 : i32
        %mul3A_89 = arith.muli %add3A_47, %mul3A_88 : i32
        %mul3A_90 = arith.constant 16 : i32
        %mul3A_91 = arith.muli %scan3A_87, %mul3A_90 : i32
        %add3A_92 = arith.addi %mul3A_89, %mul3A_91 : i32
        %get3A = arith.index_cast %add3A_92 : i32 to index
        %get3A_93 = tpu.vector_load %arg6[%get3A] {strides = array<i32>} : memref<512xi32, #tpu.memory_space<vmem>>, vector<16xi32>,
        %get3A_94 = vector.shape_cast %get3A_93 : vector<16xi32> to vector<16xi32>
        %eq3A_95 = arith.constant -1 : i32
        %eq3A_96 = vector.broadcast %eq3A_95 : i32 to vector<16xi32>
        %eq3A_97 = arith.cmpi eq, %get3A_94, %eq3A_96 : vector<16xi32>
        %jit3A_98 = arith.constant 1000000 : i32
        %broadcast_in_dim3A = vector.broadcast %jit3A_98 : i32 to vector<16xi32>
        %select_n3A_99 = arith.select %eq3A_97, %broadcast_in_dim3A, %get3A_94 : vector<16xi1>, vector<16xi32>
        %min3A = arith.constant 999999 : i32
        %min3A_100 = vector.broadcast %min3A : i32 to vector<16xi32>
        %min3A_101 = arith.minsi %select_n3A_99, %min3A_100 : vector<16xi32>
        %and3A_102 = arith.constant -8 : i32
        %and3A_103 = vector.broadcast %and3A_102 : i32 to vector<16xi32>
        %and3A_104 = arith.andi %min3A_101, %and3A_103 : vector<16xi32>
        %mul3A_105 = arith.constant 16 : i32
        %mul3A_106 = arith.muli %scan3A_87, %mul3A_105 : i32
        %add3A_107 = arith.constant 0 : i32
        %add3A_108 = arith.addi %mul3A_106, %add3A_107 : i32
        %slice3A = vector.extract_strided_slice %and3A_104 {offsets = [0], sizes = [1], strides = [1]} : vector<16xi32> to vector<1xi32>
        %squeeze3A = vector.extract %slice3A[0] : i32 from vector<1xi32>
        %multiple_of3A = tpu.assume_multiple %squeeze3A, 8 : i32
        %mul3A_109 = arith.constant 32 : i32
        %mul3A_110 = arith.muli %select_n3A_58, %mul3A_109 : i32
        %add3A_111 = arith.addi %mul3A_110, %add3A_108 : i32
        %mul3A_112 = arith.constant 8 : i32
        %mul3A_113 = arith.muli %add3A_111, %mul3A_112 : i32
        %dma_start3A = arith.constant 0 : i32
        %dma_start3A_114 = tpu.memref_slice %arg8[%mul3A_113, %dma_start3A] : memref<512x64xf32, #tpu.memory_space<vmem>> -> memref<8x64xf32, #tpu.memory_space<vmem>>
        %dma_start3A_115 = arith.constant 0 : i32
        %dma_start3A_116 = tpu.memref_slice %arg3[%multiple_of3A, %dma_start3A_115] : memref<1000001x64xf32, #tpu.memory_space<hbm>> -> memref<8x64xf32, #tpu.memory_space<hbm>>
        %dma_start3A_117 = arith.constant 0 : i32
        %dma_start3A_118 = tpu.memref_slice %arg8[%mul3A_113, %dma_start3A_117] : memref<512x64xf32, #tpu.memory_space<vmem>> -> memref<8x64xf32, #tpu.memory_space<vmem>>
        %dma_start3A_119 = arith.constant 0 : i32
        %dma_start3A_120 = tpu.memref_slice %arg3[%multiple_of3A, %dma_start3A_119] : memref<1000001x64xf32, #tpu.memory_space<hbm>> -> memref<8x64xf32, #tpu.memory_space<hbm>>
        tpu.enqueue_dma source(%dma_start3A_120 : memref<8x64xf32, #tpu.memory_space<hbm>>) target(%dma_start3A_118 : memref<8x64xf32, #tpu.memory_space<vmem>>) target_semaphore(%arg10 : memref<!tpu.dma_semaphore, #tpu.memory_space<semaphore_mem>>)
        %mul3A_121 = arith.constant 16 : i32
        %mul3A_122 = arith.muli %scan3A_87, %mul3A_121 : i32
        %add3A_123 = arith.constant 1 : i32
        %add3A_124 = arith.addi %mul3A_122, %add3A_123 : i32
        %slice3A_125 = vector.extract_strided_slice %and3A_104 {offsets = [1], sizes = [1], strides = [1]} : vector<16xi32> to vector<1xi32>
        %squeeze3A_126 = vector.extract %slice3A_125[0] : i32 from vector<1xi32>
        %multiple_of3A_127 = tpu.assume_multiple %squeeze3A_126, 8 : i32
        %mul3A_128 = arith.constant 32 : i32
        %mul3A_129 = arith.muli %select_n3A_58, %mul3A_128 : i32
        %add3A_130 = arith.addi %mul3A_129, %add3A_124 : i32
        %mul3A_131 = arith.constant 8 : i32
        %mul3A_132 = arith.muli %add3A_130, %mul3A_131 : i32
        %dma_start3A_133 = arith.constant 0 : i32
        %dma_start3A_134 = tpu.memref_slice %arg8[%mul3A_132, %dma_start3A_133] : memref<512x64xf32, #tpu.memory_space<vmem>> -> memref<8x64xf32, #tpu.memory_space<vmem>>
        %dma_start3A_135 = arith.constant 0 : i32
        %dma_start3A_136 = tpu.memref_slice %arg3[%multiple_of3A_127, %dma_start3A_135] : memref<1000001x64xf32, #tpu.memory_space<hbm>> -> memref<8x64xf32, #tpu.memory_space<hbm>>
        %dma_start3A_137 = arith.constant 0 : i32
        %dma_start3A_138 = tpu.memref_slice %arg8[%mul3A_132, %dma_start3A_137] : memref<512x64xf32, #tpu.memory_space<vmem>> -> memref<8x64xf32, #tpu.memory_space<vmem>>
        %dma_start3A_139 = arith.constant 0 : i32
        %dma_start3A_140 = tpu.memref_slice %arg3[%multiple_of3A_127, %dma_start3A_139] : memref<1000001x64xf32, #tpu.memory_space<hbm>> -> memref<8x64xf32, #tpu.memory_space<hbm>>
        tpu.enqueue_dma source(%dma_start3A_140 : memref<8x64xf32, #tpu.memory_space<hbm>>) target(%dma_start3A_138 : memref<8x64xf32, #tpu.memory_space<vmem>>) target_semaphore(%arg10 : memref<!tpu.dma_semaphore, #tpu.memory_space<semaphore_mem>>)
        %mul3A_141 = arith.constant 16 : i32
        %mul3A_142 = arith.muli %scan3A_87, %mul3A_141 : i32
        %add3A_143 = arith.constant 2 : i32
        %add3A_144 = arith.addi %mul3A_142, %add3A_143 : i32
        %slice3A_145 = vector.extract_strided_slice %and3A_104 {offsets = [2], sizes = [1], strides = [1]} : vector<16xi32> to vector<1xi32>
        %squeeze3A_146 = vector.extract %slice3A_145[0] : i32 from vector<1xi32>
        %multiple_of3A_147 = tpu.assume_multiple %squeeze3A_146, 8 : i32
        %mul3A_148 = arith.constant 32 : i32
        %mul3A_149 = arith.muli %select_n3A_58, %mul3A_148 : i32
        %add3A_150 = arith.addi %mul3A_149, %add3A_144 : i32
        %mul3A_151 = arith.constant 8 : i32
        %mul3A_152 = arith.muli %add3A_150, %mul3A_151 : i32
        %dma_start3A_153 = arith.constant 0 : i32
        %dma_start3A_154 = tpu.memref_slice %arg8[%mul3A_152, %dma_start3A_153] : memref<512x64xf32, #tpu.memory_space<vmem>> -> memref<8x64xf32, #tpu.memory_space<vmem>>
        %dma_start3A_155 = arith.constant 0 : i32
        %dma_start3A_156 = tpu.memref_slice %arg3[%multiple_of3A_147, %dma_start3A_155] : memref<1000001x64xf32, #tpu.memory_space<hbm>> -> memref<8x64xf32, #tpu.memory_space<hbm>>
        %dma_start3A_157 = arith.constant 0 : i32
        %dma_start3A_158 = tpu.memref_slice %arg8[%mul3A_152, %dma_start3A_157] : memref<512x64xf32, #tpu.memory_space<vmem>> -> memref<8x64xf32, #tpu.memory_space<vmem>>
        %dma_start3A_159 = arith.constant 0 : i32
        %dma_start3A_160 = tpu.memref_slice %arg3[%multiple_of3A_147, %dma_start3A_159] : memref<1000001x64xf32, #tpu.memory_space<hbm>> -> memref<8x64xf32, #tpu.memory_space<hbm>>
        tpu.enqueue_dma source(%dma_start3A_160 : memref<8x64xf32, #tpu.memory_space<hbm>>) target(%dma_start3A_158 : memref<8x64xf32, #tpu.memory_space<vmem>>) target_semaphore(%arg10 : memref<!tpu.dma_semaphore, #tpu.memory_space<semaphore_mem>>)
        %mul3A_161 = arith.constant 16 : i32
        %mul3A_162 = arith.muli %scan3A_87, %mul3A_161 : i32
        %add3A_163 = arith.constant 3 : i32
        %add3A_164 = arith.addi %mul3A_162, %add3A_163 : i32
        %slice3A_165 = vector.extract_strided_slice %and3A_104 {offsets = [3], sizes = [1], strides = [1]} : vector<16xi32> to vector<1xi32>
        %squeeze3A_166 = vector.extract %slice3A_165[0] : i32 from vector<1xi32>
        %multiple_of3A_167 = tpu.assume_multiple %squeeze3A_166, 8 : i32
        %mul3A_168 = arith.constant 32 : i32
        %mul3A_169 = arith.muli %select_n3A_58, %mul3A_168 : i32
        %add3A_170 = arith.addi %mul3A_169, %add3A_164 : i32
        %mul3A_171 = arith.constant 8 : i32
        %mul3A_172 = arith.muli %add3A_170, %mul3A_171 : i32
        %dma_start3A_173 = arith.constant 0 : i32
        %dma_start3A_174 = tpu.memref_slice %arg8[%mul3A_172, %dma_start3A_173] : memref<512x64xf32, #tpu.memory_space<vmem>> -> memref<8x64xf32, #tpu.memory_space<vmem>>
        %dma_start3A_175 = arith.constant 0 : i32
        %dma_start3A_176 = tpu.memref_slice %arg3[%multiple_of3A_167, %dma_start3A_175] : memref<1000001x64xf32, #tpu.memory_space<hbm>> -> memref<8x64xf32, #tpu.memory_space<hbm>>
        %dma_start3A_177 = arith.constant 0 : i32
        %dma_start3A_178 = tpu.memref_slice %arg8[%mul3A_172, %dma_start3A_177] : memref<512x64xf32, #tpu.memory_space<vmem>> -> memref<8x64xf32, #tpu.memory_space<vmem>>
        %dma_start3A_179 = arith.constant 0 : i32
        %dma_start3A_180 = tpu.memref_slice %arg3[%multiple_of3A_167, %dma_start3A_179] : memref<1000001x64xf32, #tpu.memory_space<hbm>> -> memref<8x64xf32, #tpu.memory_space<hbm>>
        tpu.enqueue_dma source(%dma_start3A_180 : memref<8x64xf32, #tpu.memory_space<hbm>>) target(%dma_start3A_178 : memref<8x64xf32, #tpu.memory_space<vmem>>) target_semaphore(%arg10 : memref<!tpu.dma_semaphore, #tpu.memory_space<semaphore_mem>>)
        %mul3A_181 = arith.constant 16 : i32
        %mul3A_182 = arith.muli %scan3A_87, %mul3A_181 : i32
        %add3A_183 = arith.constant 4 : i32
        %add3A_184 = arith.addi %mul3A_182, %add3A_183 : i32
        %slice3A_185 = vector.extract_strided_slice %and3A_104 {offsets = [4], sizes = [1], strides = [1]} : vector<16xi32> to vector<1xi32>
        %squeeze3A_186 = vector.extract %slice3A_185[0] : i32 from vector<1xi32>
        %multiple_of3A_187 = tpu.assume_multiple %squeeze3A_186, 8 : i32
        %mul3A_188 = arith.constant 32 : i32
        %mul3A_189 = arith.muli %select_n3A_58, %mul3A_188 : i32
        %add3A_190 = arith.addi %mul3A_189, %add3A_184 : i32
        %mul3A_191 = arith.constant 8 : i32
        %mul3A_192 = arith.muli %add3A_190, %mul3A_191 : i32
        %dma_start3A_193 = arith.constant 0 : i32
        %dma_start3A_194 = tpu.memref_slice %arg8[%mul3A_192, %dma_start3A_193] : memref<512x64xf32, #tpu.memory_space<vmem>> -> memref<8x64xf32, #tpu.memory_space<vmem>>
        %dma_start3A_195 = arith.constant 0 : i32
        %dma_start3A_196 = tpu.memref_slice %arg3[%multiple_of3A_187, %dma_start3A_195] : memref<1000001x64xf32, #tpu.memory_space<hbm>> -> memref<8x64xf32, #tpu.memory_space<hbm>>
        %dma_start3A_197 = arith.constant 0 : i32
        %dma_start3A_198 = tpu.memref_slice %arg8[%mul3A_192, %dma_start3A_197] : memref<512x64xf32, #tpu.memory_space<vmem>> -> memref<8x64xf32, #tpu.memory_space<vmem>>
        %dma_start3A_199 = arith.constant 0 : i32
        %dma_start3A_200 = tpu.memref_slice %arg3[%multiple_of3A_187, %dma_start3A_199] : memref<1000001x64xf32, #tpu.memory_space<hbm>> -> memref<8x64xf32, #tpu.memory_space<hbm>>
        tpu.enqueue_dma source(%dma_start3A_200 : memref<8x64xf32, #tpu.memory_space<hbm>>) target(%dma_start3A_198 : memref<8x64xf32, #tpu.memory_space<vmem>>) target_semaphore(%arg10 : memref<!tpu.dma_semaphore, #tpu.memory_space<semaphore_mem>>)
        %mul3A_201 = arith.constant 16 : i32
        %mul3A_202 = arith.muli %scan3A_87, %mul3A_201 : i32
        %add3A_203 = arith.constant 5 : i32
        %add3A_204 = arith.addi %mul3A_202, %add3A_203 : i32
        %slice3A_205 = vector.extract_strided_slice %and3A_104 {offsets = [5], sizes = [1], strides = [1]} : vector<16xi32> to vector<1xi32>
        %squeeze3A_206 = vector.extract %slice3A_205[0] : i32 from vector<1xi32>
        %multiple_of3A_207 = tpu.assume_multiple %squeeze3A_206, 8 : i32
        %mul3A_208 = arith.constant 32 : i32
        %mul3A_209 = arith.muli %select_n3A_58, %mul3A_208 : i32
        %add3A_210 = arith.addi %mul3A_209, %add3A_204 : i32
        %mul3A_211 = arith.constant 8 : i32
        %mul3A_212 = arith.muli %add3A_210, %mul3A_211 : i32
        %dma_start3A_213 = arith.constant 0 : i32
        %dma_start3A_214 = tpu.memref_slice %arg8[%mul3A_212, %dma_start3A_213] : memref<512x64xf32, #tpu.memory_space<vmem>> -> memref<8x64xf32, #tpu.memory_space<vmem>>
        %dma_start3A_215 = arith.constant 0 : i32
        %dma_start3A_216 = tpu.memref_slice %arg3[%multiple_of3A_207, %dma_start3A_215] : memref<1000001x64xf32, #tpu.memory_space<hbm>> -> memref<8x64xf32, #tpu.memory_space<hbm>>
        %dma_start3A_217 = arith.constant 0 : i32
        %dma_start3A_218 = tpu.memref_slice %arg8[%mul3A_212, %dma_start3A_217] : memref<512x64xf32, #tpu.memory_space<vmem>> -> memref<8x64xf32, #tpu.memory_space<vmem>>
        %dma_start3A_219 = arith.constant 0 : i32
        %dma_start3A_220 = tpu.memref_slice %arg3[%multiple_of3A_207, %dma_start3A_219] : memref<1000001x64xf32, #tpu.memory_space<hbm>> -> memref<8x64xf32, #tpu.memory_space<hbm>>
        tpu.enqueue_dma source(%dma_start3A_220 : memref<8x64xf32, #tpu.memory_space<hbm>>) target(%dma_start3A_218 : memref<8x64xf32, #tpu.memory_space<vmem>>) target_semaphore(%arg10 : memref<!tpu.dma_semaphore, #tpu.memory_space<semaphore_mem>>)
        %mul3A_221 = arith.constant 16 : i32
        %mul3A_222 = arith.muli %scan3A_87, %mul3A_221 : i32
        %add3A_223 = arith.constant 6 : i32
        %add3A_224 = arith.addi %mul3A_222, %add3A_223 : i32
        %slice3A_225 = vector.extract_strided_slice %and3A_104 {offsets = [6], sizes = [1], strides = [1]} : vector<16xi32> to vector<1xi32>
        %squeeze3A_226 = vector.extract %slice3A_225[0] : i32 from vector<1xi32>
        %multiple_of3A_227 = tpu.assume_multiple %squeeze3A_226, 8 : i32
        %mul3A_228 = arith.constant 32 : i32
        %mul3A_229 = arith.muli %select_n3A_58, %mul3A_228 : i32
        %add3A_230 = arith.addi %mul3A_229, %add3A_224 : i32
        %mul3A_231 = arith.constant 8 : i32
        %mul3A_232 = arith.muli %add3A_230, %mul3A_231 : i32
        %dma_start3A_233 = arith.constant 0 : i32
        %dma_start3A_234 = tpu.memref_slice %arg8[%mul3A_232, %dma_start3A_233] : memref<512x64xf32, #tpu.memory_space<vmem>> -> memref<8x64xf32, #tpu.memory_space<vmem>>
        %dma_start3A_235 = arith.constant 0 : i32
        %dma_start3A_236 = tpu.memref_slice %arg3[%multiple_of3A_227, %dma_start3A_235] : memref<1000001x64xf32, #tpu.memory_space<hbm>> -> memref<8x64xf32, #tpu.memory_space<hbm>>
        %dma_start3A_237 = arith.constant 0 : i32
        %dma_start3A_238 = tpu.memref_slice %arg8[%mul3A_232, %dma_start3A_237] : memref<512x64xf32, #tpu.memory_space<vmem>> -> memref<8x64xf32, #tpu.memory_space<vmem>>
        %dma_start3A_239 = arith.constant 0 : i32
        %dma_start3A_240 = tpu.memref_slice %arg3[%multiple_of3A_227, %dma_start3A_239] : memref<1000001x64xf32, #tpu.memory_space<hbm>> -> memref<8x64xf32, #tpu.memory_space<hbm>>
        tpu.enqueue_dma source(%dma_start3A_240 : memref<8x64xf32, #tpu.memory_space<hbm>>) target(%dma_start3A_238 : memref<8x64xf32, #tpu.memory_space<vmem>>) target_semaphore(%arg10 : memref<!tpu.dma_semaphore, #tpu.memory_space<semaphore_mem>>)
        %mul3A_241 = arith.constant 16 : i32
        %mul3A_242 = arith.muli %scan3A_87, %mul3A_241 : i32
        %add3A_243 = arith.constant 7 : i32
        %add3A_244 = arith.addi %mul3A_242, %add3A_243 : i32
        %slice3A_245 = vector.extract_strided_slice %and3A_104 {offsets = [7], sizes = [1], strides = [1]} : vector<16xi32> to vector<1xi32>
        %squeeze3A_246 = vector.extract %slice3A_245[0] : i32 from vector<1xi32>
        %multiple_of3A_247 = tpu.assume_multiple %squeeze3A_246, 8 : i32
        %mul3A_248 = arith.constant 32 : i32
        %mul3A_249 = arith.muli %select_n3A_58, %mul3A_248 : i32
        %add3A_250 = arith.addi %mul3A_249, %add3A_244 : i32
        %mul3A_251 = arith.constant 8 : i32
        %mul3A_252 = arith.muli %add3A_250, %mul3A_251 : i32
        %dma_start3A_253 = arith.constant 0 : i32
        %dma_start3A_254 = tpu.memref_slice %arg8[%mul3A_252, %dma_start3A_253] : memref<512x64xf32, #tpu.memory_space<vmem>> -> memref<8x64xf32, #tpu.memory_space<vmem>>
        %dma_start3A_255 = arith.constant 0 : i32
        %dma_start3A_256 = tpu.memref_slice %arg3[%multiple_of3A_247, %dma_start3A_255] : memref<1000001x64xf32, #tpu.memory_space<hbm>> -> memref<8x64xf32, #tpu.memory_space<hbm>>
        %dma_start3A_257 = arith.constant 0 : i32
        %dma_start3A_258 = tpu.memref_slice %arg8[%mul3A_252, %dma_start3A_257] : memref<512x64xf32, #tpu.memory_space<vmem>> -> memref<8x64xf32, #tpu.memory_space<vmem>>
        %dma_start3A_259 = arith.constant 0 : i32
        %dma_start3A_260 = tpu.memref_slice %arg3[%multiple_of3A_247, %dma_start3A_259] : memref<1000001x64xf32, #tpu.memory_space<hbm>> -> memref<8x64xf32, #tpu.memory_space<hbm>>
        tpu.enqueue_dma source(%dma_start3A_260 : memref<8x64xf32, #tpu.memory_space<hbm>>) target(%dma_start3A_258 : memref<8x64xf32, #tpu.memory_space<vmem>>) target_semaphore(%arg10 : memref<!tpu.dma_semaphore, #tpu.memory_space<semaphore_mem>>)
        %mul3A_261 = arith.constant 16 : i32
        %mul3A_262 = arith.muli %scan3A_87, %mul3A_261 : i32
        %add3A_263 = arith.constant 8 : i32
        %add3A_264 = arith.addi %mul3A_262, %add3A_263 : i32
        %slice3A_265 = vector.extract_strided_slice %and3A_104 {offsets = [8], sizes = [1], strides = [1]} : vector<16xi32> to vector<1xi32>
        %squeeze3A_266 = vector.extract %slice3A_265[0] : i32 from vector<1xi32>
        %multiple_of3A_267 = tpu.assume_multiple %squeeze3A_266, 8 : i32
        %mul3A_268 = arith.constant 32 : i32
        %mul3A_269 = arith.muli %select_n3A_58, %mul3A_268 : i32
        %add3A_270 = arith.addi %mul3A_269, %add3A_264 : i32
        %mul3A_271 = arith.constant 8 : i32
        %mul3A_272 = arith.muli %add3A_270, %mul3A_271 : i32
        %dma_start3A_273 = arith.constant 0 : i32
        %dma_start3A_274 = tpu.memref_slice %arg8[%mul3A_272, %dma_start3A_273] : memref<512x64xf32, #tpu.memory_space<vmem>> -> memref<8x64xf32, #tpu.memory_space<vmem>>
        %dma_start3A_275 = arith.constant 0 : i32
        %dma_start3A_276 = tpu.memref_slice %arg3[%multiple_of3A_267, %dma_start3A_275] : memref<1000001x64xf32, #tpu.memory_space<hbm>> -> memref<8x64xf32, #tpu.memory_space<hbm>>
        %dma_start3A_277 = arith.constant 0 : i32
        %dma_start3A_278 = tpu.memref_slice %arg8[%mul3A_272, %dma_start3A_277] : memref<512x64xf32, #tpu.memory_space<vmem>> -> memref<8x64xf32, #tpu.memory_space<vmem>>
        %dma_start3A_279 = arith.constant 0 : i32
        %dma_start3A_280 = tpu.memref_slice %arg3[%multiple_of3A_267, %dma_start3A_279] : memref<1000001x64xf32, #tpu.memory_space<hbm>> -> memref<8x64xf32, #tpu.memory_space<hbm>>
        tpu.enqueue_dma source(%dma_start3A_280 : memref<8x64xf32, #tpu.memory_space<hbm>>) target(%dma_start3A_278 : memref<8x64xf32, #tpu.memory_space<vmem>>) target_semaphore(%arg10 : memref<!tpu.dma_semaphore, #tpu.memory_space<semaphore_mem>>)
        %mul3A_281 = arith.constant 16 : i32
        %mul3A_282 = arith.muli %scan3A_87, %mul3A_281 : i32
        %add3A_283 = arith.constant 9 : i32
        %add3A_284 = arith.addi %mul3A_282, %add3A_283 : i32
        %slice3A_285 = vector.extract_strided_slice %and3A_104 {offsets = [9], sizes = [1], strides = [1]} : vector<16xi32> to vector<1xi32>
        %squeeze3A_286 = vector.extract %slice3A_285[0] : i32 from vector<1xi32>
        %multiple_of3A_287 = tpu.assume_multiple %squeeze3A_286, 8 : i32
        %mul3A_288 = arith.constant 32 : i32
        %mul3A_289 = arith.muli %select_n3A_58, %mul3A_288 : i32
        %add3A_290 = arith.addi %mul3A_289, %add3A_284 : i32
        %mul3A_291 = arith.constant 8 : i32
        %mul3A_292 = arith.muli %add3A_290, %mul3A_291 : i32
        %dma_start3A_293 = arith.constant 0 : i32
        %dma_start3A_294 = tpu.memref_slice %arg8[%mul3A_292, %dma_start3A_293] : memref<512x64xf32, #tpu.memory_space<vmem>> -> memref<8x64xf32, #tpu.memory_space<vmem>>
        %dma_start3A_295 = arith.constant 0 : i32
        %dma_start3A_296 = tpu.memref_slice %arg3[%multiple_of3A_287, %dma_start3A_295] : memref<1000001x64xf32, #tpu.memory_space<hbm>> -> memref<8x64xf32, #tpu.memory_space<hbm>>
        %dma_start3A_297 = arith.constant 0 : i32
        %dma_start3A_298 = tpu.memref_slice %arg8[%mul3A_292, %dma_start3A_297] : memref<512x64xf32, #tpu.memory_space<vmem>> -> memref<8x64xf32, #tpu.memory_space<vmem>>
        %dma_start3A_299 = arith.constant 0 : i32
        %dma_start3A_300 = tpu.memref_slice %arg3[%multiple_of3A_287, %dma_start3A_299] : memref<1000001x64xf32, #tpu.memory_space<hbm>> -> memref<8x64xf32, #tpu.memory_space<hbm>>
        tpu.enqueue_dma source(%dma_start3A_300 : memref<8x64xf32, #tpu.memory_space<hbm>>) target(%dma_start3A_298 : memref<8x64xf32, #tpu.memory_space<vmem>>) target_semaphore(%arg10 : memref<!tpu.dma_semaphore, #tpu.memory_space<semaphore_mem>>)
        %mul3A_301 = arith.constant 16 : i32
        %mul3A_302 = arith.muli %scan3A_87, %mul3A_301 : i32
        %add3A_303 = arith.constant 10 : i32
        %add3A_304 = arith.addi %mul3A_302, %add3A_303 : i32
        %slice3A_305 = vector.extract_strided_slice %and3A_104 {offsets = [10], sizes = [1], strides = [1]} : vector<16xi32> to vector<1xi32>
        %squeeze3A_306 = vector.extract %slice3A_305[0] : i32 from vector<1xi32>
        %multiple_of3A_307 = tpu.assume_multiple %squeeze3A_306, 8 : i32
        %mul3A_308 = arith.constant 32 : i32
        %mul3A_309 = arith.muli %select_n3A_58, %mul3A_308 : i32
        %add3A_310 = arith.addi %mul3A_309, %add3A_304 : i32
        %mul3A_311 = arith.constant 8 : i32
        %mul3A_312 = arith.muli %add3A_310, %mul3A_311 : i32
        %dma_start3A_313 = arith.constant 0 : i32
        %dma_start3A_314 = tpu.memref_slice %arg8[%mul3A_312, %dma_start3A_313] : memref<512x64xf32, #tpu.memory_space<vmem>> -> memref<8x64xf32, #tpu.memory_space<vmem>>
        %dma_start3A_315 = arith.constant 0 : i32
        %dma_start3A_316 = tpu.memref_slice %arg3[%multiple_of3A_307, %dma_start3A_315] : memref<1000001x64xf32, #tpu.memory_space<hbm>> -> memref<8x64xf32, #tpu.memory_space<hbm>>
        %dma_start3A_317 = arith.constant 0 : i32
        %dma_start3A_318 = tpu.memref_slice %arg8[%mul3A_312, %dma_start3A_317] : memref<512x64xf32, #tpu.memory_space<vmem>> -> memref<8x64xf32, #tpu.memory_space<vmem>>
        %dma_start3A_319 = arith.constant 0 : i32
        %dma_start3A_320 = tpu.memref_slice %arg3[%multiple_of3A_307, %dma_start3A_319] : memref<1000001x64xf32, #tpu.memory_space<hbm>> -> memref<8x64xf32, #tpu.memory_space<hbm>>
        tpu.enqueue_dma source(%dma_start3A_320 : memref<8x64xf32, #tpu.memory_space<hbm>>) target(%dma_start3A_318 : memref<8x64xf32, #tpu.memory_space<vmem>>) target_semaphore(%arg10 : memref<!tpu.dma_semaphore, #tpu.memory_space<semaphore_mem>>)
        %mul3A_321 = arith.constant 16 : i32
        %mul3A_322 = arith.muli %scan3A_87, %mul3A_321 : i32
        %add3A_323 = arith.constant 11 : i32
        %add3A_324 = arith.addi %mul3A_322, %add3A_323 : i32
        %slice3A_325 = vector.extract_strided_slice %and3A_104 {offsets = [11], sizes = [1], strides = [1]} : vector<16xi32> to vector<1xi32>
        %squeeze3A_326 = vector.extract %slice3A_325[0] : i32 from vector<1xi32>
        %multiple_of3A_327 = tpu.assume_multiple %squeeze3A_326, 8 : i32
        %mul3A_328 = arith.constant 32 : i32
        %mul3A_329 = arith.muli %select_n3A_58, %mul3A_328 : i32
        %add3A_330 = arith.addi %mul3A_329, %add3A_324 : i32
        %mul3A_331 = arith.constant 8 : i32
        %mul3A_332 = arith.muli %add3A_330, %mul3A_331 : i32
        %dma_start3A_333 = arith.constant 0 : i32
        %dma_start3A_334 = tpu.memref_slice %arg8[%mul3A_332, %dma_start3A_333] : memref<512x64xf32, #tpu.memory_space<vmem>> -> memref<8x64xf32, #tpu.memory_space<vmem>>
        %dma_start3A_335 = arith.constant 0 : i32
        %dma_start3A_336 = tpu.memref_slice %arg3[%multiple_of3A_327, %dma_start3A_335] : memref<1000001x64xf32, #tpu.memory_space<hbm>> -> memref<8x64xf32, #tpu.memory_space<hbm>>
        %dma_start3A_337 = arith.constant 0 : i32
        %dma_start3A_338 = tpu.memref_slice %arg8[%mul3A_332, %dma_start3A_337] : memref<512x64xf32, #tpu.memory_space<vmem>> -> memref<8x64xf32, #tpu.memory_space<vmem>>
        %dma_start3A_339 = arith.constant 0 : i32
        %dma_start3A_340 = tpu.memref_slice %arg3[%multiple_of3A_327, %dma_start3A_339] : memref<1000001x64xf32, #tpu.memory_space<hbm>> -> memref<8x64xf32, #tpu.memory_space<hbm>>
        tpu.enqueue_dma source(%dma_start3A_340 : memref<8x64xf32, #tpu.memory_space<hbm>>) target(%dma_start3A_338 : memref<8x64xf32, #tpu.memory_space<vmem>>) target_semaphore(%arg10 : memref<!tpu.dma_semaphore, #tpu.memory_space<semaphore_mem>>)
        %mul3A_341 = arith.constant 16 : i32
        %mul3A_342 = arith.muli %scan3A_87, %mul3A_341 : i32
        %add3A_343 = arith.constant 12 : i32
        %add3A_344 = arith.addi %mul3A_342, %add3A_343 : i32
        %slice3A_345 = vector.extract_strided_slice %and3A_104 {offsets = [12], sizes = [1], strides = [1]} : vector<16xi32> to vector<1xi32>
        %squeeze3A_346 = vector.extract %slice3A_345[0] : i32 from vector<1xi32>
        %multiple_of3A_347 = tpu.assume_multiple %squeeze3A_346, 8 : i32
        %mul3A_348 = arith.constant 32 : i32
        %mul3A_349 = arith.muli %select_n3A_58, %mul3A_348 : i32
        %add3A_350 = arith.addi %mul3A_349, %add3A_344 : i32
        %mul3A_351 = arith.constant 8 : i32
        %mul3A_352 = arith.muli %add3A_350, %mul3A_351 : i32
        %dma_start3A_353 = arith.constant 0 : i32
        %dma_start3A_354 = tpu.memref_slice %arg8[%mul3A_352, %dma_start3A_353] : memref<512x64xf32, #tpu.memory_space<vmem>> -> memref<8x64xf32, #tpu.memory_space<vmem>>
        %dma_start3A_355 = arith.constant 0 : i32
        %dma_start3A_356 = tpu.memref_slice %arg3[%multiple_of3A_347, %dma_start3A_355] : memref<1000001x64xf32, #tpu.memory_space<hbm>> -> memref<8x64xf32, #tpu.memory_space<hbm>>
        %dma_start3A_357 = arith.constant 0 : i32
        %dma_start3A_358 = tpu.memref_slice %arg8[%mul3A_352, %dma_start3A_357] : memref<512x64xf32, #tpu.memory_space<vmem>> -> memref<8x64xf32, #tpu.memory_space<vmem>>
        %dma_start3A_359 = arith.constant 0 : i32
        %dma_start3A_360 = tpu.memref_slice %arg3[%multiple_of3A_347, %dma_start3A_359] : memref<1000001x64xf32, #tpu.memory_space<hbm>> -> memref<8x64xf32, #tpu.memory_space<hbm>>
        tpu.enqueue_dma source(%dma_start3A_360 : memref<8x64xf32, #tpu.memory_space<hbm>>) target(%dma_start3A_358 : memref<8x64xf32, #tpu.memory_space<vmem>>) target_semaphore(%arg10 : memref<!tpu.dma_semaphore, #tpu.memory_space<semaphore_mem>>)
        %mul3A_361 = arith.constant 16 : i32
        %mul3A_362 = arith.muli %scan3A_87, %mul3A_361 : i32
        %add3A_363 = arith.constant 13 : i32
        %add3A_364 = arith.addi %mul3A_362, %add3A_363 : i32
        %slice3A_365 = vector.extract_strided_slice %and3A_104 {offsets = [13], sizes = [1], strides = [1]} : vector<16xi32> to vector<1xi32>
        %squeeze3A_366 = vector.extract %slice3A_365[0] : i32 from vector<1xi32>
        %multiple_of3A_367 = tpu.assume_multiple %squeeze3A_366, 8 : i32
        %mul3A_368 = arith.constant 32 : i32
        %mul3A_369 = arith.muli %select_n3A_58, %mul3A_368 : i32
        %add3A_370 = arith.addi %mul3A_369, %add3A_364 : i32
        %mul3A_371 = arith.constant 8 : i32
        %mul3A_372 = arith.muli %add3A_370, %mul3A_371 : i32
        %dma_start3A_373 = arith.constant 0 : i32
        %dma_start3A_374 = tpu.memref_slice %arg8[%mul3A_372, %dma_start3A_373] : memref<512x64xf32, #tpu.memory_space<vmem>> -> memref<8x64xf32, #tpu.memory_space<vmem>>
        %dma_start3A_375 = arith.constant 0 : i32
        %dma_start3A_376 = tpu.memref_slice %arg3[%multiple_of3A_367, %dma_start3A_375] : memref<1000001x64xf32, #tpu.memory_space<hbm>> -> memref<8x64xf32, #tpu.memory_space<hbm>>
        %dma_start3A_377 = arith.constant 0 : i32
        %dma_start3A_378 = tpu.memref_slice %arg8[%mul3A_372, %dma_start3A_377] : memref<512x64xf32, #tpu.memory_space<vmem>> -> memref<8x64xf32, #tpu.memory_space<vmem>>
        %dma_start3A_379 = arith.constant 0 : i32
        %dma_start3A_380 = tpu.memref_slice %arg3[%multiple_of3A_367, %dma_start3A_379] : memref<1000001x64xf32, #tpu.memory_space<hbm>> -> memref<8x64xf32, #tpu.memory_space<hbm>>
        tpu.enqueue_dma source(%dma_start3A_380 : memref<8x64xf32, #tpu.memory_space<hbm>>) target(%dma_start3A_378 : memref<8x64xf32, #tpu.memory_space<vmem>>) target_semaphore(%arg10 : memref<!tpu.dma_semaphore, #tpu.memory_space<semaphore_mem>>)
        %mul3A_381 = arith.constant 16 : i32
        %mul3A_382 = arith.muli %scan3A_87, %mul3A_381 : i32
        %add3A_383 = arith.constant 14 : i32
        %add3A_384 = arith.addi %mul3A_382, %add3A_383 : i32
        %slice3A_385 = vector.extract_strided_slice %and3A_104 {offsets = [14], sizes = [1], strides = [1]} : vector<16xi32> to vector<1xi32>
        %squeeze3A_386 = vector.extract %slice3A_385[0] : i32 from vector<1xi32>
        %multiple_of3A_387 = tpu.assume_multiple %squeeze3A_386, 8 : i32
        %mul3A_388 = arith.constant 32 : i32
        %mul3A_389 = arith.muli %select_n3A_58, %mul3A_388 : i32
        %add3A_390 = arith.addi %mul3A_389, %add3A_384 : i32
        %mul3A_391 = arith.constant 8 : i32
        %mul3A_392 = arith.muli %add3A_390, %mul3A_391 : i32
        %dma_start3A_393 = arith.constant 0 : i32
        %dma_start3A_394 = tpu.memref_slice %arg8[%mul3A_392, %dma_start3A_393] : memref<512x64xf32, #tpu.memory_space<vmem>> -> memref<8x64xf32, #tpu.memory_space<vmem>>
        %dma_start3A_395 = arith.constant 0 : i32
        %dma_start3A_396 = tpu.memref_slice %arg3[%multiple_of3A_387, %dma_start3A_395] : memref<1000001x64xf32, #tpu.memory_space<hbm>> -> memref<8x64xf32, #tpu.memory_space<hbm>>
        %dma_start3A_397 = arith.constant 0 : i32
        %dma_start3A_398 = tpu.memref_slice %arg8[%mul3A_392, %dma_start3A_397] : memref<512x64xf32, #tpu.memory_space<vmem>> -> memref<8x64xf32, #tpu.memory_space<vmem>>
        %dma_start3A_399 = arith.constant 0 : i32
        %dma_start3A_400 = tpu.memref_slice %arg3[%multiple_of3A_387, %dma_start3A_399] : memref<1000001x64xf32, #tpu.memory_space<hbm>> -> memref<8x64xf32, #tpu.memory_space<hbm>>
        tpu.enqueue_dma source(%dma_start3A_400 : memref<8x64xf32, #tpu.memory_space<hbm>>) target(%dma_start3A_398 : memref<8x64xf32, #tpu.memory_space<vmem>>) target_semaphore(%arg10 : memref<!tpu.dma_semaphore, #tpu.memory_space<semaphore_mem>>)
        %mul3A_401 = arith.constant 16 : i32
        %mul3A_402 = arith.muli %scan3A_87, %mul3A_401 : i32
        %add3A_403 = arith.constant 15 : i32
        %add3A_404 = arith.addi %mul3A_402, %add3A_403 : i32
        %slice3A_405 = vector.extract_strided_slice %and3A_104 {offsets = [15], sizes = [1], strides = [1]} : vector<16xi32> to vector<1xi32>
        %squeeze3A_406 = vector.extract %slice3A_405[0] : i32 from vector<1xi32>
        %multiple_of3A_407 = tpu.assume_multiple %squeeze3A_406, 8 : i32
        %mul3A_408 = arith.constant 32 : i32
        %mul3A_409 = arith.muli %select_n3A_58, %mul3A_408 : i32
        %add3A_410 = arith.addi %mul3A_409, %add3A_404 : i32
        %mul3A_411 = arith.constant 8 : i32
        %mul3A_412 = arith.muli %add3A_410, %mul3A_411 : i32
        %dma_start3A_413 = arith.constant 0 : i32
        %dma_start3A_414 = tpu.memref_slice %arg8[%mul3A_412, %dma_start3A_413] : memref<512x64xf32, #tpu.memory_space<vmem>> -> memref<8x64xf32, #tpu.memory_space<vmem>>
        %dma_start3A_415 = arith.constant 0 : i32
        %dma_start3A_416 = tpu.memref_slice %arg3[%multiple_of3A_407, %dma_start3A_415] : memref<1000001x64xf32, #tpu.memory_space<hbm>> -> memref<8x64xf32, #tpu.memory_space<hbm>>
        %dma_start3A_417 = arith.constant 0 : i32
        %dma_start3A_418 = tpu.memref_slice %arg8[%mul3A_412, %dma_start3A_417] : memref<512x64xf32, #tpu.memory_space<vmem>> -> memref<8x64xf32, #tpu.memory_space<vmem>>
        %dma_start3A_419 = arith.constant 0 : i32
        %dma_start3A_420 = tpu.memref_slice %arg3[%multiple_of3A_407, %dma_start3A_419] : memref<1000001x64xf32, #tpu.memory_space<hbm>> -> memref<8x64xf32, #tpu.memory_space<hbm>>
        tpu.enqueue_dma source(%dma_start3A_420 : memref<8x64xf32, #tpu.memory_space<hbm>>) target(%dma_start3A_418 : memref<8x64xf32, #tpu.memory_space<vmem>>) target_semaphore(%arg10 : memref<!tpu.dma_semaphore, #tpu.memory_space<semaphore_mem>>)
      }
      %scan3A_64 = arith.constant 2 : i32
      %jit3A_65 = arith.constant 2 : i32
      %eq3A_66 = arith.constant 0 : i32
      %eq3A_67 = arith.cmpi eq, %jit3A_65, %eq3A_66 : i32
      %jit3A_68 = arith.constant 1 : i32
      %select_n3A_69 = arith.select %eq3A_67, %jit3A_68, %jit3A_65 : i32
      %rem3A_70 = arith.remsi %scan3A_33, %select_n3A_69 : i32
      %ne3A_71 = arith.constant 0 : i32
      %ne3A_72 = arith.cmpi ne, %rem3A_70, %ne3A_71 : i32
      %lt3A_73 = arith.constant 0 : i32
      %lt3A_74 = arith.cmpi slt, %rem3A_70, %lt3A_73 : i32
      %lt3A_75 = arith.constant 0 : i32
      %lt3A_76 = arith.cmpi slt, %select_n3A_69, %lt3A_75 : i32
      %ne3A_77 = arith.xori %lt3A_74, %lt3A_76 : i1
      %and3A_78 = arith.andi %ne3A_77, %ne3A_72 : i1
      %add3A_79 = arith.addi %rem3A_70, %select_n3A_69 : i32
      %select_n3A_80 = arith.select %and3A_78, %add3A_79, %rem3A_70 : i32
      %scan3A_81 = arith.constant 0 : i32
      %scan3A_82 = arith.constant 0 : i32
      %scan3A_83 = arith.constant 2 : i32
      %scan3A_84 = arith.addi %scan3A_82, %scan3A_83 : i32
      %scan3A_85 = arith.constant 1 : i32
      scf.for %scan3A_87 = %scan3A_82 to %scan3A_84 step %scan3A_85  : i32 {
        %mul3A_88 = arith.constant 32 : i32
        %mul3A_89 = arith.muli %scan3A_33, %mul3A_88 : i32
        %mul3A_90 = arith.constant 16 : i32
        %mul3A_91 = arith.muli %scan3A_87, %mul3A_90 : i32
        %add3A_92 = arith.addi %mul3A_89, %mul3A_91 : i32
        %get3A = arith.index_cast %add3A_92 : i32 to index
        %get3A_93 = tpu.vector_load %arg6[%get3A] {strides = array<i32>} : memref<512xi32, #tpu.memory_space<vmem>>, vector<16xi32>,
        %get3A_94 = vector.shape_cast %get3A_93 : vector<16xi32> to vector<16xi32>
        %eq3A_95 = arith.constant -1 : i32
        %eq3A_96 = vector.broadcast %eq3A_95 : i32 to vector<16xi32>
        %eq3A_97 = arith.cmpi eq, %get3A_94, %eq3A_96 : vector<16xi32>
        %jit3A_98 = arith.constant 1000000 : i32
        %broadcast_in_dim3A = vector.broadcast %jit3A_98 : i32 to vector<16xi32>
        %select_n3A_99 = arith.select %eq3A_97, %broadcast_in_dim3A, %get3A_94 : vector<16xi1>, vector<16xi32>
        %min3A = arith.constant 999999 : i32
        %min3A_100 = vector.broadcast %min3A : i32 to vector<16xi32>
        %min3A_101 = arith.minsi %select_n3A_99, %min3A_100 : vector<16xi32>
        %and3A_102 = arith.constant 7 : i32
        %and3A_103 = vector.broadcast %and3A_102 : i32 to vector<16xi32>
        %and3A_104 = arith.andi %min3A_101, %and3A_103 : vector<16xi32>
        %mul3A_105 = arith.constant 16 : i32
        %mul3A_106 = arith.muli %scan3A_87, %mul3A_105 : i32
        %add3A_107 = arith.constant 0 : i32
        %add3A_108 = arith.addi %mul3A_106, %add3A_107 : i32
        %mul3A_109 = arith.constant 32 : i32
        %mul3A_110 = arith.muli %select_n3A_80, %mul3A_109 : i32
        %add3A_111 = arith.addi %mul3A_110, %add3A_108 : i32
        %mul3A_112 = arith.constant 8 : i32
        %mul3A_113 = arith.muli %add3A_111, %mul3A_112 : i32
        %slice3A = vector.extract_strided_slice %and3A_104 {offsets = [0], sizes = [1], strides = [1]} : vector<16xi32> to vector<1xi32>
        %squeeze3A = vector.extract %slice3A[0] : i32 from vector<1xi32>
        %add3A_114 = arith.addi %mul3A_113, %squeeze3A : i32
        %slice3A_115 = vector.extract_strided_slice %get3A_94 {offsets = [0], sizes = [1], strides = [1]} : vector<16xi32> to vector<1xi32>
        %squeeze3A_116 = vector.extract %slice3A_115[0] : i32 from vector<1xi32>
        %eq3A_117 = arith.constant -1 : i32
        %eq3A_118 = arith.cmpi eq, %squeeze3A_116, %eq3A_117 : i32
        %mul3A_119 = arith.constant 32 : i32
        %mul3A_120 = arith.muli %scan3A_33, %mul3A_119 : i32
        %add3A_121 = arith.addi %mul3A_120, %add3A_108 : i32
        %mul3A_122 = arith.constant 64 : i32
        %mul3A_123 = arith.muli %add3A_121, %mul3A_122 : i32
        %multiple_of3A = tpu.assume_multiple %mul3A_123, 64 : i32
        %get3A_124 = arith.index_cast %add3A_114 : i32 to index
        %get3A_125 = arith.constant 0 : index
        %get3A_126 = tpu.vector_load %arg8[%get3A_124, %get3A_125] {strides = array<i32>} : memref<512x64xf32, #tpu.memory_space<vmem>>, vector<1x16xf32>,
        %get3A_127 = vector.shape_cast %get3A_126 : vector<1x16xf32> to vector<16xf32>
        %get3A_128 = arith.constant 0 : i32
        %get3A_129 = arith.index_cast %get3A_128 : i32 to index
        %get3A_130 = arith.constant 0 : index
        %get3A_131 = tpu.vector_load %arg7[%get3A_129, %get3A_130] {strides = array<i32>} : memref<8x64xf32, #tpu.memory_space<vmem>>, vector<1x16xf32>,
        %get3A_132 = vector.shape_cast %get3A_131 : vector<1x16xf32> to vector<16xf32>
        %select_n3A_133 = arith.select %eq3A_118, %get3A_132, %get3A_127 : vector<16xf32>
        %add3A_134 = arith.constant 0 : i32
        %add3A_135 = arith.addi %multiple_of3A, %add3A_134 : i32
        %swap3A = arith.index_cast %add3A_135 : i32 to index
        %swap3A_136 = tpu.vector_load %arg9[%swap3A] {strides = array<i32>} : memref<32768xf32, #tpu.memory_space<vmem>>, vector<16xf32>,
        %swap3A_137 = vector.shape_cast %swap3A_136 : vector<16xf32> to vector<16xf32>
        %swap3A_138 = vector.shape_cast %select_n3A_133 : vector<16xf32> to vector<16xf32>
        tpu.vector_store %arg9[%swap3A], %swap3A_138 {strides = array<i32>} : memref<32768xf32, #tpu.memory_space<vmem>>, vector<16xf32>,
        %get3A_139 = arith.index_cast %add3A_114 : i32 to index
        %get3A_140 = arith.constant 16 : index
        %get3A_141 = tpu.vector_load %arg8[%get3A_139, %get3A_140] {strides = array<i32>} : memref<512x64xf32, #tpu.memory_space<vmem>>, vector<1x16xf32>,
        %get3A_142 = vector.shape_cast %get3A_141 : vector<1x16xf32> to vector<16xf32>
        %get3A_143 = arith.constant 0 : i32
        %get3A_144 = arith.index_cast %get3A_143 : i32 to index
        %get3A_145 = arith.constant 16 : index
        %get3A_146 = tpu.vector_load %arg7[%get3A_144, %get3A_145] {strides = array<i32>} : memref<8x64xf32, #tpu.memory_space<vmem>>, vector<1x16xf32>,
        %get3A_147 = vector.shape_cast %get3A_146 : vector<1x16xf32> to vector<16xf32>
        %select_n3A_148 = arith.select %eq3A_118, %get3A_147, %get3A_142 : vector<16xf32>
        %add3A_149 = arith.constant 16 : i32
        %add3A_150 = arith.addi %multiple_of3A, %add3A_149 : i32
        %swap3A_151 = arith.index_cast %add3A_150 : i32 to index
        %swap3A_152 = tpu.vector_load %arg9[%swap3A_151] {strides = array<i32>} : memref<32768xf32, #tpu.memory_space<vmem>>, vector<16xf32>,
        %swap3A_153 = vector.shape_cast %swap3A_152 : vector<16xf32> to vector<16xf32>
        %swap3A_154 = vector.shape_cast %select_n3A_148 : vector<16xf32> to vector<16xf32>
        tpu.vector_store %arg9[%swap3A_151], %swap3A_154 {strides = array<i32>} : memref<32768xf32, #tpu.memory_space<vmem>>, vector<16xf32>,
        %get3A_155 = arith.index_cast %add3A_114 : i32 to index
        %get3A_156 = arith.constant 32 : index
        %get3A_157 = tpu.vector_load %arg8[%get3A_155, %get3A_156] {strides = array<i32>} : memref<512x64xf32, #tpu.memory_space<vmem>>, vector<1x16xf32>,
        %get3A_158 = vector.shape_cast %get3A_157 : vector<1x16xf32> to vector<16xf32>
        %get3A_159 = arith.constant 0 : i32
        %get3A_160 = arith.index_cast %get3A_159 : i32 to index
        %get3A_161 = arith.constant 32 : index
        %get3A_162 = tpu.vector_load %arg7[%get3A_160, %get3A_161] {strides = array<i32>} : memref<8x64xf32, #tpu.memory_space<vmem>>, vector<1x16xf32>,
        %get3A_163 = vector.shape_cast %get3A_162 : vector<1x16xf32> to vector<16xf32>
        %select_n3A_164 = arith.select %eq3A_118, %get3A_163, %get3A_158 : vector<16xf32>
        %add3A_165 = arith.constant 32 : i32
        %add3A_166 = arith.addi %multiple_of3A, %add3A_165 : i32
        %swap3A_167 = arith.index_cast %add3A_166 : i32 to index
        %swap3A_168 = tpu.vector_load %arg9[%swap3A_167] {strides = array<i32>} : memref<32768xf32, #tpu.memory_space<vmem>>, vector<16xf32>,
        %swap3A_169 = vector.shape_cast %swap3A_168 : vector<16xf32> to vector<16xf32>
        %swap3A_170 = vector.shape_cast %select_n3A_164 : vector<16xf32> to vector<16xf32>
        tpu.vector_store %arg9[%swap3A_167], %swap3A_170 {strides = array<i32>} : memref<32768xf32, #tpu.memory_space<vmem>>, vector<16xf32>,
        %get3A_171 = arith.index_cast %add3A_114 : i32 to index
        %get3A_172 = arith.constant 48 : index
        %get3A_173 = tpu.vector_load %arg8[%get3A_171, %get3A_172] {strides = array<i32>} : memref<512x64xf32, #tpu.memory_space<vmem>>, vector<1x16xf32>,
        %get3A_174 = vector.shape_cast %get3A_173 : vector<1x16xf32> to vector<16xf32>
        %get3A_175 = arith.constant 0 : i32
        %get3A_176 = arith.index_cast %get3A_175 : i32 to index
        %get3A_177 = arith.constant 48 : index
        %get3A_178 = tpu.vector_load %arg7[%get3A_176, %get3A_177] {strides = array<i32>} : memref<8x64xf32, #tpu.memory_space<vmem>>, vector<1x16xf32>,
        %get3A_179 = vector.shape_cast %get3A_178 : vector<1x16xf32> to vector<16xf32>
        %select_n3A_180 = arith.select %eq3A_118, %get3A_179, %get3A_174 : vector<16xf32>
        %add3A_181 = arith.constant 48 : i32
        %add3A_182 = arith.addi %multiple_of3A, %add3A_181 : i32
        %swap3A_183 = arith.index_cast %add3A_182 : i32 to index
        %swap3A_184 = tpu.vector_load %arg9[%swap3A_183] {strides = array<i32>} : memref<32768xf32, #tpu.memory_space<vmem>>, vector<16xf32>,
        %swap3A_185 = vector.shape_cast %swap3A_184 : vector<16xf32> to vector<16xf32>
        %swap3A_186 = vector.shape_cast %select_n3A_180 : vector<16xf32> to vector<16xf32>
        tpu.vector_store %arg9[%swap3A_183], %swap3A_186 {strides = array<i32>} : memref<32768xf32, #tpu.memory_space<vmem>>, vector<16xf32>,
        %mul3A_187 = arith.constant 16 : i32
        %mul3A_188 = arith.muli %scan3A_87, %mul3A_187 : i32
        %add3A_189 = arith.constant 1 : i32
        %add3A_190 = arith.addi %mul3A_188, %add3A_189 : i32
        %mul3A_191 = arith.constant 32 : i32
        %mul3A_192 = arith.muli %select_n3A_80, %mul3A_191 : i32
        %add3A_193 = arith.addi %mul3A_192, %add3A_190 : i32
        %mul3A_194 = arith.constant 8 : i32
        %mul3A_195 = arith.muli %add3A_193, %mul3A_194 : i32
        %slice3A_196 = vector.extract_strided_slice %and3A_104 {offsets = [1], sizes = [1], strides = [1]} : vector<16xi32> to vector<1xi32>
        %squeeze3A_197 = vector.extract %slice3A_196[0] : i32 from vector<1xi32>
        %add3A_198 = arith.addi %mul3A_195, %squeeze3A_197 : i32
        %slice3A_199 = vector.extract_strided_slice %get3A_94 {offsets = [1], sizes = [1], strides = [1]} : vector<16xi32> to vector<1xi32>
        %squeeze3A_200 = vector.extract %slice3A_199[0] : i32 from vector<1xi32>
        %eq3A_201 = arith.constant -1 : i32
        %eq3A_202 = arith.cmpi eq, %squeeze3A_200, %eq3A_201 : i32
        %mul3A_203 = arith.constant 32 : i32
        %mul3A_204 = arith.muli %scan3A_33, %mul3A_203 : i32
        %add3A_205 = arith.addi %mul3A_204, %add3A_190 : i32
        %mul3A_206 = arith.constant 64 : i32
        %mul3A_207 = arith.muli %add3A_205, %mul3A_206 : i32
        %multiple_of3A_208 = tpu.assume_multiple %mul3A_207, 64 : i32
        %get3A_209 = arith.index_cast %add3A_198 : i32 to index
        %get3A_210 = arith.constant 0 : index
        %get3A_211 = tpu.vector_load %arg8[%get3A_209, %get3A_210] {strides = array<i32>} : memref<512x64xf32, #tpu.memory_space<vmem>>, vector<1x16xf32>,
        %get3A_212 = vector.shape_cast %get3A_211 : vector<1x16xf32> to vector<16xf32>
        %get3A_213 = arith.constant 0 : i32
        %get3A_214 = arith.index_cast %get3A_213 : i32 to index
        %get3A_215 = arith.constant 0 : index
        %get3A_216 = tpu.vector_load %arg7[%get3A_214, %get3A_215] {strides = array<i32>} : memref<8x64xf32, #tpu.memory_space<vmem>>, vector<1x16xf32>,
        %get3A_217 = vector.shape_cast %get3A_216 : vector<1x16xf32> to vector<16xf32>
        %select_n3A_218 = arith.select %eq3A_202, %get3A_217, %get3A_212 : vector<16xf32>
        %add3A_219 = arith.constant 0 : i32
        %add3A_220 = arith.addi %multiple_of3A_208, %add3A_219 : i32
        %swap3A_221 = arith.index_cast %add3A_220 : i32 to index
        %swap3A_222 = tpu.vector_load %arg9[%swap3A_221] {strides = array<i32>} : memref<32768xf32, #tpu.memory_space<vmem>>, vector<16xf32>,
        %swap3A_223 = vector.shape_cast %swap3A_222 : vector<16xf32> to vector<16xf32>
        %swap3A_224 = vector.shape_cast %select_n3A_218 : vector<16xf32> to vector<16xf32>
        tpu.vector_store %arg9[%swap3A_221], %swap3A_224 {strides = array<i32>} : memref<32768xf32, #tpu.memory_space<vmem>>, vector<16xf32>,
        %get3A_225 = arith.index_cast %add3A_198 : i32 to index
        %get3A_226 = arith.constant 16 : index
        %get3A_227 = tpu.vector_load %arg8[%get3A_225, %get3A_226] {strides = array<i32>} : memref<512x64xf32, #tpu.memory_space<vmem>>, vector<1x16xf32>,
        %get3A_228 = vector.shape_cast %get3A_227 : vector<1x16xf32> to vector<16xf32>
        %get3A_229 = arith.constant 0 : i32
        %get3A_230 = arith.index_cast %get3A_229 : i32 to index
        %get3A_231 = arith.constant 16 : index
        %get3A_232 = tpu.vector_load %arg7[%get3A_230, %get3A_231] {strides = array<i32>} : memref<8x64xf32, #tpu.memory_space<vmem>>, vector<1x16xf32>,
        %get3A_233 = vector.shape_cast %get3A_232 : vector<1x16xf32> to vector<16xf32>
        %select_n3A_234 = arith.select %eq3A_202, %get3A_233, %get3A_228 : vector<16xf32>
        %add3A_235 = arith.constant 16 : i32
        %add3A_236 = arith.addi %multiple_of3A_208, %add3A_235 : i32
        %swap3A_237 = arith.index_cast %add3A_236 : i32 to index
        %swap3A_238 = tpu.vector_load %arg9[%swap3A_237] {strides = array<i32>} : memref<32768xf32, #tpu.memory_space<vmem>>, vector<16xf32>,
        %swap3A_239 = vector.shape_cast %swap3A_238 : vector<16xf32> to vector<16xf32>
        %swap3A_240 = vector.shape_cast %select_n3A_234 : vector<16xf32> to vector<16xf32>
        tpu.vector_store %arg9[%swap3A_237], %swap3A_240 {strides = array<i32>} : memref<32768xf32, #tpu.memory_space<vmem>>, vector<16xf32>,
        %get3A_241 = arith.index_cast %add3A_198 : i32 to index
        %get3A_242 = arith.constant 32 : index
        %get3A_243 = tpu.vector_load %arg8[%get3A_241, %get3A_242] {strides = array<i32>} : memref<512x64xf32, #tpu.memory_space<vmem>>, vector<1x16xf32>,
        %get3A_244 = vector.shape_cast %get3A_243 : vector<1x16xf32> to vector<16xf32>
        %get3A_245 = arith.constant 0 : i32
        %get3A_246 = arith.index_cast %get3A_245 : i32 to index
        %get3A_247 = arith.constant 32 : index
        %get3A_248 = tpu.vector_load %arg7[%get3A_246, %get3A_247] {strides = array<i32>} : memref<8x64xf32, #tpu.memory_space<vmem>>, vector<1x16xf32>,
        %get3A_249 = vector.shape_cast %get3A_248 : vector<1x16xf32> to vector<16xf32>
        %select_n3A_250 = arith.select %eq3A_202, %get3A_249, %get3A_244 : vector<16xf32>
        %add3A_251 = arith.constant 32 : i32
        %add3A_252 = arith.addi %multiple_of3A_208, %add3A_251 : i32
        %swap3A_253 = arith.index_cast %add3A_252 : i32 to index
        %swap3A_254 = tpu.vector_load %arg9[%swap3A_253] {strides = array<i32>} : memref<32768xf32, #tpu.memory_space<vmem>>, vector<16xf32>,
        %swap3A_255 = vector.shape_cast %swap3A_254 : vector<16xf32> to vector<16xf32>
        %swap3A_256 = vector.shape_cast %select_n3A_250 : vector<16xf32> to vector<16xf32>
        tpu.vector_store %arg9[%swap3A_253], %swap3A_256 {strides = array<i32>} : memref<32768xf32, #tpu.memory_space<vmem>>, vector<16xf32>,
        %get3A_257 = arith.index_cast %add3A_198 : i32 to index
        %get3A_258 = arith.constant 48 : index
        %get3A_259 = tpu.vector_load %arg8[%get3A_257, %get3A_258] {strides = array<i32>} : memref<512x64xf32, #tpu.memory_space<vmem>>, vector<1x16xf32>,
        %get3A_260 = vector.shape_cast %get3A_259 : vector<1x16xf32> to vector<16xf32>
        %get3A_261 = arith.constant 0 : i32
        %get3A_262 = arith.index_cast %get3A_261 : i32 to index
        %get3A_263 = arith.constant 48 : index
        %get3A_264 = tpu.vector_load %arg7[%get3A_262, %get3A_263] {strides = array<i32>} : memref<8x64xf32, #tpu.memory_space<vmem>>, vector<1x16xf32>,
        %get3A_265 = vector.shape_cast %get3A_264 : vector<1x16xf32> to vector<16xf32>
        %select_n3A_266 = arith.select %eq3A_202, %get3A_265, %get3A_260 : vector<16xf32>
        %add3A_267 = arith.constant 48 : i32
        %add3A_268 = arith.addi %multiple_of3A_208, %add3A_267 : i32
        %swap3A_269 = arith.index_cast %add3A_268 : i32 to index
        %swap3A_270 = tpu.vector_load %arg9[%swap3A_269] {strides = array<i32>} : memref<32768xf32, #tpu.memory_space<vmem>>, vector<16xf32>,
        %swap3A_271 = vector.shape_cast %swap3A_270 : vector<16xf32> to vector<16xf32>
        %swap3A_272 = vector.shape_cast %select_n3A_266 : vector<16xf32> to vector<16xf32>
        tpu.vector_store %arg9[%swap3A_269], %swap3A_272 {strides = array<i32>} : memref<32768xf32, #tpu.memory_space<vmem>>, vector<16xf32>,
        %mul3A_273 = arith.constant 16 : i32
        %mul3A_274 = arith.muli %scan3A_87, %mul3A_273 : i32
        %add3A_275 = arith.constant 2 : i32
        %add3A_276 = arith.addi %mul3A_274, %add3A_275 : i32
        %mul3A_277 = arith.constant 32 : i32
        %mul3A_278 = arith.muli %select_n3A_80, %mul3A_277 : i32
        %add3A_279 = arith.addi %mul3A_278, %add3A_276 : i32
        %mul3A_280 = arith.constant 8 : i32
        %mul3A_281 = arith.muli %add3A_279, %mul3A_280 : i32
        %slice3A_282 = vector.extract_strided_slice %and3A_104 {offsets = [2], sizes = [1], strides = [1]} : vector<16xi32> to vector<1xi32>
        %squeeze3A_283 = vector.extract %slice3A_282[0] : i32 from vector<1xi32>
        %add3A_284 = arith.addi %mul3A_281, %squeeze3A_283 : i32
        %slice3A_285 = vector.extract_strided_slice %get3A_94 {offsets = [2], sizes = [1], strides = [1]} : vector<16xi32> to vector<1xi32>
        %squeeze3A_286 = vector.extract %slice3A_285[0] : i32 from vector<1xi32>
        %eq3A_287 = arith.constant -1 : i32
        %eq3A_288 = arith.cmpi eq, %squeeze3A_286, %eq3A_287 : i32
        %mul3A_289 = arith.constant 32 : i32
        %mul3A_290 = arith.muli %scan3A_33, %mul3A_289 : i32
        %add3A_291 = arith.addi %mul3A_290, %add3A_276 : i32
        %mul3A_292 = arith.constant 64 : i32
        %mul3A_293 = arith.muli %add3A_291, %mul3A_292 : i32
        %multiple_of3A_294 = tpu.assume_multiple %mul3A_293, 64 : i32
        %get3A_295 = arith.index_cast %add3A_284 : i32 to index
        %get3A_296 = arith.constant 0 : index
        %get3A_297 = tpu.vector_load %arg8[%get3A_295, %get3A_296] {strides = array<i32>} : memref<512x64xf32, #tpu.memory_space<vmem>>, vector<1x16xf32>,
        %get3A_298 = vector.shape_cast %get3A_297 : vector<1x16xf32> to vector<16xf32>
        %get3A_299 = arith.constant 0 : i32
        %get3A_300 = arith.index_cast %get3A_299 : i32 to index
        %get3A_301 = arith.constant 0 : index
        %get3A_302 = tpu.vector_load %arg7[%get3A_300, %get3A_301] {strides = array<i32>} : memref<8x64xf32, #tpu.memory_space<vmem>>, vector<1x16xf32>,
        %get3A_303 = vector.shape_cast %get3A_302 : vector<1x16xf32> to vector<16xf32>
        %select_n3A_304 = arith.select %eq3A_288, %get3A_303, %get3A_298 : vector<16xf32>
        %add3A_305 = arith.constant 0 : i32
        %add3A_306 = arith.addi %multiple_of3A_294, %add3A_305 : i32
        %swap3A_307 = arith.index_cast %add3A_306 : i32 to index
        %swap3A_308 = tpu.vector_load %arg9[%swap3A_307] {strides = array<i32>} : memref<32768xf32, #tpu.memory_space<vmem>>, vector<16xf32>,
        %swap3A_309 = vector.shape_cast %swap3A_308 : vector<16xf32> to vector<16xf32>
        %swap3A_310 = vector.shape_cast %select_n3A_304 : vector<16xf32> to vector<16xf32>
        tpu.vector_store %arg9[%swap3A_307], %swap3A_310 {strides = array<i32>} : memref<32768xf32, #tpu.memory_space<vmem>>, vector<16xf32>,
        %get3A_311 = arith.index_cast %add3A_284 : i32 to index
        %get3A_312 = arith.constant 16 : index
        %get3A_313 = tpu.vector_load %arg8[%get3A_311, %get3A_312] {strides = array<i32>} : memref<512x64xf32, #tpu.memory_space<vmem>>, vector<1x16xf32>,
        %get3A_314 = vector.shape_cast %get3A_313 : vector<1x16xf32> to vector<16xf32>
        %get3A_315 = arith.constant 0 : i32
        %get3A_316 = arith.index_cast %get3A_315 : i32 to index
        %get3A_317 = arith.constant 16 : index
        %get3A_318 = tpu.vector_load %arg7[%get3A_316, %get3A_317] {strides = array<i32>} : memref<8x64xf32, #tpu.memory_space<vmem>>, vector<1x16xf32>,
        %get3A_319 = vector.shape_cast %get3A_318 : vector<1x16xf32> to vector<16xf32>
        %select_n3A_320 = arith.select %eq3A_288, %get3A_319, %get3A_314 : vector<16xf32>
        %add3A_321 = arith.constant 16 : i32
        %add3A_322 = arith.addi %multiple_of3A_294, %add3A_321 : i32
        %swap3A_323 = arith.index_cast %add3A_322 : i32 to index
        %swap3A_324 = tpu.vector_load %arg9[%swap3A_323] {strides = array<i32>} : memref<32768xf32, #tpu.memory_space<vmem>>, vector<16xf32>,
        %swap3A_325 = vector.shape_cast %swap3A_324 : vector<16xf32> to vector<16xf32>
        %swap3A_326 = vector.shape_cast %select_n3A_320 : vector<16xf32> to vector<16xf32>
        tpu.vector_store %arg9[%swap3A_323], %swap3A_326 {strides = array<i32>} : memref<32768xf32, #tpu.memory_space<vmem>>, vector<16xf32>,
        %get3A_327 = arith.index_cast %add3A_284 : i32 to index
        %get3A_328 = arith.constant 32 : index
        %get3A_329 = tpu.vector_load %arg8[%get3A_327, %get3A_328] {strides = array<i32>} : memref<512x64xf32, #tpu.memory_space<vmem>>, vector<1x16xf32>,
        %get3A_330 = vector.shape_cast %get3A_329 : vector<1x16xf32> to vector<16xf32>
        %get3A_331 = arith.constant 0 : i32
        %get3A_332 = arith.index_cast %get3A_331 : i32 to index
        %get3A_333 = arith.constant 32 : index
        %get3A_334 = tpu.vector_load %arg7[%get3A_332, %get3A_333] {strides = array<i32>} : memref<8x64xf32, #tpu.memory_space<vmem>>, vector<1x16xf32>,
        %get3A_335 = vector.shape_cast %get3A_334 : vector<1x16xf32> to vector<16xf32>
        %select_n3A_336 = arith.select %eq3A_288, %get3A_335, %get3A_330 : vector<16xf32>
        %add3A_337 = arith.constant 32 : i32
        %add3A_338 = arith.addi %multiple_of3A_294, %add3A_337 : i32
        %swap3A_339 = arith.index_cast %add3A_338 : i32 to index
        %swap3A_340 = tpu.vector_load %arg9[%swap3A_339] {strides = array<i32>} : memref<32768xf32, #tpu.memory_space<vmem>>, vector<16xf32>,
        %swap3A_341 = vector.shape_cast %swap3A_340 : vector<16xf32> to vector<16xf32>
        %swap3A_342 = vector.shape_cast %select_n3A_336 : vector<16xf32> to vector<16xf32>
        tpu.vector_store %arg9[%swap3A_339], %swap3A_342 {strides = array<i32>} : memref<32768xf32, #tpu.memory_space<vmem>>, vector<16xf32>,
        %get3A_343 = arith.index_cast %add3A_284 : i32 to index
        %get3A_344 = arith.constant 48 : index
        %get3A_345 = tpu.vector_load %arg8[%get3A_343, %get3A_344] {strides = array<i32>} : memref<512x64xf32, #tpu.memory_space<vmem>>, vector<1x16xf32>,
        %get3A_346 = vector.shape_cast %get3A_345 : vector<1x16xf32> to vector<16xf32>
        %get3A_347 = arith.constant 0 : i32
        %get3A_348 = arith.index_cast %get3A_347 : i32 to index
        %get3A_349 = arith.constant 48 : index
        %get3A_350 = tpu.vector_load %arg7[%get3A_348, %get3A_349] {strides = array<i32>} : memref<8x64xf32, #tpu.memory_space<vmem>>, vector<1x16xf32>,
        %get3A_351 = vector.shape_cast %get3A_350 : vector<1x16xf32> to vector<16xf32>
        %select_n3A_352 = arith.select %eq3A_288, %get3A_351, %get3A_346 : vector<16xf32>
        %add3A_353 = arith.constant 48 : i32
        %add3A_354 = arith.addi %multiple_of3A_294, %add3A_353 : i32
        %swap3A_355 = arith.index_cast %add3A_354 : i32 to index
        %swap3A_356 = tpu.vector_load %arg9[%swap3A_355] {strides = array<i32>} : memref<32768xf32, #tpu.memory_space<vmem>>, vector<16xf32>,
        %swap3A_357 = vector.shape_cast %swap3A_356 : vector<16xf32> to vector<16xf32>
        %swap3A_358 = vector.shape_cast %select_n3A_352 : vector<16xf32> to vector<16xf32>
        tpu.vector_store %arg9[%swap3A_355], %swap3A_358 {strides = array<i32>} : memref<32768xf32, #tpu.memory_space<vmem>>, vector<16xf32>,
        %mul3A_359 = arith.constant 16 : i32
        %mul3A_360 = arith.muli %scan3A_87, %mul3A_359 : i32
        %add3A_361 = arith.constant 3 : i32
        %add3A_362 = arith.addi %mul3A_360, %add3A_361 : i32
        %mul3A_363 = arith.constant 32 : i32
        %mul3A_364 = arith.muli %select_n3A_80, %mul3A_363 : i32
        %add3A_365 = arith.addi %mul3A_364, %add3A_362 : i32
        %mul3A_366 = arith.constant 8 : i32
        %mul3A_367 = arith.muli %add3A_365, %mul3A_366 : i32
        %slice3A_368 = vector.extract_strided_slice %and3A_104 {offsets = [3], sizes = [1], strides = [1]} : vector<16xi32> to vector<1xi32>
        %squeeze3A_369 = vector.extract %slice3A_368[0] : i32 from vector<1xi32>
        %add3A_370 = arith.addi %mul3A_367, %squeeze3A_369 : i32
        %slice3A_371 = vector.extract_strided_slice %get3A_94 {offsets = [3], sizes = [1], strides = [1]} : vector<16xi32> to vector<1xi32>
        %squeeze3A_372 = vector.extract %slice3A_371[0] : i32 from vector<1xi32>
        %eq3A_373 = arith.constant -1 : i32
        %eq3A_374 = arith.cmpi eq, %squeeze3A_372, %eq3A_373 : i32
        %mul3A_375 = arith.constant 32 : i32
        %mul3A_376 = arith.muli %scan3A_33, %mul3A_375 : i32
        %add3A_377 = arith.addi %mul3A_376, %add3A_362 : i32
        %mul3A_378 = arith.constant 64 : i32
        %mul3A_379 = arith.muli %add3A_377, %mul3A_378 : i32
        %multiple_of3A_380 = tpu.assume_multiple %mul3A_379, 64 : i32
        %get3A_381 = arith.index_cast %add3A_370 : i32 to index
        %get3A_382 = arith.constant 0 : index
        %get3A_383 = tpu.vector_load %arg8[%get3A_381, %get3A_382] {strides = array<i32>} : memref<512x64xf32, #tpu.memory_space<vmem>>, vector<1x16xf32>,
        %get3A_384 = vector.shape_cast %get3A_383 : vector<1x16xf32> to vector<16xf32>
        %get3A_385 = arith.constant 0 : i32
        %get3A_386 = arith.index_cast %get3A_385 : i32 to index
        %get3A_387 = arith.constant 0 : index
        %get3A_388 = tpu.vector_load %arg7[%get3A_386, %get3A_387] {strides = array<i32>} : memref<8x64xf32, #tpu.memory_space<vmem>>, vector<1x16xf32>,
        %get3A_389 = vector.shape_cast %get3A_388 : vector<1x16xf32> to vector<16xf32>
        %select_n3A_390 = arith.select %eq3A_374, %get3A_389, %get3A_384 : vector<16xf32>
        %add3A_391 = arith.constant 0 : i32
        %add3A_392 = arith.addi %multiple_of3A_380, %add3A_391 : i32
        %swap3A_393 = arith.index_cast %add3A_392 : i32 to index
        %swap3A_394 = tpu.vector_load %arg9[%swap3A_393] {strides = array<i32>} : memref<32768xf32, #tpu.memory_space<vmem>>, vector<16xf32>,
        %swap3A_395 = vector.shape_cast %swap3A_394 : vector<16xf32> to vector<16xf32>
        %swap3A_396 = vector.shape_cast %select_n3A_390 : vector<16xf32> to vector<16xf32>
        tpu.vector_store %arg9[%swap3A_393], %swap3A_396 {strides = array<i32>} : memref<32768xf32, #tpu.memory_space<vmem>>, vector<16xf32>,
        %get3A_397 = arith.index_cast %add3A_370 : i32 to index
        %get3A_398 = arith.constant 16 : index
        %get3A_399 = tpu.vector_load %arg8[%get3A_397, %get3A_398] {strides = array<i32>} : memref<512x64xf32, #tpu.memory_space<vmem>>, vector<1x16xf32>,
        %get3A_400 = vector.shape_cast %get3A_399 : vector<1x16xf32> to vector<16xf32>
        %get3A_401 = arith.constant 0 : i32
        %get3A_402 = arith.index_cast %get3A_401 : i32 to index
        %get3A_403 = arith.constant 16 : index
        %get3A_404 = tpu.vector_load %arg7[%get3A_402, %get3A_403] {strides = array<i32>} : memref<8x64xf32, #tpu.memory_space<vmem>>, vector<1x16xf32>,
        %get3A_405 = vector.shape_cast %get3A_404 : vector<1x16xf32> to vector<16xf32>
        %select_n3A_406 = arith.select %eq3A_374, %get3A_405, %get3A_400 : vector<16xf32>
        %add3A_407 = arith.constant 16 : i32
        %add3A_408 = arith.addi %multiple_of3A_380, %add3A_407 : i32
        %swap3A_409 = arith.index_cast %add3A_408 : i32 to index
        %swap3A_410 = tpu.vector_load %arg9[%swap3A_409] {strides = array<i32>} : memref<32768xf32, #tpu.memory_space<vmem>>, vector<16xf32>,
        %swap3A_411 = vector.shape_cast %swap3A_410 : vector<16xf32> to vector<16xf32>
        %swap3A_412 = vector.shape_cast %select_n3A_406 : vector<16xf32> to vector<16xf32>
        tpu.vector_store %arg9[%swap3A_409], %swap3A_412 {strides = array<i32>} : memref<32768xf32, #tpu.memory_space<vmem>>, vector<16xf32>,
        %get3A_413 = arith.index_cast %add3A_370 : i32 to index
        %get3A_414 = arith.constant 32 : index
        %get3A_415 = tpu.vector_load %arg8[%get3A_413, %get3A_414] {strides = array<i32>} : memref<512x64xf32, #tpu.memory_space<vmem>>, vector<1x16xf32>,
        %get3A_416 = vector.shape_cast %get3A_415 : vector<1x16xf32> to vector<16xf32>
        %get3A_417 = arith.constant 0 : i32
        %get3A_418 = arith.index_cast %get3A_417 : i32 to index
        %get3A_419 = arith.constant 32 : index
        %get3A_420 = tpu.vector_load %arg7[%get3A_418, %get3A_419] {strides = array<i32>} : memref<8x64xf32, #tpu.memory_space<vmem>>, vector<1x16xf32>,
        %get3A_421 = vector.shape_cast %get3A_420 : vector<1x16xf32> to vector<16xf32>
        %select_n3A_422 = arith.select %eq3A_374, %get3A_421, %get3A_416 : vector<16xf32>
        %add3A_423 = arith.constant 32 : i32
        %add3A_424 = arith.addi %multiple_of3A_380, %add3A_423 : i32
        %swap3A_425 = arith.index_cast %add3A_424 : i32 to index
        %swap3A_426 = tpu.vector_load %arg9[%swap3A_425] {strides = array<i32>} : memref<32768xf32, #tpu.memory_space<vmem>>, vector<16xf32>,
        %swap3A_427 = vector.shape_cast %swap3A_426 : vector<16xf32> to vector<16xf32>
        %swap3A_428 = vector.shape_cast %select_n3A_422 : vector<16xf32> to vector<16xf32>
        tpu.vector_store %arg9[%swap3A_425], %swap3A_428 {strides = array<i32>} : memref<32768xf32, #tpu.memory_space<vmem>>, vector<16xf32>,
        %get3A_429 = arith.index_cast %add3A_370 : i32 to index
        %get3A_430 = arith.constant 48 : index
        %get3A_431 = tpu.vector_load %arg8[%get3A_429, %get3A_430] {strides = array<i32>} : memref<512x64xf32, #tpu.memory_space<vmem>>, vector<1x16xf32>,
        %get3A_432 = vector.shape_cast %get3A_431 : vector<1x16xf32> to vector<16xf32>
        %get3A_433 = arith.constant 0 : i32
        %get3A_434 = arith.index_cast %get3A_433 : i32 to index
        %get3A_435 = arith.constant 48 : index
        %get3A_436 = tpu.vector_load %arg7[%get3A_434, %get3A_435] {strides = array<i32>} : memref<8x64xf32, #tpu.memory_space<vmem>>, vector<1x16xf32>,
        %get3A_437 = vector.shape_cast %get3A_436 : vector<1x16xf32> to vector<16xf32>
        %select_n3A_438 = arith.select %eq3A_374, %get3A_437, %get3A_432 : vector<16xf32>
        %add3A_439 = arith.constant 48 : i32
        %add3A_440 = arith.addi %multiple_of3A_380, %add3A_439 : i32
        %swap3A_441 = arith.index_cast %add3A_440 : i32 to index
        %swap3A_442 = tpu.vector_load %arg9[%swap3A_441] {strides = array<i32>} : memref<32768xf32, #tpu.memory_space<vmem>>, vector<16xf32>,
        %swap3A_443 = vector.shape_cast %swap3A_442 : vector<16xf32> to vector<16xf32>
        %swap3A_444 = vector.shape_cast %select_n3A_438 : vector<16xf32> to vector<16xf32>
        tpu.vector_store %arg9[%swap3A_441], %swap3A_444 {strides = array<i32>} : memref<32768xf32, #tpu.memory_space<vmem>>, vector<16xf32>,
        %mul3A_445 = arith.constant 16 : i32
        %mul3A_446 = arith.muli %scan3A_87, %mul3A_445 : i32
        %add3A_447 = arith.constant 4 : i32
        %add3A_448 = arith.addi %mul3A_446, %add3A_447 : i32
        %mul3A_449 = arith.constant 32 : i32
        %mul3A_450 = arith.muli %select_n3A_80, %mul3A_449 : i32
        %add3A_451 = arith.addi %mul3A_450, %add3A_448 : i32
        %mul3A_452 = arith.constant 8 : i32
        %mul3A_453 = arith.muli %add3A_451, %mul3A_452 : i32
        %slice3A_454 = vector.extract_strided_slice %and3A_104 {offsets = [4], sizes = [1], strides = [1]} : vector<16xi32> to vector<1xi32>
        %squeeze3A_455 = vector.extract %slice3A_454[0] : i32 from vector<1xi32>
        %add3A_456 = arith.addi %mul3A_453, %squeeze3A_455 : i32
        %slice3A_457 = vector.extract_strided_slice %get3A_94 {offsets = [4], sizes = [1], strides = [1]} : vector<16xi32> to vector<1xi32>
        %squeeze3A_458 = vector.extract %slice3A_457[0] : i32 from vector<1xi32>
        %eq3A_459 = arith.constant -1 : i32
        %eq3A_460 = arith.cmpi eq, %squeeze3A_458, %eq3A_459 : i32
        %mul3A_461 = arith.constant 32 : i32
        %mul3A_462 = arith.muli %scan3A_33, %mul3A_461 : i32
        %add3A_463 = arith.addi %mul3A_462, %add3A_448 : i32
        %mul3A_464 = arith.constant 64 : i32
        %mul3A_465 = arith.muli %add3A_463, %mul3A_464 : i32
        %multiple_of3A_466 = tpu.assume_multiple %mul3A_465, 64 : i32
        %get3A_467 = arith.index_cast %add3A_456 : i32 to index
        %get3A_468 = arith.constant 0 : index
        %get3A_469 = tpu.vector_load %arg8[%get3A_467, %get3A_468] {strides = array<i32>} : memref<512x64xf32, #tpu.memory_space<vmem>>, vector<1x16xf32>,
        %get3A_470 = vector.shape_cast %get3A_469 : vector<1x16xf32> to vector<16xf32>
        %get3A_471 = arith.constant 0 : i32
        %get3A_472 = arith.index_cast %get3A_471 : i32 to index
        %get3A_473 = arith.constant 0 : index
        %get3A_474 = tpu.vector_load %arg7[%get3A_472, %get3A_473] {strides = array<i32>} : memref<8x64xf32, #tpu.memory_space<vmem>>, vector<1x16xf32>,
        %get3A_475 = vector.shape_cast %get3A_474 : vector<1x16xf32> to vector<16xf32>
        %select_n3A_476 = arith.select %eq3A_460, %get3A_475, %get3A_470 : vector<16xf32>
        %add3A_477 = arith.constant 0 : i32
        %add3A_478 = arith.addi %multiple_of3A_466, %add3A_477 : i32
        %swap3A_479 = arith.index_cast %add3A_478 : i32 to index
        %swap3A_480 = tpu.vector_load %arg9[%swap3A_479] {strides = array<i32>} : memref<32768xf32, #tpu.memory_space<vmem>>, vector<16xf32>,
        %swap3A_481 = vector.shape_cast %swap3A_480 : vector<16xf32> to vector<16xf32>
        %swap3A_482 = vector.shape_cast %select_n3A_476 : vector<16xf32> to vector<16xf32>
        tpu.vector_store %arg9[%swap3A_479], %swap3A_482 {strides = array<i32>} : memref<32768xf32, #tpu.memory_space<vmem>>, vector<16xf32>,
        %get3A_483 = arith.index_cast %add3A_456 : i32 to index
        %get3A_484 = arith.constant 16 : index
        %get3A_485 = tpu.vector_load %arg8[%get3A_483, %get3A_484] {strides = array<i32>} : memref<512x64xf32, #tpu.memory_space<vmem>>, vector<1x16xf32>,
        %get3A_486 = vector.shape_cast %get3A_485 : vector<1x16xf32> to vector<16xf32>
        %get3A_487 = arith.constant 0 : i32
        %get3A_488 = arith.index_cast %get3A_487 : i32 to index
        %get3A_489 = arith.constant 16 : index
        %get3A_490 = tpu.vector_load %arg7[%get3A_488, %get3A_489] {strides = array<i32>} : memref<8x64xf32, #tpu.memory_space<vmem>>, vector<1x16xf32>,
        %get3A_491 = vector.shape_cast %get3A_490 : vector<1x16xf32> to vector<16xf32>
        %select_n3A_492 = arith.select %eq3A_460, %get3A_491, %get3A_486 : vector<16xf32>
        %add3A_493 = arith.constant 16 : i32
        %add3A_494 = arith.addi %multiple_of3A_466, %add3A_493 : i32
        %swap3A_495 = arith.index_cast %add3A_494 : i32 to index
        %swap3A_496 = tpu.vector_load %arg9[%swap3A_495] {strides = array<i32>} : memref<32768xf32, #tpu.memory_space<vmem>>, vector<16xf32>,
        %swap3A_497 = vector.shape_cast %swap3A_496 : vector<16xf32> to vector<16xf32>
        %swap3A_498 = vector.shape_cast %select_n3A_492 : vector<16xf32> to vector<16xf32>
        tpu.vector_store %arg9[%swap3A_495], %swap3A_498 {strides = array<i32>} : memref<32768xf32, #tpu.memory_space<vmem>>, vector<16xf32>,
        %get3A_499 = arith.index_cast %add3A_456 : i32 to index
        %get3A_500 = arith.constant 32 : index
        %get3A_501 = tpu.vector_load %arg8[%get3A_499, %get3A_500] {strides = array<i32>} : memref<512x64xf32, #tpu.memory_space<vmem>>, vector<1x16xf32>,
        %get3A_502 = vector.shape_cast %get3A_501 : vector<1x16xf32> to vector<16xf32>
        %get3A_503 = arith.constant 0 : i32
        %get3A_504 = arith.index_cast %get3A_503 : i32 to index
        %get3A_505 = arith.constant 32 : index
        %get3A_506 = tpu.vector_load %arg7[%get3A_504, %get3A_505] {strides = array<i32>} : memref<8x64xf32, #tpu.memory_space<vmem>>, vector<1x16xf32>,
        %get3A_507 = vector.shape_cast %get3A_506 : vector<1x16xf32> to vector<16xf32>
        %select_n3A_508 = arith.select %eq3A_460, %get3A_507, %get3A_502 : vector<16xf32>
        %add3A_509 = arith.constant 32 : i32
        %add3A_510 = arith.addi %multiple_of3A_466, %add3A_509 : i32
        %swap3A_511 = arith.index_cast %add3A_510 : i32 to index
        %swap3A_512 = tpu.vector_load %arg9[%swap3A_511] {strides = array<i32>} : memref<32768xf32, #tpu.memory_space<vmem>>, vector<16xf32>,
        %swap3A_513 = vector.shape_cast %swap3A_512 : vector<16xf32> to vector<16xf32>
        %swap3A_514 = vector.shape_cast %select_n3A_508 : vector<16xf32> to vector<16xf32>
        tpu.vector_store %arg9[%swap3A_511], %swap3A_514 {strides = array<i32>} : memref<32768xf32, #tpu.memory_space<vmem>>, vector<16xf32>,
        %get3A_515 = arith.index_cast %add3A_456 : i32 to index
        %get3A_516 = arith.constant 48 : index
        %get3A_517 = tpu.vector_load %arg8[%get3A_515, %get3A_516] {strides = array<i32>} : memref<512x64xf32, #tpu.memory_space<vmem>>, vector<1x16xf32>,
        %get3A_518 = vector.shape_cast %get3A_517 : vector<1x16xf32> to vector<16xf32>
        %get3A_519 = arith.constant 0 : i32
        %get3A_520 = arith.index_cast %get3A_519 : i32 to index
        %get3A_521 = arith.constant 48 : index
        %get3A_522 = tpu.vector_load %arg7[%get3A_520, %get3A_521] {strides = array<i32>} : memref<8x64xf32, #tpu.memory_space<vmem>>, vector<1x16xf32>,
        %get3A_523 = vector.shape_cast %get3A_522 : vector<1x16xf32> to vector<16xf32>
        %select_n3A_524 = arith.select %eq3A_460, %get3A_523, %get3A_518 : vector<16xf32>
        %add3A_525 = arith.constant 48 : i32
        %add3A_526 = arith.addi %multiple_of3A_466, %add3A_525 : i32
        %swap3A_527 = arith.index_cast %add3A_526 : i32 to index
        %swap3A_528 = tpu.vector_load %arg9[%swap3A_527] {strides = array<i32>} : memref<32768xf32, #tpu.memory_space<vmem>>, vector<16xf32>,
        %swap3A_529 = vector.shape_cast %swap3A_528 : vector<16xf32> to vector<16xf32>
        %swap3A_530 = vector.shape_cast %select_n3A_524 : vector<16xf32> to vector<16xf32>
        tpu.vector_store %arg9[%swap3A_527], %swap3A_530 {strides = array<i32>} : memref<32768xf32, #tpu.memory_space<vmem>>, vector<16xf32>,
        %mul3A_531 = arith.constant 16 : i32
        %mul3A_532 = arith.muli %scan3A_87, %mul3A_531 : i32
        %add3A_533 = arith.constant 5 : i32
        %add3A_534 = arith.addi %mul3A_532, %add3A_533 : i32
        %mul3A_535 = arith.constant 32 : i32
        %mul3A_536 = arith.muli %select_n3A_80, %mul3A_535 : i32
        %add3A_537 = arith.addi %mul3A_536, %add3A_534 : i32
        %mul3A_538 = arith.constant 8 : i32
        %mul3A_539 = arith.muli %add3A_537, %mul3A_538 : i32
        %slice3A_540 = vector.extract_strided_slice %and3A_104 {offsets = [5], sizes = [1], strides = [1]} : vector<16xi32> to vector<1xi32>
        %squeeze3A_541 = vector.extract %slice3A_540[0] : i32 from vector<1xi32>
        %add3A_542 = arith.addi %mul3A_539, %squeeze3A_541 : i32
        %slice3A_543 = vector.extract_strided_slice %get3A_94 {offsets = [5], sizes = [1], strides = [1]} : vector<16xi32> to vector<1xi32>
        %squeeze3A_544 = vector.extract %slice3A_543[0] : i32 from vector<1xi32>
        %eq3A_545 = arith.constant -1 : i32
        %eq3A_546 = arith.cmpi eq, %squeeze3A_544, %eq3A_545 : i32
        %mul3A_547 = arith.constant 32 : i32
        %mul3A_548 = arith.muli %scan3A_33, %mul3A_547 : i32
        %add3A_549 = arith.addi %mul3A_548, %add3A_534 : i32
        %mul3A_550 = arith.constant 64 : i32
        %mul3A_551 = arith.muli %add3A_549, %mul3A_550 : i32
        %multiple_of3A_552 = tpu.assume_multiple %mul3A_551, 64 : i32
        %get3A_553 = arith.index_cast %add3A_542 : i32 to index
        %get3A_554 = arith.constant 0 : index
        %get3A_555 = tpu.vector_load %arg8[%get3A_553, %get3A_554] {strides = array<i32>} : memref<512x64xf32, #tpu.memory_space<vmem>>, vector<1x16xf32>,
        %get3A_556 = vector.shape_cast %get3A_555 : vector<1x16xf32> to vector<16xf32>
        %get3A_557 = arith.constant 0 : i32
        %get3A_558 = arith.index_cast %get3A_557 : i32 to index
        %get3A_559 = arith.constant 0 : index
        %get3A_560 = tpu.vector_load %arg7[%get3A_558, %get3A_559] {strides = array<i32>} : memref<8x64xf32, #tpu.memory_space<vmem>>, vector<1x16xf32>,
        %get3A_561 = vector.shape_cast %get3A_560 : vector<1x16xf32> to vector<16xf32>
        %select_n3A_562 = arith.select %eq3A_546, %get3A_561, %get3A_556 : vector<16xf32>
        %add3A_563 = arith.constant 0 : i32
        %add3A_564 = arith.addi %multiple_of3A_552, %add3A_563 : i32
        %swap3A_565 = arith.index_cast %add3A_564 : i32 to index
        %swap3A_566 = tpu.vector_load %arg9[%swap3A_565] {strides = array<i32>} : memref<32768xf32, #tpu.memory_space<vmem>>, vector<16xf32>,
        %swap3A_567 = vector.shape_cast %swap3A_566 : vector<16xf32> to vector<16xf32>
        %swap3A_568 = vector.shape_cast %select_n3A_562 : vector<16xf32> to vector<16xf32>
        tpu.vector_store %arg9[%swap3A_565], %swap3A_568 {strides = array<i32>} : memref<32768xf32, #tpu.memory_space<vmem>>, vector<16xf32>,
        %get3A_569 = arith.index_cast %add3A_542 : i32 to index
        %get3A_570 = arith.constant 16 : index
        %get3A_571 = tpu.vector_load %arg8[%get3A_569, %get3A_570] {strides = array<i32>} : memref<512x64xf32, #tpu.memory_space<vmem>>, vector<1x16xf32>,
        %get3A_572 = vector.shape_cast %get3A_571 : vector<1x16xf32> to vector<16xf32>
        %get3A_573 = arith.constant 0 : i32
        %get3A_574 = arith.index_cast %get3A_573 : i32 to index
        %get3A_575 = arith.constant 16 : index
        %get3A_576 = tpu.vector_load %arg7[%get3A_574, %get3A_575] {strides = array<i32>} : memref<8x64xf32, #tpu.memory_space<vmem>>, vector<1x16xf32>,
        %get3A_577 = vector.shape_cast %get3A_576 : vector<1x16xf32> to vector<16xf32>
        %select_n3A_578 = arith.select %eq3A_546, %get3A_577, %get3A_572 : vector<16xf32>
        %add3A_579 = arith.constant 16 : i32
        %add3A_580 = arith.addi %multiple_of3A_552, %add3A_579 : i32
        %swap3A_581 = arith.index_cast %add3A_580 : i32 to index
        %swap3A_582 = tpu.vector_load %arg9[%swap3A_581] {strides = array<i32>} : memref<32768xf32, #tpu.memory_space<vmem>>, vector<16xf32>,
        %swap3A_583 = vector.shape_cast %swap3A_582 : vector<16xf32> to vector<16xf32>
        %swap3A_584 = vector.shape_cast %select_n3A_578 : vector<16xf32> to vector<16xf32>
        tpu.vector_store %arg9[%swap3A_581], %swap3A_584 {strides = array<i32>} : memref<32768xf32, #tpu.memory_space<vmem>>, vector<16xf32>,
        %get3A_585 = arith.index_cast %add3A_542 : i32 to index
        %get3A_586 = arith.constant 32 : index
        %get3A_587 = tpu.vector_load %arg8[%get3A_585, %get3A_586] {strides = array<i32>} : memref<512x64xf32, #tpu.memory_space<vmem>>, vector<1x16xf32>,
        %get3A_588 = vector.shape_cast %get3A_587 : vector<1x16xf32> to vector<16xf32>
        %get3A_589 = arith.constant 0 : i32
        %get3A_590 = arith.index_cast %get3A_589 : i32 to index
        %get3A_591 = arith.constant 32 : index
        %get3A_592 = tpu.vector_load %arg7[%get3A_590, %get3A_591] {strides = array<i32>} : memref<8x64xf32, #tpu.memory_space<vmem>>, vector<1x16xf32>,
        %get3A_593 = vector.shape_cast %get3A_592 : vector<1x16xf32> to vector<16xf32>
        %select_n3A_594 = arith.select %eq3A_546, %get3A_593, %get3A_588 : vector<16xf32>
        %add3A_595 = arith.constant 32 : i32
        %add3A_596 = arith.addi %multiple_of3A_552, %add3A_595 : i32
        %swap3A_597 = arith.index_cast %add3A_596 : i32 to index
        %swap3A_598 = tpu.vector_load %arg9[%swap3A_597] {strides = array<i32>} : memref<32768xf32, #tpu.memory_space<vmem>>, vector<16xf32>,
        %swap3A_599 = vector.shape_cast %swap3A_598 : vector<16xf32> to vector<16xf32>
        %swap3A_600 = vector.shape_cast %select_n3A_594 : vector<16xf32> to vector<16xf32>
        tpu.vector_store %arg9[%swap3A_597], %swap3A_600 {strides = array<i32>} : memref<32768xf32, #tpu.memory_space<vmem>>, vector<16xf32>,
        %get3A_601 = arith.index_cast %add3A_542 : i32 to index
        %get3A_602 = arith.constant 48 : index
        %get3A_603 = tpu.vector_load %arg8[%get3A_601, %get3A_602] {strides = array<i32>} : memref<512x64xf32, #tpu.memory_space<vmem>>, vector<1x16xf32>,
        %get3A_604 = vector.shape_cast %get3A_603 : vector<1x16xf32> to vector<16xf32>
        %get3A_605 = arith.constant 0 : i32
        %get3A_606 = arith.index_cast %get3A_605 : i32 to index
        %get3A_607 = arith.constant 48 : index
        %get3A_608 = tpu.vector_load %arg7[%get3A_606, %get3A_607] {strides = array<i32>} : memref<8x64xf32, #tpu.memory_space<vmem>>, vector<1x16xf32>,
        %get3A_609 = vector.shape_cast %get3A_608 : vector<1x16xf32> to vector<16xf32>
        %select_n3A_610 = arith.select %eq3A_546, %get3A_609, %get3A_604 : vector<16xf32>
        %add3A_611 = arith.constant 48 : i32
        %add3A_612 = arith.addi %multiple_of3A_552, %add3A_611 : i32
        %swap3A_613 = arith.index_cast %add3A_612 : i32 to index
        %swap3A_614 = tpu.vector_load %arg9[%swap3A_613] {strides = array<i32>} : memref<32768xf32, #tpu.memory_space<vmem>>, vector<16xf32>,
        %swap3A_615 = vector.shape_cast %swap3A_614 : vector<16xf32> to vector<16xf32>
        %swap3A_616 = vector.shape_cast %select_n3A_610 : vector<16xf32> to vector<16xf32>
        tpu.vector_store %arg9[%swap3A_613], %swap3A_616 {strides = array<i32>} : memref<32768xf32, #tpu.memory_space<vmem>>, vector<16xf32>,
        %mul3A_617 = arith.constant 16 : i32
        %mul3A_618 = arith.muli %scan3A_87, %mul3A_617 : i32
        %add3A_619 = arith.constant 6 : i32
        %add3A_620 = arith.addi %mul3A_618, %add3A_619 : i32
        %mul3A_621 = arith.constant 32 : i32
        %mul3A_622 = arith.muli %select_n3A_80, %mul3A_621 : i32
        %add3A_623 = arith.addi %mul3A_622, %add3A_620 : i32
        %mul3A_624 = arith.constant 8 : i32
        %mul3A_625 = arith.muli %add3A_623, %mul3A_624 : i32
        %slice3A_626 = vector.extract_strided_slice %and3A_104 {offsets = [6], sizes = [1], strides = [1]} : vector<16xi32> to vector<1xi32>
        %squeeze3A_627 = vector.extract %slice3A_626[0] : i32 from vector<1xi32>
        %add3A_628 = arith.addi %mul3A_625, %squeeze3A_627 : i32
        %slice3A_629 = vector.extract_strided_slice %get3A_94 {offsets = [6], sizes = [1], strides = [1]} : vector<16xi32> to vector<1xi32>
        %squeeze3A_630 = vector.extract %slice3A_629[0] : i32 from vector<1xi32>
        %eq3A_631 = arith.constant -1 : i32
        %eq3A_632 = arith.cmpi eq, %squeeze3A_630, %eq3A_631 : i32
        %mul3A_633 = arith.constant 32 : i32
        %mul3A_634 = arith.muli %scan3A_33, %mul3A_633 : i32
        %add3A_635 = arith.addi %mul3A_634, %add3A_620 : i32
        %mul3A_636 = arith.constant 64 : i32
        %mul3A_637 = arith.muli %add3A_635, %mul3A_636 : i32
        %multiple_of3A_638 = tpu.assume_multiple %mul3A_637, 64 : i32
        %get3A_639 = arith.index_cast %add3A_628 : i32 to index
        %get3A_640 = arith.constant 0 : index
        %get3A_641 = tpu.vector_load %arg8[%get3A_639, %get3A_640] {strides = array<i32>} : memref<512x64xf32, #tpu.memory_space<vmem>>, vector<1x16xf32>,
        %get3A_642 = vector.shape_cast %get3A_641 : vector<1x16xf32> to vector<16xf32>
        %get3A_643 = arith.constant 0 : i32
        %get3A_644 = arith.index_cast %get3A_643 : i32 to index
        %get3A_645 = arith.constant 0 : index
        %get3A_646 = tpu.vector_load %arg7[%get3A_644, %get3A_645] {strides = array<i32>} : memref<8x64xf32, #tpu.memory_space<vmem>>, vector<1x16xf32>,
        %get3A_647 = vector.shape_cast %get3A_646 : vector<1x16xf32> to vector<16xf32>
        %select_n3A_648 = arith.select %eq3A_632, %get3A_647, %get3A_642 : vector<16xf32>
        %add3A_649 = arith.constant 0 : i32
        %add3A_650 = arith.addi %multiple_of3A_638, %add3A_649 : i32
        %swap3A_651 = arith.index_cast %add3A_650 : i32 to index
        %swap3A_652 = tpu.vector_load %arg9[%swap3A_651] {strides = array<i32>} : memref<32768xf32, #tpu.memory_space<vmem>>, vector<16xf32>,
        %swap3A_653 = vector.shape_cast %swap3A_652 : vector<16xf32> to vector<16xf32>
        %swap3A_654 = vector.shape_cast %select_n3A_648 : vector<16xf32> to vector<16xf32>
        tpu.vector_store %arg9[%swap3A_651], %swap3A_654 {strides = array<i32>} : memref<32768xf32, #tpu.memory_space<vmem>>, vector<16xf32>,
        %get3A_655 = arith.index_cast %add3A_628 : i32 to index
        %get3A_656 = arith.constant 16 : index
        %get3A_657 = tpu.vector_load %arg8[%get3A_655, %get3A_656] {strides = array<i32>} : memref<512x64xf32, #tpu.memory_space<vmem>>, vector<1x16xf32>,
        %get3A_658 = vector.shape_cast %get3A_657 : vector<1x16xf32> to vector<16xf32>
        %get3A_659 = arith.constant 0 : i32
        %get3A_660 = arith.index_cast %get3A_659 : i32 to index
        %get3A_661 = arith.constant 16 : index
        %get3A_662 = tpu.vector_load %arg7[%get3A_660, %get3A_661] {strides = array<i32>} : memref<8x64xf32, #tpu.memory_space<vmem>>, vector<1x16xf32>,
        %get3A_663 = vector.shape_cast %get3A_662 : vector<1x16xf32> to vector<16xf32>
        %select_n3A_664 = arith.select %eq3A_632, %get3A_663, %get3A_658 : vector<16xf32>
        %add3A_665 = arith.constant 16 : i32
        %add3A_666 = arith.addi %multiple_of3A_638, %add3A_665 : i32
        %swap3A_667 = arith.index_cast %add3A_666 : i32 to index
        %swap3A_668 = tpu.vector_load %arg9[%swap3A_667] {strides = array<i32>} : memref<32768xf32, #tpu.memory_space<vmem>>, vector<16xf32>,
        %swap3A_669 = vector.shape_cast %swap3A_668 : vector<16xf32> to vector<16xf32>
        %swap3A_670 = vector.shape_cast %select_n3A_664 : vector<16xf32> to vector<16xf32>
        tpu.vector_store %arg9[%swap3A_667], %swap3A_670 {strides = array<i32>} : memref<32768xf32, #tpu.memory_space<vmem>>, vector<16xf32>,
        %get3A_671 = arith.index_cast %add3A_628 : i32 to index
        %get3A_672 = arith.constant 32 : index
        %get3A_673 = tpu.vector_load %arg8[%get3A_671, %get3A_672] {strides = array<i32>} : memref<512x64xf32, #tpu.memory_space<vmem>>, vector<1x16xf32>,
        %get3A_674 = vector.shape_cast %get3A_673 : vector<1x16xf32> to vector<16xf32>
        %get3A_675 = arith.constant 0 : i32
        %get3A_676 = arith.index_cast %get3A_675 : i32 to index
        %get3A_677 = arith.constant 32 : index
        %get3A_678 = tpu.vector_load %arg7[%get3A_676, %get3A_677] {strides = array<i32>} : memref<8x64xf32, #tpu.memory_space<vmem>>, vector<1x16xf32>,
        %get3A_679 = vector.shape_cast %get3A_678 : vector<1x16xf32> to vector<16xf32>
        %select_n3A_680 = arith.select %eq3A_632, %get3A_679, %get3A_674 : vector<16xf32>
        %add3A_681 = arith.constant 32 : i32
        %add3A_682 = arith.addi %multiple_of3A_638, %add3A_681 : i32
        %swap3A_683 = arith.index_cast %add3A_682 : i32 to index
        %swap3A_684 = tpu.vector_load %arg9[%swap3A_683] {strides = array<i32>} : memref<32768xf32, #tpu.memory_space<vmem>>, vector<16xf32>,
        %swap3A_685 = vector.shape_cast %swap3A_684 : vector<16xf32> to vector<16xf32>
        %swap3A_686 = vector.shape_cast %select_n3A_680 : vector<16xf32> to vector<16xf32>
        tpu.vector_store %arg9[%swap3A_683], %swap3A_686 {strides = array<i32>} : memref<32768xf32, #tpu.memory_space<vmem>>, vector<16xf32>,
        %get3A_687 = arith.index_cast %add3A_628 : i32 to index
        %get3A_688 = arith.constant 48 : index
        %get3A_689 = tpu.vector_load %arg8[%get3A_687, %get3A_688] {strides = array<i32>} : memref<512x64xf32, #tpu.memory_space<vmem>>, vector<1x16xf32>,
        %get3A_690 = vector.shape_cast %get3A_689 : vector<1x16xf32> to vector<16xf32>
        %get3A_691 = arith.constant 0 : i32
        %get3A_692 = arith.index_cast %get3A_691 : i32 to index
        %get3A_693 = arith.constant 48 : index
        %get3A_694 = tpu.vector_load %arg7[%get3A_692, %get3A_693] {strides = array<i32>} : memref<8x64xf32, #tpu.memory_space<vmem>>, vector<1x16xf32>,
        %get3A_695 = vector.shape_cast %get3A_694 : vector<1x16xf32> to vector<16xf32>
        %select_n3A_696 = arith.select %eq3A_632, %get3A_695, %get3A_690 : vector<16xf32>
        %add3A_697 = arith.constant 48 : i32
        %add3A_698 = arith.addi %multiple_of3A_638, %add3A_697 : i32
        %swap3A_699 = arith.index_cast %add3A_698 : i32 to index
        %swap3A_700 = tpu.vector_load %arg9[%swap3A_699] {strides = array<i32>} : memref<32768xf32, #tpu.memory_space<vmem>>, vector<16xf32>,
        %swap3A_701 = vector.shape_cast %swap3A_700 : vector<16xf32> to vector<16xf32>
        %swap3A_702 = vector.shape_cast %select_n3A_696 : vector<16xf32> to vector<16xf32>
        tpu.vector_store %arg9[%swap3A_699], %swap3A_702 {strides = array<i32>} : memref<32768xf32, #tpu.memory_space<vmem>>, vector<16xf32>,
        %mul3A_703 = arith.constant 16 : i32
        %mul3A_704 = arith.muli %scan3A_87, %mul3A_703 : i32
        %add3A_705 = arith.constant 7 : i32
        %add3A_706 = arith.addi %mul3A_704, %add3A_705 : i32
        %mul3A_707 = arith.constant 32 : i32
        %mul3A_708 = arith.muli %select_n3A_80, %mul3A_707 : i32
        %add3A_709 = arith.addi %mul3A_708, %add3A_706 : i32
        %mul3A_710 = arith.constant 8 : i32
        %mul3A_711 = arith.muli %add3A_709, %mul3A_710 : i32
        %slice3A_712 = vector.extract_strided_slice %and3A_104 {offsets = [7], sizes = [1], strides = [1]} : vector<16xi32> to vector<1xi32>
        %squeeze3A_713 = vector.extract %slice3A_712[0] : i32 from vector<1xi32>
        %add3A_714 = arith.addi %mul3A_711, %squeeze3A_713 : i32
        %slice3A_715 = vector.extract_strided_slice %get3A_94 {offsets = [7], sizes = [1], strides = [1]} : vector<16xi32> to vector<1xi32>
        %squeeze3A_716 = vector.extract %slice3A_715[0] : i32 from vector<1xi32>
        %eq3A_717 = arith.constant -1 : i32
        %eq3A_718 = arith.cmpi eq, %squeeze3A_716, %eq3A_717 : i32
        %mul3A_719 = arith.constant 32 : i32
        %mul3A_720 = arith.muli %scan3A_33, %mul3A_719 : i32
        %add3A_721 = arith.addi %mul3A_720, %add3A_706 : i32
        %mul3A_722 = arith.constant 64 : i32
        %mul3A_723 = arith.muli %add3A_721, %mul3A_722 : i32
        %multiple_of3A_724 = tpu.assume_multiple %mul3A_723, 64 : i32
        %get3A_725 = arith.index_cast %add3A_714 : i32 to index
        %get3A_726 = arith.constant 0 : index
        %get3A_727 = tpu.vector_load %arg8[%get3A_725, %get3A_726] {strides = array<i32>} : memref<512x64xf32, #tpu.memory_space<vmem>>, vector<1x16xf32>,
        %get3A_728 = vector.shape_cast %get3A_727 : vector<1x16xf32> to vector<16xf32>
        %get3A_729 = arith.constant 0 : i32
        %get3A_730 = arith.index_cast %get3A_729 : i32 to index
        %get3A_731 = arith.constant 0 : index
        %get3A_732 = tpu.vector_load %arg7[%get3A_730, %get3A_731] {strides = array<i32>} : memref<8x64xf32, #tpu.memory_space<vmem>>, vector<1x16xf32>,
        %get3A_733 = vector.shape_cast %get3A_732 : vector<1x16xf32> to vector<16xf32>
        %select_n3A_734 = arith.select %eq3A_718, %get3A_733, %get3A_728 : vector<16xf32>
        %add3A_735 = arith.constant 0 : i32
        %add3A_736 = arith.addi %multiple_of3A_724, %add3A_735 : i32
        %swap3A_737 = arith.index_cast %add3A_736 : i32 to index
        %swap3A_738 = tpu.vector_load %arg9[%swap3A_737] {strides = array<i32>} : memref<32768xf32, #tpu.memory_space<vmem>>, vector<16xf32>,
        %swap3A_739 = vector.shape_cast %swap3A_738 : vector<16xf32> to vector<16xf32>
        %swap3A_740 = vector.shape_cast %select_n3A_734 : vector<16xf32> to vector<16xf32>
        tpu.vector_store %arg9[%swap3A_737], %swap3A_740 {strides = array<i32>} : memref<32768xf32, #tpu.memory_space<vmem>>, vector<16xf32>,
        %get3A_741 = arith.index_cast %add3A_714 : i32 to index
        %get3A_742 = arith.constant 16 : index
        %get3A_743 = tpu.vector_load %arg8[%get3A_741, %get3A_742] {strides = array<i32>} : memref<512x64xf32, #tpu.memory_space<vmem>>, vector<1x16xf32>,
        %get3A_744 = vector.shape_cast %get3A_743 : vector<1x16xf32> to vector<16xf32>
        %get3A_745 = arith.constant 0 : i32
        %get3A_746 = arith.index_cast %get3A_745 : i32 to index
        %get3A_747 = arith.constant 16 : index
        %get3A_748 = tpu.vector_load %arg7[%get3A_746, %get3A_747] {strides = array<i32>} : memref<8x64xf32, #tpu.memory_space<vmem>>, vector<1x16xf32>,
        %get3A_749 = vector.shape_cast %get3A_748 : vector<1x16xf32> to vector<16xf32>
        %select_n3A_750 = arith.select %eq3A_718, %get3A_749, %get3A_744 : vector<16xf32>
        %add3A_751 = arith.constant 16 : i32
        %add3A_752 = arith.addi %multiple_of3A_724, %add3A_751 : i32
        %swap3A_753 = arith.index_cast %add3A_752 : i32 to index
        %swap3A_754 = tpu.vector_load %arg9[%swap3A_753] {strides = array<i32>} : memref<32768xf32, #tpu.memory_space<vmem>>, vector<16xf32>,
        %swap3A_755 = vector.shape_cast %swap3A_754 : vector<16xf32> to vector<16xf32>
        %swap3A_756 = vector.shape_cast %select_n3A_750 : vector<16xf32> to vector<16xf32>
        tpu.vector_store %arg9[%swap3A_753], %swap3A_756 {strides = array<i32>} : memref<32768xf32, #tpu.memory_space<vmem>>, vector<16xf32>,
        %get3A_757 = arith.index_cast %add3A_714 : i32 to index
        %get3A_758 = arith.constant 32 : index
        %get3A_759 = tpu.vector_load %arg8[%get3A_757, %get3A_758] {strides = array<i32>} : memref<512x64xf32, #tpu.memory_space<vmem>>, vector<1x16xf32>,
        %get3A_760 = vector.shape_cast %get3A_759 : vector<1x16xf32> to vector<16xf32>
        %get3A_761 = arith.constant 0 : i32
        %get3A_762 = arith.index_cast %get3A_761 : i32 to index
        %get3A_763 = arith.constant 32 : index
        %get3A_764 = tpu.vector_load %arg7[%get3A_762, %get3A_763] {strides = array<i32>} : memref<8x64xf32, #tpu.memory_space<vmem>>, vector<1x16xf32>,
        %get3A_765 = vector.shape_cast %get3A_764 : vector<1x16xf32> to vector<16xf32>
        %select_n3A_766 = arith.select %eq3A_718, %get3A_765, %get3A_760 : vector<16xf32>
        %add3A_767 = arith.constant 32 : i32
        %add3A_768 = arith.addi %multiple_of3A_724, %add3A_767 : i32
        %swap3A_769 = arith.index_cast %add3A_768 : i32 to index
        %swap3A_770 = tpu.vector_load %arg9[%swap3A_769] {strides = array<i32>} : memref<32768xf32, #tpu.memory_space<vmem>>, vector<16xf32>,
        %swap3A_771 = vector.shape_cast %swap3A_770 : vector<16xf32> to vector<16xf32>
        %swap3A_772 = vector.shape_cast %select_n3A_766 : vector<16xf32> to vector<16xf32>
        tpu.vector_store %arg9[%swap3A_769], %swap3A_772 {strides = array<i32>} : memref<32768xf32, #tpu.memory_space<vmem>>, vector<16xf32>,
        %get3A_773 = arith.index_cast %add3A_714 : i32 to index
        %get3A_774 = arith.constant 48 : index
        %get3A_775 = tpu.vector_load %arg8[%get3A_773, %get3A_774] {strides = array<i32>} : memref<512x64xf32, #tpu.memory_space<vmem>>, vector<1x16xf32>,
        %get3A_776 = vector.shape_cast %get3A_775 : vector<1x16xf32> to vector<16xf32>
        %get3A_777 = arith.constant 0 : i32
        %get3A_778 = arith.index_cast %get3A_777 : i32 to index
        %get3A_779 = arith.constant 48 : index
        %get3A_780 = tpu.vector_load %arg7[%get3A_778, %get3A_779] {strides = array<i32>} : memref<8x64xf32, #tpu.memory_space<vmem>>, vector<1x16xf32>,
        %get3A_781 = vector.shape_cast %get3A_780 : vector<1x16xf32> to vector<16xf32>
        %select_n3A_782 = arith.select %eq3A_718, %get3A_781, %get3A_776 : vector<16xf32>
        %add3A_783 = arith.constant 48 : i32
        %add3A_784 = arith.addi %multiple_of3A_724, %add3A_783 : i32
        %swap3A_785 = arith.index_cast %add3A_784 : i32 to index
        %swap3A_786 = tpu.vector_load %arg9[%swap3A_785] {strides = array<i32>} : memref<32768xf32, #tpu.memory_space<vmem>>, vector<16xf32>,
        %swap3A_787 = vector.shape_cast %swap3A_786 : vector<16xf32> to vector<16xf32>
        %swap3A_788 = vector.shape_cast %select_n3A_782 : vector<16xf32> to vector<16xf32>
        tpu.vector_store %arg9[%swap3A_785], %swap3A_788 {strides = array<i32>} : memref<32768xf32, #tpu.memory_space<vmem>>, vector<16xf32>,
        %mul3A_789 = arith.constant 16 : i32
        %mul3A_790 = arith.muli %scan3A_87, %mul3A_789 : i32
        %add3A_791 = arith.constant 8 : i32
        %add3A_792 = arith.addi %mul3A_790, %add3A_791 : i32
        %mul3A_793 = arith.constant 32 : i32
        %mul3A_794 = arith.muli %select_n3A_80, %mul3A_793 : i32
        %add3A_795 = arith.addi %mul3A_794, %add3A_792 : i32
        %mul3A_796 = arith.constant 8 : i32
        %mul3A_797 = arith.muli %add3A_795, %mul3A_796 : i32
        %slice3A_798 = vector.extract_strided_slice %and3A_104 {offsets = [8], sizes = [1], strides = [1]} : vector<16xi32> to vector<1xi32>
        %squeeze3A_799 = vector.extract %slice3A_798[0] : i32 from vector<1xi32>
        %add3A_800 = arith.addi %mul3A_797, %squeeze3A_799 : i32
        %slice3A_801 = vector.extract_strided_slice %get3A_94 {offsets = [8], sizes = [1], strides = [1]} : vector<16xi32> to vector<1xi32>
        %squeeze3A_802 = vector.extract %slice3A_801[0] : i32 from vector<1xi32>
        %eq3A_803 = arith.constant -1 : i32
        %eq3A_804 = arith.cmpi eq, %squeeze3A_802, %eq3A_803 : i32
        %mul3A_805 = arith.constant 32 : i32
        %mul3A_806 = arith.muli %scan3A_33, %mul3A_805 : i32
        %add3A_807 = arith.addi %mul3A_806, %add3A_792 : i32
        %mul3A_808 = arith.constant 64 : i32
        %mul3A_809 = arith.muli %add3A_807, %mul3A_808 : i32
        %multiple_of3A_810 = tpu.assume_multiple %mul3A_809, 64 : i32
        %get3A_811 = arith.index_cast %add3A_800 : i32 to index
        %get3A_812 = arith.constant 0 : index
        %get3A_813 = tpu.vector_load %arg8[%get3A_811, %get3A_812] {strides = array<i32>} : memref<512x64xf32, #tpu.memory_space<vmem>>, vector<1x16xf32>,
        %get3A_814 = vector.shape_cast %get3A_813 : vector<1x16xf32> to vector<16xf32>
        %get3A_815 = arith.constant 0 : i32
        %get3A_816 = arith.index_cast %get3A_815 : i32 to index
        %get3A_817 = arith.constant 0 : index
        %get3A_818 = tpu.vector_load %arg7[%get3A_816, %get3A_817] {strides = array<i32>} : memref<8x64xf32, #tpu.memory_space<vmem>>, vector<1x16xf32>,
        %get3A_819 = vector.shape_cast %get3A_818 : vector<1x16xf32> to vector<16xf32>
        %select_n3A_820 = arith.select %eq3A_804, %get3A_819, %get3A_814 : vector<16xf32>
        %add3A_821 = arith.constant 0 : i32
        %add3A_822 = arith.addi %multiple_of3A_810, %add3A_821 : i32
        %swap3A_823 = arith.index_cast %add3A_822 : i32 to index
        %swap3A_824 = tpu.vector_load %arg9[%swap3A_823] {strides = array<i32>} : memref<32768xf32, #tpu.memory_space<vmem>>, vector<16xf32>,
        %swap3A_825 = vector.shape_cast %swap3A_824 : vector<16xf32> to vector<16xf32>
        %swap3A_826 = vector.shape_cast %select_n3A_820 : vector<16xf32> to vector<16xf32>
        tpu.vector_store %arg9[%swap3A_823], %swap3A_826 {strides = array<i32>} : memref<32768xf32, #tpu.memory_space<vmem>>, vector<16xf32>,
        %get3A_827 = arith.index_cast %add3A_800 : i32 to index
        %get3A_828 = arith.constant 16 : index
        %get3A_829 = tpu.vector_load %arg8[%get3A_827, %get3A_828] {strides = array<i32>} : memref<512x64xf32, #tpu.memory_space<vmem>>, vector<1x16xf32>,
        %get3A_830 = vector.shape_cast %get3A_829 : vector<1x16xf32> to vector<16xf32>
        %get3A_831 = arith.constant 0 : i32
        %get3A_832 = arith.index_cast %get3A_831 : i32 to index
        %get3A_833 = arith.constant 16 : index
        %get3A_834 = tpu.vector_load %arg7[%get3A_832, %get3A_833] {strides = array<i32>} : memref<8x64xf32, #tpu.memory_space<vmem>>, vector<1x16xf32>,
        %get3A_835 = vector.shape_cast %get3A_834 : vector<1x16xf32> to vector<16xf32>
        %select_n3A_836 = arith.select %eq3A_804, %get3A_835, %get3A_830 : vector<16xf32>
        %add3A_837 = arith.constant 16 : i32
        %add3A_838 = arith.addi %multiple_of3A_810, %add3A_837 : i32
        %swap3A_839 = arith.index_cast %add3A_838 : i32 to index
        %swap3A_840 = tpu.vector_load %arg9[%swap3A_839] {strides = array<i32>} : memref<32768xf32, #tpu.memory_space<vmem>>, vector<16xf32>,
        %swap3A_841 = vector.shape_cast %swap3A_840 : vector<16xf32> to vector<16xf32>
        %swap3A_842 = vector.shape_cast %select_n3A_836 : vector<16xf32> to vector<16xf32>
        tpu.vector_store %arg9[%swap3A_839], %swap3A_842 {strides = array<i32>} : memref<32768xf32, #tpu.memory_space<vmem>>, vector<16xf32>,
        %get3A_843 = arith.index_cast %add3A_800 : i32 to index
        %get3A_844 = arith.constant 32 : index
        %get3A_845 = tpu.vector_load %arg8[%get3A_843, %get3A_844] {strides = array<i32>} : memref<512x64xf32, #tpu.memory_space<vmem>>, vector<1x16xf32>,
        %get3A_846 = vector.shape_cast %get3A_845 : vector<1x16xf32> to vector<16xf32>
        %get3A_847 = arith.constant 0 : i32
        %get3A_848 = arith.index_cast %get3A_847 : i32 to index
        %get3A_849 = arith.constant 32 : index
        %get3A_850 = tpu.vector_load %arg7[%get3A_848, %get3A_849] {strides = array<i32>} : memref<8x64xf32, #tpu.memory_space<vmem>>, vector<1x16xf32>,
        %get3A_851 = vector.shape_cast %get3A_850 : vector<1x16xf32> to vector<16xf32>
        %select_n3A_852 = arith.select %eq3A_804, %get3A_851, %get3A_846 : vector<16xf32>
        %add3A_853 = arith.constant 32 : i32
        %add3A_854 = arith.addi %multiple_of3A_810, %add3A_853 : i32
        %swap3A_855 = arith.index_cast %add3A_854 : i32 to index
        %swap3A_856 = tpu.vector_load %arg9[%swap3A_855] {strides = array<i32>} : memref<32768xf32, #tpu.memory_space<vmem>>, vector<16xf32>,
        %swap3A_857 = vector.shape_cast %swap3A_856 : vector<16xf32> to vector<16xf32>
        %swap3A_858 = vector.shape_cast %select_n3A_852 : vector<16xf32> to vector<16xf32>
        tpu.vector_store %arg9[%swap3A_855], %swap3A_858 {strides = array<i32>} : memref<32768xf32, #tpu.memory_space<vmem>>, vector<16xf32>,
        %get3A_859 = arith.index_cast %add3A_800 : i32 to index
        %get3A_860 = arith.constant 48 : index
        %get3A_861 = tpu.vector_load %arg8[%get3A_859, %get3A_860] {strides = array<i32>} : memref<512x64xf32, #tpu.memory_space<vmem>>, vector<1x16xf32>,
        %get3A_862 = vector.shape_cast %get3A_861 : vector<1x16xf32> to vector<16xf32>
        %get3A_863 = arith.constant 0 : i32
        %get3A_864 = arith.index_cast %get3A_863 : i32 to index
        %get3A_865 = arith.constant 48 : index
        %get3A_866 = tpu.vector_load %arg7[%get3A_864, %get3A_865] {strides = array<i32>} : memref<8x64xf32, #tpu.memory_space<vmem>>, vector<1x16xf32>,
        %get3A_867 = vector.shape_cast %get3A_866 : vector<1x16xf32> to vector<16xf32>
        %select_n3A_868 = arith.select %eq3A_804, %get3A_867, %get3A_862 : vector<16xf32>
        %add3A_869 = arith.constant 48 : i32
        %add3A_870 = arith.addi %multiple_of3A_810, %add3A_869 : i32
        %swap3A_871 = arith.index_cast %add3A_870 : i32 to index
        %swap3A_872 = tpu.vector_load %arg9[%swap3A_871] {strides = array<i32>} : memref<32768xf32, #tpu.memory_space<vmem>>, vector<16xf32>,
        %swap3A_873 = vector.shape_cast %swap3A_872 : vector<16xf32> to vector<16xf32>
        %swap3A_874 = vector.shape_cast %select_n3A_868 : vector<16xf32> to vector<16xf32>
        tpu.vector_store %arg9[%swap3A_871], %swap3A_874 {strides = array<i32>} : memref<32768xf32, #tpu.memory_space<vmem>>, vector<16xf32>,
        %mul3A_875 = arith.constant 16 : i32
        %mul3A_876 = arith.muli %scan3A_87, %mul3A_875 : i32
        %add3A_877 = arith.constant 9 : i32
        %add3A_878 = arith.addi %mul3A_876, %add3A_877 : i32
        %mul3A_879 = arith.constant 32 : i32
        %mul3A_880 = arith.muli %select_n3A_80, %mul3A_879 : i32
        %add3A_881 = arith.addi %mul3A_880, %add3A_878 : i32
        %mul3A_882 = arith.constant 8 : i32
        %mul3A_883 = arith.muli %add3A_881, %mul3A_882 : i32
        %slice3A_884 = vector.extract_strided_slice %and3A_104 {offsets = [9], sizes = [1], strides = [1]} : vector<16xi32> to vector<1xi32>
        %squeeze3A_885 = vector.extract %slice3A_884[0] : i32 from vector<1xi32>
        %add3A_886 = arith.addi %mul3A_883, %squeeze3A_885 : i32
        %slice3A_887 = vector.extract_strided_slice %get3A_94 {offsets = [9], sizes = [1], strides = [1]} : vector<16xi32> to vector<1xi32>
        %squeeze3A_888 = vector.extract %slice3A_887[0] : i32 from vector<1xi32>
        %eq3A_889 = arith.constant -1 : i32
        %eq3A_890 = arith.cmpi eq, %squeeze3A_888, %eq3A_889 : i32
        %mul3A_891 = arith.constant 32 : i32
        %mul3A_892 = arith.muli %scan3A_33, %mul3A_891 : i32
        %add3A_893 = arith.addi %mul3A_892, %add3A_878 : i32
        %mul3A_894 = arith.constant 64 : i32
        %mul3A_895 = arith.muli %add3A_893, %mul3A_894 : i32
        %multiple_of3A_896 = tpu.assume_multiple %mul3A_895, 64 : i32
        %get3A_897 = arith.index_cast %add3A_886 : i32 to index
        %get3A_898 = arith.constant 0 : index
        %get3A_899 = tpu.vector_load %arg8[%get3A_897, %get3A_898] {strides = array<i32>} : memref<512x64xf32, #tpu.memory_space<vmem>>, vector<1x16xf32>,
        %get3A_900 = vector.shape_cast %get3A_899 : vector<1x16xf32> to vector<16xf32>
        %get3A_901 = arith.constant 0 : i32
        %get3A_902 = arith.index_cast %get3A_901 : i32 to index
        %get3A_903 = arith.constant 0 : index
        %get3A_904 = tpu.vector_load %arg7[%get3A_902, %get3A_903] {strides = array<i32>} : memref<8x64xf32, #tpu.memory_space<vmem>>, vector<1x16xf32>,
        %get3A_905 = vector.shape_cast %get3A_904 : vector<1x16xf32> to vector<16xf32>
        %select_n3A_906 = arith.select %eq3A_890, %get3A_905, %get3A_900 : vector<16xf32>
        %add3A_907 = arith.constant 0 : i32
        %add3A_908 = arith.addi %multiple_of3A_896, %add3A_907 : i32
        %swap3A_909 = arith.index_cast %add3A_908 : i32 to index
        %swap3A_910 = tpu.vector_load %arg9[%swap3A_909] {strides = array<i32>} : memref<32768xf32, #tpu.memory_space<vmem>>, vector<16xf32>,
        %swap3A_911 = vector.shape_cast %swap3A_910 : vector<16xf32> to vector<16xf32>
        %swap3A_912 = vector.shape_cast %select_n3A_906 : vector<16xf32> to vector<16xf32>
        tpu.vector_store %arg9[%swap3A_909], %swap3A_912 {strides = array<i32>} : memref<32768xf32, #tpu.memory_space<vmem>>, vector<16xf32>,
        %get3A_913 = arith.index_cast %add3A_886 : i32 to index
        %get3A_914 = arith.constant 16 : index
        %get3A_915 = tpu.vector_load %arg8[%get3A_913, %get3A_914] {strides = array<i32>} : memref<512x64xf32, #tpu.memory_space<vmem>>, vector<1x16xf32>,
        %get3A_916 = vector.shape_cast %get3A_915 : vector<1x16xf32> to vector<16xf32>
        %get3A_917 = arith.constant 0 : i32
        %get3A_918 = arith.index_cast %get3A_917 : i32 to index
        %get3A_919 = arith.constant 16 : index
        %get3A_920 = tpu.vector_load %arg7[%get3A_918, %get3A_919] {strides = array<i32>} : memref<8x64xf32, #tpu.memory_space<vmem>>, vector<1x16xf32>,
        %get3A_921 = vector.shape_cast %get3A_920 : vector<1x16xf32> to vector<16xf32>
        %select_n3A_922 = arith.select %eq3A_890, %get3A_921, %get3A_916 : vector<16xf32>
        %add3A_923 = arith.constant 16 : i32
        %add3A_924 = arith.addi %multiple_of3A_896, %add3A_923 : i32
        %swap3A_925 = arith.index_cast %add3A_924 : i32 to index
        %swap3A_926 = tpu.vector_load %arg9[%swap3A_925] {strides = array<i32>} : memref<32768xf32, #tpu.memory_space<vmem>>, vector<16xf32>,
        %swap3A_927 = vector.shape_cast %swap3A_926 : vector<16xf32> to vector<16xf32>
        %swap3A_928 = vector.shape_cast %select_n3A_922 : vector<16xf32> to vector<16xf32>
        tpu.vector_store %arg9[%swap3A_925], %swap3A_928 {strides = array<i32>} : memref<32768xf32, #tpu.memory_space<vmem>>, vector<16xf32>,
        %get3A_929 = arith.index_cast %add3A_886 : i32 to index
        %get3A_930 = arith.constant 32 : index
        %get3A_931 = tpu.vector_load %arg8[%get3A_929, %get3A_930] {strides = array<i32>} : memref<512x64xf32, #tpu.memory_space<vmem>>, vector<1x16xf32>,
        %get3A_932 = vector.shape_cast %get3A_931 : vector<1x16xf32> to vector<16xf32>
        %get3A_933 = arith.constant 0 : i32
        %get3A_934 = arith.index_cast %get3A_933 : i32 to index
        %get3A_935 = arith.constant 32 : index
        %get3A_936 = tpu.vector_load %arg7[%get3A_934, %get3A_935] {strides = array<i32>} : memref<8x64xf32, #tpu.memory_space<vmem>>, vector<1x16xf32>,
        %get3A_937 = vector.shape_cast %get3A_936 : vector<1x16xf32> to vector<16xf32>
        %select_n3A_938 = arith.select %eq3A_890, %get3A_937, %get3A_932 : vector<16xf32>
        %add3A_939 = arith.constant 32 : i32
        %add3A_940 = arith.addi %multiple_of3A_896, %add3A_939 : i32
        %swap3A_941 = arith.index_cast %add3A_940 : i32 to index
        %swap3A_942 = tpu.vector_load %arg9[%swap3A_941] {strides = array<i32>} : memref<32768xf32, #tpu.memory_space<vmem>>, vector<16xf32>,
        %swap3A_943 = vector.shape_cast %swap3A_942 : vector<16xf32> to vector<16xf32>
        %swap3A_944 = vector.shape_cast %select_n3A_938 : vector<16xf32> to vector<16xf32>
        tpu.vector_store %arg9[%swap3A_941], %swap3A_944 {strides = array<i32>} : memref<32768xf32, #tpu.memory_space<vmem>>, vector<16xf32>,
        %get3A_945 = arith.index_cast %add3A_886 : i32 to index
        %get3A_946 = arith.constant 48 : index
        %get3A_947 = tpu.vector_load %arg8[%get3A_945, %get3A_946] {strides = array<i32>} : memref<512x64xf32, #tpu.memory_space<vmem>>, vector<1x16xf32>,
        %get3A_948 = vector.shape_cast %get3A_947 : vector<1x16xf32> to vector<16xf32>
        %get3A_949 = arith.constant 0 : i32
        %get3A_950 = arith.index_cast %get3A_949 : i32 to index
        %get3A_951 = arith.constant 48 : index
        %get3A_952 = tpu.vector_load %arg7[%get3A_950, %get3A_951] {strides = array<i32>} : memref<8x64xf32, #tpu.memory_space<vmem>>, vector<1x16xf32>,
        %get3A_953 = vector.shape_cast %get3A_952 : vector<1x16xf32> to vector<16xf32>
        %select_n3A_954 = arith.select %eq3A_890, %get3A_953, %get3A_948 : vector<16xf32>
        %add3A_955 = arith.constant 48 : i32
        %add3A_956 = arith.addi %multiple_of3A_896, %add3A_955 : i32
        %swap3A_957 = arith.index_cast %add3A_956 : i32 to index
        %swap3A_958 = tpu.vector_load %arg9[%swap3A_957] {strides = array<i32>} : memref<32768xf32, #tpu.memory_space<vmem>>, vector<16xf32>,
        %swap3A_959 = vector.shape_cast %swap3A_958 : vector<16xf32> to vector<16xf32>
        %swap3A_960 = vector.shape_cast %select_n3A_954 : vector<16xf32> to vector<16xf32>
        tpu.vector_store %arg9[%swap3A_957], %swap3A_960 {strides = array<i32>} : memref<32768xf32, #tpu.memory_space<vmem>>, vector<16xf32>,
        %mul3A_961 = arith.constant 16 : i32
        %mul3A_962 = arith.muli %scan3A_87, %mul3A_961 : i32
        %add3A_963 = arith.constant 10 : i32
        %add3A_964 = arith.addi %mul3A_962, %add3A_963 : i32
        %mul3A_965 = arith.constant 32 : i32
        %mul3A_966 = arith.muli %select_n3A_80, %mul3A_965 : i32
        %add3A_967 = arith.addi %mul3A_966, %add3A_964 : i32
        %mul3A_968 = arith.constant 8 : i32
        %mul3A_969 = arith.muli %add3A_967, %mul3A_968 : i32
        %slice3A_970 = vector.extract_strided_slice %and3A_104 {offsets = [10], sizes = [1], strides = [1]} : vector<16xi32> to vector<1xi32>
        %squeeze3A_971 = vector.extract %slice3A_970[0] : i32 from vector<1xi32>
        %add3A_972 = arith.addi %mul3A_969, %squeeze3A_971 : i32
        %slice3A_973 = vector.extract_strided_slice %get3A_94 {offsets = [10], sizes = [1], strides = [1]} : vector<16xi32> to vector<1xi32>
        %squeeze3A_974 = vector.extract %slice3A_973[0] : i32 from vector<1xi32>
        %eq3A_975 = arith.constant -1 : i32
        %eq3A_976 = arith.cmpi eq, %squeeze3A_974, %eq3A_975 : i32
        %mul3A_977 = arith.constant 32 : i32
        %mul3A_978 = arith.muli %scan3A_33, %mul3A_977 : i32
        %add3A_979 = arith.addi %mul3A_978, %add3A_964 : i32
        %mul3A_980 = arith.constant 64 : i32
        %mul3A_981 = arith.muli %add3A_979, %mul3A_980 : i32
        %multiple_of3A_982 = tpu.assume_multiple %mul3A_981, 64 : i32
        %get3A_983 = arith.index_cast %add3A_972 : i32 to index
        %get3A_984 = arith.constant 0 : index
        %get3A_985 = tpu.vector_load %arg8[%get3A_983, %get3A_984] {strides = array<i32>} : memref<512x64xf32, #tpu.memory_space<vmem>>, vector<1x16xf32>,
        %get3A_986 = vector.shape_cast %get3A_985 : vector<1x16xf32> to vector<16xf32>
        %get3A_987 = arith.constant 0 : i32
        %get3A_988 = arith.index_cast %get3A_987 : i32 to index
        %get3A_989 = arith.constant 0 : index
        %get3A_990 = tpu.vector_load %arg7[%get3A_988, %get3A_989] {strides = array<i32>} : memref<8x64xf32, #tpu.memory_space<vmem>>, vector<1x16xf32>,
        %get3A_991 = vector.shape_cast %get3A_990 : vector<1x16xf32> to vector<16xf32>
        %select_n3A_992 = arith.select %eq3A_976, %get3A_991, %get3A_986 : vector<16xf32>
        %add3A_993 = arith.constant 0 : i32
        %add3A_994 = arith.addi %multiple_of3A_982, %add3A_993 : i32
        %swap3A_995 = arith.index_cast %add3A_994 : i32 to index
        %swap3A_996 = tpu.vector_load %arg9[%swap3A_995] {strides = array<i32>} : memref<32768xf32, #tpu.memory_space<vmem>>, vector<16xf32>,
        %swap3A_997 = vector.shape_cast %swap3A_996 : vector<16xf32> to vector<16xf32>
        %swap3A_998 = vector.shape_cast %select_n3A_992 : vector<16xf32> to vector<16xf32>
        tpu.vector_store %arg9[%swap3A_995], %swap3A_998 {strides = array<i32>} : memref<32768xf32, #tpu.memory_space<vmem>>, vector<16xf32>,
        %get3A_999 = arith.index_cast %add3A_972 : i32 to index
        %get3A_1000 = arith.constant 16 : index
        %get3A_1001 = tpu.vector_load %arg8[%get3A_999, %get3A_1000] {strides = array<i32>} : memref<512x64xf32, #tpu.memory_space<vmem>>, vector<1x16xf32>,
        %get3A_1002 = vector.shape_cast %get3A_1001 : vector<1x16xf32> to vector<16xf32>
        %get3A_1003 = arith.constant 0 : i32
        %get3A_1004 = arith.index_cast %get3A_1003 : i32 to index
        %get3A_1005 = arith.constant 16 : index
        %get3A_1006 = tpu.vector_load %arg7[%get3A_1004, %get3A_1005] {strides = array<i32>} : memref<8x64xf32, #tpu.memory_space<vmem>>, vector<1x16xf32>,
        %get3A_1007 = vector.shape_cast %get3A_1006 : vector<1x16xf32> to vector<16xf32>
        %select_n3A_1008 = arith.select %eq3A_976, %get3A_1007, %get3A_1002 : vector<16xf32>
        %add3A_1009 = arith.constant 16 : i32
        %add3A_1010 = arith.addi %multiple_of3A_982, %add3A_1009 : i32
        %swap3A_1011 = arith.index_cast %add3A_1010 : i32 to index
        %swap3A_1012 = tpu.vector_load %arg9[%swap3A_1011] {strides = array<i32>} : memref<32768xf32, #tpu.memory_space<vmem>>, vector<16xf32>,
        %swap3A_1013 = vector.shape_cast %swap3A_1012 : vector<16xf32> to vector<16xf32>
        %swap3A_1014 = vector.shape_cast %select_n3A_1008 : vector<16xf32> to vector<16xf32>
        tpu.vector_store %arg9[%swap3A_1011], %swap3A_1014 {strides = array<i32>} : memref<32768xf32, #tpu.memory_space<vmem>>, vector<16xf32>,
        %get3A_1015 = arith.index_cast %add3A_972 : i32 to index
        %get3A_1016 = arith.constant 32 : index
        %get3A_1017 = tpu.vector_load %arg8[%get3A_1015, %get3A_1016] {strides = array<i32>} : memref<512x64xf32, #tpu.memory_space<vmem>>, vector<1x16xf32>,
        %get3A_1018 = vector.shape_cast %get3A_1017 : vector<1x16xf32> to vector<16xf32>
        %get3A_1019 = arith.constant 0 : i32
        %get3A_1020 = arith.index_cast %get3A_1019 : i32 to index
        %get3A_1021 = arith.constant 32 : index
        %get3A_1022 = tpu.vector_load %arg7[%get3A_1020, %get3A_1021] {strides = array<i32>} : memref<8x64xf32, #tpu.memory_space<vmem>>, vector<1x16xf32>,
        %get3A_1023 = vector.shape_cast %get3A_1022 : vector<1x16xf32> to vector<16xf32>
        %select_n3A_1024 = arith.select %eq3A_976, %get3A_1023, %get3A_1018 : vector<16xf32>
        %add3A_1025 = arith.constant 32 : i32
        %add3A_1026 = arith.addi %multiple_of3A_982, %add3A_1025 : i32
        %swap3A_1027 = arith.index_cast %add3A_1026 : i32 to index
        %swap3A_1028 = tpu.vector_load %arg9[%swap3A_1027] {strides = array<i32>} : memref<32768xf32, #tpu.memory_space<vmem>>, vector<16xf32>,
        %swap3A_1029 = vector.shape_cast %swap3A_1028 : vector<16xf32> to vector<16xf32>
        %swap3A_1030 = vector.shape_cast %select_n3A_1024 : vector<16xf32> to vector<16xf32>
        tpu.vector_store %arg9[%swap3A_1027], %swap3A_1030 {strides = array<i32>} : memref<32768xf32, #tpu.memory_space<vmem>>, vector<16xf32>,
        %get3A_1031 = arith.index_cast %add3A_972 : i32 to index
        %get3A_1032 = arith.constant 48 : index
        %get3A_1033 = tpu.vector_load %arg8[%get3A_1031, %get3A_1032] {strides = array<i32>} : memref<512x64xf32, #tpu.memory_space<vmem>>, vector<1x16xf32>,
        %get3A_1034 = vector.shape_cast %get3A_1033 : vector<1x16xf32> to vector<16xf32>
        %get3A_1035 = arith.constant 0 : i32
        %get3A_1036 = arith.index_cast %get3A_1035 : i32 to index
        %get3A_1037 = arith.constant 48 : index
        %get3A_1038 = tpu.vector_load %arg7[%get3A_1036, %get3A_1037] {strides = array<i32>} : memref<8x64xf32, #tpu.memory_space<vmem>>, vector<1x16xf32>,
        %get3A_1039 = vector.shape_cast %get3A_1038 : vector<1x16xf32> to vector<16xf32>
        %select_n3A_1040 = arith.select %eq3A_976, %get3A_1039, %get3A_1034 : vector<16xf32>
        %add3A_1041 = arith.constant 48 : i32
        %add3A_1042 = arith.addi %multiple_of3A_982, %add3A_1041 : i32
        %swap3A_1043 = arith.index_cast %add3A_1042 : i32 to index
        %swap3A_1044 = tpu.vector_load %arg9[%swap3A_1043] {strides = array<i32>} : memref<32768xf32, #tpu.memory_space<vmem>>, vector<16xf32>,
        %swap3A_1045 = vector.shape_cast %swap3A_1044 : vector<16xf32> to vector<16xf32>
        %swap3A_1046 = vector.shape_cast %select_n3A_1040 : vector<16xf32> to vector<16xf32>
        tpu.vector_store %arg9[%swap3A_1043], %swap3A_1046 {strides = array<i32>} : memref<32768xf32, #tpu.memory_space<vmem>>, vector<16xf32>,
        %mul3A_1047 = arith.constant 16 : i32
        %mul3A_1048 = arith.muli %scan3A_87, %mul3A_1047 : i32
        %add3A_1049 = arith.constant 11 : i32
        %add3A_1050 = arith.addi %mul3A_1048, %add3A_1049 : i32
        %mul3A_1051 = arith.constant 32 : i32
        %mul3A_1052 = arith.muli %select_n3A_80, %mul3A_1051 : i32
        %add3A_1053 = arith.addi %mul3A_1052, %add3A_1050 : i32
        %mul3A_1054 = arith.constant 8 : i32
        %mul3A_1055 = arith.muli %add3A_1053, %mul3A_1054 : i32
        %slice3A_1056 = vector.extract_strided_slice %and3A_104 {offsets = [11], sizes = [1], strides = [1]} : vector<16xi32> to vector<1xi32>
        %squeeze3A_1057 = vector.extract %slice3A_1056[0] : i32 from vector<1xi32>
        %add3A_1058 = arith.addi %mul3A_1055, %squeeze3A_1057 : i32
        %slice3A_1059 = vector.extract_strided_slice %get3A_94 {offsets = [11], sizes = [1], strides = [1]} : vector<16xi32> to vector<1xi32>
        %squeeze3A_1060 = vector.extract %slice3A_1059[0] : i32 from vector<1xi32>
        %eq3A_1061 = arith.constant -1 : i32
        %eq3A_1062 = arith.cmpi eq, %squeeze3A_1060, %eq3A_1061 : i32
        %mul3A_1063 = arith.constant 32 : i32
        %mul3A_1064 = arith.muli %scan3A_33, %mul3A_1063 : i32
        %add3A_1065 = arith.addi %mul3A_1064, %add3A_1050 : i32
        %mul3A_1066 = arith.constant 64 : i32
        %mul3A_1067 = arith.muli %add3A_1065, %mul3A_1066 : i32
        %multiple_of3A_1068 = tpu.assume_multiple %mul3A_1067, 64 : i32
        %get3A_1069 = arith.index_cast %add3A_1058 : i32 to index
        %get3A_1070 = arith.constant 0 : index
        %get3A_1071 = tpu.vector_load %arg8[%get3A_1069, %get3A_1070] {strides = array<i32>} : memref<512x64xf32, #tpu.memory_space<vmem>>, vector<1x16xf32>,
        %get3A_1072 = vector.shape_cast %get3A_1071 : vector<1x16xf32> to vector<16xf32>
        %get3A_1073 = arith.constant 0 : i32
        %get3A_1074 = arith.index_cast %get3A_1073 : i32 to index
        %get3A_1075 = arith.constant 0 : index
        %get3A_1076 = tpu.vector_load %arg7[%get3A_1074, %get3A_1075] {strides = array<i32>} : memref<8x64xf32, #tpu.memory_space<vmem>>, vector<1x16xf32>,
        %get3A_1077 = vector.shape_cast %get3A_1076 : vector<1x16xf32> to vector<16xf32>
        %select_n3A_1078 = arith.select %eq3A_1062, %get3A_1077, %get3A_1072 : vector<16xf32>
        %add3A_1079 = arith.constant 0 : i32
        %add3A_1080 = arith.addi %multiple_of3A_1068, %add3A_1079 : i32
        %swap3A_1081 = arith.index_cast %add3A_1080 : i32 to index
        %swap3A_1082 = tpu.vector_load %arg9[%swap3A_1081] {strides = array<i32>} : memref<32768xf32, #tpu.memory_space<vmem>>, vector<16xf32>,
        %swap3A_1083 = vector.shape_cast %swap3A_1082 : vector<16xf32> to vector<16xf32>
        %swap3A_1084 = vector.shape_cast %select_n3A_1078 : vector<16xf32> to vector<16xf32>
        tpu.vector_store %arg9[%swap3A_1081], %swap3A_1084 {strides = array<i32>} : memref<32768xf32, #tpu.memory_space<vmem>>, vector<16xf32>,
        %get3A_1085 = arith.index_cast %add3A_1058 : i32 to index
        %get3A_1086 = arith.constant 16 : index
        %get3A_1087 = tpu.vector_load %arg8[%get3A_1085, %get3A_1086] {strides = array<i32>} : memref<512x64xf32, #tpu.memory_space<vmem>>, vector<1x16xf32>,
        %get3A_1088 = vector.shape_cast %get3A_1087 : vector<1x16xf32> to vector<16xf32>
        %get3A_1089 = arith.constant 0 : i32
        %get3A_1090 = arith.index_cast %get3A_1089 : i32 to index
        %get3A_1091 = arith.constant 16 : index
        %get3A_1092 = tpu.vector_load %arg7[%get3A_1090, %get3A_1091] {strides = array<i32>} : memref<8x64xf32, #tpu.memory_space<vmem>>, vector<1x16xf32>,
        %get3A_1093 = vector.shape_cast %get3A_1092 : vector<1x16xf32> to vector<16xf32>
        %select_n3A_1094 = arith.select %eq3A_1062, %get3A_1093, %get3A_1088 : vector<16xf32>
        %add3A_1095 = arith.constant 16 : i32
        %add3A_1096 = arith.addi %multiple_of3A_1068, %add3A_1095 : i32
        %swap3A_1097 = arith.index_cast %add3A_1096 : i32 to index
        %swap3A_1098 = tpu.vector_load %arg9[%swap3A_1097] {strides = array<i32>} : memref<32768xf32, #tpu.memory_space<vmem>>, vector<16xf32>,
        %swap3A_1099 = vector.shape_cast %swap3A_1098 : vector<16xf32> to vector<16xf32>
        %swap3A_1100 = vector.shape_cast %select_n3A_1094 : vector<16xf32> to vector<16xf32>
        tpu.vector_store %arg9[%swap3A_1097], %swap3A_1100 {strides = array<i32>} : memref<32768xf32, #tpu.memory_space<vmem>>, vector<16xf32>,
        %get3A_1101 = arith.index_cast %add3A_1058 : i32 to index
        %get3A_1102 = arith.constant 32 : index
        %get3A_1103 = tpu.vector_load %arg8[%get3A_1101, %get3A_1102] {strides = array<i32>} : memref<512x64xf32, #tpu.memory_space<vmem>>, vector<1x16xf32>,
        %get3A_1104 = vector.shape_cast %get3A_1103 : vector<1x16xf32> to vector<16xf32>
        %get3A_1105 = arith.constant 0 : i32
        %get3A_1106 = arith.index_cast %get3A_1105 : i32 to index
        %get3A_1107 = arith.constant 32 : index
        %get3A_1108 = tpu.vector_load %arg7[%get3A_1106, %get3A_1107] {strides = array<i32>} : memref<8x64xf32, #tpu.memory_space<vmem>>, vector<1x16xf32>,
        %get3A_1109 = vector.shape_cast %get3A_1108 : vector<1x16xf32> to vector<16xf32>
        %select_n3A_1110 = arith.select %eq3A_1062, %get3A_1109, %get3A_1104 : vector<16xf32>
        %add3A_1111 = arith.constant 32 : i32
        %add3A_1112 = arith.addi %multiple_of3A_1068, %add3A_1111 : i32
        %swap3A_1113 = arith.index_cast %add3A_1112 : i32 to index
        %swap3A_1114 = tpu.vector_load %arg9[%swap3A_1113] {strides = array<i32>} : memref<32768xf32, #tpu.memory_space<vmem>>, vector<16xf32>,
        %swap3A_1115 = vector.shape_cast %swap3A_1114 : vector<16xf32> to vector<16xf32>
        %swap3A_1116 = vector.shape_cast %select_n3A_1110 : vector<16xf32> to vector<16xf32>
        tpu.vector_store %arg9[%swap3A_1113], %swap3A_1116 {strides = array<i32>} : memref<32768xf32, #tpu.memory_space<vmem>>, vector<16xf32>,
        %get3A_1117 = arith.index_cast %add3A_1058 : i32 to index
        %get3A_1118 = arith.constant 48 : index
        %get3A_1119 = tpu.vector_load %arg8[%get3A_1117, %get3A_1118] {strides = array<i32>} : memref<512x64xf32, #tpu.memory_space<vmem>>, vector<1x16xf32>,
        %get3A_1120 = vector.shape_cast %get3A_1119 : vector<1x16xf32> to vector<16xf32>
        %get3A_1121 = arith.constant 0 : i32
        %get3A_1122 = arith.index_cast %get3A_1121 : i32 to index
        %get3A_1123 = arith.constant 48 : index
        %get3A_1124 = tpu.vector_load %arg7[%get3A_1122, %get3A_1123] {strides = array<i32>} : memref<8x64xf32, #tpu.memory_space<vmem>>, vector<1x16xf32>,
        %get3A_1125 = vector.shape_cast %get3A_1124 : vector<1x16xf32> to vector<16xf32>
        %select_n3A_1126 = arith.select %eq3A_1062, %get3A_1125, %get3A_1120 : vector<16xf32>
        %add3A_1127 = arith.constant 48 : i32
        %add3A_1128 = arith.addi %multiple_of3A_1068, %add3A_1127 : i32
        %swap3A_1129 = arith.index_cast %add3A_1128 : i32 to index
        %swap3A_1130 = tpu.vector_load %arg9[%swap3A_1129] {strides = array<i32>} : memref<32768xf32, #tpu.memory_space<vmem>>, vector<16xf32>,
        %swap3A_1131 = vector.shape_cast %swap3A_1130 : vector<16xf32> to vector<16xf32>
        %swap3A_1132 = vector.shape_cast %select_n3A_1126 : vector<16xf32> to vector<16xf32>
        tpu.vector_store %arg9[%swap3A_1129], %swap3A_1132 {strides = array<i32>} : memref<32768xf32, #tpu.memory_space<vmem>>, vector<16xf32>,
        %mul3A_1133 = arith.constant 16 : i32
        %mul3A_1134 = arith.muli %scan3A_87, %mul3A_1133 : i32
        %add3A_1135 = arith.constant 12 : i32
        %add3A_1136 = arith.addi %mul3A_1134, %add3A_1135 : i32
        %mul3A_1137 = arith.constant 32 : i32
        %mul3A_1138 = arith.muli %select_n3A_80, %mul3A_1137 : i32
        %add3A_1139 = arith.addi %mul3A_1138, %add3A_1136 : i32
        %mul3A_1140 = arith.constant 8 : i32
        %mul3A_1141 = arith.muli %add3A_1139, %mul3A_1140 : i32
        %slice3A_1142 = vector.extract_strided_slice %and3A_104 {offsets = [12], sizes = [1], strides = [1]} : vector<16xi32> to vector<1xi32>
        %squeeze3A_1143 = vector.extract %slice3A_1142[0] : i32 from vector<1xi32>
        %add3A_1144 = arith.addi %mul3A_1141, %squeeze3A_1143 : i32
        %slice3A_1145 = vector.extract_strided_slice %get3A_94 {offsets = [12], sizes = [1], strides = [1]} : vector<16xi32> to vector<1xi32>
        %squeeze3A_1146 = vector.extract %slice3A_1145[0] : i32 from vector<1xi32>
        %eq3A_1147 = arith.constant -1 : i32
        %eq3A_1148 = arith.cmpi eq, %squeeze3A_1146, %eq3A_1147 : i32
        %mul3A_1149 = arith.constant 32 : i32
        %mul3A_1150 = arith.muli %scan3A_33, %mul3A_1149 : i32
        %add3A_1151 = arith.addi %mul3A_1150, %add3A_1136 : i32
        %mul3A_1152 = arith.constant 64 : i32
        %mul3A_1153 = arith.muli %add3A_1151, %mul3A_1152 : i32
        %multiple_of3A_1154 = tpu.assume_multiple %mul3A_1153, 64 : i32
        %get3A_1155 = arith.index_cast %add3A_1144 : i32 to index
        %get3A_1156 = arith.constant 0 : index
        %get3A_1157 = tpu.vector_load %arg8[%get3A_1155, %get3A_1156] {strides = array<i32>} : memref<512x64xf32, #tpu.memory_space<vmem>>, vector<1x16xf32>,
        %get3A_1158 = vector.shape_cast %get3A_1157 : vector<1x16xf32> to vector<16xf32>
        %get3A_1159 = arith.constant 0 : i32
        %get3A_1160 = arith.index_cast %get3A_1159 : i32 to index
        %get3A_1161 = arith.constant 0 : index
        %get3A_1162 = tpu.vector_load %arg7[%get3A_1160, %get3A_1161] {strides = array<i32>} : memref<8x64xf32, #tpu.memory_space<vmem>>, vector<1x16xf32>,
        %get3A_1163 = vector.shape_cast %get3A_1162 : vector<1x16xf32> to vector<16xf32>
        %select_n3A_1164 = arith.select %eq3A_1148, %get3A_1163, %get3A_1158 : vector<16xf32>
        %add3A_1165 = arith.constant 0 : i32
        %add3A_1166 = arith.addi %multiple_of3A_1154, %add3A_1165 : i32
        %swap3A_1167 = arith.index_cast %add3A_1166 : i32 to index
        %swap3A_1168 = tpu.vector_load %arg9[%swap3A_1167] {strides = array<i32>} : memref<32768xf32, #tpu.memory_space<vmem>>, vector<16xf32>,
        %swap3A_1169 = vector.shape_cast %swap3A_1168 : vector<16xf32> to vector<16xf32>
        %swap3A_1170 = vector.shape_cast %select_n3A_1164 : vector<16xf32> to vector<16xf32>
        tpu.vector_store %arg9[%swap3A_1167], %swap3A_1170 {strides = array<i32>} : memref<32768xf32, #tpu.memory_space<vmem>>, vector<16xf32>,
        %get3A_1171 = arith.index_cast %add3A_1144 : i32 to index
        %get3A_1172 = arith.constant 16 : index
        %get3A_1173 = tpu.vector_load %arg8[%get3A_1171, %get3A_1172] {strides = array<i32>} : memref<512x64xf32, #tpu.memory_space<vmem>>, vector<1x16xf32>,
        %get3A_1174 = vector.shape_cast %get3A_1173 : vector<1x16xf32> to vector<16xf32>
        %get3A_1175 = arith.constant 0 : i32
        %get3A_1176 = arith.index_cast %get3A_1175 : i32 to index
        %get3A_1177 = arith.constant 16 : index
        %get3A_1178 = tpu.vector_load %arg7[%get3A_1176, %get3A_1177] {strides = array<i32>} : memref<8x64xf32, #tpu.memory_space<vmem>>, vector<1x16xf32>,
        %get3A_1179 = vector.shape_cast %get3A_1178 : vector<1x16xf32> to vector<16xf32>
        %select_n3A_1180 = arith.select %eq3A_1148, %get3A_1179, %get3A_1174 : vector<16xf32>
        %add3A_1181 = arith.constant 16 : i32
        %add3A_1182 = arith.addi %multiple_of3A_1154, %add3A_1181 : i32
        %swap3A_1183 = arith.index_cast %add3A_1182 : i32 to index
        %swap3A_1184 = tpu.vector_load %arg9[%swap3A_1183] {strides = array<i32>} : memref<32768xf32, #tpu.memory_space<vmem>>, vector<16xf32>,
        %swap3A_1185 = vector.shape_cast %swap3A_1184 : vector<16xf32> to vector<16xf32>
        %swap3A_1186 = vector.shape_cast %select_n3A_1180 : vector<16xf32> to vector<16xf32>
        tpu.vector_store %arg9[%swap3A_1183], %swap3A_1186 {strides = array<i32>} : memref<32768xf32, #tpu.memory_space<vmem>>, vector<16xf32>,
        %get3A_1187 = arith.index_cast %add3A_1144 : i32 to index
        %get3A_1188 = arith.constant 32 : index
        %get3A_1189 = tpu.vector_load %arg8[%get3A_1187, %get3A_1188] {strides = array<i32>} : memref<512x64xf32, #tpu.memory_space<vmem>>, vector<1x16xf32>,
        %get3A_1190 = vector.shape_cast %get3A_1189 : vector<1x16xf32> to vector<16xf32>
        %get3A_1191 = arith.constant 0 : i32
        %get3A_1192 = arith.index_cast %get3A_1191 : i32 to index
        %get3A_1193 = arith.constant 32 : index
        %get3A_1194 = tpu.vector_load %arg7[%get3A_1192, %get3A_1193] {strides = array<i32>} : memref<8x64xf32, #tpu.memory_space<vmem>>, vector<1x16xf32>,
        %get3A_1195 = vector.shape_cast %get3A_1194 : vector<1x16xf32> to vector<16xf32>
        %select_n3A_1196 = arith.select %eq3A_1148, %get3A_1195, %get3A_1190 : vector<16xf32>
        %add3A_1197 = arith.constant 32 : i32
        %add3A_1198 = arith.addi %multiple_of3A_1154, %add3A_1197 : i32
        %swap3A_1199 = arith.index_cast %add3A_1198 : i32 to index
        %swap3A_1200 = tpu.vector_load %arg9[%swap3A_1199] {strides = array<i32>} : memref<32768xf32, #tpu.memory_space<vmem>>, vector<16xf32>,
        %swap3A_1201 = vector.shape_cast %swap3A_1200 : vector<16xf32> to vector<16xf32>
        %swap3A_1202 = vector.shape_cast %select_n3A_1196 : vector<16xf32> to vector<16xf32>
        tpu.vector_store %arg9[%swap3A_1199], %swap3A_1202 {strides = array<i32>} : memref<32768xf32, #tpu.memory_space<vmem>>, vector<16xf32>,
        %get3A_1203 = arith.index_cast %add3A_1144 : i32 to index
        %get3A_1204 = arith.constant 48 : index
        %get3A_1205 = tpu.vector_load %arg8[%get3A_1203, %get3A_1204] {strides = array<i32>} : memref<512x64xf32, #tpu.memory_space<vmem>>, vector<1x16xf32>,
        %get3A_1206 = vector.shape_cast %get3A_1205 : vector<1x16xf32> to vector<16xf32>
        %get3A_1207 = arith.constant 0 : i32
        %get3A_1208 = arith.index_cast %get3A_1207 : i32 to index
        %get3A_1209 = arith.constant 48 : index
        %get3A_1210 = tpu.vector_load %arg7[%get3A_1208, %get3A_1209] {strides = array<i32>} : memref<8x64xf32, #tpu.memory_space<vmem>>, vector<1x16xf32>,
        %get3A_1211 = vector.shape_cast %get3A_1210 : vector<1x16xf32> to vector<16xf32>
        %select_n3A_1212 = arith.select %eq3A_1148, %get3A_1211, %get3A_1206 : vector<16xf32>
        %add3A_1213 = arith.constant 48 : i32
        %add3A_1214 = arith.addi %multiple_of3A_1154, %add3A_1213 : i32
        %swap3A_1215 = arith.index_cast %add3A_1214 : i32 to index
        %swap3A_1216 = tpu.vector_load %arg9[%swap3A_1215] {strides = array<i32>} : memref<32768xf32, #tpu.memory_space<vmem>>, vector<16xf32>,
        %swap3A_1217 = vector.shape_cast %swap3A_1216 : vector<16xf32> to vector<16xf32>
        %swap3A_1218 = vector.shape_cast %select_n3A_1212 : vector<16xf32> to vector<16xf32>
        tpu.vector_store %arg9[%swap3A_1215], %swap3A_1218 {strides = array<i32>} : memref<32768xf32, #tpu.memory_space<vmem>>, vector<16xf32>,
        %mul3A_1219 = arith.constant 16 : i32
        %mul3A_1220 = arith.muli %scan3A_87, %mul3A_1219 : i32
        %add3A_1221 = arith.constant 13 : i32
        %add3A_1222 = arith.addi %mul3A_1220, %add3A_1221 : i32
        %mul3A_1223 = arith.constant 32 : i32
        %mul3A_1224 = arith.muli %select_n3A_80, %mul3A_1223 : i32
        %add3A_1225 = arith.addi %mul3A_1224, %add3A_1222 : i32
        %mul3A_1226 = arith.constant 8 : i32
        %mul3A_1227 = arith.muli %add3A_1225, %mul3A_1226 : i32
        %slice3A_1228 = vector.extract_strided_slice %and3A_104 {offsets = [13], sizes = [1], strides = [1]} : vector<16xi32> to vector<1xi32>
        %squeeze3A_1229 = vector.extract %slice3A_1228[0] : i32 from vector<1xi32>
        %add3A_1230 = arith.addi %mul3A_1227, %squeeze3A_1229 : i32
        %slice3A_1231 = vector.extract_strided_slice %get3A_94 {offsets = [13], sizes = [1], strides = [1]} : vector<16xi32> to vector<1xi32>
        %squeeze3A_1232 = vector.extract %slice3A_1231[0] : i32 from vector<1xi32>
        %eq3A_1233 = arith.constant -1 : i32
        %eq3A_1234 = arith.cmpi eq, %squeeze3A_1232, %eq3A_1233 : i32
        %mul3A_1235 = arith.constant 32 : i32
        %mul3A_1236 = arith.muli %scan3A_33, %mul3A_1235 : i32
        %add3A_1237 = arith.addi %mul3A_1236, %add3A_1222 : i32
        %mul3A_1238 = arith.constant 64 : i32
        %mul3A_1239 = arith.muli %add3A_1237, %mul3A_1238 : i32
        %multiple_of3A_1240 = tpu.assume_multiple %mul3A_1239, 64 : i32
        %get3A_1241 = arith.index_cast %add3A_1230 : i32 to index
        %get3A_1242 = arith.constant 0 : index
        %get3A_1243 = tpu.vector_load %arg8[%get3A_1241, %get3A_1242] {strides = array<i32>} : memref<512x64xf32, #tpu.memory_space<vmem>>, vector<1x16xf32>,
        %get3A_1244 = vector.shape_cast %get3A_1243 : vector<1x16xf32> to vector<16xf32>
        %get3A_1245 = arith.constant 0 : i32
        %get3A_1246 = arith.index_cast %get3A_1245 : i32 to index
        %get3A_1247 = arith.constant 0 : index
        %get3A_1248 = tpu.vector_load %arg7[%get3A_1246, %get3A_1247] {strides = array<i32>} : memref<8x64xf32, #tpu.memory_space<vmem>>, vector<1x16xf32>,
        %get3A_1249 = vector.shape_cast %get3A_1248 : vector<1x16xf32> to vector<16xf32>
        %select_n3A_1250 = arith.select %eq3A_1234, %get3A_1249, %get3A_1244 : vector<16xf32>
        %add3A_1251 = arith.constant 0 : i32
        %add3A_1252 = arith.addi %multiple_of3A_1240, %add3A_1251 : i32
        %swap3A_1253 = arith.index_cast %add3A_1252 : i32 to index
        %swap3A_1254 = tpu.vector_load %arg9[%swap3A_1253] {strides = array<i32>} : memref<32768xf32, #tpu.memory_space<vmem>>, vector<16xf32>,
        %swap3A_1255 = vector.shape_cast %swap3A_1254 : vector<16xf32> to vector<16xf32>
        %swap3A_1256 = vector.shape_cast %select_n3A_1250 : vector<16xf32> to vector<16xf32>
        tpu.vector_store %arg9[%swap3A_1253], %swap3A_1256 {strides = array<i32>} : memref<32768xf32, #tpu.memory_space<vmem>>, vector<16xf32>,
        %get3A_1257 = arith.index_cast %add3A_1230 : i32 to index
        %get3A_1258 = arith.constant 16 : index
        %get3A_1259 = tpu.vector_load %arg8[%get3A_1257, %get3A_1258] {strides = array<i32>} : memref<512x64xf32, #tpu.memory_space<vmem>>, vector<1x16xf32>,
        %get3A_1260 = vector.shape_cast %get3A_1259 : vector<1x16xf32> to vector<16xf32>
        %get3A_1261 = arith.constant 0 : i32
        %get3A_1262 = arith.index_cast %get3A_1261 : i32 to index
        %get3A_1263 = arith.constant 16 : index
        %get3A_1264 = tpu.vector_load %arg7[%get3A_1262, %get3A_1263] {strides = array<i32>} : memref<8x64xf32, #tpu.memory_space<vmem>>, vector<1x16xf32>,
        %get3A_1265 = vector.shape_cast %get3A_1264 : vector<1x16xf32> to vector<16xf32>
        %select_n3A_1266 = arith.select %eq3A_1234, %get3A_1265, %get3A_1260 : vector<16xf32>
        %add3A_1267 = arith.constant 16 : i32
        %add3A_1268 = arith.addi %multiple_of3A_1240, %add3A_1267 : i32
        %swap3A_1269 = arith.index_cast %add3A_1268 : i32 to index
        %swap3A_1270 = tpu.vector_load %arg9[%swap3A_1269] {strides = array<i32>} : memref<32768xf32, #tpu.memory_space<vmem>>, vector<16xf32>,
        %swap3A_1271 = vector.shape_cast %swap3A_1270 : vector<16xf32> to vector<16xf32>
        %swap3A_1272 = vector.shape_cast %select_n3A_1266 : vector<16xf32> to vector<16xf32>
        tpu.vector_store %arg9[%swap3A_1269], %swap3A_1272 {strides = array<i32>} : memref<32768xf32, #tpu.memory_space<vmem>>, vector<16xf32>,
        %get3A_1273 = arith.index_cast %add3A_1230 : i32 to index
        %get3A_1274 = arith.constant 32 : index
        %get3A_1275 = tpu.vector_load %arg8[%get3A_1273, %get3A_1274] {strides = array<i32>} : memref<512x64xf32, #tpu.memory_space<vmem>>, vector<1x16xf32>,
        %get3A_1276 = vector.shape_cast %get3A_1275 : vector<1x16xf32> to vector<16xf32>
        %get3A_1277 = arith.constant 0 : i32
        %get3A_1278 = arith.index_cast %get3A_1277 : i32 to index
        %get3A_1279 = arith.constant 32 : index
        %get3A_1280 = tpu.vector_load %arg7[%get3A_1278, %get3A_1279] {strides = array<i32>} : memref<8x64xf32, #tpu.memory_space<vmem>>, vector<1x16xf32>,
        %get3A_1281 = vector.shape_cast %get3A_1280 : vector<1x16xf32> to vector<16xf32>
        %select_n3A_1282 = arith.select %eq3A_1234, %get3A_1281, %get3A_1276 : vector<16xf32>
        %add3A_1283 = arith.constant 32 : i32
        %add3A_1284 = arith.addi %multiple_of3A_1240, %add3A_1283 : i32
        %swap3A_1285 = arith.index_cast %add3A_1284 : i32 to index
        %swap3A_1286 = tpu.vector_load %arg9[%swap3A_1285] {strides = array<i32>} : memref<32768xf32, #tpu.memory_space<vmem>>, vector<16xf32>,
        %swap3A_1287 = vector.shape_cast %swap3A_1286 : vector<16xf32> to vector<16xf32>
        %swap3A_1288 = vector.shape_cast %select_n3A_1282 : vector<16xf32> to vector<16xf32>
        tpu.vector_store %arg9[%swap3A_1285], %swap3A_1288 {strides = array<i32>} : memref<32768xf32, #tpu.memory_space<vmem>>, vector<16xf32>,
        %get3A_1289 = arith.index_cast %add3A_1230 : i32 to index
        %get3A_1290 = arith.constant 48 : index
        %get3A_1291 = tpu.vector_load %arg8[%get3A_1289, %get3A_1290] {strides = array<i32>} : memref<512x64xf32, #tpu.memory_space<vmem>>, vector<1x16xf32>,
        %get3A_1292 = vector.shape_cast %get3A_1291 : vector<1x16xf32> to vector<16xf32>
        %get3A_1293 = arith.constant 0 : i32
        %get3A_1294 = arith.index_cast %get3A_1293 : i32 to index
        %get3A_1295 = arith.constant 48 : index
        %get3A_1296 = tpu.vector_load %arg7[%get3A_1294, %get3A_1295] {strides = array<i32>} : memref<8x64xf32, #tpu.memory_space<vmem>>, vector<1x16xf32>,
        %get3A_1297 = vector.shape_cast %get3A_1296 : vector<1x16xf32> to vector<16xf32>
        %select_n3A_1298 = arith.select %eq3A_1234, %get3A_1297, %get3A_1292 : vector<16xf32>
        %add3A_1299 = arith.constant 48 : i32
        %add3A_1300 = arith.addi %multiple_of3A_1240, %add3A_1299 : i32
        %swap3A_1301 = arith.index_cast %add3A_1300 : i32 to index
        %swap3A_1302 = tpu.vector_load %arg9[%swap3A_1301] {strides = array<i32>} : memref<32768xf32, #tpu.memory_space<vmem>>, vector<16xf32>,
        %swap3A_1303 = vector.shape_cast %swap3A_1302 : vector<16xf32> to vector<16xf32>
        %swap3A_1304 = vector.shape_cast %select_n3A_1298 : vector<16xf32> to vector<16xf32>
        tpu.vector_store %arg9[%swap3A_1301], %swap3A_1304 {strides = array<i32>} : memref<32768xf32, #tpu.memory_space<vmem>>, vector<16xf32>,
        %mul3A_1305 = arith.constant 16 : i32
        %mul3A_1306 = arith.muli %scan3A_87, %mul3A_1305 : i32
        %add3A_1307 = arith.constant 14 : i32
        %add3A_1308 = arith.addi %mul3A_1306, %add3A_1307 : i32
        %mul3A_1309 = arith.constant 32 : i32
        %mul3A_1310 = arith.muli %select_n3A_80, %mul3A_1309 : i32
        %add3A_1311 = arith.addi %mul3A_1310, %add3A_1308 : i32
        %mul3A_1312 = arith.constant 8 : i32
        %mul3A_1313 = arith.muli %add3A_1311, %mul3A_1312 : i32
        %slice3A_1314 = vector.extract_strided_slice %and3A_104 {offsets = [14], sizes = [1], strides = [1]} : vector<16xi32> to vector<1xi32>
        %squeeze3A_1315 = vector.extract %slice3A_1314[0] : i32 from vector<1xi32>
        %add3A_1316 = arith.addi %mul3A_1313, %squeeze3A_1315 : i32
        %slice3A_1317 = vector.extract_strided_slice %get3A_94 {offsets = [14], sizes = [1], strides = [1]} : vector<16xi32> to vector<1xi32>
        %squeeze3A_1318 = vector.extract %slice3A_1317[0] : i32 from vector<1xi32>
        %eq3A_1319 = arith.constant -1 : i32
        %eq3A_1320 = arith.cmpi eq, %squeeze3A_1318, %eq3A_1319 : i32
        %mul3A_1321 = arith.constant 32 : i32
        %mul3A_1322 = arith.muli %scan3A_33, %mul3A_1321 : i32
        %add3A_1323 = arith.addi %mul3A_1322, %add3A_1308 : i32
        %mul3A_1324 = arith.constant 64 : i32
        %mul3A_1325 = arith.muli %add3A_1323, %mul3A_1324 : i32
        %multiple_of3A_1326 = tpu.assume_multiple %mul3A_1325, 64 : i32
        %get3A_1327 = arith.index_cast %add3A_1316 : i32 to index
        %get3A_1328 = arith.constant 0 : index
        %get3A_1329 = tpu.vector_load %arg8[%get3A_1327, %get3A_1328] {strides = array<i32>} : memref<512x64xf32, #tpu.memory_space<vmem>>, vector<1x16xf32>,
        %get3A_1330 = vector.shape_cast %get3A_1329 : vector<1x16xf32> to vector<16xf32>
        %get3A_1331 = arith.constant 0 : i32
        %get3A_1332 = arith.index_cast %get3A_1331 : i32 to index
        %get3A_1333 = arith.constant 0 : index
        %get3A_1334 = tpu.vector_load %arg7[%get3A_1332, %get3A_1333] {strides = array<i32>} : memref<8x64xf32, #tpu.memory_space<vmem>>, vector<1x16xf32>,
        %get3A_1335 = vector.shape_cast %get3A_1334 : vector<1x16xf32> to vector<16xf32>
        %select_n3A_1336 = arith.select %eq3A_1320, %get3A_1335, %get3A_1330 : vector<16xf32>
        %add3A_1337 = arith.constant 0 : i32
        %add3A_1338 = arith.addi %multiple_of3A_1326, %add3A_1337 : i32
        %swap3A_1339 = arith.index_cast %add3A_1338 : i32 to index
        %swap3A_1340 = tpu.vector_load %arg9[%swap3A_1339] {strides = array<i32>} : memref<32768xf32, #tpu.memory_space<vmem>>, vector<16xf32>,
        %swap3A_1341 = vector.shape_cast %swap3A_1340 : vector<16xf32> to vector<16xf32>
        %swap3A_1342 = vector.shape_cast %select_n3A_1336 : vector<16xf32> to vector<16xf32>
        tpu.vector_store %arg9[%swap3A_1339], %swap3A_1342 {strides = array<i32>} : memref<32768xf32, #tpu.memory_space<vmem>>, vector<16xf32>,
        %get3A_1343 = arith.index_cast %add3A_1316 : i32 to index
        %get3A_1344 = arith.constant 16 : index
        %get3A_1345 = tpu.vector_load %arg8[%get3A_1343, %get3A_1344] {strides = array<i32>} : memref<512x64xf32, #tpu.memory_space<vmem>>, vector<1x16xf32>,
        %get3A_1346 = vector.shape_cast %get3A_1345 : vector<1x16xf32> to vector<16xf32>
        %get3A_1347 = arith.constant 0 : i32
        %get3A_1348 = arith.index_cast %get3A_1347 : i32 to index
        %get3A_1349 = arith.constant 16 : index
        %get3A_1350 = tpu.vector_load %arg7[%get3A_1348, %get3A_1349] {strides = array<i32>} : memref<8x64xf32, #tpu.memory_space<vmem>>, vector<1x16xf32>,
        %get3A_1351 = vector.shape_cast %get3A_1350 : vector<1x16xf32> to vector<16xf32>
        %select_n3A_1352 = arith.select %eq3A_1320, %get3A_1351, %get3A_1346 : vector<16xf32>
        %add3A_1353 = arith.constant 16 : i32
        %add3A_1354 = arith.addi %multiple_of3A_1326, %add3A_1353 : i32
        %swap3A_1355 = arith.index_cast %add3A_1354 : i32 to index
        %swap3A_1356 = tpu.vector_load %arg9[%swap3A_1355] {strides = array<i32>} : memref<32768xf32, #tpu.memory_space<vmem>>, vector<16xf32>,
        %swap3A_1357 = vector.shape_cast %swap3A_1356 : vector<16xf32> to vector<16xf32>
        %swap3A_1358 = vector.shape_cast %select_n3A_1352 : vector<16xf32> to vector<16xf32>
        tpu.vector_store %arg9[%swap3A_1355], %swap3A_1358 {strides = array<i32>} : memref<32768xf32, #tpu.memory_space<vmem>>, vector<16xf32>,
        %get3A_1359 = arith.index_cast %add3A_1316 : i32 to index
        %get3A_1360 = arith.constant 32 : index
        %get3A_1361 = tpu.vector_load %arg8[%get3A_1359, %get3A_1360] {strides = array<i32>} : memref<512x64xf32, #tpu.memory_space<vmem>>, vector<1x16xf32>,
        %get3A_1362 = vector.shape_cast %get3A_1361 : vector<1x16xf32> to vector<16xf32>
        %get3A_1363 = arith.constant 0 : i32
        %get3A_1364 = arith.index_cast %get3A_1363 : i32 to index
        %get3A_1365 = arith.constant 32 : index
        %get3A_1366 = tpu.vector_load %arg7[%get3A_1364, %get3A_1365] {strides = array<i32>} : memref<8x64xf32, #tpu.memory_space<vmem>>, vector<1x16xf32>,
        %get3A_1367 = vector.shape_cast %get3A_1366 : vector<1x16xf32> to vector<16xf32>
        %select_n3A_1368 = arith.select %eq3A_1320, %get3A_1367, %get3A_1362 : vector<16xf32>
        %add3A_1369 = arith.constant 32 : i32
        %add3A_1370 = arith.addi %multiple_of3A_1326, %add3A_1369 : i32
        %swap3A_1371 = arith.index_cast %add3A_1370 : i32 to index
        %swap3A_1372 = tpu.vector_load %arg9[%swap3A_1371] {strides = array<i32>} : memref<32768xf32, #tpu.memory_space<vmem>>, vector<16xf32>,
        %swap3A_1373 = vector.shape_cast %swap3A_1372 : vector<16xf32> to vector<16xf32>
        %swap3A_1374 = vector.shape_cast %select_n3A_1368 : vector<16xf32> to vector<16xf32>
        tpu.vector_store %arg9[%swap3A_1371], %swap3A_1374 {strides = array<i32>} : memref<32768xf32, #tpu.memory_space<vmem>>, vector<16xf32>,
        %get3A_1375 = arith.index_cast %add3A_1316 : i32 to index
        %get3A_1376 = arith.constant 48 : index
        %get3A_1377 = tpu.vector_load %arg8[%get3A_1375, %get3A_1376] {strides = array<i32>} : memref<512x64xf32, #tpu.memory_space<vmem>>, vector<1x16xf32>,
        %get3A_1378 = vector.shape_cast %get3A_1377 : vector<1x16xf32> to vector<16xf32>
        %get3A_1379 = arith.constant 0 : i32
        %get3A_1380 = arith.index_cast %get3A_1379 : i32 to index
        %get3A_1381 = arith.constant 48 : index
        %get3A_1382 = tpu.vector_load %arg7[%get3A_1380, %get3A_1381] {strides = array<i32>} : memref<8x64xf32, #tpu.memory_space<vmem>>, vector<1x16xf32>,
        %get3A_1383 = vector.shape_cast %get3A_1382 : vector<1x16xf32> to vector<16xf32>
        %select_n3A_1384 = arith.select %eq3A_1320, %get3A_1383, %get3A_1378 : vector<16xf32>
        %add3A_1385 = arith.constant 48 : i32
        %add3A_1386 = arith.addi %multiple_of3A_1326, %add3A_1385 : i32
        %swap3A_1387 = arith.index_cast %add3A_1386 : i32 to index
        %swap3A_1388 = tpu.vector_load %arg9[%swap3A_1387] {strides = array<i32>} : memref<32768xf32, #tpu.memory_space<vmem>>, vector<16xf32>,
        %swap3A_1389 = vector.shape_cast %swap3A_1388 : vector<16xf32> to vector<16xf32>
        %swap3A_1390 = vector.shape_cast %select_n3A_1384 : vector<16xf32> to vector<16xf32>
        tpu.vector_store %arg9[%swap3A_1387], %swap3A_1390 {strides = array<i32>} : memref<32768xf32, #tpu.memory_space<vmem>>, vector<16xf32>,
        %mul3A_1391 = arith.constant 16 : i32
        %mul3A_1392 = arith.muli %scan3A_87, %mul3A_1391 : i32
        %add3A_1393 = arith.constant 15 : i32
        %add3A_1394 = arith.addi %mul3A_1392, %add3A_1393 : i32
        %mul3A_1395 = arith.constant 32 : i32
        %mul3A_1396 = arith.muli %select_n3A_80, %mul3A_1395 : i32
        %add3A_1397 = arith.addi %mul3A_1396, %add3A_1394 : i32
        %mul3A_1398 = arith.constant 8 : i32
        %mul3A_1399 = arith.muli %add3A_1397, %mul3A_1398 : i32
        %slice3A_1400 = vector.extract_strided_slice %and3A_104 {offsets = [15], sizes = [1], strides = [1]} : vector<16xi32> to vector<1xi32>
        %squeeze3A_1401 = vector.extract %slice3A_1400[0] : i32 from vector<1xi32>
        %add3A_1402 = arith.addi %mul3A_1399, %squeeze3A_1401 : i32
        %slice3A_1403 = vector.extract_strided_slice %get3A_94 {offsets = [15], sizes = [1], strides = [1]} : vector<16xi32> to vector<1xi32>
        %squeeze3A_1404 = vector.extract %slice3A_1403[0] : i32 from vector<1xi32>
        %eq3A_1405 = arith.constant -1 : i32
        %eq3A_1406 = arith.cmpi eq, %squeeze3A_1404, %eq3A_1405 : i32
        %mul3A_1407 = arith.constant 32 : i32
        %mul3A_1408 = arith.muli %scan3A_33, %mul3A_1407 : i32
        %add3A_1409 = arith.addi %mul3A_1408, %add3A_1394 : i32
        %mul3A_1410 = arith.constant 64 : i32
        %mul3A_1411 = arith.muli %add3A_1409, %mul3A_1410 : i32
        %multiple_of3A_1412 = tpu.assume_multiple %mul3A_1411, 64 : i32
        %get3A_1413 = arith.index_cast %add3A_1402 : i32 to index
        %get3A_1414 = arith.constant 0 : index
        %get3A_1415 = tpu.vector_load %arg8[%get3A_1413, %get3A_1414] {strides = array<i32>} : memref<512x64xf32, #tpu.memory_space<vmem>>, vector<1x16xf32>,
        %get3A_1416 = vector.shape_cast %get3A_1415 : vector<1x16xf32> to vector<16xf32>
        %get3A_1417 = arith.constant 0 : i32
        %get3A_1418 = arith.index_cast %get3A_1417 : i32 to index
        %get3A_1419 = arith.constant 0 : index
        %get3A_1420 = tpu.vector_load %arg7[%get3A_1418, %get3A_1419] {strides = array<i32>} : memref<8x64xf32, #tpu.memory_space<vmem>>, vector<1x16xf32>,
        %get3A_1421 = vector.shape_cast %get3A_1420 : vector<1x16xf32> to vector<16xf32>
        %select_n3A_1422 = arith.select %eq3A_1406, %get3A_1421, %get3A_1416 : vector<16xf32>
        %add3A_1423 = arith.constant 0 : i32
        %add3A_1424 = arith.addi %multiple_of3A_1412, %add3A_1423 : i32
        %swap3A_1425 = arith.index_cast %add3A_1424 : i32 to index
        %swap3A_1426 = tpu.vector_load %arg9[%swap3A_1425] {strides = array<i32>} : memref<32768xf32, #tpu.memory_space<vmem>>, vector<16xf32>,
        %swap3A_1427 = vector.shape_cast %swap3A_1426 : vector<16xf32> to vector<16xf32>
        %swap3A_1428 = vector.shape_cast %select_n3A_1422 : vector<16xf32> to vector<16xf32>
        tpu.vector_store %arg9[%swap3A_1425], %swap3A_1428 {strides = array<i32>} : memref<32768xf32, #tpu.memory_space<vmem>>, vector<16xf32>,
        %get3A_1429 = arith.index_cast %add3A_1402 : i32 to index
        %get3A_1430 = arith.constant 16 : index
        %get3A_1431 = tpu.vector_load %arg8[%get3A_1429, %get3A_1430] {strides = array<i32>} : memref<512x64xf32, #tpu.memory_space<vmem>>, vector<1x16xf32>,
        %get3A_1432 = vector.shape_cast %get3A_1431 : vector<1x16xf32> to vector<16xf32>
        %get3A_1433 = arith.constant 0 : i32
        %get3A_1434 = arith.index_cast %get3A_1433 : i32 to index
        %get3A_1435 = arith.constant 16 : index
        %get3A_1436 = tpu.vector_load %arg7[%get3A_1434, %get3A_1435] {strides = array<i32>} : memref<8x64xf32, #tpu.memory_space<vmem>>, vector<1x16xf32>,
        %get3A_1437 = vector.shape_cast %get3A_1436 : vector<1x16xf32> to vector<16xf32>
        %select_n3A_1438 = arith.select %eq3A_1406, %get3A_1437, %get3A_1432 : vector<16xf32>
        %add3A_1439 = arith.constant 16 : i32
        %add3A_1440 = arith.addi %multiple_of3A_1412, %add3A_1439 : i32
        %swap3A_1441 = arith.index_cast %add3A_1440 : i32 to index
        %swap3A_1442 = tpu.vector_load %arg9[%swap3A_1441] {strides = array<i32>} : memref<32768xf32, #tpu.memory_space<vmem>>, vector<16xf32>,
        %swap3A_1443 = vector.shape_cast %swap3A_1442 : vector<16xf32> to vector<16xf32>
        %swap3A_1444 = vector.shape_cast %select_n3A_1438 : vector<16xf32> to vector<16xf32>
        tpu.vector_store %arg9[%swap3A_1441], %swap3A_1444 {strides = array<i32>} : memref<32768xf32, #tpu.memory_space<vmem>>, vector<16xf32>,
        %get3A_1445 = arith.index_cast %add3A_1402 : i32 to index
        %get3A_1446 = arith.constant 32 : index
        %get3A_1447 = tpu.vector_load %arg8[%get3A_1445, %get3A_1446] {strides = array<i32>} : memref<512x64xf32, #tpu.memory_space<vmem>>, vector<1x16xf32>,
        %get3A_1448 = vector.shape_cast %get3A_1447 : vector<1x16xf32> to vector<16xf32>
        %get3A_1449 = arith.constant 0 : i32
        %get3A_1450 = arith.index_cast %get3A_1449 : i32 to index
        %get3A_1451 = arith.constant 32 : index
        %get3A_1452 = tpu.vector_load %arg7[%get3A_1450, %get3A_1451] {strides = array<i32>} : memref<8x64xf32, #tpu.memory_space<vmem>>, vector<1x16xf32>,
        %get3A_1453 = vector.shape_cast %get3A_1452 : vector<1x16xf32> to vector<16xf32>
        %select_n3A_1454 = arith.select %eq3A_1406, %get3A_1453, %get3A_1448 : vector<16xf32>
        %add3A_1455 = arith.constant 32 : i32
        %add3A_1456 = arith.addi %multiple_of3A_1412, %add3A_1455 : i32
        %swap3A_1457 = arith.index_cast %add3A_1456 : i32 to index
        %swap3A_1458 = tpu.vector_load %arg9[%swap3A_1457] {strides = array<i32>} : memref<32768xf32, #tpu.memory_space<vmem>>, vector<16xf32>,
        %swap3A_1459 = vector.shape_cast %swap3A_1458 : vector<16xf32> to vector<16xf32>
        %swap3A_1460 = vector.shape_cast %select_n3A_1454 : vector<16xf32> to vector<16xf32>
        tpu.vector_store %arg9[%swap3A_1457], %swap3A_1460 {strides = array<i32>} : memref<32768xf32, #tpu.memory_space<vmem>>, vector<16xf32>,
        %get3A_1461 = arith.index_cast %add3A_1402 : i32 to index
        %get3A_1462 = arith.constant 48 : index
        %get3A_1463 = tpu.vector_load %arg8[%get3A_1461, %get3A_1462] {strides = array<i32>} : memref<512x64xf32, #tpu.memory_space<vmem>>, vector<1x16xf32>,
        %get3A_1464 = vector.shape_cast %get3A_1463 : vector<1x16xf32> to vector<16xf32>
        %get3A_1465 = arith.constant 0 : i32
        %get3A_1466 = arith.index_cast %get3A_1465 : i32 to index
        %get3A_1467 = arith.constant 48 : index
        %get3A_1468 = tpu.vector_load %arg7[%get3A_1466, %get3A_1467] {strides = array<i32>} : memref<8x64xf32, #tpu.memory_space<vmem>>, vector<1x16xf32>,
        %get3A_1469 = vector.shape_cast %get3A_1468 : vector<1x16xf32> to vector<16xf32>
        %select_n3A_1470 = arith.select %eq3A_1406, %get3A_1469, %get3A_1464 : vector<16xf32>
        %add3A_1471 = arith.constant 48 : i32
        %add3A_1472 = arith.addi %multiple_of3A_1412, %add3A_1471 : i32
        %swap3A_1473 = arith.index_cast %add3A_1472 : i32 to index
        %swap3A_1474 = tpu.vector_load %arg9[%swap3A_1473] {strides = array<i32>} : memref<32768xf32, #tpu.memory_space<vmem>>, vector<16xf32>,
        %swap3A_1475 = vector.shape_cast %swap3A_1474 : vector<16xf32> to vector<16xf32>
        %swap3A_1476 = vector.shape_cast %select_n3A_1470 : vector<16xf32> to vector<16xf32>
        tpu.vector_store %arg9[%swap3A_1473], %swap3A_1476 {strides = array<i32>} : memref<32768xf32, #tpu.memory_space<vmem>>, vector<16xf32>,
      }
      %scan3A_86 = arith.constant 2 : i32
    }
    %scan3A_13 = arith.constant 15 : i32
    %dma_wait3A = arith.constant 0 : i32
    %dma_wait3A_14 = arith.constant 0 : i32
    %dma_wait3A_15 = tpu.memref_slice %arg8[%dma_wait3A, %dma_wait3A_14] : memref<512x64xf32, #tpu.memory_space<vmem>> -> memref<256x64xf32, #tpu.memory_space<vmem>>
    %dma_wait3A_16 = arith.constant 0 : i32
    %dma_wait3A_17 = arith.constant 0 : i32
    %dma_wait3A_18 = tpu.memref_slice %arg3[%dma_wait3A_16, %dma_wait3A_17] : memref<1000001x64xf32, #tpu.memory_space<hbm>> -> memref<256x64xf32, #tpu.memory_space<hbm>>
    %dma_wait3A_19 = arith.constant 0 : i32
    %dma_wait3A_20 = arith.constant 0 : i32
    %dma_wait3A_21 = tpu.memref_slice %arg8[%dma_wait3A_19, %dma_wait3A_20] : memref<512x64xf32, #tpu.memory_space<vmem>> -> memref<256x64xf32, #tpu.memory_space<vmem>>
    %dma_wait3A_22 = arith.constant 0 : i32
    %dma_wait3A_23 = arith.constant 0 : i32
    %dma_wait3A_24 = tpu.memref_slice %arg3[%dma_wait3A_22, %dma_wait3A_23] : memref<1000001x64xf32, #tpu.memory_space<hbm>> -> memref<256x64xf32, #tpu.memory_space<hbm>>
    tpu.wait_dma2 semaphore(%arg10 : memref<!tpu.dma_semaphore, #tpu.memory_space<semaphore_mem>>) src(%dma_wait3A_24 : memref<256x64xf32, #tpu.memory_space<hbm>>) dst(%dma_wait3A_21 : memref<256x64xf32, #tpu.memory_space<vmem>>)
    %scan3A_25 = arith.constant 0 : i32
    %scan3A_26 = arith.constant 0 : i32
    %scan3A_27 = arith.constant 2 : i32
    %scan3A_28 = arith.addi %scan3A_26, %scan3A_27 : i32
    %scan3A_29 = arith.constant 1 : i32
    scf.for %scan3A_33 = %scan3A_26 to %scan3A_28 step %scan3A_29  : i32 {
      %mul3A_34 = arith.constant 16 : i32
      %mul3A_35 = arith.muli %scan3A_33, %mul3A_34 : i32
      %add3A_36 = arith.constant 480 : i32
      %add3A_37 = arith.addi %add3A_36, %mul3A_35 : i32
      %get3A = arith.index_cast %add3A_37 : i32 to index
      %get3A_38 = tpu.vector_load %arg6[%get3A] {strides = array<i32>} : memref<512xi32, #tpu.memory_space<vmem>>, vector<16xi32>,
      %get3A_39 = vector.shape_cast %get3A_38 : vector<16xi32> to vector<16xi32>
      %eq3A = arith.constant -1 : i32
      %eq3A_40 = vector.broadcast %eq3A : i32 to vector<16xi32>
      %eq3A_41 = arith.cmpi eq, %get3A_39, %eq3A_40 : vector<16xi32>
      %jit3A = arith.constant 1000000 : i32
      %broadcast_in_dim3A = vector.broadcast %jit3A : i32 to vector<16xi32>
      %select_n3A = arith.select %eq3A_41, %broadcast_in_dim3A, %get3A_39 : vector<16xi1>, vector<16xi32>
      %min3A = arith.constant 999999 : i32
      %min3A_42 = vector.broadcast %min3A : i32 to vector<16xi32>
      %min3A_43 = arith.minsi %select_n3A, %min3A_42 : vector<16xi32>
      %and3A = arith.constant 7 : i32
      %and3A_44 = vector.broadcast %and3A : i32 to vector<16xi32>
      %and3A_45 = arith.andi %min3A_43, %and3A_44 : vector<16xi32>
      %mul3A_46 = arith.constant 16 : i32
      %mul3A_47 = arith.muli %scan3A_33, %mul3A_46 : i32
      %add3A_48 = arith.constant 0 : i32
      %add3A_49 = arith.addi %mul3A_47, %add3A_48 : i32
      %add3A_50 = arith.constant 32 : i32
      %add3A_51 = arith.addi %add3A_50, %add3A_49 : i32
      %mul3A_52 = arith.constant 8 : i32
      %mul3A_53 = arith.muli %add3A_51, %mul3A_52 : i32
      %slice3A = vector.extract_strided_slice %and3A_45 {offsets = [0], sizes = [1], strides = [1]} : vector<16xi32> to vector<1xi32>
      %squeeze3A = vector.extract %slice3A[0] : i32 from vector<1xi32>
      %add3A_54 = arith.addi %mul3A_53, %squeeze3A : i32
      %slice3A_55 = vector.extract_strided_slice %get3A_39 {offsets = [0], sizes = [1], strides = [1]} : vector<16xi32> to vector<1xi32>
      %squeeze3A_56 = vector.extract %slice3A_55[0] : i32 from vector<1xi32>
      %eq3A_57 = arith.constant -1 : i32
      %eq3A_58 = arith.cmpi eq, %squeeze3A_56, %eq3A_57 : i32
      %add3A_59 = arith.constant 480 : i32
      %add3A_60 = arith.addi %add3A_59, %add3A_49 : i32
      %mul3A_61 = arith.constant 64 : i32
      %mul3A_62 = arith.muli %add3A_60, %mul3A_61 : i32
      %multiple_of3A = tpu.assume_multiple %mul3A_62, 64 : i32
      %get3A_63 = arith.index_cast %add3A_54 : i32 to index
      %get3A_64 = arith.constant 0 : index
      %get3A_65 = tpu.vector_load %arg8[%get3A_63, %get3A_64] {strides = array<i32>} : memref<512x64xf32, #tpu.memory_space<vmem>>, vector<1x16xf32>,
      %get3A_66 = vector.shape_cast %get3A_65 : vector<1x16xf32> to vector<16xf32>
      %get3A_67 = arith.constant 0 : i32
      %get3A_68 = arith.index_cast %get3A_67 : i32 to index
      %get3A_69 = arith.constant 0 : index
      %get3A_70 = tpu.vector_load %arg7[%get3A_68, %get3A_69] {strides = array<i32>} : memref<8x64xf32, #tpu.memory_space<vmem>>, vector<1x16xf32>,
      %get3A_71 = vector.shape_cast %get3A_70 : vector<1x16xf32> to vector<16xf32>
      %select_n3A_72 = arith.select %eq3A_58, %get3A_71, %get3A_66 : vector<16xf32>
      %add3A_73 = arith.constant 0 : i32
      %add3A_74 = arith.addi %multiple_of3A, %add3A_73 : i32
      %swap3A = arith.index_cast %add3A_74 : i32 to index
      %swap3A_75 = tpu.vector_load %arg9[%swap3A] {strides = array<i32>} : memref<32768xf32, #tpu.memory_space<vmem>>, vector<16xf32>,
      %swap3A_76 = vector.shape_cast %swap3A_75 : vector<16xf32> to vector<16xf32>
      %swap3A_77 = vector.shape_cast %select_n3A_72 : vector<16xf32> to vector<16xf32>
      tpu.vector_store %arg9[%swap3A], %swap3A_77 {strides = array<i32>} : memref<32768xf32, #tpu.memory_space<vmem>>, vector<16xf32>,
      %get3A_78 = arith.index_cast %add3A_54 : i32 to index
      %get3A_79 = arith.constant 16 : index
      %get3A_80 = tpu.vector_load %arg8[%get3A_78, %get3A_79] {strides = array<i32>} : memref<512x64xf32, #tpu.memory_space<vmem>>, vector<1x16xf32>,
      %get3A_81 = vector.shape_cast %get3A_80 : vector<1x16xf32> to vector<16xf32>
      %get3A_82 = arith.constant 0 : i32
      %get3A_83 = arith.index_cast %get3A_82 : i32 to index
      %get3A_84 = arith.constant 16 : index
      %get3A_85 = tpu.vector_load %arg7[%get3A_83, %get3A_84] {strides = array<i32>} : memref<8x64xf32, #tpu.memory_space<vmem>>, vector<1x16xf32>,
      %get3A_86 = vector.shape_cast %get3A_85 : vector<1x16xf32> to vector<16xf32>
      %select_n3A_87 = arith.select %eq3A_58, %get3A_86, %get3A_81 : vector<16xf32>
      %add3A_88 = arith.constant 16 : i32
      %add3A_89 = arith.addi %multiple_of3A, %add3A_88 : i32
      %swap3A_90 = arith.index_cast %add3A_89 : i32 to index
      %swap3A_91 = tpu.vector_load %arg9[%swap3A_90] {strides = array<i32>} : memref<32768xf32, #tpu.memory_space<vmem>>, vector<16xf32>,
      %swap3A_92 = vector.shape_cast %swap3A_91 : vector<16xf32> to vector<16xf32>
      %swap3A_93 = vector.shape_cast %select_n3A_87 : vector<16xf32> to vector<16xf32>
      tpu.vector_store %arg9[%swap3A_90], %swap3A_93 {strides = array<i32>} : memref<32768xf32, #tpu.memory_space<vmem>>, vector<16xf32>,
      %get3A_94 = arith.index_cast %add3A_54 : i32 to index
      %get3A_95 = arith.constant 32 : index
      %get3A_96 = tpu.vector_load %arg8[%get3A_94, %get3A_95] {strides = array<i32>} : memref<512x64xf32, #tpu.memory_space<vmem>>, vector<1x16xf32>,
      %get3A_97 = vector.shape_cast %get3A_96 : vector<1x16xf32> to vector<16xf32>
      %get3A_98 = arith.constant 0 : i32
      %get3A_99 = arith.index_cast %get3A_98 : i32 to index
      %get3A_100 = arith.constant 32 : index
      %get3A_101 = tpu.vector_load %arg7[%get3A_99, %get3A_100] {strides = array<i32>} : memref<8x64xf32, #tpu.memory_space<vmem>>, vector<1x16xf32>,
      %get3A_102 = vector.shape_cast %get3A_101 : vector<1x16xf32> to vector<16xf32>
      %select_n3A_103 = arith.select %eq3A_58, %get3A_102, %get3A_97 : vector<16xf32>
      %add3A_104 = arith.constant 32 : i32
      %add3A_105 = arith.addi %multiple_of3A, %add3A_104 : i32
      %swap3A_106 = arith.index_cast %add3A_105 : i32 to index
      %swap3A_107 = tpu.vector_load %arg9[%swap3A_106] {strides = array<i32>} : memref<32768xf32, #tpu.memory_space<vmem>>, vector<16xf32>,
      %swap3A_108 = vector.shape_cast %swap3A_107 : vector<16xf32> to vector<16xf32>
      %swap3A_109 = vector.shape_cast %select_n3A_103 : vector<16xf32> to vector<16xf32>
      tpu.vector_store %arg9[%swap3A_106], %swap3A_109 {strides = array<i32>} : memref<32768xf32, #tpu.memory_space<vmem>>, vector<16xf32>,
      %get3A_110 = arith.index_cast %add3A_54 : i32 to index
      %get3A_111 = arith.constant 48 : index
      %get3A_112 = tpu.vector_load %arg8[%get3A_110, %get3A_111] {strides = array<i32>} : memref<512x64xf32, #tpu.memory_space<vmem>>, vector<1x16xf32>,
      %get3A_113 = vector.shape_cast %get3A_112 : vector<1x16xf32> to vector<16xf32>
      %get3A_114 = arith.constant 0 : i32
      %get3A_115 = arith.index_cast %get3A_114 : i32 to index
      %get3A_116 = arith.constant 48 : index
      %get3A_117 = tpu.vector_load %arg7[%get3A_115, %get3A_116] {strides = array<i32>} : memref<8x64xf32, #tpu.memory_space<vmem>>, vector<1x16xf32>,
      %get3A_118 = vector.shape_cast %get3A_117 : vector<1x16xf32> to vector<16xf32>
      %select_n3A_119 = arith.select %eq3A_58, %get3A_118, %get3A_113 : vector<16xf32>
      %add3A_120 = arith.constant 48 : i32
      %add3A_121 = arith.addi %multiple_of3A, %add3A_120 : i32
      %swap3A_122 = arith.index_cast %add3A_121 : i32 to index
      %swap3A_123 = tpu.vector_load %arg9[%swap3A_122] {strides = array<i32>} : memref<32768xf32, #tpu.memory_space<vmem>>, vector<16xf32>,
      %swap3A_124 = vector.shape_cast %swap3A_123 : vector<16xf32> to vector<16xf32>
      %swap3A_125 = vector.shape_cast %select_n3A_119 : vector<16xf32> to vector<16xf32>
      tpu.vector_store %arg9[%swap3A_122], %swap3A_125 {strides = array<i32>} : memref<32768xf32, #tpu.memory_space<vmem>>, vector<16xf32>,
      %mul3A_126 = arith.constant 16 : i32
      %mul3A_127 = arith.muli %scan3A_33, %mul3A_126 : i32
      %add3A_128 = arith.constant 1 : i32
      %add3A_129 = arith.addi %mul3A_127, %add3A_128 : i32
      %add3A_130 = arith.constant 32 : i32
      %add3A_131 = arith.addi %add3A_130, %add3A_129 : i32
      %mul3A_132 = arith.constant 8 : i32
      %mul3A_133 = arith.muli %add3A_131, %mul3A_132 : i32
      %slice3A_134 = vector.extract_strided_slice %and3A_45 {offsets = [1], sizes = [1], strides = [1]} : vector<16xi32> to vector<1xi32>
      %squeeze3A_135 = vector.extract %slice3A_134[0] : i32 from vector<1xi32>
      %add3A_136 = arith.addi %mul3A_133, %squeeze3A_135 : i32
      %slice3A_137 = vector.extract_strided_slice %get3A_39 {offsets = [1], sizes = [1], strides = [1]} : vector<16xi32> to vector<1xi32>
      %squeeze3A_138 = vector.extract %slice3A_137[0] : i32 from vector<1xi32>
      %eq3A_139 = arith.constant -1 : i32
      %eq3A_140 = arith.cmpi eq, %squeeze3A_138, %eq3A_139 : i32
      %add3A_141 = arith.constant 480 : i32
      %add3A_142 = arith.addi %add3A_141, %add3A_129 : i32
      %mul3A_143 = arith.constant 64 : i32
      %mul3A_144 = arith.muli %add3A_142, %mul3A_143 : i32
      %multiple_of3A_145 = tpu.assume_multiple %mul3A_144, 64 : i32
      %get3A_146 = arith.index_cast %add3A_136 : i32 to index
      %get3A_147 = arith.constant 0 : index
      %get3A_148 = tpu.vector_load %arg8[%get3A_146, %get3A_147] {strides = array<i32>} : memref<512x64xf32, #tpu.memory_space<vmem>>, vector<1x16xf32>,
      %get3A_149 = vector.shape_cast %get3A_148 : vector<1x16xf32> to vector<16xf32>
      %get3A_150 = arith.constant 0 : i32
      %get3A_151 = arith.index_cast %get3A_150 : i32 to index
      %get3A_152 = arith.constant 0 : index
      %get3A_153 = tpu.vector_load %arg7[%get3A_151, %get3A_152] {strides = array<i32>} : memref<8x64xf32, #tpu.memory_space<vmem>>, vector<1x16xf32>,
      %get3A_154 = vector.shape_cast %get3A_153 : vector<1x16xf32> to vector<16xf32>
      %select_n3A_155 = arith.select %eq3A_140, %get3A_154, %get3A_149 : vector<16xf32>
      %add3A_156 = arith.constant 0 : i32
      %add3A_157 = arith.addi %multiple_of3A_145, %add3A_156 : i32
      %swap3A_158 = arith.index_cast %add3A_157 : i32 to index
      %swap3A_159 = tpu.vector_load %arg9[%swap3A_158] {strides = array<i32>} : memref<32768xf32, #tpu.memory_space<vmem>>, vector<16xf32>,
      %swap3A_160 = vector.shape_cast %swap3A_159 : vector<16xf32> to vector<16xf32>
      %swap3A_161 = vector.shape_cast %select_n3A_155 : vector<16xf32> to vector<16xf32>
      tpu.vector_store %arg9[%swap3A_158], %swap3A_161 {strides = array<i32>} : memref<32768xf32, #tpu.memory_space<vmem>>, vector<16xf32>,
      %get3A_162 = arith.index_cast %add3A_136 : i32 to index
      %get3A_163 = arith.constant 16 : index
      %get3A_164 = tpu.vector_load %arg8[%get3A_162, %get3A_163] {strides = array<i32>} : memref<512x64xf32, #tpu.memory_space<vmem>>, vector<1x16xf32>,
      %get3A_165 = vector.shape_cast %get3A_164 : vector<1x16xf32> to vector<16xf32>
      %get3A_166 = arith.constant 0 : i32
      %get3A_167 = arith.index_cast %get3A_166 : i32 to index
      %get3A_168 = arith.constant 16 : index
      %get3A_169 = tpu.vector_load %arg7[%get3A_167, %get3A_168] {strides = array<i32>} : memref<8x64xf32, #tpu.memory_space<vmem>>, vector<1x16xf32>,
      %get3A_170 = vector.shape_cast %get3A_169 : vector<1x16xf32> to vector<16xf32>
      %select_n3A_171 = arith.select %eq3A_140, %get3A_170, %get3A_165 : vector<16xf32>
      %add3A_172 = arith.constant 16 : i32
      %add3A_173 = arith.addi %multiple_of3A_145, %add3A_172 : i32
      %swap3A_174 = arith.index_cast %add3A_173 : i32 to index
      %swap3A_175 = tpu.vector_load %arg9[%swap3A_174] {strides = array<i32>} : memref<32768xf32, #tpu.memory_space<vmem>>, vector<16xf32>,
      %swap3A_176 = vector.shape_cast %swap3A_175 : vector<16xf32> to vector<16xf32>
      %swap3A_177 = vector.shape_cast %select_n3A_171 : vector<16xf32> to vector<16xf32>
      tpu.vector_store %arg9[%swap3A_174], %swap3A_177 {strides = array<i32>} : memref<32768xf32, #tpu.memory_space<vmem>>, vector<16xf32>,
      %get3A_178 = arith.index_cast %add3A_136 : i32 to index
      %get3A_179 = arith.constant 32 : index
      %get3A_180 = tpu.vector_load %arg8[%get3A_178, %get3A_179] {strides = array<i32>} : memref<512x64xf32, #tpu.memory_space<vmem>>, vector<1x16xf32>,
      %get3A_181 = vector.shape_cast %get3A_180 : vector<1x16xf32> to vector<16xf32>
      %get3A_182 = arith.constant 0 : i32
      %get3A_183 = arith.index_cast %get3A_182 : i32 to index
      %get3A_184 = arith.constant 32 : index
      %get3A_185 = tpu.vector_load %arg7[%get3A_183, %get3A_184] {strides = array<i32>} : memref<8x64xf32, #tpu.memory_space<vmem>>, vector<1x16xf32>,
      %get3A_186 = vector.shape_cast %get3A_185 : vector<1x16xf32> to vector<16xf32>
      %select_n3A_187 = arith.select %eq3A_140, %get3A_186, %get3A_181 : vector<16xf32>
      %add3A_188 = arith.constant 32 : i32
      %add3A_189 = arith.addi %multiple_of3A_145, %add3A_188 : i32
      %swap3A_190 = arith.index_cast %add3A_189 : i32 to index
      %swap3A_191 = tpu.vector_load %arg9[%swap3A_190] {strides = array<i32>} : memref<32768xf32, #tpu.memory_space<vmem>>, vector<16xf32>,
      %swap3A_192 = vector.shape_cast %swap3A_191 : vector<16xf32> to vector<16xf32>
      %swap3A_193 = vector.shape_cast %select_n3A_187 : vector<16xf32> to vector<16xf32>
      tpu.vector_store %arg9[%swap3A_190], %swap3A_193 {strides = array<i32>} : memref<32768xf32, #tpu.memory_space<vmem>>, vector<16xf32>,
      %get3A_194 = arith.index_cast %add3A_136 : i32 to index
      %get3A_195 = arith.constant 48 : index
      %get3A_196 = tpu.vector_load %arg8[%get3A_194, %get3A_195] {strides = array<i32>} : memref<512x64xf32, #tpu.memory_space<vmem>>, vector<1x16xf32>,
      %get3A_197 = vector.shape_cast %get3A_196 : vector<1x16xf32> to vector<16xf32>
      %get3A_198 = arith.constant 0 : i32
      %get3A_199 = arith.index_cast %get3A_198 : i32 to index
      %get3A_200 = arith.constant 48 : index
      %get3A_201 = tpu.vector_load %arg7[%get3A_199, %get3A_200] {strides = array<i32>} : memref<8x64xf32, #tpu.memory_space<vmem>>, vector<1x16xf32>,
      %get3A_202 = vector.shape_cast %get3A_201 : vector<1x16xf32> to vector<16xf32>
      %select_n3A_203 = arith.select %eq3A_140, %get3A_202, %get3A_197 : vector<16xf32>
      %add3A_204 = arith.constant 48 : i32
      %add3A_205 = arith.addi %multiple_of3A_145, %add3A_204 : i32
      %swap3A_206 = arith.index_cast %add3A_205 : i32 to index
      %swap3A_207 = tpu.vector_load %arg9[%swap3A_206] {strides = array<i32>} : memref<32768xf32, #tpu.memory_space<vmem>>, vector<16xf32>,
      %swap3A_208 = vector.shape_cast %swap3A_207 : vector<16xf32> to vector<16xf32>
      %swap3A_209 = vector.shape_cast %select_n3A_203 : vector<16xf32> to vector<16xf32>
      tpu.vector_store %arg9[%swap3A_206], %swap3A_209 {strides = array<i32>} : memref<32768xf32, #tpu.memory_space<vmem>>, vector<16xf32>,
      %mul3A_210 = arith.constant 16 : i32
      %mul3A_211 = arith.muli %scan3A_33, %mul3A_210 : i32
      %add3A_212 = arith.constant 2 : i32
      %add3A_213 = arith.addi %mul3A_211, %add3A_212 : i32
      %add3A_214 = arith.constant 32 : i32
      %add3A_215 = arith.addi %add3A_214, %add3A_213 : i32
      %mul3A_216 = arith.constant 8 : i32
      %mul3A_217 = arith.muli %add3A_215, %mul3A_216 : i32
      %slice3A_218 = vector.extract_strided_slice %and3A_45 {offsets = [2], sizes = [1], strides = [1]} : vector<16xi32> to vector<1xi32>
      %squeeze3A_219 = vector.extract %slice3A_218[0] : i32 from vector<1xi32>
      %add3A_220 = arith.addi %mul3A_217, %squeeze3A_219 : i32
      %slice3A_221 = vector.extract_strided_slice %get3A_39 {offsets = [2], sizes = [1], strides = [1]} : vector<16xi32> to vector<1xi32>
      %squeeze3A_222 = vector.extract %slice3A_221[0] : i32 from vector<1xi32>
      %eq3A_223 = arith.constant -1 : i32
      %eq3A_224 = arith.cmpi eq, %squeeze3A_222, %eq3A_223 : i32
      %add3A_225 = arith.constant 480 : i32
      %add3A_226 = arith.addi %add3A_225, %add3A_213 : i32
      %mul3A_227 = arith.constant 64 : i32
      %mul3A_228 = arith.muli %add3A_226, %mul3A_227 : i32
      %multiple_of3A_229 = tpu.assume_multiple %mul3A_228, 64 : i32
      %get3A_230 = arith.index_cast %add3A_220 : i32 to index
      %get3A_231 = arith.constant 0 : index
      %get3A_232 = tpu.vector_load %arg8[%get3A_230, %get3A_231] {strides = array<i32>} : memref<512x64xf32, #tpu.memory_space<vmem>>, vector<1x16xf32>,
      %get3A_233 = vector.shape_cast %get3A_232 : vector<1x16xf32> to vector<16xf32>
      %get3A_234 = arith.constant 0 : i32
      %get3A_235 = arith.index_cast %get3A_234 : i32 to index
      %get3A_236 = arith.constant 0 : index
      %get3A_237 = tpu.vector_load %arg7[%get3A_235, %get3A_236] {strides = array<i32>} : memref<8x64xf32, #tpu.memory_space<vmem>>, vector<1x16xf32>,
      %get3A_238 = vector.shape_cast %get3A_237 : vector<1x16xf32> to vector<16xf32>
      %select_n3A_239 = arith.select %eq3A_224, %get3A_238, %get3A_233 : vector<16xf32>
      %add3A_240 = arith.constant 0 : i32
      %add3A_241 = arith.addi %multiple_of3A_229, %add3A_240 : i32
      %swap3A_242 = arith.index_cast %add3A_241 : i32 to index
      %swap3A_243 = tpu.vector_load %arg9[%swap3A_242] {strides = array<i32>} : memref<32768xf32, #tpu.memory_space<vmem>>, vector<16xf32>,
      %swap3A_244 = vector.shape_cast %swap3A_243 : vector<16xf32> to vector<16xf32>
      %swap3A_245 = vector.shape_cast %select_n3A_239 : vector<16xf32> to vector<16xf32>
      tpu.vector_store %arg9[%swap3A_242], %swap3A_245 {strides = array<i32>} : memref<32768xf32, #tpu.memory_space<vmem>>, vector<16xf32>,
      %get3A_246 = arith.index_cast %add3A_220 : i32 to index
      %get3A_247 = arith.constant 16 : index
      %get3A_248 = tpu.vector_load %arg8[%get3A_246, %get3A_247] {strides = array<i32>} : memref<512x64xf32, #tpu.memory_space<vmem>>, vector<1x16xf32>,
      %get3A_249 = vector.shape_cast %get3A_248 : vector<1x16xf32> to vector<16xf32>
      %get3A_250 = arith.constant 0 : i32
      %get3A_251 = arith.index_cast %get3A_250 : i32 to index
      %get3A_252 = arith.constant 16 : index
      %get3A_253 = tpu.vector_load %arg7[%get3A_251, %get3A_252] {strides = array<i32>} : memref<8x64xf32, #tpu.memory_space<vmem>>, vector<1x16xf32>,
      %get3A_254 = vector.shape_cast %get3A_253 : vector<1x16xf32> to vector<16xf32>
      %select_n3A_255 = arith.select %eq3A_224, %get3A_254, %get3A_249 : vector<16xf32>
      %add3A_256 = arith.constant 16 : i32
      %add3A_257 = arith.addi %multiple_of3A_229, %add3A_256 : i32
      %swap3A_258 = arith.index_cast %add3A_257 : i32 to index
      %swap3A_259 = tpu.vector_load %arg9[%swap3A_258] {strides = array<i32>} : memref<32768xf32, #tpu.memory_space<vmem>>, vector<16xf32>,
      %swap3A_260 = vector.shape_cast %swap3A_259 : vector<16xf32> to vector<16xf32>
      %swap3A_261 = vector.shape_cast %select_n3A_255 : vector<16xf32> to vector<16xf32>
      tpu.vector_store %arg9[%swap3A_258], %swap3A_261 {strides = array<i32>} : memref<32768xf32, #tpu.memory_space<vmem>>, vector<16xf32>,
      %get3A_262 = arith.index_cast %add3A_220 : i32 to index
      %get3A_263 = arith.constant 32 : index
      %get3A_264 = tpu.vector_load %arg8[%get3A_262, %get3A_263] {strides = array<i32>} : memref<512x64xf32, #tpu.memory_space<vmem>>, vector<1x16xf32>,
      %get3A_265 = vector.shape_cast %get3A_264 : vector<1x16xf32> to vector<16xf32>
      %get3A_266 = arith.constant 0 : i32
      %get3A_267 = arith.index_cast %get3A_266 : i32 to index
      %get3A_268 = arith.constant 32 : index
      %get3A_269 = tpu.vector_load %arg7[%get3A_267, %get3A_268] {strides = array<i32>} : memref<8x64xf32, #tpu.memory_space<vmem>>, vector<1x16xf32>,
      %get3A_270 = vector.shape_cast %get3A_269 : vector<1x16xf32> to vector<16xf32>
      %select_n3A_271 = arith.select %eq3A_224, %get3A_270, %get3A_265 : vector<16xf32>
      %add3A_272 = arith.constant 32 : i32
      %add3A_273 = arith.addi %multiple_of3A_229, %add3A_272 : i32
      %swap3A_274 = arith.index_cast %add3A_273 : i32 to index
      %swap3A_275 = tpu.vector_load %arg9[%swap3A_274] {strides = array<i32>} : memref<32768xf32, #tpu.memory_space<vmem>>, vector<16xf32>,
      %swap3A_276 = vector.shape_cast %swap3A_275 : vector<16xf32> to vector<16xf32>
      %swap3A_277 = vector.shape_cast %select_n3A_271 : vector<16xf32> to vector<16xf32>
      tpu.vector_store %arg9[%swap3A_274], %swap3A_277 {strides = array<i32>} : memref<32768xf32, #tpu.memory_space<vmem>>, vector<16xf32>,
      %get3A_278 = arith.index_cast %add3A_220 : i32 to index
      %get3A_279 = arith.constant 48 : index
      %get3A_280 = tpu.vector_load %arg8[%get3A_278, %get3A_279] {strides = array<i32>} : memref<512x64xf32, #tpu.memory_space<vmem>>, vector<1x16xf32>,
      %get3A_281 = vector.shape_cast %get3A_280 : vector<1x16xf32> to vector<16xf32>
      %get3A_282 = arith.constant 0 : i32
      %get3A_283 = arith.index_cast %get3A_282 : i32 to index
      %get3A_284 = arith.constant 48 : index
      %get3A_285 = tpu.vector_load %arg7[%get3A_283, %get3A_284] {strides = array<i32>} : memref<8x64xf32, #tpu.memory_space<vmem>>, vector<1x16xf32>,
      %get3A_286 = vector.shape_cast %get3A_285 : vector<1x16xf32> to vector<16xf32>
      %select_n3A_287 = arith.select %eq3A_224, %get3A_286, %get3A_281 : vector<16xf32>
      %add3A_288 = arith.constant 48 : i32
      %add3A_289 = arith.addi %multiple_of3A_229, %add3A_288 : i32
      %swap3A_290 = arith.index_cast %add3A_289 : i32 to index
      %swap3A_291 = tpu.vector_load %arg9[%swap3A_290] {strides = array<i32>} : memref<32768xf32, #tpu.memory_space<vmem>>, vector<16xf32>,
      %swap3A_292 = vector.shape_cast %swap3A_291 : vector<16xf32> to vector<16xf32>
      %swap3A_293 = vector.shape_cast %select_n3A_287 : vector<16xf32> to vector<16xf32>
      tpu.vector_store %arg9[%swap3A_290], %swap3A_293 {strides = array<i32>} : memref<32768xf32, #tpu.memory_space<vmem>>, vector<16xf32>,
      %mul3A_294 = arith.constant 16 : i32
      %mul3A_295 = arith.muli %scan3A_33, %mul3A_294 : i32
      %add3A_296 = arith.constant 3 : i32
      %add3A_297 = arith.addi %mul3A_295, %add3A_296 : i32
      %add3A_298 = arith.constant 32 : i32
      %add3A_299 = arith.addi %add3A_298, %add3A_297 : i32
      %mul3A_300 = arith.constant 8 : i32
      %mul3A_301 = arith.muli %add3A_299, %mul3A_300 : i32
      %slice3A_302 = vector.extract_strided_slice %and3A_45 {offsets = [3], sizes = [1], strides = [1]} : vector<16xi32> to vector<1xi32>
      %squeeze3A_303 = vector.extract %slice3A_302[0] : i32 from vector<1xi32>
      %add3A_304 = arith.addi %mul3A_301, %squeeze3A_303 : i32
      %slice3A_305 = vector.extract_strided_slice %get3A_39 {offsets = [3], sizes = [1], strides = [1]} : vector<16xi32> to vector<1xi32>
      %squeeze3A_306 = vector.extract %slice3A_305[0] : i32 from vector<1xi32>
      %eq3A_307 = arith.constant -1 : i32
      %eq3A_308 = arith.cmpi eq, %squeeze3A_306, %eq3A_307 : i32
      %add3A_309 = arith.constant 480 : i32
      %add3A_310 = arith.addi %add3A_309, %add3A_297 : i32
      %mul3A_311 = arith.constant 64 : i32
      %mul3A_312 = arith.muli %add3A_310, %mul3A_311 : i32
      %multiple_of3A_313 = tpu.assume_multiple %mul3A_312, 64 : i32
      %get3A_314 = arith.index_cast %add3A_304 : i32 to index
      %get3A_315 = arith.constant 0 : index
      %get3A_316 = tpu.vector_load %arg8[%get3A_314, %get3A_315] {strides = array<i32>} : memref<512x64xf32, #tpu.memory_space<vmem>>, vector<1x16xf32>,
      %get3A_317 = vector.shape_cast %get3A_316 : vector<1x16xf32> to vector<16xf32>
      %get3A_318 = arith.constant 0 : i32
      %get3A_319 = arith.index_cast %get3A_318 : i32 to index
      %get3A_320 = arith.constant 0 : index
      %get3A_321 = tpu.vector_load %arg7[%get3A_319, %get3A_320] {strides = array<i32>} : memref<8x64xf32, #tpu.memory_space<vmem>>, vector<1x16xf32>,
      %get3A_322 = vector.shape_cast %get3A_321 : vector<1x16xf32> to vector<16xf32>
      %select_n3A_323 = arith.select %eq3A_308, %get3A_322, %get3A_317 : vector<16xf32>
      %add3A_324 = arith.constant 0 : i32
      %add3A_325 = arith.addi %multiple_of3A_313, %add3A_324 : i32
      %swap3A_326 = arith.index_cast %add3A_325 : i32 to index
      %swap3A_327 = tpu.vector_load %arg9[%swap3A_326] {strides = array<i32>} : memref<32768xf32, #tpu.memory_space<vmem>>, vector<16xf32>,
      %swap3A_328 = vector.shape_cast %swap3A_327 : vector<16xf32> to vector<16xf32>
      %swap3A_329 = vector.shape_cast %select_n3A_323 : vector<16xf32> to vector<16xf32>
      tpu.vector_store %arg9[%swap3A_326], %swap3A_329 {strides = array<i32>} : memref<32768xf32, #tpu.memory_space<vmem>>, vector<16xf32>,
      %get3A_330 = arith.index_cast %add3A_304 : i32 to index
      %get3A_331 = arith.constant 16 : index
      %get3A_332 = tpu.vector_load %arg8[%get3A_330, %get3A_331] {strides = array<i32>} : memref<512x64xf32, #tpu.memory_space<vmem>>, vector<1x16xf32>,
      %get3A_333 = vector.shape_cast %get3A_332 : vector<1x16xf32> to vector<16xf32>
      %get3A_334 = arith.constant 0 : i32
      %get3A_335 = arith.index_cast %get3A_334 : i32 to index
      %get3A_336 = arith.constant 16 : index
      %get3A_337 = tpu.vector_load %arg7[%get3A_335, %get3A_336] {strides = array<i32>} : memref<8x64xf32, #tpu.memory_space<vmem>>, vector<1x16xf32>,
      %get3A_338 = vector.shape_cast %get3A_337 : vector<1x16xf32> to vector<16xf32>
      %select_n3A_339 = arith.select %eq3A_308, %get3A_338, %get3A_333 : vector<16xf32>
      %add3A_340 = arith.constant 16 : i32
      %add3A_341 = arith.addi %multiple_of3A_313, %add3A_340 : i32
      %swap3A_342 = arith.index_cast %add3A_341 : i32 to index
      %swap3A_343 = tpu.vector_load %arg9[%swap3A_342] {strides = array<i32>} : memref<32768xf32, #tpu.memory_space<vmem>>, vector<16xf32>,
      %swap3A_344 = vector.shape_cast %swap3A_343 : vector<16xf32> to vector<16xf32>
      %swap3A_345 = vector.shape_cast %select_n3A_339 : vector<16xf32> to vector<16xf32>
      tpu.vector_store %arg9[%swap3A_342], %swap3A_345 {strides = array<i32>} : memref<32768xf32, #tpu.memory_space<vmem>>, vector<16xf32>,
      %get3A_346 = arith.index_cast %add3A_304 : i32 to index
      %get3A_347 = arith.constant 32 : index
      %get3A_348 = tpu.vector_load %arg8[%get3A_346, %get3A_347] {strides = array<i32>} : memref<512x64xf32, #tpu.memory_space<vmem>>, vector<1x16xf32>,
      %get3A_349 = vector.shape_cast %get3A_348 : vector<1x16xf32> to vector<16xf32>
      %get3A_350 = arith.constant 0 : i32
      %get3A_351 = arith.index_cast %get3A_350 : i32 to index
      %get3A_352 = arith.constant 32 : index
      %get3A_353 = tpu.vector_load %arg7[%get3A_351, %get3A_352] {strides = array<i32>} : memref<8x64xf32, #tpu.memory_space<vmem>>, vector<1x16xf32>,
      %get3A_354 = vector.shape_cast %get3A_353 : vector<1x16xf32> to vector<16xf32>
      %select_n3A_355 = arith.select %eq3A_308, %get3A_354, %get3A_349 : vector<16xf32>
      %add3A_356 = arith.constant 32 : i32
      %add3A_357 = arith.addi %multiple_of3A_313, %add3A_356 : i32
      %swap3A_358 = arith.index_cast %add3A_357 : i32 to index
      %swap3A_359 = tpu.vector_load %arg9[%swap3A_358] {strides = array<i32>} : memref<32768xf32, #tpu.memory_space<vmem>>, vector<16xf32>,
      %swap3A_360 = vector.shape_cast %swap3A_359 : vector<16xf32> to vector<16xf32>
      %swap3A_361 = vector.shape_cast %select_n3A_355 : vector<16xf32> to vector<16xf32>
      tpu.vector_store %arg9[%swap3A_358], %swap3A_361 {strides = array<i32>} : memref<32768xf32, #tpu.memory_space<vmem>>, vector<16xf32>,
      %get3A_362 = arith.index_cast %add3A_304 : i32 to index
      %get3A_363 = arith.constant 48 : index
      %get3A_364 = tpu.vector_load %arg8[%get3A_362, %get3A_363] {strides = array<i32>} : memref<512x64xf32, #tpu.memory_space<vmem>>, vector<1x16xf32>,
      %get3A_365 = vector.shape_cast %get3A_364 : vector<1x16xf32> to vector<16xf32>
      %get3A_366 = arith.constant 0 : i32
      %get3A_367 = arith.index_cast %get3A_366 : i32 to index
      %get3A_368 = arith.constant 48 : index
      %get3A_369 = tpu.vector_load %arg7[%get3A_367, %get3A_368] {strides = array<i32>} : memref<8x64xf32, #tpu.memory_space<vmem>>, vector<1x16xf32>,
      %get3A_370 = vector.shape_cast %get3A_369 : vector<1x16xf32> to vector<16xf32>
      %select_n3A_371 = arith.select %eq3A_308, %get3A_370, %get3A_365 : vector<16xf32>
      %add3A_372 = arith.constant 48 : i32
      %add3A_373 = arith.addi %multiple_of3A_313, %add3A_372 : i32
      %swap3A_374 = arith.index_cast %add3A_373 : i32 to index
      %swap3A_375 = tpu.vector_load %arg9[%swap3A_374] {strides = array<i32>} : memref<32768xf32, #tpu.memory_space<vmem>>, vector<16xf32>,
      %swap3A_376 = vector.shape_cast %swap3A_375 : vector<16xf32> to vector<16xf32>
      %swap3A_377 = vector.shape_cast %select_n3A_371 : vector<16xf32> to vector<16xf32>
      tpu.vector_store %arg9[%swap3A_374], %swap3A_377 {strides = array<i32>} : memref<32768xf32, #tpu.memory_space<vmem>>, vector<16xf32>,
      %mul3A_378 = arith.constant 16 : i32
      %mul3A_379 = arith.muli %scan3A_33, %mul3A_378 : i32
      %add3A_380 = arith.constant 4 : i32
      %add3A_381 = arith.addi %mul3A_379, %add3A_380 : i32
      %add3A_382 = arith.constant 32 : i32
      %add3A_383 = arith.addi %add3A_382, %add3A_381 : i32
      %mul3A_384 = arith.constant 8 : i32
      %mul3A_385 = arith.muli %add3A_383, %mul3A_384 : i32
      %slice3A_386 = vector.extract_strided_slice %and3A_45 {offsets = [4], sizes = [1], strides = [1]} : vector<16xi32> to vector<1xi32>
      %squeeze3A_387 = vector.extract %slice3A_386[0] : i32 from vector<1xi32>
      %add3A_388 = arith.addi %mul3A_385, %squeeze3A_387 : i32
      %slice3A_389 = vector.extract_strided_slice %get3A_39 {offsets = [4], sizes = [1], strides = [1]} : vector<16xi32> to vector<1xi32>
      %squeeze3A_390 = vector.extract %slice3A_389[0] : i32 from vector<1xi32>
      %eq3A_391 = arith.constant -1 : i32
      %eq3A_392 = arith.cmpi eq, %squeeze3A_390, %eq3A_391 : i32
      %add3A_393 = arith.constant 480 : i32
      %add3A_394 = arith.addi %add3A_393, %add3A_381 : i32
      %mul3A_395 = arith.constant 64 : i32
      %mul3A_396 = arith.muli %add3A_394, %mul3A_395 : i32
      %multiple_of3A_397 = tpu.assume_multiple %mul3A_396, 64 : i32
      %get3A_398 = arith.index_cast %add3A_388 : i32 to index
      %get3A_399 = arith.constant 0 : index
      %get3A_400 = tpu.vector_load %arg8[%get3A_398, %get3A_399] {strides = array<i32>} : memref<512x64xf32, #tpu.memory_space<vmem>>, vector<1x16xf32>,
      %get3A_401 = vector.shape_cast %get3A_400 : vector<1x16xf32> to vector<16xf32>
      %get3A_402 = arith.constant 0 : i32
      %get3A_403 = arith.index_cast %get3A_402 : i32 to index
      %get3A_404 = arith.constant 0 : index
      %get3A_405 = tpu.vector_load %arg7[%get3A_403, %get3A_404] {strides = array<i32>} : memref<8x64xf32, #tpu.memory_space<vmem>>, vector<1x16xf32>,
      %get3A_406 = vector.shape_cast %get3A_405 : vector<1x16xf32> to vector<16xf32>
      %select_n3A_407 = arith.select %eq3A_392, %get3A_406, %get3A_401 : vector<16xf32>
      %add3A_408 = arith.constant 0 : i32
      %add3A_409 = arith.addi %multiple_of3A_397, %add3A_408 : i32
      %swap3A_410 = arith.index_cast %add3A_409 : i32 to index
      %swap3A_411 = tpu.vector_load %arg9[%swap3A_410] {strides = array<i32>} : memref<32768xf32, #tpu.memory_space<vmem>>, vector<16xf32>,
      %swap3A_412 = vector.shape_cast %swap3A_411 : vector<16xf32> to vector<16xf32>
      %swap3A_413 = vector.shape_cast %select_n3A_407 : vector<16xf32> to vector<16xf32>
      tpu.vector_store %arg9[%swap3A_410], %swap3A_413 {strides = array<i32>} : memref<32768xf32, #tpu.memory_space<vmem>>, vector<16xf32>,
      %get3A_414 = arith.index_cast %add3A_388 : i32 to index
      %get3A_415 = arith.constant 16 : index
      %get3A_416 = tpu.vector_load %arg8[%get3A_414, %get3A_415] {strides = array<i32>} : memref<512x64xf32, #tpu.memory_space<vmem>>, vector<1x16xf32>,
      %get3A_417 = vector.shape_cast %get3A_416 : vector<1x16xf32> to vector<16xf32>
      %get3A_418 = arith.constant 0 : i32
      %get3A_419 = arith.index_cast %get3A_418 : i32 to index
      %get3A_420 = arith.constant 16 : index
      %get3A_421 = tpu.vector_load %arg7[%get3A_419, %get3A_420] {strides = array<i32>} : memref<8x64xf32, #tpu.memory_space<vmem>>, vector<1x16xf32>,
      %get3A_422 = vector.shape_cast %get3A_421 : vector<1x16xf32> to vector<16xf32>
      %select_n3A_423 = arith.select %eq3A_392, %get3A_422, %get3A_417 : vector<16xf32>
      %add3A_424 = arith.constant 16 : i32
      %add3A_425 = arith.addi %multiple_of3A_397, %add3A_424 : i32
      %swap3A_426 = arith.index_cast %add3A_425 : i32 to index
      %swap3A_427 = tpu.vector_load %arg9[%swap3A_426] {strides = array<i32>} : memref<32768xf32, #tpu.memory_space<vmem>>, vector<16xf32>,
      %swap3A_428 = vector.shape_cast %swap3A_427 : vector<16xf32> to vector<16xf32>
      %swap3A_429 = vector.shape_cast %select_n3A_423 : vector<16xf32> to vector<16xf32>
      tpu.vector_store %arg9[%swap3A_426], %swap3A_429 {strides = array<i32>} : memref<32768xf32, #tpu.memory_space<vmem>>, vector<16xf32>,
      %get3A_430 = arith.index_cast %add3A_388 : i32 to index
      %get3A_431 = arith.constant 32 : index
      %get3A_432 = tpu.vector_load %arg8[%get3A_430, %get3A_431] {strides = array<i32>} : memref<512x64xf32, #tpu.memory_space<vmem>>, vector<1x16xf32>,
      %get3A_433 = vector.shape_cast %get3A_432 : vector<1x16xf32> to vector<16xf32>
      %get3A_434 = arith.constant 0 : i32
      %get3A_435 = arith.index_cast %get3A_434 : i32 to index
      %get3A_436 = arith.constant 32 : index
      %get3A_437 = tpu.vector_load %arg7[%get3A_435, %get3A_436] {strides = array<i32>} : memref<8x64xf32, #tpu.memory_space<vmem>>, vector<1x16xf32>,
      %get3A_438 = vector.shape_cast %get3A_437 : vector<1x16xf32> to vector<16xf32>
      %select_n3A_439 = arith.select %eq3A_392, %get3A_438, %get3A_433 : vector<16xf32>
      %add3A_440 = arith.constant 32 : i32
      %add3A_441 = arith.addi %multiple_of3A_397, %add3A_440 : i32
      %swap3A_442 = arith.index_cast %add3A_441 : i32 to index
      %swap3A_443 = tpu.vector_load %arg9[%swap3A_442] {strides = array<i32>} : memref<32768xf32, #tpu.memory_space<vmem>>, vector<16xf32>,
      %swap3A_444 = vector.shape_cast %swap3A_443 : vector<16xf32> to vector<16xf32>
      %swap3A_445 = vector.shape_cast %select_n3A_439 : vector<16xf32> to vector<16xf32>
      tpu.vector_store %arg9[%swap3A_442], %swap3A_445 {strides = array<i32>} : memref<32768xf32, #tpu.memory_space<vmem>>, vector<16xf32>,
      %get3A_446 = arith.index_cast %add3A_388 : i32 to index
      %get3A_447 = arith.constant 48 : index
      %get3A_448 = tpu.vector_load %arg8[%get3A_446, %get3A_447] {strides = array<i32>} : memref<512x64xf32, #tpu.memory_space<vmem>>, vector<1x16xf32>,
      %get3A_449 = vector.shape_cast %get3A_448 : vector<1x16xf32> to vector<16xf32>
      %get3A_450 = arith.constant 0 : i32
      %get3A_451 = arith.index_cast %get3A_450 : i32 to index
      %get3A_452 = arith.constant 48 : index
      %get3A_453 = tpu.vector_load %arg7[%get3A_451, %get3A_452] {strides = array<i32>} : memref<8x64xf32, #tpu.memory_space<vmem>>, vector<1x16xf32>,
      %get3A_454 = vector.shape_cast %get3A_453 : vector<1x16xf32> to vector<16xf32>
      %select_n3A_455 = arith.select %eq3A_392, %get3A_454, %get3A_449 : vector<16xf32>
      %add3A_456 = arith.constant 48 : i32
      %add3A_457 = arith.addi %multiple_of3A_397, %add3A_456 : i32
      %swap3A_458 = arith.index_cast %add3A_457 : i32 to index
      %swap3A_459 = tpu.vector_load %arg9[%swap3A_458] {strides = array<i32>} : memref<32768xf32, #tpu.memory_space<vmem>>, vector<16xf32>,
      %swap3A_460 = vector.shape_cast %swap3A_459 : vector<16xf32> to vector<16xf32>
      %swap3A_461 = vector.shape_cast %select_n3A_455 : vector<16xf32> to vector<16xf32>
      tpu.vector_store %arg9[%swap3A_458], %swap3A_461 {strides = array<i32>} : memref<32768xf32, #tpu.memory_space<vmem>>, vector<16xf32>,
      %mul3A_462 = arith.constant 16 : i32
      %mul3A_463 = arith.muli %scan3A_33, %mul3A_462 : i32
      %add3A_464 = arith.constant 5 : i32
      %add3A_465 = arith.addi %mul3A_463, %add3A_464 : i32
      %add3A_466 = arith.constant 32 : i32
      %add3A_467 = arith.addi %add3A_466, %add3A_465 : i32
      %mul3A_468 = arith.constant 8 : i32
      %mul3A_469 = arith.muli %add3A_467, %mul3A_468 : i32
      %slice3A_470 = vector.extract_strided_slice %and3A_45 {offsets = [5], sizes = [1], strides = [1]} : vector<16xi32> to vector<1xi32>
      %squeeze3A_471 = vector.extract %slice3A_470[0] : i32 from vector<1xi32>
      %add3A_472 = arith.addi %mul3A_469, %squeeze3A_471 : i32
      %slice3A_473 = vector.extract_strided_slice %get3A_39 {offsets = [5], sizes = [1], strides = [1]} : vector<16xi32> to vector<1xi32>
      %squeeze3A_474 = vector.extract %slice3A_473[0] : i32 from vector<1xi32>
      %eq3A_475 = arith.constant -1 : i32
      %eq3A_476 = arith.cmpi eq, %squeeze3A_474, %eq3A_475 : i32
      %add3A_477 = arith.constant 480 : i32
      %add3A_478 = arith.addi %add3A_477, %add3A_465 : i32
      %mul3A_479 = arith.constant 64 : i32
      %mul3A_480 = arith.muli %add3A_478, %mul3A_479 : i32
      %multiple_of3A_481 = tpu.assume_multiple %mul3A_480, 64 : i32
      %get3A_482 = arith.index_cast %add3A_472 : i32 to index
      %get3A_483 = arith.constant 0 : index
      %get3A_484 = tpu.vector_load %arg8[%get3A_482, %get3A_483] {strides = array<i32>} : memref<512x64xf32, #tpu.memory_space<vmem>>, vector<1x16xf32>,
      %get3A_485 = vector.shape_cast %get3A_484 : vector<1x16xf32> to vector<16xf32>
      %get3A_486 = arith.constant 0 : i32
      %get3A_487 = arith.index_cast %get3A_486 : i32 to index
      %get3A_488 = arith.constant 0 : index
      %get3A_489 = tpu.vector_load %arg7[%get3A_487, %get3A_488] {strides = array<i32>} : memref<8x64xf32, #tpu.memory_space<vmem>>, vector<1x16xf32>,
      %get3A_490 = vector.shape_cast %get3A_489 : vector<1x16xf32> to vector<16xf32>
      %select_n3A_491 = arith.select %eq3A_476, %get3A_490, %get3A_485 : vector<16xf32>
      %add3A_492 = arith.constant 0 : i32
      %add3A_493 = arith.addi %multiple_of3A_481, %add3A_492 : i32
      %swap3A_494 = arith.index_cast %add3A_493 : i32 to index
      %swap3A_495 = tpu.vector_load %arg9[%swap3A_494] {strides = array<i32>} : memref<32768xf32, #tpu.memory_space<vmem>>, vector<16xf32>,
      %swap3A_496 = vector.shape_cast %swap3A_495 : vector<16xf32> to vector<16xf32>
      %swap3A_497 = vector.shape_cast %select_n3A_491 : vector<16xf32> to vector<16xf32>
      tpu.vector_store %arg9[%swap3A_494], %swap3A_497 {strides = array<i32>} : memref<32768xf32, #tpu.memory_space<vmem>>, vector<16xf32>,
      %get3A_498 = arith.index_cast %add3A_472 : i32 to index
      %get3A_499 = arith.constant 16 : index
      %get3A_500 = tpu.vector_load %arg8[%get3A_498, %get3A_499] {strides = array<i32>} : memref<512x64xf32, #tpu.memory_space<vmem>>, vector<1x16xf32>,
      %get3A_501 = vector.shape_cast %get3A_500 : vector<1x16xf32> to vector<16xf32>
      %get3A_502 = arith.constant 0 : i32
      %get3A_503 = arith.index_cast %get3A_502 : i32 to index
      %get3A_504 = arith.constant 16 : index
      %get3A_505 = tpu.vector_load %arg7[%get3A_503, %get3A_504] {strides = array<i32>} : memref<8x64xf32, #tpu.memory_space<vmem>>, vector<1x16xf32>,
      %get3A_506 = vector.shape_cast %get3A_505 : vector<1x16xf32> to vector<16xf32>
      %select_n3A_507 = arith.select %eq3A_476, %get3A_506, %get3A_501 : vector<16xf32>
      %add3A_508 = arith.constant 16 : i32
      %add3A_509 = arith.addi %multiple_of3A_481, %add3A_508 : i32
      %swap3A_510 = arith.index_cast %add3A_509 : i32 to index
      %swap3A_511 = tpu.vector_load %arg9[%swap3A_510] {strides = array<i32>} : memref<32768xf32, #tpu.memory_space<vmem>>, vector<16xf32>,
      %swap3A_512 = vector.shape_cast %swap3A_511 : vector<16xf32> to vector<16xf32>
      %swap3A_513 = vector.shape_cast %select_n3A_507 : vector<16xf32> to vector<16xf32>
      tpu.vector_store %arg9[%swap3A_510], %swap3A_513 {strides = array<i32>} : memref<32768xf32, #tpu.memory_space<vmem>>, vector<16xf32>,
      %get3A_514 = arith.index_cast %add3A_472 : i32 to index
      %get3A_515 = arith.constant 32 : index
      %get3A_516 = tpu.vector_load %arg8[%get3A_514, %get3A_515] {strides = array<i32>} : memref<512x64xf32, #tpu.memory_space<vmem>>, vector<1x16xf32>,
      %get3A_517 = vector.shape_cast %get3A_516 : vector<1x16xf32> to vector<16xf32>
      %get3A_518 = arith.constant 0 : i32
      %get3A_519 = arith.index_cast %get3A_518 : i32 to index
      %get3A_520 = arith.constant 32 : index
      %get3A_521 = tpu.vector_load %arg7[%get3A_519, %get3A_520] {strides = array<i32>} : memref<8x64xf32, #tpu.memory_space<vmem>>, vector<1x16xf32>,
      %get3A_522 = vector.shape_cast %get3A_521 : vector<1x16xf32> to vector<16xf32>
      %select_n3A_523 = arith.select %eq3A_476, %get3A_522, %get3A_517 : vector<16xf32>
      %add3A_524 = arith.constant 32 : i32
      %add3A_525 = arith.addi %multiple_of3A_481, %add3A_524 : i32
      %swap3A_526 = arith.index_cast %add3A_525 : i32 to index
      %swap3A_527 = tpu.vector_load %arg9[%swap3A_526] {strides = array<i32>} : memref<32768xf32, #tpu.memory_space<vmem>>, vector<16xf32>,
      %swap3A_528 = vector.shape_cast %swap3A_527 : vector<16xf32> to vector<16xf32>
      %swap3A_529 = vector.shape_cast %select_n3A_523 : vector<16xf32> to vector<16xf32>
      tpu.vector_store %arg9[%swap3A_526], %swap3A_529 {strides = array<i32>} : memref<32768xf32, #tpu.memory_space<vmem>>, vector<16xf32>,
      %get3A_530 = arith.index_cast %add3A_472 : i32 to index
      %get3A_531 = arith.constant 48 : index
      %get3A_532 = tpu.vector_load %arg8[%get3A_530, %get3A_531] {strides = array<i32>} : memref<512x64xf32, #tpu.memory_space<vmem>>, vector<1x16xf32>,
      %get3A_533 = vector.shape_cast %get3A_532 : vector<1x16xf32> to vector<16xf32>
      %get3A_534 = arith.constant 0 : i32
      %get3A_535 = arith.index_cast %get3A_534 : i32 to index
      %get3A_536 = arith.constant 48 : index
      %get3A_537 = tpu.vector_load %arg7[%get3A_535, %get3A_536] {strides = array<i32>} : memref<8x64xf32, #tpu.memory_space<vmem>>, vector<1x16xf32>,
      %get3A_538 = vector.shape_cast %get3A_537 : vector<1x16xf32> to vector<16xf32>
      %select_n3A_539 = arith.select %eq3A_476, %get3A_538, %get3A_533 : vector<16xf32>
      %add3A_540 = arith.constant 48 : i32
      %add3A_541 = arith.addi %multiple_of3A_481, %add3A_540 : i32
      %swap3A_542 = arith.index_cast %add3A_541 : i32 to index
      %swap3A_543 = tpu.vector_load %arg9[%swap3A_542] {strides = array<i32>} : memref<32768xf32, #tpu.memory_space<vmem>>, vector<16xf32>,
      %swap3A_544 = vector.shape_cast %swap3A_543 : vector<16xf32> to vector<16xf32>
      %swap3A_545 = vector.shape_cast %select_n3A_539 : vector<16xf32> to vector<16xf32>
      tpu.vector_store %arg9[%swap3A_542], %swap3A_545 {strides = array<i32>} : memref<32768xf32, #tpu.memory_space<vmem>>, vector<16xf32>,
      %mul3A_546 = arith.constant 16 : i32
      %mul3A_547 = arith.muli %scan3A_33, %mul3A_546 : i32
      %add3A_548 = arith.constant 6 : i32
      %add3A_549 = arith.addi %mul3A_547, %add3A_548 : i32
      %add3A_550 = arith.constant 32 : i32
      %add3A_551 = arith.addi %add3A_550, %add3A_549 : i32
      %mul3A_552 = arith.constant 8 : i32
      %mul3A_553 = arith.muli %add3A_551, %mul3A_552 : i32
      %slice3A_554 = vector.extract_strided_slice %and3A_45 {offsets = [6], sizes = [1], strides = [1]} : vector<16xi32> to vector<1xi32>
      %squeeze3A_555 = vector.extract %slice3A_554[0] : i32 from vector<1xi32>
      %add3A_556 = arith.addi %mul3A_553, %squeeze3A_555 : i32
      %slice3A_557 = vector.extract_strided_slice %get3A_39 {offsets = [6], sizes = [1], strides = [1]} : vector<16xi32> to vector<1xi32>
      %squeeze3A_558 = vector.extract %slice3A_557[0] : i32 from vector<1xi32>
      %eq3A_559 = arith.constant -1 : i32
      %eq3A_560 = arith.cmpi eq, %squeeze3A_558, %eq3A_559 : i32
      %add3A_561 = arith.constant 480 : i32
      %add3A_562 = arith.addi %add3A_561, %add3A_549 : i32
      %mul3A_563 = arith.constant 64 : i32
      %mul3A_564 = arith.muli %add3A_562, %mul3A_563 : i32
      %multiple_of3A_565 = tpu.assume_multiple %mul3A_564, 64 : i32
      %get3A_566 = arith.index_cast %add3A_556 : i32 to index
      %get3A_567 = arith.constant 0 : index
      %get3A_568 = tpu.vector_load %arg8[%get3A_566, %get3A_567] {strides = array<i32>} : memref<512x64xf32, #tpu.memory_space<vmem>>, vector<1x16xf32>,
      %get3A_569 = vector.shape_cast %get3A_568 : vector<1x16xf32> to vector<16xf32>
      %get3A_570 = arith.constant 0 : i32
      %get3A_571 = arith.index_cast %get3A_570 : i32 to index
      %get3A_572 = arith.constant 0 : index
      %get3A_573 = tpu.vector_load %arg7[%get3A_571, %get3A_572] {strides = array<i32>} : memref<8x64xf32, #tpu.memory_space<vmem>>, vector<1x16xf32>,
      %get3A_574 = vector.shape_cast %get3A_573 : vector<1x16xf32> to vector<16xf32>
      %select_n3A_575 = arith.select %eq3A_560, %get3A_574, %get3A_569 : vector<16xf32>
      %add3A_576 = arith.constant 0 : i32
      %add3A_577 = arith.addi %multiple_of3A_565, %add3A_576 : i32
      %swap3A_578 = arith.index_cast %add3A_577 : i32 to index
      %swap3A_579 = tpu.vector_load %arg9[%swap3A_578] {strides = array<i32>} : memref<32768xf32, #tpu.memory_space<vmem>>, vector<16xf32>,
      %swap3A_580 = vector.shape_cast %swap3A_579 : vector<16xf32> to vector<16xf32>
      %swap3A_581 = vector.shape_cast %select_n3A_575 : vector<16xf32> to vector<16xf32>
      tpu.vector_store %arg9[%swap3A_578], %swap3A_581 {strides = array<i32>} : memref<32768xf32, #tpu.memory_space<vmem>>, vector<16xf32>,
      %get3A_582 = arith.index_cast %add3A_556 : i32 to index
      %get3A_583 = arith.constant 16 : index
      %get3A_584 = tpu.vector_load %arg8[%get3A_582, %get3A_583] {strides = array<i32>} : memref<512x64xf32, #tpu.memory_space<vmem>>, vector<1x16xf32>,
      %get3A_585 = vector.shape_cast %get3A_584 : vector<1x16xf32> to vector<16xf32>
      %get3A_586 = arith.constant 0 : i32
      %get3A_587 = arith.index_cast %get3A_586 : i32 to index
      %get3A_588 = arith.constant 16 : index
      %get3A_589 = tpu.vector_load %arg7[%get3A_587, %get3A_588] {strides = array<i32>} : memref<8x64xf32, #tpu.memory_space<vmem>>, vector<1x16xf32>,
      %get3A_590 = vector.shape_cast %get3A_589 : vector<1x16xf32> to vector<16xf32>
      %select_n3A_591 = arith.select %eq3A_560, %get3A_590, %get3A_585 : vector<16xf32>
      %add3A_592 = arith.constant 16 : i32
      %add3A_593 = arith.addi %multiple_of3A_565, %add3A_592 : i32
      %swap3A_594 = arith.index_cast %add3A_593 : i32 to index
      %swap3A_595 = tpu.vector_load %arg9[%swap3A_594] {strides = array<i32>} : memref<32768xf32, #tpu.memory_space<vmem>>, vector<16xf32>,
      %swap3A_596 = vector.shape_cast %swap3A_595 : vector<16xf32> to vector<16xf32>
      %swap3A_597 = vector.shape_cast %select_n3A_591 : vector<16xf32> to vector<16xf32>
      tpu.vector_store %arg9[%swap3A_594], %swap3A_597 {strides = array<i32>} : memref<32768xf32, #tpu.memory_space<vmem>>, vector<16xf32>,
      %get3A_598 = arith.index_cast %add3A_556 : i32 to index
      %get3A_599 = arith.constant 32 : index
      %get3A_600 = tpu.vector_load %arg8[%get3A_598, %get3A_599] {strides = array<i32>} : memref<512x64xf32, #tpu.memory_space<vmem>>, vector<1x16xf32>,
      %get3A_601 = vector.shape_cast %get3A_600 : vector<1x16xf32> to vector<16xf32>
      %get3A_602 = arith.constant 0 : i32
      %get3A_603 = arith.index_cast %get3A_602 : i32 to index
      %get3A_604 = arith.constant 32 : index
      %get3A_605 = tpu.vector_load %arg7[%get3A_603, %get3A_604] {strides = array<i32>} : memref<8x64xf32, #tpu.memory_space<vmem>>, vector<1x16xf32>,
      %get3A_606 = vector.shape_cast %get3A_605 : vector<1x16xf32> to vector<16xf32>
      %select_n3A_607 = arith.select %eq3A_560, %get3A_606, %get3A_601 : vector<16xf32>
      %add3A_608 = arith.constant 32 : i32
      %add3A_609 = arith.addi %multiple_of3A_565, %add3A_608 : i32
      %swap3A_610 = arith.index_cast %add3A_609 : i32 to index
      %swap3A_611 = tpu.vector_load %arg9[%swap3A_610] {strides = array<i32>} : memref<32768xf32, #tpu.memory_space<vmem>>, vector<16xf32>,
      %swap3A_612 = vector.shape_cast %swap3A_611 : vector<16xf32> to vector<16xf32>
      %swap3A_613 = vector.shape_cast %select_n3A_607 : vector<16xf32> to vector<16xf32>
      tpu.vector_store %arg9[%swap3A_610], %swap3A_613 {strides = array<i32>} : memref<32768xf32, #tpu.memory_space<vmem>>, vector<16xf32>,
      %get3A_614 = arith.index_cast %add3A_556 : i32 to index
      %get3A_615 = arith.constant 48 : index
      %get3A_616 = tpu.vector_load %arg8[%get3A_614, %get3A_615] {strides = array<i32>} : memref<512x64xf32, #tpu.memory_space<vmem>>, vector<1x16xf32>,
      %get3A_617 = vector.shape_cast %get3A_616 : vector<1x16xf32> to vector<16xf32>
      %get3A_618 = arith.constant 0 : i32
      %get3A_619 = arith.index_cast %get3A_618 : i32 to index
      %get3A_620 = arith.constant 48 : index
      %get3A_621 = tpu.vector_load %arg7[%get3A_619, %get3A_620] {strides = array<i32>} : memref<8x64xf32, #tpu.memory_space<vmem>>, vector<1x16xf32>,
      %get3A_622 = vector.shape_cast %get3A_621 : vector<1x16xf32> to vector<16xf32>
      %select_n3A_623 = arith.select %eq3A_560, %get3A_622, %get3A_617 : vector<16xf32>
      %add3A_624 = arith.constant 48 : i32
      %add3A_625 = arith.addi %multiple_of3A_565, %add3A_624 : i32
      %swap3A_626 = arith.index_cast %add3A_625 : i32 to index
      %swap3A_627 = tpu.vector_load %arg9[%swap3A_626] {strides = array<i32>} : memref<32768xf32, #tpu.memory_space<vmem>>, vector<16xf32>,
      %swap3A_628 = vector.shape_cast %swap3A_627 : vector<16xf32> to vector<16xf32>
      %swap3A_629 = vector.shape_cast %select_n3A_623 : vector<16xf32> to vector<16xf32>
      tpu.vector_store %arg9[%swap3A_626], %swap3A_629 {strides = array<i32>} : memref<32768xf32, #tpu.memory_space<vmem>>, vector<16xf32>,
      %mul3A_630 = arith.constant 16 : i32
      %mul3A_631 = arith.muli %scan3A_33, %mul3A_630 : i32
      %add3A_632 = arith.constant 7 : i32
      %add3A_633 = arith.addi %mul3A_631, %add3A_632 : i32
      %add3A_634 = arith.constant 32 : i32
      %add3A_635 = arith.addi %add3A_634, %add3A_633 : i32
      %mul3A_636 = arith.constant 8 : i32
      %mul3A_637 = arith.muli %add3A_635, %mul3A_636 : i32
      %slice3A_638 = vector.extract_strided_slice %and3A_45 {offsets = [7], sizes = [1], strides = [1]} : vector<16xi32> to vector<1xi32>
      %squeeze3A_639 = vector.extract %slice3A_638[0] : i32 from vector<1xi32>
      %add3A_640 = arith.addi %mul3A_637, %squeeze3A_639 : i32
      %slice3A_641 = vector.extract_strided_slice %get3A_39 {offsets = [7], sizes = [1], strides = [1]} : vector<16xi32> to vector<1xi32>
      %squeeze3A_642 = vector.extract %slice3A_641[0] : i32 from vector<1xi32>
      %eq3A_643 = arith.constant -1 : i32
      %eq3A_644 = arith.cmpi eq, %squeeze3A_642, %eq3A_643 : i32
      %add3A_645 = arith.constant 480 : i32
      %add3A_646 = arith.addi %add3A_645, %add3A_633 : i32
      %mul3A_647 = arith.constant 64 : i32
      %mul3A_648 = arith.muli %add3A_646, %mul3A_647 : i32
      %multiple_of3A_649 = tpu.assume_multiple %mul3A_648, 64 : i32
      %get3A_650 = arith.index_cast %add3A_640 : i32 to index
      %get3A_651 = arith.constant 0 : index
      %get3A_652 = tpu.vector_load %arg8[%get3A_650, %get3A_651] {strides = array<i32>} : memref<512x64xf32, #tpu.memory_space<vmem>>, vector<1x16xf32>,
      %get3A_653 = vector.shape_cast %get3A_652 : vector<1x16xf32> to vector<16xf32>
      %get3A_654 = arith.constant 0 : i32
      %get3A_655 = arith.index_cast %get3A_654 : i32 to index
      %get3A_656 = arith.constant 0 : index
      %get3A_657 = tpu.vector_load %arg7[%get3A_655, %get3A_656] {strides = array<i32>} : memref<8x64xf32, #tpu.memory_space<vmem>>, vector<1x16xf32>,
      %get3A_658 = vector.shape_cast %get3A_657 : vector<1x16xf32> to vector<16xf32>
      %select_n3A_659 = arith.select %eq3A_644, %get3A_658, %get3A_653 : vector<16xf32>
      %add3A_660 = arith.constant 0 : i32
      %add3A_661 = arith.addi %multiple_of3A_649, %add3A_660 : i32
      %swap3A_662 = arith.index_cast %add3A_661 : i32 to index
      %swap3A_663 = tpu.vector_load %arg9[%swap3A_662] {strides = array<i32>} : memref<32768xf32, #tpu.memory_space<vmem>>, vector<16xf32>,
      %swap3A_664 = vector.shape_cast %swap3A_663 : vector<16xf32> to vector<16xf32>
      %swap3A_665 = vector.shape_cast %select_n3A_659 : vector<16xf32> to vector<16xf32>
      tpu.vector_store %arg9[%swap3A_662], %swap3A_665 {strides = array<i32>} : memref<32768xf32, #tpu.memory_space<vmem>>, vector<16xf32>,
      %get3A_666 = arith.index_cast %add3A_640 : i32 to index
      %get3A_667 = arith.constant 16 : index
      %get3A_668 = tpu.vector_load %arg8[%get3A_666, %get3A_667] {strides = array<i32>} : memref<512x64xf32, #tpu.memory_space<vmem>>, vector<1x16xf32>,
      %get3A_669 = vector.shape_cast %get3A_668 : vector<1x16xf32> to vector<16xf32>
      %get3A_670 = arith.constant 0 : i32
      %get3A_671 = arith.index_cast %get3A_670 : i32 to index
      %get3A_672 = arith.constant 16 : index
      %get3A_673 = tpu.vector_load %arg7[%get3A_671, %get3A_672] {strides = array<i32>} : memref<8x64xf32, #tpu.memory_space<vmem>>, vector<1x16xf32>,
      %get3A_674 = vector.shape_cast %get3A_673 : vector<1x16xf32> to vector<16xf32>
      %select_n3A_675 = arith.select %eq3A_644, %get3A_674, %get3A_669 : vector<16xf32>
      %add3A_676 = arith.constant 16 : i32
      %add3A_677 = arith.addi %multiple_of3A_649, %add3A_676 : i32
      %swap3A_678 = arith.index_cast %add3A_677 : i32 to index
      %swap3A_679 = tpu.vector_load %arg9[%swap3A_678] {strides = array<i32>} : memref<32768xf32, #tpu.memory_space<vmem>>, vector<16xf32>,
      %swap3A_680 = vector.shape_cast %swap3A_679 : vector<16xf32> to vector<16xf32>
      %swap3A_681 = vector.shape_cast %select_n3A_675 : vector<16xf32> to vector<16xf32>
      tpu.vector_store %arg9[%swap3A_678], %swap3A_681 {strides = array<i32>} : memref<32768xf32, #tpu.memory_space<vmem>>, vector<16xf32>,
      %get3A_682 = arith.index_cast %add3A_640 : i32 to index
      %get3A_683 = arith.constant 32 : index
      %get3A_684 = tpu.vector_load %arg8[%get3A_682, %get3A_683] {strides = array<i32>} : memref<512x64xf32, #tpu.memory_space<vmem>>, vector<1x16xf32>,
      %get3A_685 = vector.shape_cast %get3A_684 : vector<1x16xf32> to vector<16xf32>
      %get3A_686 = arith.constant 0 : i32
      %get3A_687 = arith.index_cast %get3A_686 : i32 to index
      %get3A_688 = arith.constant 32 : index
      %get3A_689 = tpu.vector_load %arg7[%get3A_687, %get3A_688] {strides = array<i32>} : memref<8x64xf32, #tpu.memory_space<vmem>>, vector<1x16xf32>,
      %get3A_690 = vector.shape_cast %get3A_689 : vector<1x16xf32> to vector<16xf32>
      %select_n3A_691 = arith.select %eq3A_644, %get3A_690, %get3A_685 : vector<16xf32>
      %add3A_692 = arith.constant 32 : i32
      %add3A_693 = arith.addi %multiple_of3A_649, %add3A_692 : i32
      %swap3A_694 = arith.index_cast %add3A_693 : i32 to index
      %swap3A_695 = tpu.vector_load %arg9[%swap3A_694] {strides = array<i32>} : memref<32768xf32, #tpu.memory_space<vmem>>, vector<16xf32>,
      %swap3A_696 = vector.shape_cast %swap3A_695 : vector<16xf32> to vector<16xf32>
      %swap3A_697 = vector.shape_cast %select_n3A_691 : vector<16xf32> to vector<16xf32>
      tpu.vector_store %arg9[%swap3A_694], %swap3A_697 {strides = array<i32>} : memref<32768xf32, #tpu.memory_space<vmem>>, vector<16xf32>,
      %get3A_698 = arith.index_cast %add3A_640 : i32 to index
      %get3A_699 = arith.constant 48 : index
      %get3A_700 = tpu.vector_load %arg8[%get3A_698, %get3A_699] {strides = array<i32>} : memref<512x64xf32, #tpu.memory_space<vmem>>, vector<1x16xf32>,
      %get3A_701 = vector.shape_cast %get3A_700 : vector<1x16xf32> to vector<16xf32>
      %get3A_702 = arith.constant 0 : i32
      %get3A_703 = arith.index_cast %get3A_702 : i32 to index
      %get3A_704 = arith.constant 48 : index
      %get3A_705 = tpu.vector_load %arg7[%get3A_703, %get3A_704] {strides = array<i32>} : memref<8x64xf32, #tpu.memory_space<vmem>>, vector<1x16xf32>,
      %get3A_706 = vector.shape_cast %get3A_705 : vector<1x16xf32> to vector<16xf32>
      %select_n3A_707 = arith.select %eq3A_644, %get3A_706, %get3A_701 : vector<16xf32>
      %add3A_708 = arith.constant 48 : i32
      %add3A_709 = arith.addi %multiple_of3A_649, %add3A_708 : i32
      %swap3A_710 = arith.index_cast %add3A_709 : i32 to index
      %swap3A_711 = tpu.vector_load %arg9[%swap3A_710] {strides = array<i32>} : memref<32768xf32, #tpu.memory_space<vmem>>, vector<16xf32>,
      %swap3A_712 = vector.shape_cast %swap3A_711 : vector<16xf32> to vector<16xf32>
      %swap3A_713 = vector.shape_cast %select_n3A_707 : vector<16xf32> to vector<16xf32>
      tpu.vector_store %arg9[%swap3A_710], %swap3A_713 {strides = array<i32>} : memref<32768xf32, #tpu.memory_space<vmem>>, vector<16xf32>,
      %mul3A_714 = arith.constant 16 : i32
      %mul3A_715 = arith.muli %scan3A_33, %mul3A_714 : i32
      %add3A_716 = arith.constant 8 : i32
      %add3A_717 = arith.addi %mul3A_715, %add3A_716 : i32
      %add3A_718 = arith.constant 32 : i32
      %add3A_719 = arith.addi %add3A_718, %add3A_717 : i32
      %mul3A_720 = arith.constant 8 : i32
      %mul3A_721 = arith.muli %add3A_719, %mul3A_720 : i32
      %slice3A_722 = vector.extract_strided_slice %and3A_45 {offsets = [8], sizes = [1], strides = [1]} : vector<16xi32> to vector<1xi32>
      %squeeze3A_723 = vector.extract %slice3A_722[0] : i32 from vector<1xi32>
      %add3A_724 = arith.addi %mul3A_721, %squeeze3A_723 : i32
      %slice3A_725 = vector.extract_strided_slice %get3A_39 {offsets = [8], sizes = [1], strides = [1]} : vector<16xi32> to vector<1xi32>
      %squeeze3A_726 = vector.extract %slice3A_725[0] : i32 from vector<1xi32>
      %eq3A_727 = arith.constant -1 : i32
      %eq3A_728 = arith.cmpi eq, %squeeze3A_726, %eq3A_727 : i32
      %add3A_729 = arith.constant 480 : i32
      %add3A_730 = arith.addi %add3A_729, %add3A_717 : i32
      %mul3A_731 = arith.constant 64 : i32
      %mul3A_732 = arith.muli %add3A_730, %mul3A_731 : i32
      %multiple_of3A_733 = tpu.assume_multiple %mul3A_732, 64 : i32
      %get3A_734 = arith.index_cast %add3A_724 : i32 to index
      %get3A_735 = arith.constant 0 : index
      %get3A_736 = tpu.vector_load %arg8[%get3A_734, %get3A_735] {strides = array<i32>} : memref<512x64xf32, #tpu.memory_space<vmem>>, vector<1x16xf32>,
      %get3A_737 = vector.shape_cast %get3A_736 : vector<1x16xf32> to vector<16xf32>
      %get3A_738 = arith.constant 0 : i32
      %get3A_739 = arith.index_cast %get3A_738 : i32 to index
      %get3A_740 = arith.constant 0 : index
      %get3A_741 = tpu.vector_load %arg7[%get3A_739, %get3A_740] {strides = array<i32>} : memref<8x64xf32, #tpu.memory_space<vmem>>, vector<1x16xf32>,
      %get3A_742 = vector.shape_cast %get3A_741 : vector<1x16xf32> to vector<16xf32>
      %select_n3A_743 = arith.select %eq3A_728, %get3A_742, %get3A_737 : vector<16xf32>
      %add3A_744 = arith.constant 0 : i32
      %add3A_745 = arith.addi %multiple_of3A_733, %add3A_744 : i32
      %swap3A_746 = arith.index_cast %add3A_745 : i32 to index
      %swap3A_747 = tpu.vector_load %arg9[%swap3A_746] {strides = array<i32>} : memref<32768xf32, #tpu.memory_space<vmem>>, vector<16xf32>,
      %swap3A_748 = vector.shape_cast %swap3A_747 : vector<16xf32> to vector<16xf32>
      %swap3A_749 = vector.shape_cast %select_n3A_743 : vector<16xf32> to vector<16xf32>
      tpu.vector_store %arg9[%swap3A_746], %swap3A_749 {strides = array<i32>} : memref<32768xf32, #tpu.memory_space<vmem>>, vector<16xf32>,
      %get3A_750 = arith.index_cast %add3A_724 : i32 to index
      %get3A_751 = arith.constant 16 : index
      %get3A_752 = tpu.vector_load %arg8[%get3A_750, %get3A_751] {strides = array<i32>} : memref<512x64xf32, #tpu.memory_space<vmem>>, vector<1x16xf32>,
      %get3A_753 = vector.shape_cast %get3A_752 : vector<1x16xf32> to vector<16xf32>
      %get3A_754 = arith.constant 0 : i32
      %get3A_755 = arith.index_cast %get3A_754 : i32 to index
      %get3A_756 = arith.constant 16 : index
      %get3A_757 = tpu.vector_load %arg7[%get3A_755, %get3A_756] {strides = array<i32>} : memref<8x64xf32, #tpu.memory_space<vmem>>, vector<1x16xf32>,
      %get3A_758 = vector.shape_cast %get3A_757 : vector<1x16xf32> to vector<16xf32>
      %select_n3A_759 = arith.select %eq3A_728, %get3A_758, %get3A_753 : vector<16xf32>
      %add3A_760 = arith.constant 16 : i32
      %add3A_761 = arith.addi %multiple_of3A_733, %add3A_760 : i32
      %swap3A_762 = arith.index_cast %add3A_761 : i32 to index
      %swap3A_763 = tpu.vector_load %arg9[%swap3A_762] {strides = array<i32>} : memref<32768xf32, #tpu.memory_space<vmem>>, vector<16xf32>,
      %swap3A_764 = vector.shape_cast %swap3A_763 : vector<16xf32> to vector<16xf32>
      %swap3A_765 = vector.shape_cast %select_n3A_759 : vector<16xf32> to vector<16xf32>
      tpu.vector_store %arg9[%swap3A_762], %swap3A_765 {strides = array<i32>} : memref<32768xf32, #tpu.memory_space<vmem>>, vector<16xf32>,
      %get3A_766 = arith.index_cast %add3A_724 : i32 to index
      %get3A_767 = arith.constant 32 : index
      %get3A_768 = tpu.vector_load %arg8[%get3A_766, %get3A_767] {strides = array<i32>} : memref<512x64xf32, #tpu.memory_space<vmem>>, vector<1x16xf32>,
      %get3A_769 = vector.shape_cast %get3A_768 : vector<1x16xf32> to vector<16xf32>
      %get3A_770 = arith.constant 0 : i32
      %get3A_771 = arith.index_cast %get3A_770 : i32 to index
      %get3A_772 = arith.constant 32 : index
      %get3A_773 = tpu.vector_load %arg7[%get3A_771, %get3A_772] {strides = array<i32>} : memref<8x64xf32, #tpu.memory_space<vmem>>, vector<1x16xf32>,
      %get3A_774 = vector.shape_cast %get3A_773 : vector<1x16xf32> to vector<16xf32>
      %select_n3A_775 = arith.select %eq3A_728, %get3A_774, %get3A_769 : vector<16xf32>
      %add3A_776 = arith.constant 32 : i32
      %add3A_777 = arith.addi %multiple_of3A_733, %add3A_776 : i32
      %swap3A_778 = arith.index_cast %add3A_777 : i32 to index
      %swap3A_779 = tpu.vector_load %arg9[%swap3A_778] {strides = array<i32>} : memref<32768xf32, #tpu.memory_space<vmem>>, vector<16xf32>,
      %swap3A_780 = vector.shape_cast %swap3A_779 : vector<16xf32> to vector<16xf32>
      %swap3A_781 = vector.shape_cast %select_n3A_775 : vector<16xf32> to vector<16xf32>
      tpu.vector_store %arg9[%swap3A_778], %swap3A_781 {strides = array<i32>} : memref<32768xf32, #tpu.memory_space<vmem>>, vector<16xf32>,
      %get3A_782 = arith.index_cast %add3A_724 : i32 to index
      %get3A_783 = arith.constant 48 : index
      %get3A_784 = tpu.vector_load %arg8[%get3A_782, %get3A_783] {strides = array<i32>} : memref<512x64xf32, #tpu.memory_space<vmem>>, vector<1x16xf32>,
      %get3A_785 = vector.shape_cast %get3A_784 : vector<1x16xf32> to vector<16xf32>
      %get3A_786 = arith.constant 0 : i32
      %get3A_787 = arith.index_cast %get3A_786 : i32 to index
      %get3A_788 = arith.constant 48 : index
      %get3A_789 = tpu.vector_load %arg7[%get3A_787, %get3A_788] {strides = array<i32>} : memref<8x64xf32, #tpu.memory_space<vmem>>, vector<1x16xf32>,
      %get3A_790 = vector.shape_cast %get3A_789 : vector<1x16xf32> to vector<16xf32>
      %select_n3A_791 = arith.select %eq3A_728, %get3A_790, %get3A_785 : vector<16xf32>
      %add3A_792 = arith.constant 48 : i32
      %add3A_793 = arith.addi %multiple_of3A_733, %add3A_792 : i32
      %swap3A_794 = arith.index_cast %add3A_793 : i32 to index
      %swap3A_795 = tpu.vector_load %arg9[%swap3A_794] {strides = array<i32>} : memref<32768xf32, #tpu.memory_space<vmem>>, vector<16xf32>,
      %swap3A_796 = vector.shape_cast %swap3A_795 : vector<16xf32> to vector<16xf32>
      %swap3A_797 = vector.shape_cast %select_n3A_791 : vector<16xf32> to vector<16xf32>
      tpu.vector_store %arg9[%swap3A_794], %swap3A_797 {strides = array<i32>} : memref<32768xf32, #tpu.memory_space<vmem>>, vector<16xf32>,
      %mul3A_798 = arith.constant 16 : i32
      %mul3A_799 = arith.muli %scan3A_33, %mul3A_798 : i32
      %add3A_800 = arith.constant 9 : i32
      %add3A_801 = arith.addi %mul3A_799, %add3A_800 : i32
      %add3A_802 = arith.constant 32 : i32
      %add3A_803 = arith.addi %add3A_802, %add3A_801 : i32
      %mul3A_804 = arith.constant 8 : i32
      %mul3A_805 = arith.muli %add3A_803, %mul3A_804 : i32
      %slice3A_806 = vector.extract_strided_slice %and3A_45 {offsets = [9], sizes = [1], strides = [1]} : vector<16xi32> to vector<1xi32>
      %squeeze3A_807 = vector.extract %slice3A_806[0] : i32 from vector<1xi32>
      %add3A_808 = arith.addi %mul3A_805, %squeeze3A_807 : i32
      %slice3A_809 = vector.extract_strided_slice %get3A_39 {offsets = [9], sizes = [1], strides = [1]} : vector<16xi32> to vector<1xi32>
      %squeeze3A_810 = vector.extract %slice3A_809[0] : i32 from vector<1xi32>
      %eq3A_811 = arith.constant -1 : i32
      %eq3A_812 = arith.cmpi eq, %squeeze3A_810, %eq3A_811 : i32
      %add3A_813 = arith.constant 480 : i32
      %add3A_814 = arith.addi %add3A_813, %add3A_801 : i32
      %mul3A_815 = arith.constant 64 : i32
      %mul3A_816 = arith.muli %add3A_814, %mul3A_815 : i32
      %multiple_of3A_817 = tpu.assume_multiple %mul3A_816, 64 : i32
      %get3A_818 = arith.index_cast %add3A_808 : i32 to index
      %get3A_819 = arith.constant 0 : index
      %get3A_820 = tpu.vector_load %arg8[%get3A_818, %get3A_819] {strides = array<i32>} : memref<512x64xf32, #tpu.memory_space<vmem>>, vector<1x16xf32>,
      %get3A_821 = vector.shape_cast %get3A_820 : vector<1x16xf32> to vector<16xf32>
      %get3A_822 = arith.constant 0 : i32
      %get3A_823 = arith.index_cast %get3A_822 : i32 to index
      %get3A_824 = arith.constant 0 : index
      %get3A_825 = tpu.vector_load %arg7[%get3A_823, %get3A_824] {strides = array<i32>} : memref<8x64xf32, #tpu.memory_space<vmem>>, vector<1x16xf32>,
      %get3A_826 = vector.shape_cast %get3A_825 : vector<1x16xf32> to vector<16xf32>
      %select_n3A_827 = arith.select %eq3A_812, %get3A_826, %get3A_821 : vector<16xf32>
      %add3A_828 = arith.constant 0 : i32
      %add3A_829 = arith.addi %multiple_of3A_817, %add3A_828 : i32
      %swap3A_830 = arith.index_cast %add3A_829 : i32 to index
      %swap3A_831 = tpu.vector_load %arg9[%swap3A_830] {strides = array<i32>} : memref<32768xf32, #tpu.memory_space<vmem>>, vector<16xf32>,
      %swap3A_832 = vector.shape_cast %swap3A_831 : vector<16xf32> to vector<16xf32>
      %swap3A_833 = vector.shape_cast %select_n3A_827 : vector<16xf32> to vector<16xf32>
      tpu.vector_store %arg9[%swap3A_830], %swap3A_833 {strides = array<i32>} : memref<32768xf32, #tpu.memory_space<vmem>>, vector<16xf32>,
      %get3A_834 = arith.index_cast %add3A_808 : i32 to index
      %get3A_835 = arith.constant 16 : index
      %get3A_836 = tpu.vector_load %arg8[%get3A_834, %get3A_835] {strides = array<i32>} : memref<512x64xf32, #tpu.memory_space<vmem>>, vector<1x16xf32>,
      %get3A_837 = vector.shape_cast %get3A_836 : vector<1x16xf32> to vector<16xf32>
      %get3A_838 = arith.constant 0 : i32
      %get3A_839 = arith.index_cast %get3A_838 : i32 to index
      %get3A_840 = arith.constant 16 : index
      %get3A_841 = tpu.vector_load %arg7[%get3A_839, %get3A_840] {strides = array<i32>} : memref<8x64xf32, #tpu.memory_space<vmem>>, vector<1x16xf32>,
      %get3A_842 = vector.shape_cast %get3A_841 : vector<1x16xf32> to vector<16xf32>
      %select_n3A_843 = arith.select %eq3A_812, %get3A_842, %get3A_837 : vector<16xf32>
      %add3A_844 = arith.constant 16 : i32
      %add3A_845 = arith.addi %multiple_of3A_817, %add3A_844 : i32
      %swap3A_846 = arith.index_cast %add3A_845 : i32 to index
      %swap3A_847 = tpu.vector_load %arg9[%swap3A_846] {strides = array<i32>} : memref<32768xf32, #tpu.memory_space<vmem>>, vector<16xf32>,
      %swap3A_848 = vector.shape_cast %swap3A_847 : vector<16xf32> to vector<16xf32>
      %swap3A_849 = vector.shape_cast %select_n3A_843 : vector<16xf32> to vector<16xf32>
      tpu.vector_store %arg9[%swap3A_846], %swap3A_849 {strides = array<i32>} : memref<32768xf32, #tpu.memory_space<vmem>>, vector<16xf32>,
      %get3A_850 = arith.index_cast %add3A_808 : i32 to index
      %get3A_851 = arith.constant 32 : index
      %get3A_852 = tpu.vector_load %arg8[%get3A_850, %get3A_851] {strides = array<i32>} : memref<512x64xf32, #tpu.memory_space<vmem>>, vector<1x16xf32>,
      %get3A_853 = vector.shape_cast %get3A_852 : vector<1x16xf32> to vector<16xf32>
      %get3A_854 = arith.constant 0 : i32
      %get3A_855 = arith.index_cast %get3A_854 : i32 to index
      %get3A_856 = arith.constant 32 : index
      %get3A_857 = tpu.vector_load %arg7[%get3A_855, %get3A_856] {strides = array<i32>} : memref<8x64xf32, #tpu.memory_space<vmem>>, vector<1x16xf32>,
      %get3A_858 = vector.shape_cast %get3A_857 : vector<1x16xf32> to vector<16xf32>
      %select_n3A_859 = arith.select %eq3A_812, %get3A_858, %get3A_853 : vector<16xf32>
      %add3A_860 = arith.constant 32 : i32
      %add3A_861 = arith.addi %multiple_of3A_817, %add3A_860 : i32
      %swap3A_862 = arith.index_cast %add3A_861 : i32 to index
      %swap3A_863 = tpu.vector_load %arg9[%swap3A_862] {strides = array<i32>} : memref<32768xf32, #tpu.memory_space<vmem>>, vector<16xf32>,
      %swap3A_864 = vector.shape_cast %swap3A_863 : vector<16xf32> to vector<16xf32>
      %swap3A_865 = vector.shape_cast %select_n3A_859 : vector<16xf32> to vector<16xf32>
      tpu.vector_store %arg9[%swap3A_862], %swap3A_865 {strides = array<i32>} : memref<32768xf32, #tpu.memory_space<vmem>>, vector<16xf32>,
      %get3A_866 = arith.index_cast %add3A_808 : i32 to index
      %get3A_867 = arith.constant 48 : index
      %get3A_868 = tpu.vector_load %arg8[%get3A_866, %get3A_867] {strides = array<i32>} : memref<512x64xf32, #tpu.memory_space<vmem>>, vector<1x16xf32>,
      %get3A_869 = vector.shape_cast %get3A_868 : vector<1x16xf32> to vector<16xf32>
      %get3A_870 = arith.constant 0 : i32
      %get3A_871 = arith.index_cast %get3A_870 : i32 to index
      %get3A_872 = arith.constant 48 : index
      %get3A_873 = tpu.vector_load %arg7[%get3A_871, %get3A_872] {strides = array<i32>} : memref<8x64xf32, #tpu.memory_space<vmem>>, vector<1x16xf32>,
      %get3A_874 = vector.shape_cast %get3A_873 : vector<1x16xf32> to vector<16xf32>
      %select_n3A_875 = arith.select %eq3A_812, %get3A_874, %get3A_869 : vector<16xf32>
      %add3A_876 = arith.constant 48 : i32
      %add3A_877 = arith.addi %multiple_of3A_817, %add3A_876 : i32
      %swap3A_878 = arith.index_cast %add3A_877 : i32 to index
      %swap3A_879 = tpu.vector_load %arg9[%swap3A_878] {strides = array<i32>} : memref<32768xf32, #tpu.memory_space<vmem>>, vector<16xf32>,
      %swap3A_880 = vector.shape_cast %swap3A_879 : vector<16xf32> to vector<16xf32>
      %swap3A_881 = vector.shape_cast %select_n3A_875 : vector<16xf32> to vector<16xf32>
      tpu.vector_store %arg9[%swap3A_878], %swap3A_881 {strides = array<i32>} : memref<32768xf32, #tpu.memory_space<vmem>>, vector<16xf32>,
      %mul3A_882 = arith.constant 16 : i32
      %mul3A_883 = arith.muli %scan3A_33, %mul3A_882 : i32
      %add3A_884 = arith.constant 10 : i32
      %add3A_885 = arith.addi %mul3A_883, %add3A_884 : i32
      %add3A_886 = arith.constant 32 : i32
      %add3A_887 = arith.addi %add3A_886, %add3A_885 : i32
      %mul3A_888 = arith.constant 8 : i32
      %mul3A_889 = arith.muli %add3A_887, %mul3A_888 : i32
      %slice3A_890 = vector.extract_strided_slice %and3A_45 {offsets = [10], sizes = [1], strides = [1]} : vector<16xi32> to vector<1xi32>
      %squeeze3A_891 = vector.extract %slice3A_890[0] : i32 from vector<1xi32>
      %add3A_892 = arith.addi %mul3A_889, %squeeze3A_891 : i32
      %slice3A_893 = vector.extract_strided_slice %get3A_39 {offsets = [10], sizes = [1], strides = [1]} : vector<16xi32> to vector<1xi32>
      %squeeze3A_894 = vector.extract %slice3A_893[0] : i32 from vector<1xi32>
      %eq3A_895 = arith.constant -1 : i32
      %eq3A_896 = arith.cmpi eq, %squeeze3A_894, %eq3A_895 : i32
      %add3A_897 = arith.constant 480 : i32
      %add3A_898 = arith.addi %add3A_897, %add3A_885 : i32
      %mul3A_899 = arith.constant 64 : i32
      %mul3A_900 = arith.muli %add3A_898, %mul3A_899 : i32
      %multiple_of3A_901 = tpu.assume_multiple %mul3A_900, 64 : i32
      %get3A_902 = arith.index_cast %add3A_892 : i32 to index
      %get3A_903 = arith.constant 0 : index
      %get3A_904 = tpu.vector_load %arg8[%get3A_902, %get3A_903] {strides = array<i32>} : memref<512x64xf32, #tpu.memory_space<vmem>>, vector<1x16xf32>,
      %get3A_905 = vector.shape_cast %get3A_904 : vector<1x16xf32> to vector<16xf32>
      %get3A_906 = arith.constant 0 : i32
      %get3A_907 = arith.index_cast %get3A_906 : i32 to index
      %get3A_908 = arith.constant 0 : index
      %get3A_909 = tpu.vector_load %arg7[%get3A_907, %get3A_908] {strides = array<i32>} : memref<8x64xf32, #tpu.memory_space<vmem>>, vector<1x16xf32>,
      %get3A_910 = vector.shape_cast %get3A_909 : vector<1x16xf32> to vector<16xf32>
      %select_n3A_911 = arith.select %eq3A_896, %get3A_910, %get3A_905 : vector<16xf32>
      %add3A_912 = arith.constant 0 : i32
      %add3A_913 = arith.addi %multiple_of3A_901, %add3A_912 : i32
      %swap3A_914 = arith.index_cast %add3A_913 : i32 to index
      %swap3A_915 = tpu.vector_load %arg9[%swap3A_914] {strides = array<i32>} : memref<32768xf32, #tpu.memory_space<vmem>>, vector<16xf32>,
      %swap3A_916 = vector.shape_cast %swap3A_915 : vector<16xf32> to vector<16xf32>
      %swap3A_917 = vector.shape_cast %select_n3A_911 : vector<16xf32> to vector<16xf32>
      tpu.vector_store %arg9[%swap3A_914], %swap3A_917 {strides = array<i32>} : memref<32768xf32, #tpu.memory_space<vmem>>, vector<16xf32>,
      %get3A_918 = arith.index_cast %add3A_892 : i32 to index
      %get3A_919 = arith.constant 16 : index
      %get3A_920 = tpu.vector_load %arg8[%get3A_918, %get3A_919] {strides = array<i32>} : memref<512x64xf32, #tpu.memory_space<vmem>>, vector<1x16xf32>,
      %get3A_921 = vector.shape_cast %get3A_920 : vector<1x16xf32> to vector<16xf32>
      %get3A_922 = arith.constant 0 : i32
      %get3A_923 = arith.index_cast %get3A_922 : i32 to index
      %get3A_924 = arith.constant 16 : index
      %get3A_925 = tpu.vector_load %arg7[%get3A_923, %get3A_924] {strides = array<i32>} : memref<8x64xf32, #tpu.memory_space<vmem>>, vector<1x16xf32>,
      %get3A_926 = vector.shape_cast %get3A_925 : vector<1x16xf32> to vector<16xf32>
      %select_n3A_927 = arith.select %eq3A_896, %get3A_926, %get3A_921 : vector<16xf32>
      %add3A_928 = arith.constant 16 : i32
      %add3A_929 = arith.addi %multiple_of3A_901, %add3A_928 : i32
      %swap3A_930 = arith.index_cast %add3A_929 : i32 to index
      %swap3A_931 = tpu.vector_load %arg9[%swap3A_930] {strides = array<i32>} : memref<32768xf32, #tpu.memory_space<vmem>>, vector<16xf32>,
      %swap3A_932 = vector.shape_cast %swap3A_931 : vector<16xf32> to vector<16xf32>
      %swap3A_933 = vector.shape_cast %select_n3A_927 : vector<16xf32> to vector<16xf32>
      tpu.vector_store %arg9[%swap3A_930], %swap3A_933 {strides = array<i32>} : memref<32768xf32, #tpu.memory_space<vmem>>, vector<16xf32>,
      %get3A_934 = arith.index_cast %add3A_892 : i32 to index
      %get3A_935 = arith.constant 32 : index
      %get3A_936 = tpu.vector_load %arg8[%get3A_934, %get3A_935] {strides = array<i32>} : memref<512x64xf32, #tpu.memory_space<vmem>>, vector<1x16xf32>,
      %get3A_937 = vector.shape_cast %get3A_936 : vector<1x16xf32> to vector<16xf32>
      %get3A_938 = arith.constant 0 : i32
      %get3A_939 = arith.index_cast %get3A_938 : i32 to index
      %get3A_940 = arith.constant 32 : index
      %get3A_941 = tpu.vector_load %arg7[%get3A_939, %get3A_940] {strides = array<i32>} : memref<8x64xf32, #tpu.memory_space<vmem>>, vector<1x16xf32>,
      %get3A_942 = vector.shape_cast %get3A_941 : vector<1x16xf32> to vector<16xf32>
      %select_n3A_943 = arith.select %eq3A_896, %get3A_942, %get3A_937 : vector<16xf32>
      %add3A_944 = arith.constant 32 : i32
      %add3A_945 = arith.addi %multiple_of3A_901, %add3A_944 : i32
      %swap3A_946 = arith.index_cast %add3A_945 : i32 to index
      %swap3A_947 = tpu.vector_load %arg9[%swap3A_946] {strides = array<i32>} : memref<32768xf32, #tpu.memory_space<vmem>>, vector<16xf32>,
      %swap3A_948 = vector.shape_cast %swap3A_947 : vector<16xf32> to vector<16xf32>
      %swap3A_949 = vector.shape_cast %select_n3A_943 : vector<16xf32> to vector<16xf32>
      tpu.vector_store %arg9[%swap3A_946], %swap3A_949 {strides = array<i32>} : memref<32768xf32, #tpu.memory_space<vmem>>, vector<16xf32>,
      %get3A_950 = arith.index_cast %add3A_892 : i32 to index
      %get3A_951 = arith.constant 48 : index
      %get3A_952 = tpu.vector_load %arg8[%get3A_950, %get3A_951] {strides = array<i32>} : memref<512x64xf32, #tpu.memory_space<vmem>>, vector<1x16xf32>,
      %get3A_953 = vector.shape_cast %get3A_952 : vector<1x16xf32> to vector<16xf32>
      %get3A_954 = arith.constant 0 : i32
      %get3A_955 = arith.index_cast %get3A_954 : i32 to index
      %get3A_956 = arith.constant 48 : index
      %get3A_957 = tpu.vector_load %arg7[%get3A_955, %get3A_956] {strides = array<i32>} : memref<8x64xf32, #tpu.memory_space<vmem>>, vector<1x16xf32>,
      %get3A_958 = vector.shape_cast %get3A_957 : vector<1x16xf32> to vector<16xf32>
      %select_n3A_959 = arith.select %eq3A_896, %get3A_958, %get3A_953 : vector<16xf32>
      %add3A_960 = arith.constant 48 : i32
      %add3A_961 = arith.addi %multiple_of3A_901, %add3A_960 : i32
      %swap3A_962 = arith.index_cast %add3A_961 : i32 to index
      %swap3A_963 = tpu.vector_load %arg9[%swap3A_962] {strides = array<i32>} : memref<32768xf32, #tpu.memory_space<vmem>>, vector<16xf32>,
      %swap3A_964 = vector.shape_cast %swap3A_963 : vector<16xf32> to vector<16xf32>
      %swap3A_965 = vector.shape_cast %select_n3A_959 : vector<16xf32> to vector<16xf32>
      tpu.vector_store %arg9[%swap3A_962], %swap3A_965 {strides = array<i32>} : memref<32768xf32, #tpu.memory_space<vmem>>, vector<16xf32>,
      %mul3A_966 = arith.constant 16 : i32
      %mul3A_967 = arith.muli %scan3A_33, %mul3A_966 : i32
      %add3A_968 = arith.constant 11 : i32
      %add3A_969 = arith.addi %mul3A_967, %add3A_968 : i32
      %add3A_970 = arith.constant 32 : i32
      %add3A_971 = arith.addi %add3A_970, %add3A_969 : i32
      %mul3A_972 = arith.constant 8 : i32
      %mul3A_973 = arith.muli %add3A_971, %mul3A_972 : i32
      %slice3A_974 = vector.extract_strided_slice %and3A_45 {offsets = [11], sizes = [1], strides = [1]} : vector<16xi32> to vector<1xi32>
      %squeeze3A_975 = vector.extract %slice3A_974[0] : i32 from vector<1xi32>
      %add3A_976 = arith.addi %mul3A_973, %squeeze3A_975 : i32
      %slice3A_977 = vector.extract_strided_slice %get3A_39 {offsets = [11], sizes = [1], strides = [1]} : vector<16xi32> to vector<1xi32>
      %squeeze3A_978 = vector.extract %slice3A_977[0] : i32 from vector<1xi32>
      %eq3A_979 = arith.constant -1 : i32
      %eq3A_980 = arith.cmpi eq, %squeeze3A_978, %eq3A_979 : i32
      %add3A_981 = arith.constant 480 : i32
      %add3A_982 = arith.addi %add3A_981, %add3A_969 : i32
      %mul3A_983 = arith.constant 64 : i32
      %mul3A_984 = arith.muli %add3A_982, %mul3A_983 : i32
      %multiple_of3A_985 = tpu.assume_multiple %mul3A_984, 64 : i32
      %get3A_986 = arith.index_cast %add3A_976 : i32 to index
      %get3A_987 = arith.constant 0 : index
      %get3A_988 = tpu.vector_load %arg8[%get3A_986, %get3A_987] {strides = array<i32>} : memref<512x64xf32, #tpu.memory_space<vmem>>, vector<1x16xf32>,
      %get3A_989 = vector.shape_cast %get3A_988 : vector<1x16xf32> to vector<16xf32>
      %get3A_990 = arith.constant 0 : i32
      %get3A_991 = arith.index_cast %get3A_990 : i32 to index
      %get3A_992 = arith.constant 0 : index
      %get3A_993 = tpu.vector_load %arg7[%get3A_991, %get3A_992] {strides = array<i32>} : memref<8x64xf32, #tpu.memory_space<vmem>>, vector<1x16xf32>,
      %get3A_994 = vector.shape_cast %get3A_993 : vector<1x16xf32> to vector<16xf32>
      %select_n3A_995 = arith.select %eq3A_980, %get3A_994, %get3A_989 : vector<16xf32>
      %add3A_996 = arith.constant 0 : i32
      %add3A_997 = arith.addi %multiple_of3A_985, %add3A_996 : i32
      %swap3A_998 = arith.index_cast %add3A_997 : i32 to index
      %swap3A_999 = tpu.vector_load %arg9[%swap3A_998] {strides = array<i32>} : memref<32768xf32, #tpu.memory_space<vmem>>, vector<16xf32>,
      %swap3A_1000 = vector.shape_cast %swap3A_999 : vector<16xf32> to vector<16xf32>
      %swap3A_1001 = vector.shape_cast %select_n3A_995 : vector<16xf32> to vector<16xf32>
      tpu.vector_store %arg9[%swap3A_998], %swap3A_1001 {strides = array<i32>} : memref<32768xf32, #tpu.memory_space<vmem>>, vector<16xf32>,
      %get3A_1002 = arith.index_cast %add3A_976 : i32 to index
      %get3A_1003 = arith.constant 16 : index
      %get3A_1004 = tpu.vector_load %arg8[%get3A_1002, %get3A_1003] {strides = array<i32>} : memref<512x64xf32, #tpu.memory_space<vmem>>, vector<1x16xf32>,
      %get3A_1005 = vector.shape_cast %get3A_1004 : vector<1x16xf32> to vector<16xf32>
      %get3A_1006 = arith.constant 0 : i32
      %get3A_1007 = arith.index_cast %get3A_1006 : i32 to index
      %get3A_1008 = arith.constant 16 : index
      %get3A_1009 = tpu.vector_load %arg7[%get3A_1007, %get3A_1008] {strides = array<i32>} : memref<8x64xf32, #tpu.memory_space<vmem>>, vector<1x16xf32>,
      %get3A_1010 = vector.shape_cast %get3A_1009 : vector<1x16xf32> to vector<16xf32>
      %select_n3A_1011 = arith.select %eq3A_980, %get3A_1010, %get3A_1005 : vector<16xf32>
      %add3A_1012 = arith.constant 16 : i32
      %add3A_1013 = arith.addi %multiple_of3A_985, %add3A_1012 : i32
      %swap3A_1014 = arith.index_cast %add3A_1013 : i32 to index
      %swap3A_1015 = tpu.vector_load %arg9[%swap3A_1014] {strides = array<i32>} : memref<32768xf32, #tpu.memory_space<vmem>>, vector<16xf32>,
      %swap3A_1016 = vector.shape_cast %swap3A_1015 : vector<16xf32> to vector<16xf32>
      %swap3A_1017 = vector.shape_cast %select_n3A_1011 : vector<16xf32> to vector<16xf32>
      tpu.vector_store %arg9[%swap3A_1014], %swap3A_1017 {strides = array<i32>} : memref<32768xf32, #tpu.memory_space<vmem>>, vector<16xf32>,
      %get3A_1018 = arith.index_cast %add3A_976 : i32 to index
      %get3A_1019 = arith.constant 32 : index
      %get3A_1020 = tpu.vector_load %arg8[%get3A_1018, %get3A_1019] {strides = array<i32>} : memref<512x64xf32, #tpu.memory_space<vmem>>, vector<1x16xf32>,
      %get3A_1021 = vector.shape_cast %get3A_1020 : vector<1x16xf32> to vector<16xf32>
      %get3A_1022 = arith.constant 0 : i32
      %get3A_1023 = arith.index_cast %get3A_1022 : i32 to index
      %get3A_1024 = arith.constant 32 : index
      %get3A_1025 = tpu.vector_load %arg7[%get3A_1023, %get3A_1024] {strides = array<i32>} : memref<8x64xf32, #tpu.memory_space<vmem>>, vector<1x16xf32>,
      %get3A_1026 = vector.shape_cast %get3A_1025 : vector<1x16xf32> to vector<16xf32>
      %select_n3A_1027 = arith.select %eq3A_980, %get3A_1026, %get3A_1021 : vector<16xf32>
      %add3A_1028 = arith.constant 32 : i32
      %add3A_1029 = arith.addi %multiple_of3A_985, %add3A_1028 : i32
      %swap3A_1030 = arith.index_cast %add3A_1029 : i32 to index
      %swap3A_1031 = tpu.vector_load %arg9[%swap3A_1030] {strides = array<i32>} : memref<32768xf32, #tpu.memory_space<vmem>>, vector<16xf32>,
      %swap3A_1032 = vector.shape_cast %swap3A_1031 : vector<16xf32> to vector<16xf32>
      %swap3A_1033 = vector.shape_cast %select_n3A_1027 : vector<16xf32> to vector<16xf32>
      tpu.vector_store %arg9[%swap3A_1030], %swap3A_1033 {strides = array<i32>} : memref<32768xf32, #tpu.memory_space<vmem>>, vector<16xf32>,
      %get3A_1034 = arith.index_cast %add3A_976 : i32 to index
      %get3A_1035 = arith.constant 48 : index
      %get3A_1036 = tpu.vector_load %arg8[%get3A_1034, %get3A_1035] {strides = array<i32>} : memref<512x64xf32, #tpu.memory_space<vmem>>, vector<1x16xf32>,
      %get3A_1037 = vector.shape_cast %get3A_1036 : vector<1x16xf32> to vector<16xf32>
      %get3A_1038 = arith.constant 0 : i32
      %get3A_1039 = arith.index_cast %get3A_1038 : i32 to index
      %get3A_1040 = arith.constant 48 : index
      %get3A_1041 = tpu.vector_load %arg7[%get3A_1039, %get3A_1040] {strides = array<i32>} : memref<8x64xf32, #tpu.memory_space<vmem>>, vector<1x16xf32>,
      %get3A_1042 = vector.shape_cast %get3A_1041 : vector<1x16xf32> to vector<16xf32>
      %select_n3A_1043 = arith.select %eq3A_980, %get3A_1042, %get3A_1037 : vector<16xf32>
      %add3A_1044 = arith.constant 48 : i32
      %add3A_1045 = arith.addi %multiple_of3A_985, %add3A_1044 : i32
      %swap3A_1046 = arith.index_cast %add3A_1045 : i32 to index
      %swap3A_1047 = tpu.vector_load %arg9[%swap3A_1046] {strides = array<i32>} : memref<32768xf32, #tpu.memory_space<vmem>>, vector<16xf32>,
      %swap3A_1048 = vector.shape_cast %swap3A_1047 : vector<16xf32> to vector<16xf32>
      %swap3A_1049 = vector.shape_cast %select_n3A_1043 : vector<16xf32> to vector<16xf32>
      tpu.vector_store %arg9[%swap3A_1046], %swap3A_1049 {strides = array<i32>} : memref<32768xf32, #tpu.memory_space<vmem>>, vector<16xf32>,
      %mul3A_1050 = arith.constant 16 : i32
      %mul3A_1051 = arith.muli %scan3A_33, %mul3A_1050 : i32
      %add3A_1052 = arith.constant 12 : i32
      %add3A_1053 = arith.addi %mul3A_1051, %add3A_1052 : i32
      %add3A_1054 = arith.constant 32 : i32
      %add3A_1055 = arith.addi %add3A_1054, %add3A_1053 : i32
      %mul3A_1056 = arith.constant 8 : i32
      %mul3A_1057 = arith.muli %add3A_1055, %mul3A_1056 : i32
      %slice3A_1058 = vector.extract_strided_slice %and3A_45 {offsets = [12], sizes = [1], strides = [1]} : vector<16xi32> to vector<1xi32>
      %squeeze3A_1059 = vector.extract %slice3A_1058[0] : i32 from vector<1xi32>
      %add3A_1060 = arith.addi %mul3A_1057, %squeeze3A_1059 : i32
      %slice3A_1061 = vector.extract_strided_slice %get3A_39 {offsets = [12], sizes = [1], strides = [1]} : vector<16xi32> to vector<1xi32>
      %squeeze3A_1062 = vector.extract %slice3A_1061[0] : i32 from vector<1xi32>
      %eq3A_1063 = arith.constant -1 : i32
      %eq3A_1064 = arith.cmpi eq, %squeeze3A_1062, %eq3A_1063 : i32
      %add3A_1065 = arith.constant 480 : i32
      %add3A_1066 = arith.addi %add3A_1065, %add3A_1053 : i32
      %mul3A_1067 = arith.constant 64 : i32
      %mul3A_1068 = arith.muli %add3A_1066, %mul3A_1067 : i32
      %multiple_of3A_1069 = tpu.assume_multiple %mul3A_1068, 64 : i32
      %get3A_1070 = arith.index_cast %add3A_1060 : i32 to index
      %get3A_1071 = arith.constant 0 : index
      %get3A_1072 = tpu.vector_load %arg8[%get3A_1070, %get3A_1071] {strides = array<i32>} : memref<512x64xf32, #tpu.memory_space<vmem>>, vector<1x16xf32>,
      %get3A_1073 = vector.shape_cast %get3A_1072 : vector<1x16xf32> to vector<16xf32>
      %get3A_1074 = arith.constant 0 : i32
      %get3A_1075 = arith.index_cast %get3A_1074 : i32 to index
      %get3A_1076 = arith.constant 0 : index
      %get3A_1077 = tpu.vector_load %arg7[%get3A_1075, %get3A_1076] {strides = array<i32>} : memref<8x64xf32, #tpu.memory_space<vmem>>, vector<1x16xf32>,
      %get3A_1078 = vector.shape_cast %get3A_1077 : vector<1x16xf32> to vector<16xf32>
      %select_n3A_1079 = arith.select %eq3A_1064, %get3A_1078, %get3A_1073 : vector<16xf32>
      %add3A_1080 = arith.constant 0 : i32
      %add3A_1081 = arith.addi %multiple_of3A_1069, %add3A_1080 : i32
      %swap3A_1082 = arith.index_cast %add3A_1081 : i32 to index
      %swap3A_1083 = tpu.vector_load %arg9[%swap3A_1082] {strides = array<i32>} : memref<32768xf32, #tpu.memory_space<vmem>>, vector<16xf32>,
      %swap3A_1084 = vector.shape_cast %swap3A_1083 : vector<16xf32> to vector<16xf32>
      %swap3A_1085 = vector.shape_cast %select_n3A_1079 : vector<16xf32> to vector<16xf32>
      tpu.vector_store %arg9[%swap3A_1082], %swap3A_1085 {strides = array<i32>} : memref<32768xf32, #tpu.memory_space<vmem>>, vector<16xf32>,
      %get3A_1086 = arith.index_cast %add3A_1060 : i32 to index
      %get3A_1087 = arith.constant 16 : index
      %get3A_1088 = tpu.vector_load %arg8[%get3A_1086, %get3A_1087] {strides = array<i32>} : memref<512x64xf32, #tpu.memory_space<vmem>>, vector<1x16xf32>,
      %get3A_1089 = vector.shape_cast %get3A_1088 : vector<1x16xf32> to vector<16xf32>
      %get3A_1090 = arith.constant 0 : i32
      %get3A_1091 = arith.index_cast %get3A_1090 : i32 to index
      %get3A_1092 = arith.constant 16 : index
      %get3A_1093 = tpu.vector_load %arg7[%get3A_1091, %get3A_1092] {strides = array<i32>} : memref<8x64xf32, #tpu.memory_space<vmem>>, vector<1x16xf32>,
      %get3A_1094 = vector.shape_cast %get3A_1093 : vector<1x16xf32> to vector<16xf32>
      %select_n3A_1095 = arith.select %eq3A_1064, %get3A_1094, %get3A_1089 : vector<16xf32>
      %add3A_1096 = arith.constant 16 : i32
      %add3A_1097 = arith.addi %multiple_of3A_1069, %add3A_1096 : i32
      %swap3A_1098 = arith.index_cast %add3A_1097 : i32 to index
      %swap3A_1099 = tpu.vector_load %arg9[%swap3A_1098] {strides = array<i32>} : memref<32768xf32, #tpu.memory_space<vmem>>, vector<16xf32>,
      %swap3A_1100 = vector.shape_cast %swap3A_1099 : vector<16xf32> to vector<16xf32>
      %swap3A_1101 = vector.shape_cast %select_n3A_1095 : vector<16xf32> to vector<16xf32>
      tpu.vector_store %arg9[%swap3A_1098], %swap3A_1101 {strides = array<i32>} : memref<32768xf32, #tpu.memory_space<vmem>>, vector<16xf32>,
      %get3A_1102 = arith.index_cast %add3A_1060 : i32 to index
      %get3A_1103 = arith.constant 32 : index
      %get3A_1104 = tpu.vector_load %arg8[%get3A_1102, %get3A_1103] {strides = array<i32>} : memref<512x64xf32, #tpu.memory_space<vmem>>, vector<1x16xf32>,
      %get3A_1105 = vector.shape_cast %get3A_1104 : vector<1x16xf32> to vector<16xf32>
      %get3A_1106 = arith.constant 0 : i32
      %get3A_1107 = arith.index_cast %get3A_1106 : i32 to index
      %get3A_1108 = arith.constant 32 : index
      %get3A_1109 = tpu.vector_load %arg7[%get3A_1107, %get3A_1108] {strides = array<i32>} : memref<8x64xf32, #tpu.memory_space<vmem>>, vector<1x16xf32>,
      %get3A_1110 = vector.shape_cast %get3A_1109 : vector<1x16xf32> to vector<16xf32>
      %select_n3A_1111 = arith.select %eq3A_1064, %get3A_1110, %get3A_1105 : vector<16xf32>
      %add3A_1112 = arith.constant 32 : i32
      %add3A_1113 = arith.addi %multiple_of3A_1069, %add3A_1112 : i32
      %swap3A_1114 = arith.index_cast %add3A_1113 : i32 to index
      %swap3A_1115 = tpu.vector_load %arg9[%swap3A_1114] {strides = array<i32>} : memref<32768xf32, #tpu.memory_space<vmem>>, vector<16xf32>,
      %swap3A_1116 = vector.shape_cast %swap3A_1115 : vector<16xf32> to vector<16xf32>
      %swap3A_1117 = vector.shape_cast %select_n3A_1111 : vector<16xf32> to vector<16xf32>
      tpu.vector_store %arg9[%swap3A_1114], %swap3A_1117 {strides = array<i32>} : memref<32768xf32, #tpu.memory_space<vmem>>, vector<16xf32>,
      %get3A_1118 = arith.index_cast %add3A_1060 : i32 to index
      %get3A_1119 = arith.constant 48 : index
      %get3A_1120 = tpu.vector_load %arg8[%get3A_1118, %get3A_1119] {strides = array<i32>} : memref<512x64xf32, #tpu.memory_space<vmem>>, vector<1x16xf32>,
      %get3A_1121 = vector.shape_cast %get3A_1120 : vector<1x16xf32> to vector<16xf32>
      %get3A_1122 = arith.constant 0 : i32
      %get3A_1123 = arith.index_cast %get3A_1122 : i32 to index
      %get3A_1124 = arith.constant 48 : index
      %get3A_1125 = tpu.vector_load %arg7[%get3A_1123, %get3A_1124] {strides = array<i32>} : memref<8x64xf32, #tpu.memory_space<vmem>>, vector<1x16xf32>,
      %get3A_1126 = vector.shape_cast %get3A_1125 : vector<1x16xf32> to vector<16xf32>
      %select_n3A_1127 = arith.select %eq3A_1064, %get3A_1126, %get3A_1121 : vector<16xf32>
      %add3A_1128 = arith.constant 48 : i32
      %add3A_1129 = arith.addi %multiple_of3A_1069, %add3A_1128 : i32
      %swap3A_1130 = arith.index_cast %add3A_1129 : i32 to index
      %swap3A_1131 = tpu.vector_load %arg9[%swap3A_1130] {strides = array<i32>} : memref<32768xf32, #tpu.memory_space<vmem>>, vector<16xf32>,
      %swap3A_1132 = vector.shape_cast %swap3A_1131 : vector<16xf32> to vector<16xf32>
      %swap3A_1133 = vector.shape_cast %select_n3A_1127 : vector<16xf32> to vector<16xf32>
      tpu.vector_store %arg9[%swap3A_1130], %swap3A_1133 {strides = array<i32>} : memref<32768xf32, #tpu.memory_space<vmem>>, vector<16xf32>,
      %mul3A_1134 = arith.constant 16 : i32
      %mul3A_1135 = arith.muli %scan3A_33, %mul3A_1134 : i32
      %add3A_1136 = arith.constant 13 : i32
      %add3A_1137 = arith.addi %mul3A_1135, %add3A_1136 : i32
      %add3A_1138 = arith.constant 32 : i32
      %add3A_1139 = arith.addi %add3A_1138, %add3A_1137 : i32
      %mul3A_1140 = arith.constant 8 : i32
      %mul3A_1141 = arith.muli %add3A_1139, %mul3A_1140 : i32
      %slice3A_1142 = vector.extract_strided_slice %and3A_45 {offsets = [13], sizes = [1], strides = [1]} : vector<16xi32> to vector<1xi32>
      %squeeze3A_1143 = vector.extract %slice3A_1142[0] : i32 from vector<1xi32>
      %add3A_1144 = arith.addi %mul3A_1141, %squeeze3A_1143 : i32
      %slice3A_1145 = vector.extract_strided_slice %get3A_39 {offsets = [13], sizes = [1], strides = [1]} : vector<16xi32> to vector<1xi32>
      %squeeze3A_1146 = vector.extract %slice3A_1145[0] : i32 from vector<1xi32>
      %eq3A_1147 = arith.constant -1 : i32
      %eq3A_1148 = arith.cmpi eq, %squeeze3A_1146, %eq3A_1147 : i32
      %add3A_1149 = arith.constant 480 : i32
      %add3A_1150 = arith.addi %add3A_1149, %add3A_1137 : i32
      %mul3A_1151 = arith.constant 64 : i32
      %mul3A_1152 = arith.muli %add3A_1150, %mul3A_1151 : i32
      %multiple_of3A_1153 = tpu.assume_multiple %mul3A_1152, 64 : i32
      %get3A_1154 = arith.index_cast %add3A_1144 : i32 to index
      %get3A_1155 = arith.constant 0 : index
      %get3A_1156 = tpu.vector_load %arg8[%get3A_1154, %get3A_1155] {strides = array<i32>} : memref<512x64xf32, #tpu.memory_space<vmem>>, vector<1x16xf32>,
      %get3A_1157 = vector.shape_cast %get3A_1156 : vector<1x16xf32> to vector<16xf32>
      %get3A_1158 = arith.constant 0 : i32
      %get3A_1159 = arith.index_cast %get3A_1158 : i32 to index
      %get3A_1160 = arith.constant 0 : index
      %get3A_1161 = tpu.vector_load %arg7[%get3A_1159, %get3A_1160] {strides = array<i32>} : memref<8x64xf32, #tpu.memory_space<vmem>>, vector<1x16xf32>,
      %get3A_1162 = vector.shape_cast %get3A_1161 : vector<1x16xf32> to vector<16xf32>
      %select_n3A_1163 = arith.select %eq3A_1148, %get3A_1162, %get3A_1157 : vector<16xf32>
      %add3A_1164 = arith.constant 0 : i32
      %add3A_1165 = arith.addi %multiple_of3A_1153, %add3A_1164 : i32
      %swap3A_1166 = arith.index_cast %add3A_1165 : i32 to index
      %swap3A_1167 = tpu.vector_load %arg9[%swap3A_1166] {strides = array<i32>} : memref<32768xf32, #tpu.memory_space<vmem>>, vector<16xf32>,
      %swap3A_1168 = vector.shape_cast %swap3A_1167 : vector<16xf32> to vector<16xf32>
      %swap3A_1169 = vector.shape_cast %select_n3A_1163 : vector<16xf32> to vector<16xf32>
      tpu.vector_store %arg9[%swap3A_1166], %swap3A_1169 {strides = array<i32>} : memref<32768xf32, #tpu.memory_space<vmem>>, vector<16xf32>,
      %get3A_1170 = arith.index_cast %add3A_1144 : i32 to index
      %get3A_1171 = arith.constant 16 : index
      %get3A_1172 = tpu.vector_load %arg8[%get3A_1170, %get3A_1171] {strides = array<i32>} : memref<512x64xf32, #tpu.memory_space<vmem>>, vector<1x16xf32>,
      %get3A_1173 = vector.shape_cast %get3A_1172 : vector<1x16xf32> to vector<16xf32>
      %get3A_1174 = arith.constant 0 : i32
      %get3A_1175 = arith.index_cast %get3A_1174 : i32 to index
      %get3A_1176 = arith.constant 16 : index
      %get3A_1177 = tpu.vector_load %arg7[%get3A_1175, %get3A_1176] {strides = array<i32>} : memref<8x64xf32, #tpu.memory_space<vmem>>, vector<1x16xf32>,
      %get3A_1178 = vector.shape_cast %get3A_1177 : vector<1x16xf32> to vector<16xf32>
      %select_n3A_1179 = arith.select %eq3A_1148, %get3A_1178, %get3A_1173 : vector<16xf32>
      %add3A_1180 = arith.constant 16 : i32
      %add3A_1181 = arith.addi %multiple_of3A_1153, %add3A_1180 : i32
      %swap3A_1182 = arith.index_cast %add3A_1181 : i32 to index
      %swap3A_1183 = tpu.vector_load %arg9[%swap3A_1182] {strides = array<i32>} : memref<32768xf32, #tpu.memory_space<vmem>>, vector<16xf32>,
      %swap3A_1184 = vector.shape_cast %swap3A_1183 : vector<16xf32> to vector<16xf32>
      %swap3A_1185 = vector.shape_cast %select_n3A_1179 : vector<16xf32> to vector<16xf32>
      tpu.vector_store %arg9[%swap3A_1182], %swap3A_1185 {strides = array<i32>} : memref<32768xf32, #tpu.memory_space<vmem>>, vector<16xf32>,
      %get3A_1186 = arith.index_cast %add3A_1144 : i32 to index
      %get3A_1187 = arith.constant 32 : index
      %get3A_1188 = tpu.vector_load %arg8[%get3A_1186, %get3A_1187] {strides = array<i32>} : memref<512x64xf32, #tpu.memory_space<vmem>>, vector<1x16xf32>,
      %get3A_1189 = vector.shape_cast %get3A_1188 : vector<1x16xf32> to vector<16xf32>
      %get3A_1190 = arith.constant 0 : i32
      %get3A_1191 = arith.index_cast %get3A_1190 : i32 to index
      %get3A_1192 = arith.constant 32 : index
      %get3A_1193 = tpu.vector_load %arg7[%get3A_1191, %get3A_1192] {strides = array<i32>} : memref<8x64xf32, #tpu.memory_space<vmem>>, vector<1x16xf32>,
      %get3A_1194 = vector.shape_cast %get3A_1193 : vector<1x16xf32> to vector<16xf32>
      %select_n3A_1195 = arith.select %eq3A_1148, %get3A_1194, %get3A_1189 : vector<16xf32>
      %add3A_1196 = arith.constant 32 : i32
      %add3A_1197 = arith.addi %multiple_of3A_1153, %add3A_1196 : i32
      %swap3A_1198 = arith.index_cast %add3A_1197 : i32 to index
      %swap3A_1199 = tpu.vector_load %arg9[%swap3A_1198] {strides = array<i32>} : memref<32768xf32, #tpu.memory_space<vmem>>, vector<16xf32>,
      %swap3A_1200 = vector.shape_cast %swap3A_1199 : vector<16xf32> to vector<16xf32>
      %swap3A_1201 = vector.shape_cast %select_n3A_1195 : vector<16xf32> to vector<16xf32>
      tpu.vector_store %arg9[%swap3A_1198], %swap3A_1201 {strides = array<i32>} : memref<32768xf32, #tpu.memory_space<vmem>>, vector<16xf32>,
      %get3A_1202 = arith.index_cast %add3A_1144 : i32 to index
      %get3A_1203 = arith.constant 48 : index
      %get3A_1204 = tpu.vector_load %arg8[%get3A_1202, %get3A_1203] {strides = array<i32>} : memref<512x64xf32, #tpu.memory_space<vmem>>, vector<1x16xf32>,
      %get3A_1205 = vector.shape_cast %get3A_1204 : vector<1x16xf32> to vector<16xf32>
      %get3A_1206 = arith.constant 0 : i32
      %get3A_1207 = arith.index_cast %get3A_1206 : i32 to index
      %get3A_1208 = arith.constant 48 : index
      %get3A_1209 = tpu.vector_load %arg7[%get3A_1207, %get3A_1208] {strides = array<i32>} : memref<8x64xf32, #tpu.memory_space<vmem>>, vector<1x16xf32>,
      %get3A_1210 = vector.shape_cast %get3A_1209 : vector<1x16xf32> to vector<16xf32>
      %select_n3A_1211 = arith.select %eq3A_1148, %get3A_1210, %get3A_1205 : vector<16xf32>
      %add3A_1212 = arith.constant 48 : i32
      %add3A_1213 = arith.addi %multiple_of3A_1153, %add3A_1212 : i32
      %swap3A_1214 = arith.index_cast %add3A_1213 : i32 to index
      %swap3A_1215 = tpu.vector_load %arg9[%swap3A_1214] {strides = array<i32>} : memref<32768xf32, #tpu.memory_space<vmem>>, vector<16xf32>,
      %swap3A_1216 = vector.shape_cast %swap3A_1215 : vector<16xf32> to vector<16xf32>
      %swap3A_1217 = vector.shape_cast %select_n3A_1211 : vector<16xf32> to vector<16xf32>
      tpu.vector_store %arg9[%swap3A_1214], %swap3A_1217 {strides = array<i32>} : memref<32768xf32, #tpu.memory_space<vmem>>, vector<16xf32>,
      %mul3A_1218 = arith.constant 16 : i32
      %mul3A_1219 = arith.muli %scan3A_33, %mul3A_1218 : i32
      %add3A_1220 = arith.constant 14 : i32
      %add3A_1221 = arith.addi %mul3A_1219, %add3A_1220 : i32
      %add3A_1222 = arith.constant 32 : i32
      %add3A_1223 = arith.addi %add3A_1222, %add3A_1221 : i32
      %mul3A_1224 = arith.constant 8 : i32
      %mul3A_1225 = arith.muli %add3A_1223, %mul3A_1224 : i32
      %slice3A_1226 = vector.extract_strided_slice %and3A_45 {offsets = [14], sizes = [1], strides = [1]} : vector<16xi32> to vector<1xi32>
      %squeeze3A_1227 = vector.extract %slice3A_1226[0] : i32 from vector<1xi32>
      %add3A_1228 = arith.addi %mul3A_1225, %squeeze3A_1227 : i32
      %slice3A_1229 = vector.extract_strided_slice %get3A_39 {offsets = [14], sizes = [1], strides = [1]} : vector<16xi32> to vector<1xi32>
      %squeeze3A_1230 = vector.extract %slice3A_1229[0] : i32 from vector<1xi32>
      %eq3A_1231 = arith.constant -1 : i32
      %eq3A_1232 = arith.cmpi eq, %squeeze3A_1230, %eq3A_1231 : i32
      %add3A_1233 = arith.constant 480 : i32
      %add3A_1234 = arith.addi %add3A_1233, %add3A_1221 : i32
      %mul3A_1235 = arith.constant 64 : i32
      %mul3A_1236 = arith.muli %add3A_1234, %mul3A_1235 : i32
      %multiple_of3A_1237 = tpu.assume_multiple %mul3A_1236, 64 : i32
      %get3A_1238 = arith.index_cast %add3A_1228 : i32 to index
      %get3A_1239 = arith.constant 0 : index
      %get3A_1240 = tpu.vector_load %arg8[%get3A_1238, %get3A_1239] {strides = array<i32>} : memref<512x64xf32, #tpu.memory_space<vmem>>, vector<1x16xf32>,
      %get3A_1241 = vector.shape_cast %get3A_1240 : vector<1x16xf32> to vector<16xf32>
      %get3A_1242 = arith.constant 0 : i32
      %get3A_1243 = arith.index_cast %get3A_1242 : i32 to index
      %get3A_1244 = arith.constant 0 : index
      %get3A_1245 = tpu.vector_load %arg7[%get3A_1243, %get3A_1244] {strides = array<i32>} : memref<8x64xf32, #tpu.memory_space<vmem>>, vector<1x16xf32>,
      %get3A_1246 = vector.shape_cast %get3A_1245 : vector<1x16xf32> to vector<16xf32>
      %select_n3A_1247 = arith.select %eq3A_1232, %get3A_1246, %get3A_1241 : vector<16xf32>
      %add3A_1248 = arith.constant 0 : i32
      %add3A_1249 = arith.addi %multiple_of3A_1237, %add3A_1248 : i32
      %swap3A_1250 = arith.index_cast %add3A_1249 : i32 to index
      %swap3A_1251 = tpu.vector_load %arg9[%swap3A_1250] {strides = array<i32>} : memref<32768xf32, #tpu.memory_space<vmem>>, vector<16xf32>,
      %swap3A_1252 = vector.shape_cast %swap3A_1251 : vector<16xf32> to vector<16xf32>
      %swap3A_1253 = vector.shape_cast %select_n3A_1247 : vector<16xf32> to vector<16xf32>
      tpu.vector_store %arg9[%swap3A_1250], %swap3A_1253 {strides = array<i32>} : memref<32768xf32, #tpu.memory_space<vmem>>, vector<16xf32>,
      %get3A_1254 = arith.index_cast %add3A_1228 : i32 to index
      %get3A_1255 = arith.constant 16 : index
      %get3A_1256 = tpu.vector_load %arg8[%get3A_1254, %get3A_1255] {strides = array<i32>} : memref<512x64xf32, #tpu.memory_space<vmem>>, vector<1x16xf32>,
      %get3A_1257 = vector.shape_cast %get3A_1256 : vector<1x16xf32> to vector<16xf32>
      %get3A_1258 = arith.constant 0 : i32
      %get3A_1259 = arith.index_cast %get3A_1258 : i32 to index
      %get3A_1260 = arith.constant 16 : index
      %get3A_1261 = tpu.vector_load %arg7[%get3A_1259, %get3A_1260] {strides = array<i32>} : memref<8x64xf32, #tpu.memory_space<vmem>>, vector<1x16xf32>,
      %get3A_1262 = vector.shape_cast %get3A_1261 : vector<1x16xf32> to vector<16xf32>
      %select_n3A_1263 = arith.select %eq3A_1232, %get3A_1262, %get3A_1257 : vector<16xf32>
      %add3A_1264 = arith.constant 16 : i32
      %add3A_1265 = arith.addi %multiple_of3A_1237, %add3A_1264 : i32
      %swap3A_1266 = arith.index_cast %add3A_1265 : i32 to index
      %swap3A_1267 = tpu.vector_load %arg9[%swap3A_1266] {strides = array<i32>} : memref<32768xf32, #tpu.memory_space<vmem>>, vector<16xf32>,
      %swap3A_1268 = vector.shape_cast %swap3A_1267 : vector<16xf32> to vector<16xf32>
      %swap3A_1269 = vector.shape_cast %select_n3A_1263 : vector<16xf32> to vector<16xf32>
      tpu.vector_store %arg9[%swap3A_1266], %swap3A_1269 {strides = array<i32>} : memref<32768xf32, #tpu.memory_space<vmem>>, vector<16xf32>,
      %get3A_1270 = arith.index_cast %add3A_1228 : i32 to index
      %get3A_1271 = arith.constant 32 : index
      %get3A_1272 = tpu.vector_load %arg8[%get3A_1270, %get3A_1271] {strides = array<i32>} : memref<512x64xf32, #tpu.memory_space<vmem>>, vector<1x16xf32>,
      %get3A_1273 = vector.shape_cast %get3A_1272 : vector<1x16xf32> to vector<16xf32>
      %get3A_1274 = arith.constant 0 : i32
      %get3A_1275 = arith.index_cast %get3A_1274 : i32 to index
      %get3A_1276 = arith.constant 32 : index
      %get3A_1277 = tpu.vector_load %arg7[%get3A_1275, %get3A_1276] {strides = array<i32>} : memref<8x64xf32, #tpu.memory_space<vmem>>, vector<1x16xf32>,
      %get3A_1278 = vector.shape_cast %get3A_1277 : vector<1x16xf32> to vector<16xf32>
      %select_n3A_1279 = arith.select %eq3A_1232, %get3A_1278, %get3A_1273 : vector<16xf32>
      %add3A_1280 = arith.constant 32 : i32
      %add3A_1281 = arith.addi %multiple_of3A_1237, %add3A_1280 : i32
      %swap3A_1282 = arith.index_cast %add3A_1281 : i32 to index
      %swap3A_1283 = tpu.vector_load %arg9[%swap3A_1282] {strides = array<i32>} : memref<32768xf32, #tpu.memory_space<vmem>>, vector<16xf32>,
      %swap3A_1284 = vector.shape_cast %swap3A_1283 : vector<16xf32> to vector<16xf32>
      %swap3A_1285 = vector.shape_cast %select_n3A_1279 : vector<16xf32> to vector<16xf32>
      tpu.vector_store %arg9[%swap3A_1282], %swap3A_1285 {strides = array<i32>} : memref<32768xf32, #tpu.memory_space<vmem>>, vector<16xf32>,
      %get3A_1286 = arith.index_cast %add3A_1228 : i32 to index
      %get3A_1287 = arith.constant 48 : index
      %get3A_1288 = tpu.vector_load %arg8[%get3A_1286, %get3A_1287] {strides = array<i32>} : memref<512x64xf32, #tpu.memory_space<vmem>>, vector<1x16xf32>,
      %get3A_1289 = vector.shape_cast %get3A_1288 : vector<1x16xf32> to vector<16xf32>
      %get3A_1290 = arith.constant 0 : i32
      %get3A_1291 = arith.index_cast %get3A_1290 : i32 to index
      %get3A_1292 = arith.constant 48 : index
      %get3A_1293 = tpu.vector_load %arg7[%get3A_1291, %get3A_1292] {strides = array<i32>} : memref<8x64xf32, #tpu.memory_space<vmem>>, vector<1x16xf32>,
      %get3A_1294 = vector.shape_cast %get3A_1293 : vector<1x16xf32> to vector<16xf32>
      %select_n3A_1295 = arith.select %eq3A_1232, %get3A_1294, %get3A_1289 : vector<16xf32>
      %add3A_1296 = arith.constant 48 : i32
      %add3A_1297 = arith.addi %multiple_of3A_1237, %add3A_1296 : i32
      %swap3A_1298 = arith.index_cast %add3A_1297 : i32 to index
      %swap3A_1299 = tpu.vector_load %arg9[%swap3A_1298] {strides = array<i32>} : memref<32768xf32, #tpu.memory_space<vmem>>, vector<16xf32>,
      %swap3A_1300 = vector.shape_cast %swap3A_1299 : vector<16xf32> to vector<16xf32>
      %swap3A_1301 = vector.shape_cast %select_n3A_1295 : vector<16xf32> to vector<16xf32>
      tpu.vector_store %arg9[%swap3A_1298], %swap3A_1301 {strides = array<i32>} : memref<32768xf32, #tpu.memory_space<vmem>>, vector<16xf32>,
      %mul3A_1302 = arith.constant 16 : i32
      %mul3A_1303 = arith.muli %scan3A_33, %mul3A_1302 : i32
      %add3A_1304 = arith.constant 15 : i32
      %add3A_1305 = arith.addi %mul3A_1303, %add3A_1304 : i32
      %add3A_1306 = arith.constant 32 : i32
      %add3A_1307 = arith.addi %add3A_1306, %add3A_1305 : i32
      %mul3A_1308 = arith.constant 8 : i32
      %mul3A_1309 = arith.muli %add3A_1307, %mul3A_1308 : i32
      %slice3A_1310 = vector.extract_strided_slice %and3A_45 {offsets = [15], sizes = [1], strides = [1]} : vector<16xi32> to vector<1xi32>
      %squeeze3A_1311 = vector.extract %slice3A_1310[0] : i32 from vector<1xi32>
      %add3A_1312 = arith.addi %mul3A_1309, %squeeze3A_1311 : i32
      %slice3A_1313 = vector.extract_strided_slice %get3A_39 {offsets = [15], sizes = [1], strides = [1]} : vector<16xi32> to vector<1xi32>
      %squeeze3A_1314 = vector.extract %slice3A_1313[0] : i32 from vector<1xi32>
      %eq3A_1315 = arith.constant -1 : i32
      %eq3A_1316 = arith.cmpi eq, %squeeze3A_1314, %eq3A_1315 : i32
      %add3A_1317 = arith.constant 480 : i32
      %add3A_1318 = arith.addi %add3A_1317, %add3A_1305 : i32
      %mul3A_1319 = arith.constant 64 : i32
      %mul3A_1320 = arith.muli %add3A_1318, %mul3A_1319 : i32
      %multiple_of3A_1321 = tpu.assume_multiple %mul3A_1320, 64 : i32
      %get3A_1322 = arith.index_cast %add3A_1312 : i32 to index
      %get3A_1323 = arith.constant 0 : index
      %get3A_1324 = tpu.vector_load %arg8[%get3A_1322, %get3A_1323] {strides = array<i32>} : memref<512x64xf32, #tpu.memory_space<vmem>>, vector<1x16xf32>,
      %get3A_1325 = vector.shape_cast %get3A_1324 : vector<1x16xf32> to vector<16xf32>
      %get3A_1326 = arith.constant 0 : i32
      %get3A_1327 = arith.index_cast %get3A_1326 : i32 to index
      %get3A_1328 = arith.constant 0 : index
      %get3A_1329 = tpu.vector_load %arg7[%get3A_1327, %get3A_1328] {strides = array<i32>} : memref<8x64xf32, #tpu.memory_space<vmem>>, vector<1x16xf32>,
      %get3A_1330 = vector.shape_cast %get3A_1329 : vector<1x16xf32> to vector<16xf32>
      %select_n3A_1331 = arith.select %eq3A_1316, %get3A_1330, %get3A_1325 : vector<16xf32>
      %add3A_1332 = arith.constant 0 : i32
      %add3A_1333 = arith.addi %multiple_of3A_1321, %add3A_1332 : i32
      %swap3A_1334 = arith.index_cast %add3A_1333 : i32 to index
      %swap3A_1335 = tpu.vector_load %arg9[%swap3A_1334] {strides = array<i32>} : memref<32768xf32, #tpu.memory_space<vmem>>, vector<16xf32>,
      %swap3A_1336 = vector.shape_cast %swap3A_1335 : vector<16xf32> to vector<16xf32>
      %swap3A_1337 = vector.shape_cast %select_n3A_1331 : vector<16xf32> to vector<16xf32>
      tpu.vector_store %arg9[%swap3A_1334], %swap3A_1337 {strides = array<i32>} : memref<32768xf32, #tpu.memory_space<vmem>>, vector<16xf32>,
      %get3A_1338 = arith.index_cast %add3A_1312 : i32 to index
      %get3A_1339 = arith.constant 16 : index
      %get3A_1340 = tpu.vector_load %arg8[%get3A_1338, %get3A_1339] {strides = array<i32>} : memref<512x64xf32, #tpu.memory_space<vmem>>, vector<1x16xf32>,
      %get3A_1341 = vector.shape_cast %get3A_1340 : vector<1x16xf32> to vector<16xf32>
      %get3A_1342 = arith.constant 0 : i32
      %get3A_1343 = arith.index_cast %get3A_1342 : i32 to index
      %get3A_1344 = arith.constant 16 : index
      %get3A_1345 = tpu.vector_load %arg7[%get3A_1343, %get3A_1344] {strides = array<i32>} : memref<8x64xf32, #tpu.memory_space<vmem>>, vector<1x16xf32>,
      %get3A_1346 = vector.shape_cast %get3A_1345 : vector<1x16xf32> to vector<16xf32>
      %select_n3A_1347 = arith.select %eq3A_1316, %get3A_1346, %get3A_1341 : vector<16xf32>
      %add3A_1348 = arith.constant 16 : i32
      %add3A_1349 = arith.addi %multiple_of3A_1321, %add3A_1348 : i32
      %swap3A_1350 = arith.index_cast %add3A_1349 : i32 to index
      %swap3A_1351 = tpu.vector_load %arg9[%swap3A_1350] {strides = array<i32>} : memref<32768xf32, #tpu.memory_space<vmem>>, vector<16xf32>,
      %swap3A_1352 = vector.shape_cast %swap3A_1351 : vector<16xf32> to vector<16xf32>
      %swap3A_1353 = vector.shape_cast %select_n3A_1347 : vector<16xf32> to vector<16xf32>
      tpu.vector_store %arg9[%swap3A_1350], %swap3A_1353 {strides = array<i32>} : memref<32768xf32, #tpu.memory_space<vmem>>, vector<16xf32>,
      %get3A_1354 = arith.index_cast %add3A_1312 : i32 to index
      %get3A_1355 = arith.constant 32 : index
      %get3A_1356 = tpu.vector_load %arg8[%get3A_1354, %get3A_1355] {strides = array<i32>} : memref<512x64xf32, #tpu.memory_space<vmem>>, vector<1x16xf32>,
      %get3A_1357 = vector.shape_cast %get3A_1356 : vector<1x16xf32> to vector<16xf32>
      %get3A_1358 = arith.constant 0 : i32
      %get3A_1359 = arith.index_cast %get3A_1358 : i32 to index
      %get3A_1360 = arith.constant 32 : index
      %get3A_1361 = tpu.vector_load %arg7[%get3A_1359, %get3A_1360] {strides = array<i32>} : memref<8x64xf32, #tpu.memory_space<vmem>>, vector<1x16xf32>,
      %get3A_1362 = vector.shape_cast %get3A_1361 : vector<1x16xf32> to vector<16xf32>
      %select_n3A_1363 = arith.select %eq3A_1316, %get3A_1362, %get3A_1357 : vector<16xf32>
      %add3A_1364 = arith.constant 32 : i32
      %add3A_1365 = arith.addi %multiple_of3A_1321, %add3A_1364 : i32
      %swap3A_1366 = arith.index_cast %add3A_1365 : i32 to index
      %swap3A_1367 = tpu.vector_load %arg9[%swap3A_1366] {strides = array<i32>} : memref<32768xf32, #tpu.memory_space<vmem>>, vector<16xf32>,
      %swap3A_1368 = vector.shape_cast %swap3A_1367 : vector<16xf32> to vector<16xf32>
      %swap3A_1369 = vector.shape_cast %select_n3A_1363 : vector<16xf32> to vector<16xf32>
      tpu.vector_store %arg9[%swap3A_1366], %swap3A_1369 {strides = array<i32>} : memref<32768xf32, #tpu.memory_space<vmem>>, vector<16xf32>,
      %get3A_1370 = arith.index_cast %add3A_1312 : i32 to index
      %get3A_1371 = arith.constant 48 : index
      %get3A_1372 = tpu.vector_load %arg8[%get3A_1370, %get3A_1371] {strides = array<i32>} : memref<512x64xf32, #tpu.memory_space<vmem>>, vector<1x16xf32>,
      %get3A_1373 = vector.shape_cast %get3A_1372 : vector<1x16xf32> to vector<16xf32>
      %get3A_1374 = arith.constant 0 : i32
      %get3A_1375 = arith.index_cast %get3A_1374 : i32 to index
      %get3A_1376 = arith.constant 48 : index
      %get3A_1377 = tpu.vector_load %arg7[%get3A_1375, %get3A_1376] {strides = array<i32>} : memref<8x64xf32, #tpu.memory_space<vmem>>, vector<1x16xf32>,
      %get3A_1378 = vector.shape_cast %get3A_1377 : vector<1x16xf32> to vector<16xf32>
      %select_n3A_1379 = arith.select %eq3A_1316, %get3A_1378, %get3A_1373 : vector<16xf32>
      %add3A_1380 = arith.constant 48 : i32
      %add3A_1381 = arith.addi %multiple_of3A_1321, %add3A_1380 : i32
      %swap3A_1382 = arith.index_cast %add3A_1381 : i32 to index
      %swap3A_1383 = tpu.vector_load %arg9[%swap3A_1382] {strides = array<i32>} : memref<32768xf32, #tpu.memory_space<vmem>>, vector<16xf32>,
      %swap3A_1384 = vector.shape_cast %swap3A_1383 : vector<16xf32> to vector<16xf32>
      %swap3A_1385 = vector.shape_cast %select_n3A_1379 : vector<16xf32> to vector<16xf32>
      tpu.vector_store %arg9[%swap3A_1382], %swap3A_1385 {strides = array<i32>} : memref<32768xf32, #tpu.memory_space<vmem>>, vector<16xf32>,
    }
    %scan3A_30 = arith.constant 2 : i32
    %mul3A_31 = arith.constant 64 : i32
    %mul3A_32 = arith.muli %mul3A_2, %mul3A_31 : i32
    "tpu.region"() ({
      %run_scoped3A = tpu.sem_alloc : memref<!tpu.dma_semaphore, #tpu.memory_space<semaphore_mem>>
      %dma_start3A = tpu.memref_slice %arg5[%mul3A_32] : memref<1048576xf32, #tpu.memory_space<hbm>> -> memref<32768xf32, #tpu.memory_space<hbm>>
      %dma_start3A_33 = tpu.memref_slice %arg5[%mul3A_32] : memref<1048576xf32, #tpu.memory_space<hbm>> -> memref<32768xf32, #tpu.memory_space<hbm>>
      tpu.enqueue_dma source(%arg9 : memref<32768xf32, #tpu.memory_space<vmem>>) target(%dma_start3A_33 : memref<32768xf32, #tpu.memory_space<hbm>>) target_semaphore(%run_scoped3A : memref<!tpu.dma_semaphore, #tpu.memory_space<semaphore_mem>>)
      %dma_wait3A_34 = tpu.memref_slice %arg5[%mul3A_32] : memref<1048576xf32, #tpu.memory_space<hbm>> -> memref<32768xf32, #tpu.memory_space<hbm>>
      %dma_wait3A_35 = tpu.memref_slice %arg5[%mul3A_32] : memref<1048576xf32, #tpu.memory_space<hbm>> -> memref<32768xf32, #tpu.memory_space<hbm>>
      tpu.wait_dma2 semaphore(%run_scoped3A : memref<!tpu.dma_semaphore, #tpu.memory_space<semaphore_mem>>) src(%arg9 : memref<32768xf32, #tpu.memory_space<vmem>>) dst(%dma_wait3A_35 : memref<32768xf32, #tpu.memory_space<hbm>>)
      tpu.yield
    }) : () -> ()
    return
  }
}

</mosaic_0001>

<sc_bundles>
// kernel: _gather_rows.3.cloned.1.call-start
scs
__scs_entry_jumppad:
0x0: {  	(pc) =	sbr.rel $0x88, $3  }
0x1: {  	(tag) =	ssettag $0x0;
	lr =	simm.s32 $0x1  }
0x2: {  	[smem:$0x3F9E] =	sst lr;
	_ =	strace $0xD0000000  }
0x3: {  	_ = 	snop  }
0x4: {  	_ = 	snop  }
0x5: {  	_ = 	snop  }
0x6: {  	_ = 	snop  }
0x7: {  	_ = 	snop  }
__scs_overlays_trampoline_lowered:
0x8: {  	[smem:$0x3FAD] =	sst s0  }
0x9: {  	[smem:$0x3FAE] =	sst s1  }
0xa: {  	[smem:$0x3FAF] =	sst s2  }
0xb: {  	[smem:$0x3FB0] =	sst s3  }
0xc: {  	[smem:$0x3FB1] =	sst s4  }
0xd: {  	[smem:$0x3FB2] =	sst s5  }
0xe: {  	[smem:$0x3FB3] =	sst s6  }
0xf: {  	[smem:$0x3FB4] =	sst s7  }
0x10: {  	[smem:$0x3FB5] =	sst s8  }
0x11: {  	[smem:$0x3FB6] =	sst s9;
	s0 =	simm.s32 @!p0 $0x0  }
0x12: {  	s1 =	sld [smem:$0x3F9C];
	s0 =	simm.s32 @p0 $0x1  }
0x13: {  	[smem:$0x3FB7] =	sst s0;
	s0 =	simm.s32 @!p1 $0x0  }
0x14: {  	s2 =	sld [smem:$0x3F9B];
	s0 =	simm.s32 @p1 $0x1  }
0x15: {  	[smem:$0x3FB8] =	sst s0;
	s0 =	simm.s32 @!p2 $0x0  }
0x16: {  	s3 =	sld [smem:$0x3FDB];
	s0 =	simm.s32 @p2 $0x1  }
0x17: {  	s4 =	simm.s32 $0x1BF5;
	[smem:$0x3FBA] =	sst s0  }
0x18: {  	s0 =	sld [smem:$0x3F9D];
	_ =	swait.ge [sflag:s4], $0x0  }
0x19: {  	s7 =	sld [smem:$0x3F9E]  }
0x1a: {  	s8 =	sadd.s32 $0xFFFFE003, lr  }
0x1b: {  	s9 =	sadd.s32 $0xFFFFFEF7, lr;
	s5 =	simm.s32 $0xFFFFFFFF;
	p2 =	slt.u32 s8, $0xFFFFF086  }
0x1c: {  	p1 =	slt.u32 s9, $0xF7A;
	s5 =	simm.s32 @!p2 $0x0  }
0x1d: {  	s5 =	simm.s32 @p1 $0x1;
	p0 =	seq.s32 s7, s2  }
0x1e: {  	s7 =	smul.u32 @!p0 $0xF7A, s2;
	p2 =	seq.s32 @!p0 s5, $0x0  }
0x1f: {  	s9 =	smul.u32 $0xF7A, s1;
	s8 =	simm.s32 @!p0 $0x1BF5;
	p2 =	por !p2, p0  }
0x20: {  	[sflag:s8] =	ssyncset.s32 @!p0 $0xFFFFF086;
	s6 =	sadd.s32 @!p0 s3, s7;
	s7 =	simm.s32 @!p0 $0x108  }
0x21: {  	s3 =	sadd.s32 s3, s9;
	s6 =	sadd.s32 @!p0 $0x88, s6;
	s7 =	simm.s32 @p2 $0x1082  }
0x22: {  	[simem:s7], [sflag:s8] =	dma.local @!p0 [hbm:s6], $0xF7A  }
0x23: {  	s9 =	sor.u32 $0xD0000000, s2;
	s6 =	simm.s32 $0x108;
	_ =	swait.ge @!p0 [sflag:s8], $0x0  }
0x24: {  	s3 =	sadd.s32 $0x88, s3;
	s6 =	simm.s32 @!p1 $0x1082;
	[sflag:s4] =	ssyncset.s32 $0xFFFFF086  }
0x25: {  	[simem:s6], [sflag:s4] =	dma.local [hbm:s3], $0xF7A  }
0x26: {  	[smem:$0x3F9E] =	sst s1;
	(tag) =	ssettag s2;
	_ =	strace s9  }
0x27: {  	s1 =	sld [smem:$0x3FAE]  }
0x28: {  	s2 =	sld [smem:$0x3FAF]  }
0x29: {  	s4 =	sld [smem:$0x3FB1]  }
0x2a: {  	p0 =	seq.s32 s5, $0x0;
	s5 =	sld [smem:$0x3FB2]  }
0x2b: {  	s6 =	sld [smem:$0x3FB3]  }
0x2c: {  	s7 =	sld [smem:$0x3FB4]  }
0x2d: {  	s3 =	simm.s32 $0x108;
	s8 =	sld [smem:$0x3FB5]  }
0x2e: {  	s3 =	simm.s32 @!p0 $0x1082;
	s9 =	sld [smem:$0x3FB6]  }
0x2f: {  	lr =	sadd.s32 s0, s3;
	s0 =	sld [smem:$0x3FAD]  }
0x30: {  	s3 =	sld [smem:$0x3FB0]  }
0x31: {  	[smem:$0x3FB9] =	sst s10  }
0x32: {  	s10 =	sld [smem:$0x3FB7];
	_ =	sdelay $0x3  }
0x33: {  	p0 =	seq.s32 s10, $0x1;
	s10 =	sld [smem:$0x3FB9];
	_ =	sdelay $0x3  }
0x34: {  	[smem:$0x3FB9] =	sst s10  }
0x35: {  	s10 =	sld [smem:$0x3FB8];
	_ =	sdelay $0x3  }
0x36: {  	p1 =	seq.s32 s10, $0x1;
	s10 =	sld [smem:$0x3FB9];
	_ =	sdelay $0x3  }
0x37: {  	[smem:$0x3FB9] =	sst s10  }
0x38: {  	s10 =	sld [smem:$0x3FBA]  }
0x39: {  	_ = 	snop;
	(pc) =	sbr.ind lr, $3  }
0x3a: {  	_ = 	snop  }
0x3b: {  	_ = 	snop  }
0x3c: {  	p2 =	seq.s32 s10, $0x1;
	s10 =	sld [smem:$0x3FB9]  }
0x3d: {  	_ =	shalt  }
0x3e: {  	_ =	shalt  }
0x3f: {  	_ =	shalt  }
0x40: {  	_ =	shalt  }
0x41: {  	_ =	shalt  }
0x42: {  	_ =	shalt  }
0x43: {  	_ =	shalt  }
0x44: {  	_ =	shalt  }
0x45: {  	_ =	shalt  }
0x46: {  	_ =	shalt  }
0x47: {  	_ =	shalt  }
0x48: {  	_ =	shalt  }
0x49: {  	_ =	shalt  }
0x4a: {  	_ =	shalt  }
0x4b: {  	_ =	shalt  }
0x4c: {  	_ =	shalt  }
0x4d: {  	_ =	shalt  }
0x4e: {  	_ =	shalt  }
0x4f: {  	_ =	shalt  }
0x50: {  	_ =	shalt  }
0x51: {  	_ =	shalt  }
0x52: {  	_ =	shalt  }
0x53: {  	_ =	shalt  }
0x54: {  	_ =	shalt  }
0x55: {  	_ =	shalt  }
0x56: {  	_ =	shalt  }
0x57: {  	_ =	shalt  }
0x58: {  	_ =	shalt  }
0x59: {  	_ =	shalt  }
0x5a: {  	_ =	shalt  }
0x5b: {  	_ =	shalt  }
0x5c: {  	_ =	shalt  }
0x5d: {  	_ =	shalt  }
0x5e: {  	_ =	shalt  }
0x5f: {  	_ =	shalt  }
0x60: {  	_ =	shalt  }
0x61: {  	_ =	shalt  }
0x62: {  	_ =	shalt  }
0x63: {  	_ =	shalt  }
0x64: {  	_ =	shalt  }
0x65: {  	_ =	shalt  }
0x66: {  	_ =	shalt  }
0x67: {  	_ =	shalt  }
0x68: {  	_ =	shalt  }
0x69: {  	_ =	shalt  }
0x6a: {  	_ =	shalt  }
0x6b: {  	_ =	shalt  }
0x6c: {  	_ =	shalt  }
0x6d: {  	_ =	shalt  }
0x6e: {  	_ =	shalt  }
0x6f: {  	_ =	shalt  }
0x70: {  	_ =	shalt  }
0x71: {  	_ =	shalt  }
0x72: {  	_ =	shalt  }
0x73: {  	_ =	shalt  }
0x74: {  	_ =	shalt  }
0x75: {  	_ =	shalt  }
0x76: {  	_ =	shalt  }
0x77: {  	_ =	shalt  }
0x78: {  	_ =	shalt  }
0x79: {  	_ =	shalt  }
0x7a: {  	_ =	shalt  }
0x7b: {  	_ =	shalt  }
0x7c: {  	_ =	shalt  }
0x7d: {  	_ =	shalt  }
0x7e: {  	_ =	shalt  }
0x7f: {  	_ =	shalt  }
0x80: {  	_ =	shalt  }
0x81: {  	_ =	shalt  }
0x82: {  	_ =	shalt  }
0x83: {  	_ =	shalt  }
0x84: {  	_ =	shalt  }
0x85: {  	_ =	shalt  }
0x86: {  	_ =	shalt  }
0x87: {  	_ =	shalt  }
.Lfunc_end0:
.L_simem_size_0:
called_computation_lowered:
.L_overlay_start_0:
0x88: {  	s2 =	sld [smem:$0x3FD9]  }
0x89: {  	s3 =	sld [smem:$0x3FFE];
	_ =	sdelay $0x1  }
0x8a: {  	s1 =	srdreg.scid  }
0x8b: {  	s0 =	sand.u32 $0x1, s1  }
0x8c: {  	s17 =	sshll.u32 s0, $0xA;
	s2 =	sadd.s32 s3, s2  }
0x8d: {  	s2 =	sadd.s32 s2, s17  }
0x8e: {  	[smem:$0x3FC5] =	sst s2  }
0x8f: {  	_ = 	snop  }
0x90: {  	s2 =	sld [smem:$0x3FC9]  }
0x91: {  	s18 =	sld [smem:$0x3FC7]  }
0x92: {  	s4 =	sld [smem:$0x3FD0];
	(tm) =	ssettm $0x1  }
0x93: {  	s5 =	sld [smem:$0x3FFB];
	_ =	sdelay $0x3  }
0x94: {  	_ =	strace s5  }
0x95: {  	s5 =	sld [smem:$0x3FFC];
	_ =	sdelay $0x3  }
0x96: {  	_ =	strace s5  }
0x97: {  	s5 =	sld [smem:$0x3FFD];
	_ =	sdelay $0x3  }
0x98: {  	_ =	strace s5  }
0x99: {  	_ =	strace $0x8FFFFFFF  }
0x9a: {  	s19 =	sld [smem:$0x3FDB];
	_ =	sdelay $0x1  }
0x9b: {  	s6 =	simm.s32 $_scs_section_size  }
0x9c: {  	s7 =	simm.s32 $_size__tile_overlayer_lowered;
	s8 =	simm.s32 $_tile_overlayer_lowered  }
0x9d: {  	s22 =	simm.s32 $0x1BFF;
	s21 =	sshll.u32 s8, $0x1;
	s5 =	sadd.s32 s6, s19  }
0x9e: {  	s9 =	simm.s32 $0x0;
	s20 =	sshll.u32 s7, $0x1;
	s7 =	sadd.s32 s21, s5  }
0x9f: {  	[timem:s9], [sflag:s22] =	dma.local [hbm:s7], s20  }
0xa0: {  	_ =	swait.ge [sflag:s22], s20  }
0xa1: {  	s6 =	ssub.s32 $0x0, s20;
	[sflag:s22] =	ssyncset.done $0x0  }
0xa2: {  	[sflag:s22] =	ssyncadd.s32 s6;
	_ =	sdelay $0x1  }
0xa3: {  	s23 =	simm.s32 $0x1B8B  }
0xa4: {  	_ =	swait.ge [sflag:s23], $0x1  }
0xa5: {  	[sflag:s23] =	ssyncset.done $0x0  }
0xa6: {  	s25 =	simm.s32 $0x1B8E;
	s24 =	sld [smem:$0x3FFE];
	[sflag:s23] =	ssyncadd.s32 $0xFFFFFFFF  }
0xa7: {  	s26 =	simm.s32 $execute0_lowered;
	[smem:$0x3FD2] =	sst s25  }
0xa8: {  	s7 =	sshll.u32 s26, $0x1;
	_ =	strace $0x80000046;
	[dreg:$0x1] =	wrdreg $0xFFFFFFFF  }
0xa9: {  	s28 =	simm.s32 $_size_execute0_lowered;
	s5 =	sadd.s32 s5, s7;
	[dreg:$0x0] =	wrdreg $0x0  }
0xaa: {  	s7 =	sshll.u32 s28, $0x1;
	[dreg:$0x2] =	wrdreg s5  }
0xab: {  	[dreg:$0x3] =	wrdreg s7  }
0xac: {  	[dreg:$0x4] =	wrdreg $0xC0  }
0xad: {  	_ =	task [dreg:s9], $0x5FFFF  }
0xae: {  	[dreg:$0x1] =	wrdreg $0xFFFFFFFF  }
0xaf: {  	[dreg:$0x0] =	wrdreg $0x60  }
0xb0: {  	[dreg:$0x2] =	wrdreg s2  }
0xb1: {  	[dreg:$0x3] =	wrdreg s24  }
0xb2: {  	[dreg:$0x4] =	wrdreg s18  }
0xb3: {  	[dreg:$0x5] =	wrdreg s4  }
0xb4: {  	[dreg:$0x6] =	wrdreg $0x9  }
0xb5: {  	_ =	task.clear_ibuf [dreg:s9], $0x7FFFF;
	_ =	strace $0x90000046  }
0xb6: {  	s29 =	simm.s32 $0x9;
	_ =	strace $0x80000048  }
0xb7: {  	_ =	swait.ge [sflag:s29], $0x1  }
0xb8: {  	[sflag:s29] =	ssyncadd.s32 $0xFFFFFFFF  }
0xb9: {  	_ =	strace $0x90000048  }
0xba: {  	_ =	sfence  }
0xbb: {  	s30 =	sld [smem:$0x0];
	_ =	sdelay $0x2  }
0xbc: {  	s31 =	sshll.u32 s1, $0xD;
	s1 =	sshrl.u32 s1, $0x2  }
0xbd: {  	s3 =	sand.u32 $0x4000, s31;
	s1 =	sadd.s32 s1, s30  }
0xbe: {  	s0 =	sor.u32 s3, s0;
	s1 =	sshll.u32 s1, $0x11  }
0xbf: {  	s0 =	sor.u32 s1, s0  }
0xc0: {  	s0 =	sadd.s32 $0x8F2B, s0  }
0xc1: {  	[sflag:s0] =	ssyncadd.remote.s32 $0x1  }
0xc2: {  	_ =	sfence.sel $0xFFFF  }
0xc3: {  	[dreg:$0x0] =	wrdreg $0xFFFFFFFF;
	(pc) =	sbr.abs _section_cstart, $3  }
0xc4: {  	[dreg:$0x1] =	wrdreg $0xFFFFFFFF  }
0xc5: {  	_ =	task.clear_ibuf [dreg:s9], $0x2FFFF;
	_ =	strace $0x9FFFFFFF  }
0xc6: {  	(tm) =	ssettm $0x7FFFFFFF  }
0xc7: {  	_ =	shalt  }
tec
execute0_lowered:
.L_overlay_start_1:
0x0: {  	(tag) =	ssettag $0x1  }
0x1: {  	s5 =	rddreg [dreg:$0x0]  }
0x2: {  	s4 =	rddreg [dreg:$0x1]  }
0x3: {  	s1 =	rddreg [dreg:$0x2]  }
0x4: {  	s6 =	rddreg [dreg:$0x3]  }
0x5: {  	s0 =	rddreg [dreg:$0x4];
	s3 =	simm.s32 $0x0  }
0x6: {  	s7 =	srdreg.scid;
	s2 =	stileid.u32;
	s11 =	simm.s32 $0x10600  }
0x7: {  	s12 =	simm.s32 $0x0;
	[smem:$0x7FF] =	sst s3;
	s7 =	sand.u32 $0x1, s7  }
0x8: {  	s8 =	sshll.u32 s2, $0x1;
	s4 =	sadd.s32 $0x400, s4;
	s9 =	ssub.s32 $0x2, s7  }
0x9: {  	_ =	strace $0x80000047;
	s7 =	sor.u32 s7, s8;
	s31 =	sshrl.u32 s9, $0x1  }
0xa: {  	s10 =	sshll.u32 s7, $0x6;
	s7 =	sshll.u32 s7, $0xC;
	s8 =	ssub.s32 s9, s31  }
0xb: {  	s5 =	sadd.s32 s5, s10;
	s6 =	sadd.s32 s6, s7;
	s9 =	simm.s32 $0x200  }
0xc: {  	s10 =	simm.s32 $0x1;
	s7 =	smax.u32 s8, $0x1;
	s8 =	simm.s32 $0x2  }
.LBB2_1:
0xd: {  	[tilespmem:s3], [sflag:$0x2] =	stream.linear.gather [hbm4b:s5+s3], $0x200, $0x38;
	[tilespmem:$0x18600] =	vst v63  }
0xe: {  	_ =	swait.ge [sflag:s8], $0x200  }
0xf: {  	[sflag:s8] =	ssyncset.done $0x0  }
0x10: {  	[sflag:s8] =	ssyncadd.s32 $0xFFFFFE00  }
0x11: {  	[tilespmem:s9], [sflag:$0x2] =	stream.linear.gather [hbm4b:s1+s3], $0x400, $0x38;
	[tilespmem:$0x18600] =	vst v63  }
0x12: {  	_ =	swait.ge [sflag:s8], $0x400  }
0x13: {  	[sflag:s8] =	ssyncset.done $0x0  }
0x14: {  	p0 =	por $0x1, $0x1;
	s14 =	simm.s32 $0x0;
	[sflag:s8] =	ssyncadd.s32 $0xFFFFFC00  }
.LBB2_2:
0x15: {  	s13 =	sshll.u32 s14, $0x4  }
0x16: {  	s13 =	sand.u32 $0x3FFFFFF0, s13  }
0x17: {  	v0 =	vld [tilespmem:s13+$0x0];
	_ =	sdelay $0x4  }
0x18: {  	vm0 =	vlt.s32 v0, $0xF423F  }
0x19: {  	v1 =	vnsel vm0, $0xF423F, v0  }
0x1a: {  	vm15 =	veq.s32 v0, $0xFFFFFFFF;
	v63 =	vand.u32 $0xFFFFFFF8, v1  }
0x1b: {  	v0 =	vsel vm15, $0xF4238, v63  }
0x1c: {  	v0 =	vshll.u32 v0, $0x4  }
0x1d: {  	v0 =	vadd.s32 s4, v0  }
0x1e: {  	(v2sf) =	vpush v0, $0x0;
	_ =	sdelay $0x1  }
0x1f: {  	(v2sf) =	vpush v0, $0x1;
	_ =	sdelay $0x1  }
0x20: {  	(v2sf) =	vpush v0, $0x2;
	_ =	sdelay $0x1  }
0x21: {  	(v2sf) =	vpush v0, $0x3;
	_ =	sdelay $0x1  }
0x22: {  	(v2sf) =	vpush v0, $0x4;
	_ =	sdelay $0x1  }
0x23: {  	(v2sf) =	vpush v0, $0x5;
	_ =	sdelay $0x1  }
0x24: {  	(v2sf) =	vpush v0, $0x6  }
0x25: {  	s16 =	sshll.u32 s14, $0xE  }
0x26: {  	s14 =	sand.u32 $0x3FFFC000, s16;
	(v2sf) =	vpush v0, $0x7  }
0x27: {  	s15 =	sor.u32 $0x600, s14;
	s13 =	simm.s32 $0x0;
	s16 =	spop (v2sf)  }
0x28: {  	(v2sf) =	vpush v0, $0x8;
	[tilespmem:s15], [sflag:$0x1] =	stream.linear.gather [hbm4b:s16+s13], $0x400, $0x38;
	[tilespmem:$0x18600] =	vst v63  }
0x29: {  	s17 =	sor.u32 $0xA00, s14;
	s18 =	spop (v2sf)  }
0x2a: {  	(v2sf) =	vpush v0, $0x9;
	[tilespmem:s17], [sflag:$0x1] =	stream.linear.gather [hbm4b:s18+s13], $0x400, $0x38;
	[tilespmem:$0x18600] =	vst v63  }
0x2b: {  	s19 =	sor.u32 $0xE00, s14;
	s20 =	spop (v2sf)  }
0x2c: {  	(v2sf) =	vpush v0, $0xA;
	[tilespmem:s19], [sflag:$0x1] =	stream.linear.gather [hbm4b:s20+s13], $0x400, $0x38;
	[tilespmem:$0x18600] =	vst v63  }
0x2d: {  	s21 =	sor.u32 $0x1200, s14;
	s22 =	spop (v2sf)  }
0x2e: {  	(v2sf) =	vpush v0, $0xB;
	[tilespmem:s21], [sflag:$0x1] =	stream.linear.gather [hbm4b:s22+s13], $0x400, $0x38;
	[tilespmem:$0x18600] =	vst v63  }
0x2f: {  	s23 =	sor.u32 $0x1600, s14;
	s24 =	spop (v2sf)  }
0x30: {  	(v2sf) =	vpush v0, $0xC;
	[tilespmem:s23], [sflag:$0x1] =	stream.linear.gather [hbm4b:s24+s13], $0x400, $0x38;
	[tilespmem:$0x18600] =	vst v63  }
0x31: {  	s25 =	sor.u32 $0x1A00, s14;
	s26 =	spop (v2sf)  }
0x32: {  	(v2sf) =	vpush v0, $0xD;
	[tilespmem:s25], [sflag:$0x1] =	stream.linear.gather [hbm4b:s26+s13], $0x400, $0x38;
	[tilespmem:$0x18600] =	vst v63  }
0x33: {  	s28 =	sor.u32 $0x1E00, s14;
	s29 =	spop (v2sf)  }
0x34: {  	(v2sf) =	vpush v0, $0xE;
	[tilespmem:s28], [sflag:$0x1] =	stream.linear.gather [hbm4b:s29+s13], $0x400, $0x38;
	[tilespmem:$0x18600] =	vst v63  }
0x35: {  	s30 =	sor.u32 $0x2200, s14;
	s31 =	spop (v2sf)  }
0x36: {  	(v2sf) =	vpush v0, $0xF;
	[tilespmem:s30], [sflag:$0x1] =	stream.linear.gather [hbm4b:s31+s13], $0x400, $0x38;
	[tilespmem:$0x18600] =	vst v63  }
0x37: {  	s17 =	sor.u32 $0x2600, s14;
	s16 =	spop (v2sf)  }
0x38: {  	[tilespmem:s17], [sflag:$0x1] =	stream.linear.gather [hbm4b:s16+s13], $0x400, $0x38;
	[tilespmem:$0x18600] =	vst v63  }
0x39: {  	s19 =	sor.u32 $0x2A00, s14;
	s18 =	spop (v2sf)  }
0x3a: {  	[tilespmem:s19], [sflag:$0x1] =	stream.linear.gather [hbm4b:s18+s13], $0x400, $0x38;
	[tilespmem:$0x18600] =	vst v63  }
0x3b: {  	s21 =	sor.u32 $0x2E00, s14;
	s20 =	spop (v2sf)  }
0x3c: {  	[tilespmem:s21], [sflag:$0x1] =	stream.linear.gather [hbm4b:s20+s13], $0x400, $0x38;
	[tilespmem:$0x18600] =	vst v63  }
0x3d: {  	s23 =	sor.u32 $0x3200, s14;
	s22 =	spop (v2sf)  }
0x3e: {  	[tilespmem:s23], [sflag:$0x1] =	stream.linear.gather [hbm4b:s22+s13], $0x400, $0x38;
	[tilespmem:$0x18600] =	vst v63  }
0x3f: {  	s25 =	sor.u32 $0x3600, s14;
	s24 =	spop (v2sf)  }
0x40: {  	[tilespmem:s25], [sflag:$0x1] =	stream.linear.gather [hbm4b:s24+s13], $0x400, $0x38;
	[tilespmem:$0x18600] =	vst v63  }
0x41: {  	p1 =	por p0, p0;
	s28 =	sor.u32 $0x3A00, s14;
	s26 =	spop (v2sf)  }
0x42: {  	[tilespmem:s28], [sflag:$0x1] =	stream.linear.gather [hbm4b:s26+s13], $0x400, $0x38;
	[tilespmem:$0x18600] =	vst v63  }
.Ltmp0:
0x43: {  	s30 =	sor.u32 $0x3E00, s14;
	s29 =	spop (v2sf);
	(pc) =	sbr.rel @p1 .LBB2_2-.Ltmp0, $4  }
0x44: {  	[tilespmem:s30], [sflag:$0x1] =	stream.linear.gather [hbm4b:s29+s13], $0x400, $0x38;
	[tilespmem:$0x18600] =	vst v63  }
0x45: {  	s14 =	sadd.s32 $0x4200, s14;
	s31 =	spop (v2sf)  }
0x46: {  	[tilespmem:s14], [sflag:$0x1] =	stream.linear.gather [hbm4b:s31+s13], $0x400, $0x38;
	[tilespmem:$0x18600] =	vst v63  }
0x47: {  	p0 =	por $0x0, $0x0;
	s14 =	simm.s32 $0x1  }
.LBB2_4:
0x48: {  	s14 =	smov.u32 s13;
	s13 =	sadd.s32 $0x1, s13  }
0x49: {  	s15 =	sshll.u32 s13, $0x5  }
0x4a: {  	s16 =	sand.u32 $0x3FFFFFE0, s15  }
0x4b: {  	v0 =	vmov s16;
	_ =	sdelay $0x1  }
0x4c: {  	_ =	swait.ge [sflag:s10], $0x8000  }
0x4d: {  	p0 =	por $0x1, $0x1;
	[sflag:s10] =	ssyncset.done $0x0  }
0x4e: {  	[sflag:s10] =	ssyncadd.s32 $0xFFFF8000;
	s15 =	sand.u32 $0x20, s15;
	s16 =	simm.s32 $0x0  }
.LBB2_5:
0x4f: {  	v1 =	vld.idx.msk [tilespmem:v0+s16+$0x0 ss:$0x1], $0xffff;
	_ =	sdelay $0x4  }
0x50: {  	vm0 =	vlt.s32 v1, $0xF423F  }
0x51: {  	v2 =	vnsel vm0, $0xF423F, v1  }
0x52: {  	vm15 =	veq.s32 v1, $0xFFFFFFFF;
	v1 =	vand.u32 $0xFFFFFFF8, v2  }
0x53: {  	v1 =	vsel vm15, $0xF4238, v1  }
0x54: {  	v1 =	vshll.u32 v1, $0x4  }
0x55: {  	v1 =	vadd.s32 s4, v1  }
0x56: {  	(v2sf) =	vpush v1, $0x0;
	_ =	sdelay $0x1  }
0x57: {  	(v2sf) =	vpush v1, $0x1;
	_ =	sdelay $0x1  }
0x58: {  	(v2sf) =	vpush v1, $0x2;
	_ =	sdelay $0x1  }
0x59: {  	(v2sf) =	vpush v1, $0x3;
	_ =	sdelay $0x1  }
0x5a: {  	(v2sf) =	vpush v1, $0x4;
	_ =	sdelay $0x1  }
0x5b: {  	(v2sf) =	vpush v1, $0x5;
	_ =	sdelay $0x1  }
0x5c: {  	s26 =	sor.u32 s15, s16;
	(v2sf) =	vpush v1, $0x6  }
0x5d: {  	s16 =	sshll.u32 s26, $0xA  }
0x5e: {  	s16 =	sand.u32 $0x3FFFFC00, s16;
	(v2sf) =	vpush v1, $0x7  }
0x5f: {  	s17 =	sadd.s32 $0x600, s16;
	s18 =	spop (v2sf)  }
0x60: {  	(v2sf) =	vpush v1, $0x8;
	[tilespmem:s17], [sflag:$0x1] =	stream.linear.gather [hbm4b:s18+s3], $0x400, $0x38;
	[tilespmem:$0x18600] =	vst v63  }
0x61: {  	s28 =	sadd.s32 $0xA00, s16;
	s29 =	spop (v2sf)  }
0x62: {  	(v2sf) =	vpush v1, $0x9;
	[tilespmem:s28], [sflag:$0x1] =	stream.linear.gather [hbm4b:s29+s3], $0x400, $0x38;
	[tilespmem:$0x18600] =	vst v63  }
0x63: {  	s30 =	sadd.s32 $0xE00, s16;
	s31 =	spop (v2sf)  }
0x64: {  	(v2sf) =	vpush v1, $0xA;
	[tilespmem:s30], [sflag:$0x1] =	stream.linear.gather [hbm4b:s31+s3], $0x400, $0x38;
	[tilespmem:$0x18600] =	vst v63  }
0x65: {  	s19 =	sadd.s32 $0x1200, s16;
	s20 =	spop (v2sf)  }
0x66: {  	(v2sf) =	vpush v1, $0xB;
	[tilespmem:s19], [sflag:$0x1] =	stream.linear.gather [hbm4b:s20+s3], $0x400, $0x38;
	[tilespmem:$0x18600] =	vst v63  }
0x67: {  	s21 =	sadd.s32 $0x1600, s16;
	s22 =	spop (v2sf)  }
0x68: {  	(v2sf) =	vpush v1, $0xC;
	[tilespmem:s21], [sflag:$0x1] =	stream.linear.gather [hbm4b:s22+s3], $0x400, $0x38;
	[tilespmem:$0x18600] =	vst v63  }
0x69: {  	s23 =	sadd.s32 $0x1A00, s16;
	s24 =	spop (v2sf)  }
0x6a: {  	(v2sf) =	vpush v1, $0xD;
	[tilespmem:s23], [sflag:$0x1] =	stream.linear.gather [hbm4b:s24+s3], $0x400, $0x38;
	[tilespmem:$0x18600] =	vst v63  }
0x6b: {  	s25 =	sadd.s32 $0x1E00, s16;
	s26 =	spop (v2sf)  }
0x6c: {  	(v2sf) =	vpush v1, $0xE;
	[tilespmem:s25], [sflag:$0x1] =	stream.linear.gather [hbm4b:s26+s3], $0x400, $0x38;
	[tilespmem:$0x18600] =	vst v63  }
0x6d: {  	s28 =	sadd.s32 $0x2200, s16;
	s29 =	spop (v2sf)  }
0x6e: {  	(v2sf) =	vpush v1, $0xF;
	[tilespmem:s28], [sflag:$0x1] =	stream.linear.gather [hbm4b:s29+s3], $0x400, $0x38;
	[tilespmem:$0x18600] =	vst v63  }
0x6f: {  	s31 =	sadd.s32 $0x2600, s16;
	s30 =	spop (v2sf)  }
0x70: {  	[tilespmem:s31], [sflag:$0x1] =	stream.linear.gather [hbm4b:s30+s3], $0x400, $0x38;
	[tilespmem:$0x18600] =	vst v63  }
0x71: {  	s19 =	sadd.s32 $0x2A00, s16;
	s18 =	spop (v2sf)  }
0x72: {  	[tilespmem:s19], [sflag:$0x1] =	stream.linear.gather [hbm4b:s18+s3], $0x400, $0x38;
	[tilespmem:$0x18600] =	vst v63  }
0x73: {  	s21 =	sadd.s32 $0x2E00, s16;
	s20 =	spop (v2sf)  }
0x74: {  	[tilespmem:s21], [sflag:$0x1] =	stream.linear.gather [hbm4b:s20+s3], $0x400, $0x38;
	[tilespmem:$0x18600] =	vst v63  }
0x75: {  	s23 =	sadd.s32 $0x3200, s16;
	s22 =	spop (v2sf)  }
0x76: {  	[tilespmem:s23], [sflag:$0x1] =	stream.linear.gather [hbm4b:s22+s3], $0x400, $0x38;
	[tilespmem:$0x18600] =	vst v63  }
0x77: {  	s25 =	sadd.s32 $0x3600, s16;
	s24 =	spop (v2sf)  }
0x78: {  	[tilespmem:s25], [sflag:$0x1] =	stream.linear.gather [hbm4b:s24+s3], $0x400, $0x38;
	[tilespmem:$0x18600] =	vst v63  }
0x79: {  	p1 =	por p0, p0;
	s28 =	sadd.s32 $0x3A00, s16;
	s26 =	spop (v2sf)  }
0x7a: {  	[tilespmem:s28], [sflag:$0x1] =	stream.linear.gather [hbm4b:s26+s3], $0x400, $0x38;
	[tilespmem:$0x18600] =	vst v63  }
.Ltmp1:
0x7b: {  	s30 =	sadd.s32 $0x3E00, s16;
	s29 =	spop (v2sf);
	(pc) =	sbr.rel @p1 .LBB2_5-.Ltmp1, $4  }
0x7c: {  	[tilespmem:s30], [sflag:$0x1] =	stream.linear.gather [hbm4b:s29+s3], $0x400, $0x38;
	[tilespmem:$0x18600] =	vst v63  }
0x7d: {  	s16 =	sadd.s32 $0x4200, s16;
	s31 =	spop (v2sf)  }
0x7e: {  	[tilespmem:s16], [sflag:$0x1] =	stream.linear.gather [hbm4b:s31+s3], $0x400, $0x38;
	[tilespmem:$0x18600] =	vst v63  }
0x7f: {  	p0 =	por $0x0, $0x0;
	s16 =	simm.s32 $0x10  }
0x80: {  	s14 =	sshll.u32 s14, $0x5  }
0x81: {  	s16 =	simm.s32 $0x0;
	p0 =	por $0x1, $0x1;
	s15 =	sand.u32 $0x20, s14  }
.LBB2_7:
0x82: {  	s17 =	sor.u32 s14, s16  }
0x83: {  	v0 =	vld [tilespmem:s17+$0x0];
	_ =	sdelay $0x4  }
0x84: {  	vm0 =	vlt.s32 v0, $0xF423F  }
0x85: {  	v1 =	vnsel vm0, $0xF423F, v0  }
0x86: {  	v1 =	vand.u32 $0x7, v1  }
0x87: {  	(v2sf) =	vpush v0, $0x0;
	v1 =	vshll.u32 v1, $0x7  }
0x88: {  	(v2sf) =	vpush v1, $0x0;
	_ =	sdelay $0xc  }
0x89: {  	s18 =	sor.u32 s15, s16  }
0x8a: {  	s18 =	sshll.u32 s18, $0xA;
	s19 =	spop (v2sf)  }
0x8b: {  	s18 =	sand.u32 $0x3FFFFC00, s18;
	s20 =	spop (v2sf)  }
0x8c: {  	s18 =	sor.u32 s20, s18  }
0x8d: {  	p1 =	seq.s32 s19, $0xFFFFFFFF;
	s19 =	sadd.s32 $0x600, s18  }
0x8e: {  	s19 =	simm.s32 @p1 $0x200  }
0x8f: {  	v2 =	vld [tilespmem:s19+$0x0];
	_ =	sdelay $0x2  }
0x90: {  	s17 =	sshll.u32 s17, $0x6  }
0x91: {  	s17 =	sand.u32 $0x3FFFFFC0, s17;
	s19 =	sadd.s32 $0x610, s18  }
0x92: {  	(v2sf) =	vpush v1, $0x1;
	s19 =	simm.s32 @p1 $0x210;
	[tilespmem:s17+$0x10600] =	vst v2  }
0x93: {  	(v2sf) =	vpush v0, $0x1;
	v2 =	vld [tilespmem:s19+$0x0];
	_ =	sdelay $0x3  }
0x94: {  	s19 =	sadd.s32 $0x620, s18  }
0x95: {  	s19 =	simm.s32 @p1 $0x220;
	[tilespmem:s17+$0x10610] =	vst v2  }
0x96: {  	v2 =	vld [tilespmem:s19+$0x0];
	_ =	sdelay $0x3  }
0x97: {  	s18 =	sadd.s32 $0x630, s18  }
0x98: {  	s29 =	sor.u32 $0x1, s16;
	s18 =	simm.s32 @p1 $0x230;
	[tilespmem:s17+$0x10620] =	vst v2  }
0x99: {  	s30 =	sor.u32 s15, s29;
	v2 =	vld [tilespmem:s18+$0x0]  }
0x9a: {  	s18 =	sshll.u32 s30, $0xA  }
0x9b: {  	s31 =	spop (v2sf);
	s18 =	sand.u32 $0x3FFFFC00, s18  }
0x9c: {  	s21 =	spop (v2sf);
	s18 =	sor.u32 s31, s18  }
0x9d: {  	p1 =	seq.s32 s21, $0xFFFFFFFF;
	s20 =	sadd.s32 $0x600, s18  }
0x9e: {  	s20 =	simm.s32 @p1 $0x200;
	[tilespmem:s17+$0x10630] =	vst v2  }
0x9f: {  	v2 =	vld [tilespmem:s20+$0x0];
	_ =	sdelay $0x2  }
0xa0: {  	s22 =	sor.u32 s14, s29  }
0xa1: {  	(v2sf) =	vpush v0, $0x2;
	s19 =	sadd.s32 $0x610, s18;
	s17 =	sshll.u32 s22, $0x6  }
0xa2: {  	(v2sf) =	vpush v1, $0x2;
	s19 =	simm.s32 @p1 $0x210;
	[tilespmem:s17+$0x10600] =	vst v2  }
0xa3: {  	v2 =	vld [tilespmem:s19+$0x0];
	_ =	sdelay $0x3  }
0xa4: {  	s23 =	sor.u32 $0x50, s17;
	s20 =	sadd.s32 $0x620, s18  }
0xa5: {  	s20 =	simm.s32 @p1 $0x220;
	[tilespmem:s23+$0x10600] =	vst v2  }
0xa6: {  	v2 =	vld [tilespmem:s20+$0x0];
	_ =	sdelay $0x3  }
0xa7: {  	s24 =	sor.u32 $0x60, s17;
	s18 =	sadd.s32 $0x630, s18  }
0xa8: {  	s25 =	sor.u32 $0x2, s16;
	s18 =	simm.s32 @p1 $0x230;
	[tilespmem:s24+$0x10600] =	vst v2  }
0xa9: {  	s26 =	sor.u32 s15, s25;
	v2 =	vld [tilespmem:s18+$0x0]  }
0xaa: {  	s28 =	spop (v2sf);
	s18 =	sshll.u32 s26, $0xA  }
0xab: {  	s29 =	spop (v2sf);
	s18 =	sand.u32 $0x3FFFFC00, s18  }
0xac: {  	s18 =	sor.u32 s29, s18  }
0xad: {  	p1 =	seq.s32 s28, $0xFFFFFFFF;
	s17 =	sor.u32 $0x70, s17;
	s20 =	sadd.s32 $0x600, s18  }
0xae: {  	s20 =	simm.s32 @p1 $0x200;
	[tilespmem:s17+$0x10600] =	vst v2  }
0xaf: {  	v2 =	vld [tilespmem:s20+$0x0];
	_ =	sdelay $0x1  }
0xb0: {  	s30 =	sor.u32 s14, s25  }
0xb1: {  	s17 =	sshll.u32 s30, $0x6  }
0xb2: {  	s19 =	sadd.s32 $0x610, s18;
	s17 =	sand.u32 $0x3FFFFFC0, s17  }
0xb3: {  	(v2sf) =	vpush v1, $0x3;
	s19 =	simm.s32 @p1 $0x210;
	[tilespmem:s17+$0x10600] =	vst v2  }
0xb4: {  	(v2sf) =	vpush v0, $0x3;
	v2 =	vld [tilespmem:s19+$0x0];
	_ =	sdelay $0x3  }
0xb5: {  	s19 =	sadd.s32 $0x620, s18  }
0xb6: {  	s19 =	simm.s32 @p1 $0x220;
	[tilespmem:s17+$0x10610] =	vst v2  }
0xb7: {  	v2 =	vld [tilespmem:s19+$0x0];
	_ =	sdelay $0x3  }
0xb8: {  	s18 =	sadd.s32 $0x630, s18  }
0xb9: {  	s31 =	sor.u32 $0x3, s16;
	s18 =	simm.s32 @p1 $0x230;
	[tilespmem:s17+$0x10620] =	vst v2  }
0xba: {  	s21 =	sor.u32 s15, s31;
	v2 =	vld [tilespmem:s18+$0x0]  }
0xbb: {  	s18 =	sshll.u32 s21, $0xA  }
0xbc: {  	s22 =	spop (v2sf);
	s18 =	sand.u32 $0x3FFFFC00, s18  }
0xbd: {  	s23 =	spop (v2sf);
	s18 =	sor.u32 s22, s18  }
0xbe: {  	p1 =	seq.s32 s23, $0xFFFFFFFF;
	s20 =	sadd.s32 $0x600, s18  }
0xbf: {  	s20 =	simm.s32 @p1 $0x200;
	[tilespmem:s17+$0x10630] =	vst v2  }
0xc0: {  	v2 =	vld [tilespmem:s20+$0x0];
	_ =	sdelay $0x2  }
0xc1: {  	s24 =	sor.u32 s14, s31  }
0xc2: {  	(v2sf) =	vpush v0, $0x4;
	s19 =	sadd.s32 $0x610, s18;
	s17 =	sshll.u32 s24, $0x6  }
0xc3: {  	(v2sf) =	vpush v1, $0x4;
	s19 =	simm.s32 @p1 $0x210;
	[tilespmem:s17+$0x10600] =	vst v2  }
0xc4: {  	v2 =	vld [tilespmem:s19+$0x0];
	_ =	sdelay $0x3  }
0xc5: {  	s25 =	sor.u32 $0x50, s17;
	s20 =	sadd.s32 $0x620, s18  }
0xc6: {  	s20 =	simm.s32 @p1 $0x220;
	[tilespmem:s25+$0x10600] =	vst v2  }
0xc7: {  	v2 =	vld [tilespmem:s20+$0x0];
	_ =	sdelay $0x3  }
0xc8: {  	s26 =	sor.u32 $0x60, s17;
	s18 =	sadd.s32 $0x630, s18  }
0xc9: {  	s28 =	sor.u32 $0x4, s16;
	s18 =	simm.s32 @p1 $0x230;
	[tilespmem:s26+$0x10600] =	vst v2  }
0xca: {  	s29 =	sor.u32 s15, s28;
	v2 =	vld [tilespmem:s18+$0x0]  }
0xcb: {  	s30 =	spop (v2sf);
	s18 =	sshll.u32 s29, $0xA  }
0xcc: {  	s31 =	spop (v2sf);
	s18 =	sand.u32 $0x3FFFFC00, s18  }
0xcd: {  	s18 =	sor.u32 s31, s18  }
0xce: {  	p1 =	seq.s32 s30, $0xFFFFFFFF;
	s17 =	sor.u32 $0x70, s17;
	s20 =	sadd.s32 $0x600, s18  }
0xcf: {  	s20 =	simm.s32 @p1 $0x200;
	[tilespmem:s17+$0x10600] =	vst v2  }
0xd0: {  	v2 =	vld [tilespmem:s20+$0x0];
	_ =	sdelay $0x1  }
0xd1: {  	s22 =	sor.u32 s14, s28  }
0xd2: {  	s17 =	sshll.u32 s22, $0x6  }
0xd3: {  	s19 =	sadd.s32 $0x610, s18;
	s17 =	sand.u32 $0x3FFFFFC0, s17  }
0xd4: {  	(v2sf) =	vpush v1, $0x5;
	s19 =	simm.s32 @p1 $0x210;
	[tilespmem:s17+$0x10600] =	vst v2  }
0xd5: {  	(v2sf) =	vpush v0, $0x5;
	v2 =	vld [tilespmem:s19+$0x0];
	_ =	sdelay $0x3  }
0xd6: {  	s19 =	sadd.s32 $0x620, s18  }
0xd7: {  	s19 =	simm.s32 @p1 $0x220;
	[tilespmem:s17+$0x10610] =	vst v2  }
0xd8: {  	v2 =	vld [tilespmem:s19+$0x0];
	_ =	sdelay $0x3  }
0xd9: {  	s18 =	sadd.s32 $0x630, s18  }
0xda: {  	s23 =	sor.u32 $0x5, s16;
	s18 =	simm.s32 @p1 $0x230;
	[tilespmem:s17+$0x10620] =	vst v2  }
0xdb: {  	s24 =	sor.u32 s15, s23;
	v2 =	vld [tilespmem:s18+$0x0]  }
0xdc: {  	s18 =	sshll.u32 s24, $0xA  }
0xdd: {  	s25 =	spop (v2sf);
	s18 =	sand.u32 $0x3FFFFC00, s18  }
0xde: {  	s26 =	spop (v2sf);
	s18 =	sor.u32 s25, s18  }
0xdf: {  	p1 =	seq.s32 s26, $0xFFFFFFFF;
	s20 =	sadd.s32 $0x600, s18  }
0xe0: {  	s20 =	simm.s32 @p1 $0x200;
	[tilespmem:s17+$0x10630] =	vst v2  }
0xe1: {  	v2 =	vld [tilespmem:s20+$0x0];
	_ =	sdelay $0x2  }
0xe2: {  	s28 =	sor.u32 s14, s23  }
0xe3: {  	(v2sf) =	vpush v0, $0x6;
	s19 =	sadd.s32 $0x610, s18;
	s17 =	sshll.u32 s28, $0x6  }
0xe4: {  	(v2sf) =	vpush v1, $0x6;
	s19 =	simm.s32 @p1 $0x210;
	[tilespmem:s17+$0x10600] =	vst v2  }
0xe5: {  	v2 =	vld [tilespmem:s19+$0x0];
	_ =	sdelay $0x3  }
0xe6: {  	s29 =	sor.u32 $0x50, s17;
	s20 =	sadd.s32 $0x620, s18  }
0xe7: {  	s20 =	simm.s32 @p1 $0x220;
	[tilespmem:s29+$0x10600] =	vst v2  }
0xe8: {  	v2 =	vld [tilespmem:s20+$0x0];
	_ =	sdelay $0x3  }
0xe9: {  	s30 =	sor.u32 $0x60, s17;
	s18 =	sadd.s32 $0x630, s18  }
0xea: {  	s31 =	sor.u32 $0x6, s16;
	s18 =	simm.s32 @p1 $0x230;
	[tilespmem:s30+$0x10600] =	vst v2  }
0xeb: {  	s21 =	sor.u32 s15, s31;
	v2 =	vld [tilespmem:s18+$0x0]  }
0xec: {  	s22 =	spop (v2sf);
	s18 =	sshll.u32 s21, $0xA  }
0xed: {  	s23 =	spop (v2sf);
	s18 =	sand.u32 $0x3FFFFC00, s18  }
0xee: {  	s18 =	sor.u32 s23, s18  }
0xef: {  	p1 =	seq.s32 s22, $0xFFFFFFFF;
	s17 =	sor.u32 $0x70, s17;
	s20 =	sadd.s32 $0x600, s18  }
0xf0: {  	s20 =	simm.s32 @p1 $0x200;
	[tilespmem:s17+$0x10600] =	vst v2  }
0xf1: {  	v2 =	vld [tilespmem:s20+$0x0];
	_ =	sdelay $0x1  }
0xf2: {  	s24 =	sor.u32 s14, s31  }
0xf3: {  	s17 =	sshll.u32 s24, $0x6  }
0xf4: {  	s19 =	sadd.s32 $0x610, s18;
	s17 =	sand.u32 $0x3FFFFFC0, s17  }
0xf5: {  	(v2sf) =	vpush v1, $0x7;
	s19 =	simm.s32 @p1 $0x210;
	[tilespmem:s17+$0x10600] =	vst v2  }
0xf6: {  	(v2sf) =	vpush v0, $0x7;
	v2 =	vld [tilespmem:s19+$0x0];
	_ =	sdelay $0x3  }
0xf7: {  	s19 =	sadd.s32 $0x620, s18  }
0xf8: {  	s19 =	simm.s32 @p1 $0x220;
	[tilespmem:s17+$0x10610] =	vst v2  }
0xf9: {  	v2 =	vld [tilespmem:s19+$0x0];
	_ =	sdelay $0x3  }
0xfa: {  	s18 =	sadd.s32 $0x630, s18  }
0xfb: {  	s25 =	sor.u32 $0x7, s16;
	s18 =	simm.s32 @p1 $0x230;
	[tilespmem:s17+$0x10620] =	vst v2  }
0xfc: {  	s26 =	sor.u32 s15, s25;
	v2 =	vld [tilespmem:s18+$0x0]  }
0xfd: {  	s18 =	sshll.u32 s26, $0xA  }
0xfe: {  	s28 =	spop (v2sf);
	s18 =	sand.u32 $0x3FFFFC00, s18  }
0xff: {  	s29 =	spop (v2sf);
	s18 =	sor.u32 s28, s18  }
0x100: {  	p1 =	seq.s32 s29, $0xFFFFFFFF;
	s20 =	sadd.s32 $0x600, s18  }
0x101: {  	s20 =	simm.s32 @p1 $0x200;
	[tilespmem:s17+$0x10630] =	vst v2  }
0x102: {  	v2 =	vld [tilespmem:s20+$0x0];
	_ =	sdelay $0x2  }
0x103: {  	s30 =	sor.u32 s14, s25  }
0x104: {  	(v2sf) =	vpush v0, $0x8;
	s19 =	sadd.s32 $0x610, s18;
	s17 =	sshll.u32 s30, $0x6  }
0x105: {  	(v2sf) =	vpush v1, $0x8;
	s19 =	simm.s32 @p1 $0x210;
	[tilespmem:s17+$0x10600] =	vst v2  }
0x106: {  	v2 =	vld [tilespmem:s19+$0x0];
	_ =	sdelay $0x3  }
0x107: {  	s31 =	sor.u32 $0x50, s17;
	s20 =	sadd.s32 $0x620, s18  }
0x108: {  	s20 =	simm.s32 @p1 $0x220;
	[tilespmem:s31+$0x10600] =	vst v2  }
0x109: {  	v2 =	vld [tilespmem:s20+$0x0];
	_ =	sdelay $0x3  }
0x10a: {  	s21 =	sor.u32 $0x60, s17;
	s18 =	sadd.s32 $0x630, s18  }
0x10b: {  	s22 =	sor.u32 $0x8, s16;
	s18 =	simm.s32 @p1 $0x230;
	[tilespmem:s21+$0x10600] =	vst v2  }
0x10c: {  	s23 =	sor.u32 s15, s22;
	v2 =	vld [tilespmem:s18+$0x0]  }
0x10d: {  	s24 =	spop (v2sf);
	s18 =	sshll.u32 s23, $0xA  }
0x10e: {  	s25 =	spop (v2sf);
	s18 =	sand.u32 $0x3FFFFC00, s18  }
0x10f: {  	s18 =	sor.u32 s25, s18  }
0x110: {  	p1 =	seq.s32 s24, $0xFFFFFFFF;
	s17 =	sor.u32 $0x70, s17;
	s20 =	sadd.s32 $0x600, s18  }
0x111: {  	s20 =	simm.s32 @p1 $0x200;
	[tilespmem:s17+$0x10600] =	vst v2  }
0x112: {  	v2 =	vld [tilespmem:s20+$0x0];
	_ =	sdelay $0x1  }
0x113: {  	s26 =	sor.u32 s14, s22  }
0x114: {  	s17 =	sshll.u32 s26, $0x6  }
0x115: {  	s19 =	sadd.s32 $0x610, s18;
	s17 =	sand.u32 $0x3FFFFFC0, s17  }
0x116: {  	(v2sf) =	vpush v1, $0x9;
	s19 =	simm.s32 @p1 $0x210;
	[tilespmem:s17+$0x10600] =	vst v2  }
0x117: {  	(v2sf) =	vpush v0, $0x9;
	v2 =	vld [tilespmem:s19+$0x0];
	_ =	sdelay $0x3  }
0x118: {  	s19 =	sadd.s32 $0x620, s18  }
0x119: {  	s19 =	simm.s32 @p1 $0x220;
	[tilespmem:s17+$0x10610] =	vst v2  }
0x11a: {  	v2 =	vld [tilespmem:s19+$0x0];
	_ =	sdelay $0x3  }
0x11b: {  	s18 =	sadd.s32 $0x630, s18  }
0x11c: {  	s28 =	sor.u32 $0x9, s16;
	s18 =	simm.s32 @p1 $0x230;
	[tilespmem:s17+$0x10620] =	vst v2  }
0x11d: {  	s29 =	sor.u32 s15, s28;
	v2 =	vld [tilespmem:s18+$0x0]  }
0x11e: {  	s18 =	sshll.u32 s29, $0xA  }
0x11f: {  	s30 =	spop (v2sf);
	s18 =	sand.u32 $0x3FFFFC00, s18  }
0x120: {  	s31 =	spop (v2sf);
	s18 =	sor.u32 s30, s18  }
0x121: {  	p1 =	seq.s32 s31, $0xFFFFFFFF;
	s20 =	sadd.s32 $0x600, s18  }
0x122: {  	s20 =	simm.s32 @p1 $0x200;
	[tilespmem:s17+$0x10630] =	vst v2  }
0x123: {  	v2 =	vld [tilespmem:s20+$0x0];
	_ =	sdelay $0x2  }
0x124: {  	s22 =	sor.u32 s14, s28  }
0x125: {  	(v2sf) =	vpush v0, $0xA;
	s19 =	sadd.s32 $0x610, s18;
	s17 =	sshll.u32 s22, $0x6  }
0x126: {  	(v2sf) =	vpush v1, $0xA;
	s19 =	simm.s32 @p1 $0x210;
	[tilespmem:s17+$0x10600] =	vst v2  }
0x127: {  	v2 =	vld [tilespmem:s19+$0x0];
	_ =	sdelay $0x3  }
0x128: {  	s23 =	sor.u32 $0x50, s17;
	s20 =	sadd.s32 $0x620, s18  }
0x129: {  	s20 =	simm.s32 @p1 $0x220;
	[tilespmem:s23+$0x10600] =	vst v2  }
0x12a: {  	v2 =	vld [tilespmem:s20+$0x0];
	_ =	sdelay $0x3  }
0x12b: {  	s24 =	sor.u32 $0x60, s17;
	s18 =	sadd.s32 $0x630, s18  }
0x12c: {  	s25 =	sor.u32 $0xA, s16;
	s18 =	simm.s32 @p1 $0x230;
	[tilespmem:s24+$0x10600] =	vst v2  }
0x12d: {  	s26 =	sor.u32 s15, s25;
	v2 =	vld [tilespmem:s18+$0x0]  }
0x12e: {  	s28 =	spop (v2sf);
	s18 =	sshll.u32 s26, $0xA  }
0x12f: {  	s29 =	spop (v2sf);
	s18 =	sand.u32 $0x3FFFFC00, s18  }
0x130: {  	s18 =	sor.u32 s29, s18  }
0x131: {  	p1 =	seq.s32 s28, $0xFFFFFFFF;
	s17 =	sor.u32 $0x70, s17;
	s20 =	sadd.s32 $0x600, s18  }
0x132: {  	s20 =	simm.s32 @p1 $0x200;
	[tilespmem:s17+$0x10600] =	vst v2  }
0x133: {  	v2 =	vld [tilespmem:s20+$0x0];
	_ =	sdelay $0x1  }
0x134: {  	s30 =	sor.u32 s14, s25  }
0x135: {  	s17 =	sshll.u32 s30, $0x6  }
0x136: {  	s19 =	sadd.s32 $0x610, s18;
	s17 =	sand.u32 $0x3FFFFFC0, s17  }
0x137: {  	(v2sf) =	vpush v1, $0xB;
	s19 =	simm.s32 @p1 $0x210;
	[tilespmem:s17+$0x10600] =	vst v2  }
0x138: {  	(v2sf) =	vpush v0, $0xB;
	v2 =	vld [tilespmem:s19+$0x0];
	_ =	sdelay $0x3  }
0x139: {  	s19 =	sadd.s32 $0x620, s18  }
0x13a: {  	s19 =	simm.s32 @p1 $0x220;
	[tilespmem:s17+$0x10610] =	vst v2  }
0x13b: {  	v2 =	vld [tilespmem:s19+$0x0];
	_ =	sdelay $0x3  }
0x13c: {  	s18 =	sadd.s32 $0x630, s18  }
0x13d: {  	s31 =	sor.u32 $0xB, s16;
	s18 =	simm.s32 @p1 $0x230;
	[tilespmem:s17+$0x10620] =	vst v2  }
0x13e: {  	s21 =	sor.u32 s15, s31;
	v2 =	vld [tilespmem:s18+$0x0]  }
0x13f: {  	s18 =	sshll.u32 s21, $0xA  }
0x140: {  	s22 =	spop (v2sf);
	s18 =	sand.u32 $0x3FFFFC00, s18  }
0x141: {  	s23 =	spop (v2sf);
	s18 =	sor.u32 s22, s18  }
0x142: {  	p1 =	seq.s32 s23, $0xFFFFFFFF;
	s20 =	sadd.s32 $0x600, s18  }
0x143: {  	s20 =	simm.s32 @p1 $0x200;
	[tilespmem:s17+$0x10630] =	vst v2  }
0x144: {  	v2 =	vld [tilespmem:s20+$0x0];
	_ =	sdelay $0x2  }
0x145: {  	s24 =	sor.u32 s14, s31  }
0x146: {  	(v2sf) =	vpush v0, $0xC;
	s19 =	sadd.s32 $0x610, s18;
	s17 =	sshll.u32 s24, $0x6  }
0x147: {  	(v2sf) =	vpush v1, $0xC;
	s19 =	simm.s32 @p1 $0x210;
	[tilespmem:s17+$0x10600] =	vst v2  }
0x148: {  	v2 =	vld [tilespmem:s19+$0x0];
	_ =	sdelay $0x3  }
0x149: {  	s25 =	sor.u32 $0x50, s17;
	s20 =	sadd.s32 $0x620, s18  }
0x14a: {  	s20 =	simm.s32 @p1 $0x220;
	[tilespmem:s25+$0x10600] =	vst v2  }
0x14b: {  	v2 =	vld [tilespmem:s20+$0x0];
	_ =	sdelay $0x3  }
0x14c: {  	s26 =	sor.u32 $0x60, s17;
	s18 =	sadd.s32 $0x630, s18  }
0x14d: {  	s28 =	sor.u32 $0xC, s16;
	s18 =	simm.s32 @p1 $0x230;
	[tilespmem:s26+$0x10600] =	vst v2  }
0x14e: {  	s29 =	sor.u32 s15, s28;
	v2 =	vld [tilespmem:s18+$0x0]  }
0x14f: {  	s30 =	spop (v2sf);
	s18 =	sshll.u32 s29, $0xA  }
0x150: {  	s31 =	spop (v2sf);
	s18 =	sand.u32 $0x3FFFFC00, s18  }
0x151: {  	s18 =	sor.u32 s31, s18  }
0x152: {  	p1 =	seq.s32 s30, $0xFFFFFFFF;
	s17 =	sor.u32 $0x70, s17;
	s20 =	sadd.s32 $0x600, s18  }
0x153: {  	s20 =	simm.s32 @p1 $0x200;
	[tilespmem:s17+$0x10600] =	vst v2  }
0x154: {  	v2 =	vld [tilespmem:s20+$0x0];
	_ =	sdelay $0x1  }
0x155: {  	s22 =	sor.u32 s14, s28  }
0x156: {  	s17 =	sshll.u32 s22, $0x6  }
0x157: {  	s19 =	sadd.s32 $0x610, s18;
	s17 =	sand.u32 $0x3FFFFFC0, s17  }
0x158: {  	(v2sf) =	vpush v1, $0xD;
	s19 =	simm.s32 @p1 $0x210;
	[tilespmem:s17+$0x10600] =	vst v2  }
0x159: {  	(v2sf) =	vpush v0, $0xD;
	v2 =	vld [tilespmem:s19+$0x0];
	_ =	sdelay $0x3  }
0x15a: {  	s19 =	sadd.s32 $0x620, s18  }
0x15b: {  	s19 =	simm.s32 @p1 $0x220;
	[tilespmem:s17+$0x10610] =	vst v2  }
0x15c: {  	v2 =	vld [tilespmem:s19+$0x0];
	_ =	sdelay $0x3  }
0x15d: {  	s18 =	sadd.s32 $0x630, s18  }
0x15e: {  	s23 =	sor.u32 $0xD, s16;
	s18 =	simm.s32 @p1 $0x230;
	[tilespmem:s17+$0x10620] =	vst v2  }
0x15f: {  	s24 =	sor.u32 s15, s23;
	v2 =	vld [tilespmem:s18+$0x0]  }
0x160: {  	s18 =	sshll.u32 s24, $0xA  }
0x161: {  	s25 =	spop (v2sf);
	s18 =	sand.u32 $0x3FFFFC00, s18  }
0x162: {  	s26 =	spop (v2sf);
	s18 =	sor.u32 s25, s18  }
0x163: {  	p1 =	seq.s32 s26, $0xFFFFFFFF;
	s20 =	sadd.s32 $0x600, s18  }
0x164: {  	s20 =	simm.s32 @p1 $0x200;
	[tilespmem:s17+$0x10630] =	vst v2  }
0x165: {  	v2 =	vld [tilespmem:s20+$0x0];
	_ =	sdelay $0x2  }
0x166: {  	s28 =	sor.u32 s14, s23  }
0x167: {  	(v2sf) =	vpush v0, $0xE;
	s19 =	sadd.s32 $0x610, s18;
	s17 =	sshll.u32 s28, $0x6  }
0x168: {  	(v2sf) =	vpush v1, $0xE;
	s19 =	simm.s32 @p1 $0x210;
	[tilespmem:s17+$0x10600] =	vst v2  }
0x169: {  	v2 =	vld [tilespmem:s19+$0x0];
	_ =	sdelay $0x3  }
0x16a: {  	s29 =	sor.u32 $0x50, s17;
	s20 =	sadd.s32 $0x620, s18  }
0x16b: {  	s20 =	simm.s32 @p1 $0x220;
	[tilespmem:s29+$0x10600] =	vst v2  }
0x16c: {  	v2 =	vld [tilespmem:s20+$0x0];
	_ =	sdelay $0x3  }
0x16d: {  	s30 =	sor.u32 $0x60, s17;
	s18 =	sadd.s32 $0x630, s18  }
0x16e: {  	s31 =	sor.u32 $0xE, s16;
	s18 =	simm.s32 @p1 $0x230;
	[tilespmem:s30+$0x10600] =	vst v2  }
0x16f: {  	s21 =	sor.u32 s15, s31;
	v2 =	vld [tilespmem:s18+$0x0]  }
0x170: {  	s22 =	spop (v2sf);
	s18 =	sshll.u32 s21, $0xA  }
0x171: {  	s23 =	spop (v2sf);
	s18 =	sand.u32 $0x3FFFFC00, s18  }
0x172: {  	s18 =	sor.u32 s23, s18  }
0x173: {  	p1 =	seq.s32 s22, $0xFFFFFFFF;
	s17 =	sor.u32 $0x70, s17;
	s20 =	sadd.s32 $0x600, s18  }
0x174: {  	s20 =	simm.s32 @p1 $0x200;
	[tilespmem:s17+$0x10600] =	vst v2  }
0x175: {  	v2 =	vld [tilespmem:s20+$0x0];
	_ =	sdelay $0x1  }
0x176: {  	s24 =	sor.u32 s14, s31  }
0x177: {  	s17 =	sshll.u32 s24, $0x6  }
0x178: {  	s19 =	sadd.s32 $0x610, s18;
	s17 =	sand.u32 $0x3FFFFFC0, s17  }
0x179: {  	(v2sf) =	vpush v1, $0xF;
	s19 =	simm.s32 @p1 $0x210;
	[tilespmem:s17+$0x10600] =	vst v2  }
0x17a: {  	(v2sf) =	vpush v0, $0xF;
	v62 =	vld [tilespmem:s19+$0x0];
	_ =	sdelay $0x3  }
0x17b: {  	s19 =	sadd.s32 $0x620, s18  }
0x17c: {  	s19 =	simm.s32 @p1 $0x220;
	[tilespmem:s17+$0x10610] =	vst v62  }
0x17d: {  	v63 =	vld [tilespmem:s19+$0x0];
	_ =	sdelay $0x3  }
0x17e: {  	s18 =	sadd.s32 $0x630, s18  }
0x17f: {  	s25 =	sor.u32 $0xF, s16;
	s18 =	simm.s32 @p1 $0x230;
	[tilespmem:s17+$0x10620] =	vst v63  }
0x180: {  	s26 =	sor.u32 s15, s25;
	v0 =	vld [tilespmem:s18+$0x0]  }
0x181: {  	s18 =	sshll.u32 s26, $0xA  }
0x182: {  	s28 =	spop (v2sf);
	s18 =	sand.u32 $0x3FFFFC00, s18  }
0x183: {  	s29 =	spop (v2sf);
	s18 =	sor.u32 s28, s18  }
0x184: {  	p1 =	seq.s32 s29, $0xFFFFFFFF;
	s19 =	sadd.s32 $0x600, s18  }
0x185: {  	s19 =	simm.s32 @p1 $0x200;
	[tilespmem:s17+$0x10630] =	vst v0  }
0x186: {  	v0 =	vld [tilespmem:s19+$0x0];
	_ =	sdelay $0x2  }
0x187: {  	s16 =	sor.u32 s14, s25  }
0x188: {  	s16 =	sshll.u32 s16, $0x6;
	s17 =	sadd.s32 $0x610, s18  }
0x189: {  	s17 =	simm.s32 @p1 $0x210;
	[tilespmem:s16+$0x10600] =	vst v0  }
0x18a: {  	v0 =	vld [tilespmem:s17+$0x0];
	_ =	sdelay $0x3  }
0x18b: {  	s30 =	sor.u32 $0x50, s16;
	s19 =	sadd.s32 $0x620, s18  }
0x18c: {  	s19 =	simm.s32 @p1 $0x220;
	[tilespmem:s30+$0x10600] =	vst v0  }
0x18d: {  	v0 =	vld [tilespmem:s19+$0x0];
	_ =	sdelay $0x3  }
0x18e: {  	s31 =	sor.u32 $0x60, s16;
	s18 =	sadd.s32 $0x630, s18  }
0x18f: {  	s18 =	simm.s32 @p1 $0x230;
	[tilespmem:s31+$0x10600] =	vst v0  }
0x190: {  	p1 =	por p0, p0;
	v0 =	vld [tilespmem:s18+$0x0]  }
.Ltmp2:
0x191: {  	_ = 	snop;
	(pc) =	sbr.rel @p1 .LBB2_7-.Ltmp2, $3  }
0x192: {  	_ =	sdelay $0x1  }
0x193: {  	s16 =	sor.u32 $0x70, s16  }
0x194: {  	p0 =	por $0x0, $0x0;
	[tilespmem:s16+$0x10600] =	vst v0;
	s16 =	simm.s32 $0x10  }
0x195: {  	p0 =	seq.s32 s13, $0xF  }
.Ltmp3:
0x196: {  	_ = 	snop;
	(pc) =	sbr.rel @!p0 .LBB2_4-.Ltmp3, $1  }
0x197: {  	_ =	sdelay $0x3  }
0x198: {  	_ =	swait.ge [sflag:s10], $0x8000  }
0x199: {  	[sflag:s10] =	ssyncset.done $0x0  }
0x19a: {  	s13 =	simm.s32 $0x0;
	p0 =	por $0x1, $0x1;
	[sflag:s10] =	ssyncadd.s32 $0xFFFF8000  }
.LBB2_9:
0x19b: {  	s14 =	sshll.u32 s13, $0x4  }
0x19c: {  	s14 =	sor.u32 $0x1E0, s14  }
0x19d: {  	v0 =	vld [tilespmem:s14+$0x0];
	_ =	sdelay $0x4  }
0x19e: {  	vm0 =	vlt.s32 v0, $0xF423F  }
0x19f: {  	s15 =	sshll.u32 s13, $0xE;
	v1 =	vnsel vm0, $0xF423F, v0  }
0x1a0: {  	s15 =	sand.u32 $0x3FFFC000, s15;
	v1 =	vand.u32 $0x7, v1  }
0x1a1: {  	s15 =	sor.u32 $0x600, s15;
	v1 =	vshll.u32 v1, $0x7  }
0x1a2: {  	(v2sf) =	vpush v0, $0x0;
	v1 =	vadd.s32 s15, v1  }
0x1a3: {  	(v2sf) =	vpush v1, $0x0;
	_ =	sdelay $0xd  }
0x1a4: {  	s31 =	spop (v2sf)  }
0x1a5: {  	s16 =	spop (v2sf)  }
0x1a6: {  	p1 =	seq.s32 s31, $0xFFFFFFFF;
	s15 =	sadd.s32 $0x8000, s16  }
0x1a7: {  	s15 =	simm.s32 @p1 $0x200  }
0x1a8: {  	v2 =	vld [tilespmem:s15+$0x0];
	_ =	sdelay $0x2  }
0x1a9: {  	s14 =	sshll.u32 s14, $0x6  }
0x1aa: {  	s14 =	sand.u32 $0x3FFFFC00, s14;
	s15 =	sadd.s32 $0x8010, s16  }
0x1ab: {  	(v2sf) =	vpush v0, $0x1;
	s15 =	simm.s32 @p1 $0x210;
	[tilespmem:s14+$0x10600] =	vst v2  }
0x1ac: {  	(v2sf) =	vpush v1, $0x1;
	v2 =	vld [tilespmem:s15+$0x0];
	_ =	sdelay $0x3  }
0x1ad: {  	s15 =	sadd.s32 $0x8020, s16  }
0x1ae: {  	s15 =	simm.s32 @p1 $0x220;
	[tilespmem:s14+$0x10610] =	vst v2  }
0x1af: {  	v2 =	vld [tilespmem:s15+$0x0];
	_ =	sdelay $0x3  }
0x1b0: {  	s15 =	sadd.s32 $0x8030, s16  }
0x1b1: {  	s15 =	simm.s32 @p1 $0x230;
	[tilespmem:s14+$0x10620] =	vst v2  }
0x1b2: {  	v2 =	vld [tilespmem:s15+$0x0];
	_ =	sdelay $0x1  }
0x1b3: {  	s16 =	spop (v2sf)  }
0x1b4: {  	s17 =	spop (v2sf)  }
0x1b5: {  	p1 =	seq.s32 s16, $0xFFFFFFFF;
	s15 =	sadd.s32 $0x8400, s17  }
0x1b6: {  	s15 =	simm.s32 @p1 $0x200;
	[tilespmem:s14+$0x10630] =	vst v2  }
0x1b7: {  	v2 =	vld [tilespmem:s15+$0x0];
	_ =	sdelay $0x2  }
0x1b8: {  	s18 =	sshll.u32 s13, $0xA  }
0x1b9: {  	s13 =	sand.u32 $0x3FFFFC00, s18;
	s14 =	sadd.s32 $0x8410, s17  }
0x1ba: {  	(v2sf) =	vpush v0, $0x2;
	s14 =	simm.s32 @p1 $0x210;
	[tilespmem:s13+$0x17E40] =	vst v2  }
0x1bb: {  	(v2sf) =	vpush v1, $0x2;
	v2 =	vld [tilespmem:s14+$0x0];
	_ =	sdelay $0x3  }
0x1bc: {  	s14 =	sadd.s32 $0x8420, s17  }
0x1bd: {  	s14 =	simm.s32 @p1 $0x220;
	[tilespmem:s13+$0x17E50] =	vst v2  }
0x1be: {  	v2 =	vld [tilespmem:s14+$0x0];
	_ =	sdelay $0x3  }
0x1bf: {  	s14 =	sadd.s32 $0x8430, s17  }
0x1c0: {  	s14 =	simm.s32 @p1 $0x230;
	[tilespmem:s13+$0x17E60] =	vst v2  }
0x1c1: {  	v2 =	vld [tilespmem:s14+$0x0];
	_ =	sdelay $0x1  }
0x1c2: {  	s19 =	spop (v2sf)  }
0x1c3: {  	s20 =	spop (v2sf)  }
0x1c4: {  	p1 =	seq.s32 s19, $0xFFFFFFFF;
	s14 =	sadd.s32 $0x8800, s20  }
0x1c5: {  	s14 =	simm.s32 @p1 $0x200;
	[tilespmem:s13+$0x17E70] =	vst v2  }
0x1c6: {  	v2 =	vld [tilespmem:s14+$0x0];
	_ =	sdelay $0x3  }
0x1c7: {  	s14 =	sadd.s32 $0x8810, s20  }
0x1c8: {  	(v2sf) =	vpush v0, $0x3;
	s14 =	simm.s32 @p1 $0x210;
	[tilespmem:s13+$0x17E80] =	vst v2  }
0x1c9: {  	(v2sf) =	vpush v1, $0x3;
	v2 =	vld [tilespmem:s14+$0x0];
	_ =	sdelay $0x3  }
0x1ca: {  	s14 =	sadd.s32 $0x8820, s20  }
0x1cb: {  	s14 =	simm.s32 @p1 $0x220;
	[tilespmem:s13+$0x17E90] =	vst v2  }
0x1cc: {  	v2 =	vld [tilespmem:s14+$0x0];
	_ =	sdelay $0x3  }
0x1cd: {  	s14 =	sadd.s32 $0x8830, s20  }
0x1ce: {  	s14 =	simm.s32 @p1 $0x230;
	[tilespmem:s13+$0x17EA0] =	vst v2  }
0x1cf: {  	v2 =	vld [tilespmem:s14+$0x0];
	_ =	sdelay $0x1  }
0x1d0: {  	s21 =	spop (v2sf)  }
0x1d1: {  	s22 =	spop (v2sf)  }
0x1d2: {  	p1 =	seq.s32 s21, $0xFFFFFFFF;
	s14 =	sadd.s32 $0x8C00, s22  }
0x1d3: {  	s14 =	simm.s32 @p1 $0x200;
	[tilespmem:s13+$0x17EB0] =	vst v2  }
0x1d4: {  	v2 =	vld [tilespmem:s14+$0x0];
	_ =	sdelay $0x3  }
0x1d5: {  	s14 =	sadd.s32 $0x8C10, s22  }
0x1d6: {  	(v2sf) =	vpush v0, $0x4;
	s14 =	simm.s32 @p1 $0x210;
	[tilespmem:s13+$0x17EC0] =	vst v2  }
0x1d7: {  	(v2sf) =	vpush v1, $0x4;
	v2 =	vld [tilespmem:s14+$0x0];
	_ =	sdelay $0x3  }
0x1d8: {  	s14 =	sadd.s32 $0x8C20, s22  }
0x1d9: {  	s14 =	simm.s32 @p1 $0x220;
	[tilespmem:s13+$0x17ED0] =	vst v2  }
0x1da: {  	v2 =	vld [tilespmem:s14+$0x0];
	_ =	sdelay $0x3  }
0x1db: {  	s14 =	sadd.s32 $0x8C30, s22  }
0x1dc: {  	s14 =	simm.s32 @p1 $0x230;
	[tilespmem:s13+$0x17EE0] =	vst v2  }
0x1dd: {  	v2 =	vld [tilespmem:s14+$0x0];
	_ =	sdelay $0x1  }
0x1de: {  	s23 =	spop (v2sf)  }
0x1df: {  	s24 =	spop (v2sf)  }
0x1e0: {  	p1 =	seq.s32 s23, $0xFFFFFFFF;
	s14 =	sadd.s32 $0x9000, s24  }
0x1e1: {  	s14 =	simm.s32 @p1 $0x200;
	[tilespmem:s13+$0x17EF0] =	vst v2  }
0x1e2: {  	v2 =	vld [tilespmem:s14+$0x0];
	_ =	sdelay $0x3  }
0x1e3: {  	s14 =	sadd.s32 $0x9010, s24  }
0x1e4: {  	(v2sf) =	vpush v0, $0x5;
	s14 =	simm.s32 @p1 $0x210;
	[tilespmem:s13+$0x17F00] =	vst v2  }
0x1e5: {  	(v2sf) =	vpush v1, $0x5;
	v2 =	vld [tilespmem:s14+$0x0];
	_ =	sdelay $0x3  }
0x1e6: {  	s14 =	sadd.s32 $0x9020, s24  }
0x1e7: {  	s14 =	simm.s32 @p1 $0x220;
	[tilespmem:s13+$0x17F10] =	vst v2  }
0x1e8: {  	v2 =	vld [tilespmem:s14+$0x0];
	_ =	sdelay $0x3  }
0x1e9: {  	s14 =	sadd.s32 $0x9030, s24  }
0x1ea: {  	s14 =	simm.s32 @p1 $0x230;
	[tilespmem:s13+$0x17F20] =	vst v2  }
0x1eb: {  	v2 =	vld [tilespmem:s14+$0x0];
	_ =	sdelay $0x1  }
0x1ec: {  	s25 =	spop (v2sf)  }
0x1ed: {  	s26 =	spop (v2sf)  }
0x1ee: {  	p1 =	seq.s32 s25, $0xFFFFFFFF;
	s14 =	sadd.s32 $0x9400, s26  }
0x1ef: {  	s14 =	simm.s32 @p1 $0x200;
	[tilespmem:s13+$0x17F30] =	vst v2  }
0x1f0: {  	v2 =	vld [tilespmem:s14+$0x0];
	_ =	sdelay $0x3  }
0x1f1: {  	s14 =	sadd.s32 $0x9410, s26  }
0x1f2: {  	(v2sf) =	vpush v0, $0x6;
	s14 =	simm.s32 @p1 $0x210;
	[tilespmem:s13+$0x17F40] =	vst v2  }
0x1f3: {  	(v2sf) =	vpush v1, $0x6;
	v2 =	vld [tilespmem:s14+$0x0];
	_ =	sdelay $0x3  }
0x1f4: {  	s14 =	sadd.s32 $0x9420, s26  }
0x1f5: {  	s14 =	simm.s32 @p1 $0x220;
	[tilespmem:s13+$0x17F50] =	vst v2  }
0x1f6: {  	v2 =	vld [tilespmem:s14+$0x0];
	_ =	sdelay $0x3  }
0x1f7: {  	s14 =	sadd.s32 $0x9430, s26  }
0x1f8: {  	s14 =	simm.s32 @p1 $0x230;
	[tilespmem:s13+$0x17F60] =	vst v2  }
0x1f9: {  	v2 =	vld [tilespmem:s14+$0x0];
	_ =	sdelay $0x1  }
0x1fa: {  	s28 =	spop (v2sf)  }
0x1fb: {  	s29 =	spop (v2sf)  }
0x1fc: {  	p1 =	seq.s32 s28, $0xFFFFFFFF;
	s14 =	sadd.s32 $0x9800, s29  }
0x1fd: {  	s14 =	simm.s32 @p1 $0x200;
	[tilespmem:s13+$0x17F70] =	vst v2  }
0x1fe: {  	v2 =	vld [tilespmem:s14+$0x0];
	_ =	sdelay $0x3  }
0x1ff: {  	s14 =	sadd.s32 $0x9810, s29  }
0x200: {  	(v2sf) =	vpush v0, $0x7;
	s14 =	simm.s32 @p1 $0x210;
	[tilespmem:s13+$0x17F80] =	vst v2  }
0x201: {  	(v2sf) =	vpush v1, $0x7;
	v2 =	vld [tilespmem:s14+$0x0];
	_ =	sdelay $0x3  }
0x202: {  	s14 =	sadd.s32 $0x9820, s29  }
0x203: {  	s14 =	simm.s32 @p1 $0x220;
	[tilespmem:s13+$0x17F90] =	vst v2  }
0x204: {  	v2 =	vld [tilespmem:s14+$0x0];
	_ =	sdelay $0x3  }
0x205: {  	s14 =	sadd.s32 $0x9830, s29  }
0x206: {  	s14 =	simm.s32 @p1 $0x230;
	[tilespmem:s13+$0x17FA0] =	vst v2  }
0x207: {  	v2 =	vld [tilespmem:s14+$0x0];
	_ =	sdelay $0x1  }
0x208: {  	s30 =	spop (v2sf)  }
0x209: {  	s31 =	spop (v2sf)  }
0x20a: {  	p1 =	seq.s32 s30, $0xFFFFFFFF;
	s14 =	sadd.s32 $0x9C00, s31  }
0x20b: {  	s14 =	simm.s32 @p1 $0x200;
	[tilespmem:s13+$0x17FB0] =	vst v2  }
0x20c: {  	v2 =	vld [tilespmem:s14+$0x0];
	_ =	sdelay $0x3  }
0x20d: {  	s14 =	sadd.s32 $0x9C10, s31  }
0x20e: {  	(v2sf) =	vpush v0, $0x8;
	s14 =	simm.s32 @p1 $0x210;
	[tilespmem:s13+$0x17FC0] =	vst v2  }
0x20f: {  	(v2sf) =	vpush v1, $0x8;
	v2 =	vld [tilespmem:s14+$0x0];
	_ =	sdelay $0x3  }
0x210: {  	s14 =	sadd.s32 $0x9C20, s31  }
0x211: {  	s14 =	simm.s32 @p1 $0x220;
	[tilespmem:s13+$0x17FD0] =	vst v2  }
0x212: {  	v2 =	vld [tilespmem:s14+$0x0];
	_ =	sdelay $0x3  }
0x213: {  	s14 =	sadd.s32 $0x9C30, s31  }
0x214: {  	s14 =	simm.s32 @p1 $0x230;
	[tilespmem:s13+$0x17FE0] =	vst v2  }
0x215: {  	v2 =	vld [tilespmem:s14+$0x0];
	_ =	sdelay $0x1  }
0x216: {  	s15 =	spop (v2sf)  }
0x217: {  	s16 =	spop (v2sf)  }
0x218: {  	p1 =	seq.s32 s15, $0xFFFFFFFF;
	s14 =	sadd.s32 $0xA000, s16  }
0x219: {  	s14 =	simm.s32 @p1 $0x200;
	[tilespmem:s13+$0x17FF0] =	vst v2  }
0x21a: {  	v2 =	vld [tilespmem:s14+$0x0];
	_ =	sdelay $0x3  }
0x21b: {  	s14 =	sadd.s32 $0xA010, s16  }
0x21c: {  	(v2sf) =	vpush v0, $0x9;
	s14 =	simm.s32 @p1 $0x210;
	[tilespmem:s13+$0x18000] =	vst v2  }
0x21d: {  	(v2sf) =	vpush v1, $0x9;
	v2 =	vld [tilespmem:s14+$0x0];
	_ =	sdelay $0x3  }
0x21e: {  	s14 =	sadd.s32 $0xA020, s16  }
0x21f: {  	s14 =	simm.s32 @p1 $0x220;
	[tilespmem:s13+$0x18010] =	vst v2  }
0x220: {  	v2 =	vld [tilespmem:s14+$0x0];
	_ =	sdelay $0x3  }
0x221: {  	s14 =	sadd.s32 $0xA030, s16  }
0x222: {  	s14 =	simm.s32 @p1 $0x230;
	[tilespmem:s13+$0x18020] =	vst v2  }
0x223: {  	v2 =	vld [tilespmem:s14+$0x0];
	_ =	sdelay $0x1  }
0x224: {  	s17 =	spop (v2sf)  }
0x225: {  	s18 =	spop (v2sf)  }
0x226: {  	p1 =	seq.s32 s17, $0xFFFFFFFF;
	s14 =	sadd.s32 $0xA400, s18  }
0x227: {  	s14 =	simm.s32 @p1 $0x200;
	[tilespmem:s13+$0x18030] =	vst v2  }
0x228: {  	v2 =	vld [tilespmem:s14+$0x0];
	_ =	sdelay $0x3  }
0x229: {  	s14 =	sadd.s32 $0xA410, s18  }
0x22a: {  	(v2sf) =	vpush v0, $0xA;
	s14 =	simm.s32 @p1 $0x210;
	[tilespmem:s13+$0x18040] =	vst v2  }
0x22b: {  	(v2sf) =	vpush v1, $0xA;
	v2 =	vld [tilespmem:s14+$0x0];
	_ =	sdelay $0x3  }
0x22c: {  	s14 =	sadd.s32 $0xA420, s18  }
0x22d: {  	s14 =	simm.s32 @p1 $0x220;
	[tilespmem:s13+$0x18050] =	vst v2  }
0x22e: {  	v2 =	vld [tilespmem:s14+$0x0];
	_ =	sdelay $0x3  }
0x22f: {  	s14 =	sadd.s32 $0xA430, s18  }
0x230: {  	s14 =	simm.s32 @p1 $0x230;
	[tilespmem:s13+$0x18060] =	vst v2  }
0x231: {  	v2 =	vld [tilespmem:s14+$0x0];
	_ =	sdelay $0x1  }
0x232: {  	s19 =	spop (v2sf)  }
0x233: {  	s20 =	spop (v2sf)  }
0x234: {  	p1 =	seq.s32 s19, $0xFFFFFFFF;
	s14 =	sadd.s32 $0xA800, s20  }
0x235: {  	s14 =	simm.s32 @p1 $0x200;
	[tilespmem:s13+$0x18070] =	vst v2  }
0x236: {  	v2 =	vld [tilespmem:s14+$0x0];
	_ =	sdelay $0x3  }
0x237: {  	s14 =	sadd.s32 $0xA810, s20  }
0x238: {  	(v2sf) =	vpush v0, $0xB;
	s14 =	simm.s32 @p1 $0x210;
	[tilespmem:s13+$0x18080] =	vst v2  }
0x239: {  	(v2sf) =	vpush v1, $0xB;
	v2 =	vld [tilespmem:s14+$0x0];
	_ =	sdelay $0x3  }
0x23a: {  	s14 =	sadd.s32 $0xA820, s20  }
0x23b: {  	s14 =	simm.s32 @p1 $0x220;
	[tilespmem:s13+$0x18090] =	vst v2  }
0x23c: {  	v2 =	vld [tilespmem:s14+$0x0];
	_ =	sdelay $0x3  }
0x23d: {  	s14 =	sadd.s32 $0xA830, s20  }
0x23e: {  	s14 =	simm.s32 @p1 $0x230;
	[tilespmem:s13+$0x180A0] =	vst v2  }
0x23f: {  	v2 =	vld [tilespmem:s14+$0x0];
	_ =	sdelay $0x1  }
0x240: {  	s21 =	spop (v2sf)  }
0x241: {  	s22 =	spop (v2sf)  }
0x242: {  	p1 =	seq.s32 s21, $0xFFFFFFFF;
	s14 =	sadd.s32 $0xAC00, s22  }
0x243: {  	s14 =	simm.s32 @p1 $0x200;
	[tilespmem:s13+$0x180B0] =	vst v2  }
0x244: {  	v2 =	vld [tilespmem:s14+$0x0];
	_ =	sdelay $0x3  }
0x245: {  	s14 =	sadd.s32 $0xAC10, s22  }
0x246: {  	(v2sf) =	vpush v0, $0xC;
	s14 =	simm.s32 @p1 $0x210;
	[tilespmem:s13+$0x180C0] =	vst v2  }
0x247: {  	(v2sf) =	vpush v1, $0xC;
	v2 =	vld [tilespmem:s14+$0x0];
	_ =	sdelay $0x3  }
0x248: {  	s14 =	sadd.s32 $0xAC20, s22  }
0x249: {  	s14 =	simm.s32 @p1 $0x220;
	[tilespmem:s13+$0x180D0] =	vst v2  }
0x24a: {  	v2 =	vld [tilespmem:s14+$0x0];
	_ =	sdelay $0x3  }
0x24b: {  	s14 =	sadd.s32 $0xAC30, s22  }
0x24c: {  	s14 =	simm.s32 @p1 $0x230;
	[tilespmem:s13+$0x180E0] =	vst v2  }
0x24d: {  	v2 =	vld [tilespmem:s14+$0x0];
	_ =	sdelay $0x1  }
0x24e: {  	s23 =	spop (v2sf)  }
0x24f: {  	s24 =	spop (v2sf)  }
0x250: {  	p1 =	seq.s32 s23, $0xFFFFFFFF;
	s14 =	sadd.s32 $0xB000, s24  }
0x251: {  	s14 =	simm.s32 @p1 $0x200;
	[tilespmem:s13+$0x180F0] =	vst v2  }
0x252: {  	v2 =	vld [tilespmem:s14+$0x0];
	_ =	sdelay $0x3  }
0x253: {  	s14 =	sadd.s32 $0xB010, s24  }
0x254: {  	(v2sf) =	vpush v0, $0xD;
	s14 =	simm.s32 @p1 $0x210;
	[tilespmem:s13+$0x18100] =	vst v2  }
0x255: {  	(v2sf) =	vpush v1, $0xD;
	v2 =	vld [tilespmem:s14+$0x0];
	_ =	sdelay $0x3  }
0x256: {  	s14 =	sadd.s32 $0xB020, s24  }
0x257: {  	s14 =	simm.s32 @p1 $0x220;
	[tilespmem:s13+$0x18110] =	vst v2  }
0x258: {  	v2 =	vld [tilespmem:s14+$0x0];
	_ =	sdelay $0x3  }
0x259: {  	s14 =	sadd.s32 $0xB030, s24  }
0x25a: {  	s14 =	simm.s32 @p1 $0x230;
	[tilespmem:s13+$0x18120] =	vst v2  }
0x25b: {  	v2 =	vld [tilespmem:s14+$0x0];
	_ =	sdelay $0x1  }
0x25c: {  	s25 =	spop (v2sf)  }
0x25d: {  	s26 =	spop (v2sf)  }
0x25e: {  	p1 =	seq.s32 s25, $0xFFFFFFFF;
	s14 =	sadd.s32 $0xB400, s26  }
0x25f: {  	s14 =	simm.s32 @p1 $0x200;
	[tilespmem:s13+$0x18130] =	vst v2  }
0x260: {  	v2 =	vld [tilespmem:s14+$0x0];
	_ =	sdelay $0x3  }
0x261: {  	s14 =	sadd.s32 $0xB410, s26  }
0x262: {  	(v2sf) =	vpush v0, $0xE;
	s14 =	simm.s32 @p1 $0x210;
	[tilespmem:s13+$0x18140] =	vst v2  }
0x263: {  	(v2sf) =	vpush v1, $0xE;
	v2 =	vld [tilespmem:s14+$0x0];
	_ =	sdelay $0x3  }
0x264: {  	s14 =	sadd.s32 $0xB420, s26  }
0x265: {  	s14 =	simm.s32 @p1 $0x220;
	[tilespmem:s13+$0x18150] =	vst v2  }
0x266: {  	v2 =	vld [tilespmem:s14+$0x0];
	_ =	sdelay $0x3  }
0x267: {  	s14 =	sadd.s32 $0xB430, s26  }
0x268: {  	s14 =	simm.s32 @p1 $0x230;
	[tilespmem:s13+$0x18160] =	vst v2  }
0x269: {  	v2 =	vld [tilespmem:s14+$0x0];
	_ =	sdelay $0x1  }
0x26a: {  	s28 =	spop (v2sf)  }
0x26b: {  	s29 =	spop (v2sf)  }
0x26c: {  	p1 =	seq.s32 s28, $0xFFFFFFFF;
	s14 =	sadd.s32 $0xB800, s29  }
0x26d: {  	s14 =	simm.s32 @p1 $0x200;
	[tilespmem:s13+$0x18170] =	vst v2  }
0x26e: {  	v2 =	vld [tilespmem:s14+$0x0];
	_ =	sdelay $0x3  }
0x26f: {  	s14 =	sadd.s32 $0xB810, s29  }
0x270: {  	(v2sf) =	vpush v0, $0xF;
	s14 =	simm.s32 @p1 $0x210;
	[tilespmem:s13+$0x18180] =	vst v2  }
0x271: {  	(v2sf) =	vpush v1, $0xF;
	v63 =	vld [tilespmem:s14+$0x0];
	_ =	sdelay $0x3  }
0x272: {  	s14 =	sadd.s32 $0xB820, s29  }
0x273: {  	s14 =	simm.s32 @p1 $0x220;
	[tilespmem:s13+$0x18190] =	vst v63  }
0x274: {  	v0 =	vld [tilespmem:s14+$0x0];
	_ =	sdelay $0x3  }
0x275: {  	s14 =	sadd.s32 $0xB830, s29  }
0x276: {  	s14 =	simm.s32 @p1 $0x230;
	[tilespmem:s13+$0x181A0] =	vst v0  }
0x277: {  	v0 =	vld [tilespmem:s14+$0x0];
	_ =	sdelay $0x1  }
0x278: {  	s30 =	spop (v2sf)  }
0x279: {  	s31 =	spop (v2sf)  }
0x27a: {  	p1 =	seq.s32 s30, $0xFFFFFFFF;
	s14 =	sadd.s32 $0xBC00, s31  }
0x27b: {  	s14 =	simm.s32 @p1 $0x200;
	[tilespmem:s13+$0x181B0] =	vst v0  }
0x27c: {  	v0 =	vld [tilespmem:s14+$0x0];
	_ =	sdelay $0x3  }
0x27d: {  	s14 =	sadd.s32 $0xBC10, s31  }
0x27e: {  	s14 =	simm.s32 @p1 $0x210;
	[tilespmem:s13+$0x181C0] =	vst v0  }
0x27f: {  	v0 =	vld [tilespmem:s14+$0x0];
	_ =	sdelay $0x3  }
0x280: {  	s14 =	sadd.s32 $0xBC20, s31  }
0x281: {  	s14 =	simm.s32 @p1 $0x220;
	[tilespmem:s13+$0x181D0] =	vst v0  }
0x282: {  	v0 =	vld [tilespmem:s14+$0x0];
	_ =	sdelay $0x3  }
0x283: {  	s14 =	sadd.s32 $0xBC30, s31  }
0x284: {  	s14 =	simm.s32 @p1 $0x230;
	[tilespmem:s13+$0x181E0] =	vst v0  }
0x285: {  	p1 =	por p0, p0;
	v0 =	vld [tilespmem:s14+$0x0]  }
.Ltmp4:
0x286: {  	_ = 	snop;
	(pc) =	sbr.rel @p1 .LBB2_9-.Ltmp4, $2  }
0x287: {  	_ =	sdelay $0x2  }
0x288: {  	p0 =	por $0x0, $0x0;
	[tilespmem:s13+$0x181F0] =	vst v0;
	s13 =	simm.s32 $0x1  }
0x289: {  	s12 =	sadd.s32 $0x1, s12  }
0x28a: {  	p0 =	sne.s32 s12, s7  }
.Ltmp5:
0x28b: {  	_ = 	snop;
	(pc) =	sbr.rel @p0 .LBB2_1-.Ltmp5, $4  }
0x28c: {  	[hbm4b:s6+s3] =	stream.linear.scatter [tilespmem:s11], [sflag:$0x2], $0x8000, $0x38;
	[tilespmem:$0x18600] =	vst v63  }
0x28d: {  	_ =	swait.ge [sflag:s8], $0x8000  }
0x28e: {  	[sflag:s8] =	ssyncset.done $0x0  }
0x28f: {  	[sflag:s8] =	ssyncadd.s32 $0xFFFF8000  }
0x290: {  	_ =	sfence.sel $0x180000  }
0x291: {  	[bflag:$0x0] =	sbarrier.arrive $0xFFFF  }
0x292: {  	p0 =	sne.s32 s2, $0x0;
	_ =	strace $0x90000047  }
0x293: {  	s0 =	sadd.s32 @!p0 $0x100000, s0;
	[bflag:$0x2] =	sbarrier.arrive $0xFFFF  }
0x294: {  	[sflag:s0] =	ssyncadd.tile.s32 @!p0 $0x1;
	_ =	shalt  }
.Lfunc_end2:
_tile_overlayer_lowered:
.L_overlay_start_2:
0x295: {  	(tag) =	ssettag $0x2  }
0x296: {  	s0 =	rddreg [dreg:$0x0];
	s2 =	stileid.u32  }
0x297: {  	s1 =	rddreg [dreg:$0x1];
	p0 =	sne.s32 s2, $0x0  }
0x298: {  	s3 =	rddreg [dreg:$0x2];
	[bflag:$0x3] =	sbarrier.arrive $0xFFFF;
	s2 =	simm.s32 @!p0 $0x1C02  }
0x299: {  	[timem:s3], [sflag:s2] =	dma.local @!p0 [hbm:s0], s1  }
0x29a: {  	s0 =	simm.s32 @!p0 $0x2  }
0x29b: {  	_ =	swait.ge @!p0 [sflag:s0], s1  }
0x29c: {  	s1 =	ssub.s32 @!p0 $0x0, s1;
	[sflag:s0] =	ssyncset.done @!p0 $0x0  }
0x29d: {  	[sflag:s0] =	ssyncadd.s32 @!p0 s1  }
0x29e: {  	[bflag:$0x3] =	sbarrier.arrive $0xFFFF  }
0x29f: {  	_ =	shalt  }

</sc_bundles>
